<compile_context>
chip_gen: v7x
topology: tpu7x:2x2x1
jax: 0.10.2.dev20260603
libtpu: 0.0.44.dev20260713+nightly
codegen_flags: <defaults>
</compile_context>

<pallas_src>
import functools

import jax
import jax.numpy as jnp
from jax import lax
from jax.experimental import pallas as pl
from jax.experimental.pallas import tpu as pltpu
from jax.experimental.pallas import tpu_sc as plsc

N = 10000
E = 320000
D = 128

NC = 2
NS = 16
NW = NC * NS
E_PER_W = E // NW
K = 64
NCH = 160
NCH_IDX = 168
E_PAD_W = NCH * K
NB = 4
IBD = 8
N_PAD = 10112
ROWS_PER_TILE = N_PAD // NS


def _sc_segment_sum(x, idx, zrows):
    f32 = jnp.float32

    @functools.partial(
        pl.kernel,
        out_type=jax.ShapeDtypeStruct((NC, N_PAD, D), f32),
        mesh=plsc.VectorSubcoreMesh(core_axis_name="c", subcore_axis_name="s"),
        scratch_types=(
            pltpu.VMEM((IBD, 2, K), jnp.int32),
            pltpu.VMEM((NB, K, D), f32),
            pltpu.VMEM_SHARED((N_PAD, D), f32),
        ) + tuple([pltpu.SemaphoreType.DMA] * (IBD + NB + NB)),
        compiler_params=pltpu.CompilerParams(needs_layout_passes=False),
    )
    def body(x_hbm, idx_hbm, z_hbm, agg_hbm, ibuf, rbuf, agg_sh, *sems):
        isems = sems[:IBD]
        gsems = sems[IBD:IBD + NB]
        ssems = sems[IBD + NB:]
        cid = lax.axis_index("c")
        sid = lax.axis_index("s")
        wid = cid * NS + sid
        row0 = sid * ROWS_PER_TILE

        pltpu.sync_copy(z_hbm, agg_sh.at[pl.ds(row0, ROWS_PER_TILE)])
        plsc.subcore_barrier()

        def idx_start(c, ib):
            pltpu.async_copy(idx_hbm.at[wid, c], ibuf.at[ib], isems[ib])

        def idx_wait(ib):
            pltpu.make_async_copy(idx_hbm.at[wid, 0], ibuf.at[ib],
                                  isems[ib]).wait()

        def gather_start(ib, b):
            pltpu.async_copy(x_hbm.at[ibuf.at[ib, 0]], rbuf.at[b], gsems[b])

        def gather_wait(ib, b):
            pltpu.make_async_copy(x_hbm.at[ibuf.at[ib, 0]], rbuf.at[b],
                                  gsems[b]).wait()

        def scatter_start(ib, b):
            pltpu.async_copy(rbuf.at[b], agg_sh.at[ibuf.at[ib, 1]], ssems[b],
                             add=True)

        def scatter_wait(ib, b):
            pltpu.make_async_copy(rbuf.at[b], agg_sh.at[ibuf.at[ib, 1]],
                                  ssems[b]).wait()

        def step(c, j, prologue):
            ib, b = j % IBD, j % NB
            pib, pb = (j - 2) % IBD, (j - 2) % NB
            if not prologue or j >= NB:
                scatter_wait(ib, b)
            idx_start(c + 3, (j + 3) % IBD)
            idx_wait(ib)
            gather_start(ib, b)
            if not prologue or j >= 2:
                gather_wait(pib, pb)
                scatter_start(pib, pb)

        for c0 in range(3):
            idx_start(c0, c0)
        for c0 in range(IBD):
            step(c0, c0, True)

        @pl.loop(IBD, NCH, step=IBD)
        def _(ci):
            for j in range(IBD):
                step(ci + j, j, False)

        for c0 in (NCH - 2, NCH - 1):
            gather_wait(c0 % IBD, c0 % NB)
            scatter_start(c0 % IBD, c0 % NB)
        for c0 in range(NCH - NB, NCH):
            scatter_wait(c0 % IBD, c0 % NB)
        for c0 in range(NCH, NCH + 3):
            idx_wait(c0 % IBD)

        plsc.subcore_barrier()
        pltpu.sync_copy(agg_sh.at[pl.ds(row0, ROWS_PER_TILE)],
                        agg_hbm.at[cid, pl.ds(row0, ROWS_PER_TILE)])

    return body(x, idx, zrows)


def _sc_degree(dst_flat):
    f32 = jnp.float32

    @functools.partial(
        pl.kernel,
        out_type=jax.ShapeDtypeStruct((NW * N,), f32),
        mesh=plsc.VectorSubcoreMesh(core_axis_name="c", subcore_axis_name="s"),
        scratch_types=(
            pltpu.VMEM((E_PER_W,), jnp.int32),
            pltpu.VMEM((N,), f32),
        ),
        compiler_params=pltpu.CompilerParams(needs_layout_passes=False),
    )
    def body(dst_hbm, deg_hbm, dst_v, deg_v):
        cid = lax.axis_index("c")
        sid = lax.axis_index("s")
        wid = cid * NS + sid
        pltpu.sync_copy(dst_hbm.at[pl.ds(wid * E_PER_W, E_PER_W)], dst_v)
        zero16 = jnp.zeros((16,), f32)

        @pl.loop(0, N // 16)
        def _(i):
            deg_v[pl.ds(i * 16, 16)] = zero16

        ones16 = jnp.ones((16,), f32)

        @pl.loop(0, E_PER_W // 16)
        def _(j):
            dv = dst_v[pl.ds(j * 16, 16)]
            plsc.addupdate_scatter(deg_v, (dv,), ones16)

        pltpu.sync_copy(deg_v, deg_hbm.at[pl.ds(wid * N, N)])

    return body(dst_flat)


BLK = 2000


def _tc_rdeg(deg_p):
    def body(deg_ref, rd_ref):
        deg = jnp.sum(deg_ref[...], axis=0)
        rd_ref[...] = (1.0 / jnp.maximum(deg, 1.0))[:, None]

    return pl.pallas_call(
        body,
        out_shape=jax.ShapeDtypeStruct((N, 1), jnp.float32),
    )(deg_p)


def _tc_combine(agg_p, rdeg, x, w_l, b_l, w_r):
    def body(agg_ref, rd_ref, x_ref, wl_ref, bl_ref, wr_ref, h_ref):
        a = (agg_ref[0] + agg_ref[1]) * rd_ref[...]
        h = (lax.dot_general(a, wl_ref[...], (((1,), (1,)), ((), ())),
                             preferred_element_type=jnp.float32)
             + bl_ref[...][None, :]
             + lax.dot_general(x_ref[...], wr_ref[...], (((1,), (1,)), ((), ())),
                               preferred_element_type=jnp.float32))
        h_ref[...] = jnp.maximum(h, 0.0)

    return pl.pallas_call(
        body,
        grid=(N // BLK,),
        in_specs=[
            pl.BlockSpec((NC, BLK, D), lambda i: (0, i, 0)),
            pl.BlockSpec((BLK, 1), lambda i: (i, 0)),
            pl.BlockSpec((BLK, D), lambda i: (i, 0)),
            pl.BlockSpec((D, D), lambda i: (0, 0)),
            pl.BlockSpec((D,), lambda i: (0,)),
            pl.BlockSpec((D, D), lambda i: (0, 0)),
        ],
        out_specs=pl.BlockSpec((BLK, D), lambda i: (i, 0)),
        out_shape=jax.ShapeDtypeStruct((N, D), jnp.float32),
    )(agg_p, rdeg, x, w_l, b_l, w_r)


def kernel(x, edge_index, W1_l, b1_l, W1_r, W2_l, b2_l, W2_r):
    ei = edge_index.astype(jnp.int32)
    src_p = jnp.pad(ei[0].reshape(NW, E_PER_W), ((0, 0), (0, E_PAD_W - E_PER_W)),
                    constant_values=0)
    pad_dst = N + (jnp.arange(E_PAD_W - E_PER_W, dtype=jnp.int32)
                   % (N_PAD - N))
    dst_p = jnp.concatenate(
        [ei[1].reshape(NW, E_PER_W),
         jnp.broadcast_to(pad_dst, (NW, E_PAD_W - E_PER_W))], axis=1)
    idx = jnp.stack([src_p, dst_p], axis=1).reshape(NW, 2, NCH, K)
    idx = jnp.transpose(idx, (0, 2, 1, 3))
    idx = jnp.pad(idx, ((0, 0), (0, NCH_IDX - NCH), (0, 0), (0, 0)))
    zrows = jnp.zeros((ROWS_PER_TILE, D), jnp.float32)

    deg = _sc_degree(ei[1])
    rdeg = _tc_rdeg(deg.reshape(NW, N))
    agg1 = _sc_segment_sum(x, idx, zrows)
    h = _tc_combine(agg1, rdeg, x, W1_l, b1_l, W1_r)
    agg2 = _sc_segment_sum(h, idx, zrows)
    out = _tc_combine(agg2, rdeg, h, W2_l, b2_l, W2_r)
    return out

# --- scband reference (transcript-rebuilt; emitter-appended) ---
"""Pipeline reference for scband-homo-sage-22548578304459 (READ-ONLY COPY).

The authoritative reference and input builder live on the scoring server;
editing this copy changes nothing except your own understanding.
"""

import jax, jax.numpy as jnp
import numpy as np

N_NODES = 10000
N_EDGES = 320000
D = 128


def _sage_conv(x, edge_index, W_l, b_l, W_r):
    # PyG SAGEConv (mean aggregation, root_weight=True):
    #   out = lin_l(mean_{j in N(i)} x_j) + lin_r(x_i)
    src = edge_index[0]
    dst = edge_index[1]
    n = x.shape[0]
    msgs = jnp.take(x, src, axis=0)                     # gather: [E, D]
    agg = jax.ops.segment_sum(msgs, dst, num_segments=n)  # scatter-add: [N, D]
    deg = jax.ops.segment_sum(jnp.ones((edge_index.shape[1],), x.dtype), dst, num_segments=n)
    agg = agg / jnp.maximum(deg, 1.0)[:, None]
    return agg @ W_l.T + b_l + x @ W_r.T


def setup_inputs(seed: int = 0) -> dict:
    key = jax.random.key(seed)
    k_x, k_e, k1, k2, k3, k4 = jax.random.split(key, 6)
    s = 1.0 / np.sqrt(D)
    x = jax.random.normal(k_x, (N_NODES, D), dtype=jnp.float32)
    edge_index = jax.random.randint(k_e, (2, N_EDGES), 0, N_NODES, dtype=jnp.int64)
    W1_l = jax.random.normal(k1, (D, D), dtype=jnp.float32) * s
    b1_l = jnp.zeros((D,), dtype=jnp.float32)
    W1_r = jax.random.normal(k2, (D, D), dtype=jnp.float32) * s
    W2_l = jax.random.normal(k3, (D, D), dtype=jnp.float32) * s
    b2_l = jnp.zeros((D,), dtype=jnp.float32)
    W2_r = jax.random.normal(k4, (D, D), dtype=jnp.float32) * s
    return {"x": x, "edge_index": edge_index, "W1_l": W1_l, "b1_l": b1_l, "W1_r": W1_r,
            "W2_l": W2_l, "b2_l": b2_l, "W2_r": W2_r}


def reference(x, edge_index, W1_l, b1_l, W1_r, W2_l, b2_l, W2_r):
    # layer 1 (lazy (-1,-1) -> in=128), relu, dropout(p=0.0) is identity
    h = jax.nn.relu(_sage_conv(x, edge_index, W1_l, b1_l, W1_r))
    # layer 2 (128 -> 128), relu, dropout identity
    h = jax.nn.relu(_sage_conv(h, edge_index, W2_l, b2_l, W2_r))
    return h

if __name__ == "__main__":
    import jax
    _d = setup_inputs()
    print(jax.jit(kernel)(*tuple(_d.values())))

</pallas_src>

<mosaic_0001>
#map = affine_map<(d0, d1) -> (0, 0)>
#map1 = affine_map<(d0, d1) -> (0, 0, 0, 0)>
#map2 = affine_map<(d0, d1) -> (0, 0, 0)>
module attributes {stable_mosaic.version = 14 : i64} {
  func.func @body(%arg0: i32, %arg1: i32, %arg2: memref<10000x128xf32, #tpu.memory_space<hbm>>, %arg3: memref<32x168x2x64xi32, #tpu.memory_space<hbm>>, %arg4: memref<632x128xf32, #tpu.memory_space<hbm>>, %arg5: memref<2x10112x128xf32, #tpu.memory_space<hbm>>, %arg6: memref<8x2x64xi32, #tpu.memory_space<vmem>>, %arg7: memref<4x64x128xf32, #tpu.memory_space<vmem>>, %arg8: memref<10112x128xf32, #tpu.memory_space<vmem_shared>>, %arg9: memref<!tpu.dma_semaphore, #tpu.memory_space<semaphore_mem>>, %arg10: memref<!tpu.dma_semaphore, #tpu.memory_space<semaphore_mem>>, %arg11: memref<!tpu.dma_semaphore, #tpu.memory_space<semaphore_mem>>, %arg12: memref<!tpu.dma_semaphore, #tpu.memory_space<semaphore_mem>>, %arg13: memref<!tpu.dma_semaphore, #tpu.memory_space<semaphore_mem>>, %arg14: memref<!tpu.dma_semaphore, #tpu.memory_space<semaphore_mem>>, %arg15: memref<!tpu.dma_semaphore, #tpu.memory_space<semaphore_mem>>, %arg16: memref<!tpu.dma_semaphore, #tpu.memory_space<semaphore_mem>>, %arg17: memref<!tpu.dma_semaphore, #tpu.memory_space<semaphore_mem>>, %arg18: memref<!tpu.dma_semaphore, #tpu.memory_space<semaphore_mem>>, %arg19: memref<!tpu.dma_semaphore, #tpu.memory_space<semaphore_mem>>, %arg20: memref<!tpu.dma_semaphore, #tpu.memory_space<semaphore_mem>>, %arg21: memref<!tpu.dma_semaphore, #tpu.memory_space<semaphore_mem>>, %arg22: memref<!tpu.dma_semaphore, #tpu.memory_space<semaphore_mem>>, %arg23: memref<!tpu.dma_semaphore, #tpu.memory_space<semaphore_mem>>, %arg24: memref<!tpu.dma_semaphore, #tpu.memory_space<semaphore_mem>>) attributes {dimension_semantics = [#tpu.dimension_semantics<core_parallel>, #tpu.dimension_semantics<subcore_parallel>], iteration_bounds = array<i64: 2, 16>, scalar_prefetch = 0 : i64, scratch_operands = 19 : i64, tpu.core_type = #tpu.core_type<sc_vector_subcore>, window_params = [{transform_indices = #map}, {transform_indices = #map1}, {transform_indices = #map}, {transform_indices = #map2}]} {
    %mul3A = arith.constant 16 : i32
    %mul3A_0 = arith.muli %arg0, %mul3A : i32
    %add3A = arith.addi %mul3A_0, %arg1 : i32
    %mul3A_1 = arith.constant 632 : i32
    %mul3A_2 = arith.muli %arg1, %mul3A_1 : i32
    "tpu.region"() ({
      %run_scoped3A = tpu.sem_alloc : memref<!tpu.dma_semaphore, #tpu.memory_space<semaphore_mem>>
      %dma_start3A_818 = arith.constant 0 : i32
      %dma_start3A_819 = tpu.memref_slice %arg8[%mul3A_2, %dma_start3A_818] : memref<10112x128xf32, #tpu.memory_space<vmem_shared>> -> memref<632x128xf32, #tpu.memory_space<vmem_shared>>
      tpu.enqueue_dma source(%arg4 : memref<632x128xf32, #tpu.memory_space<hbm>>) target(%dma_start3A_819 : memref<632x128xf32, #tpu.memory_space<vmem_shared>>) target_semaphore(%run_scoped3A : memref<!tpu.dma_semaphore, #tpu.memory_space<semaphore_mem>>)
      %dma_wait3A_820 = arith.constant 0 : i32
      %dma_wait3A_821 = tpu.memref_slice %arg8[%mul3A_2, %dma_wait3A_820] : memref<10112x128xf32, #tpu.memory_space<vmem_shared>> -> memref<632x128xf32, #tpu.memory_space<vmem_shared>>
      tpu.wait_dma2 semaphore(%run_scoped3A : memref<!tpu.dma_semaphore, #tpu.memory_space<semaphore_mem>>) src(%arg4 : memref<632x128xf32, #tpu.memory_space<hbm>>) dst(%dma_wait3A_821 : memref<632x128xf32, #tpu.memory_space<vmem_shared>>)
      tpu.yield
    }) : () -> ()
    %barrier3A = arith.constant 0 : index
    tpu.barrier barrier_id(%barrier3A)
    %dma_start3A = arith.constant 0 : i32
    %dma_start3A_3 = arith.constant 0 : i32
    %dma_start3A_4 = arith.constant 0 : i32
    %dma_start3A_5 = arith.constant 0 : i32
    %dma_start3A_6 = tpu.memref_slice %arg6[%dma_start3A_3, %dma_start3A_4, %dma_start3A_5] : memref<8x2x64xi32, #tpu.memory_space<vmem>> -> memref<1x2x64xi32, #tpu.memory_space<vmem>>
    %dma_start3A_7 = tpu.memref_squeeze %dma_start3A_6 : memref<1x2x64xi32, #tpu.memory_space<vmem>> -> memref<2x64xi32, #tpu.memory_space<vmem>>
    %dma_start3A_8 = arith.constant 0 : i32
    %dma_start3A_9 = arith.constant 0 : i32
    %dma_start3A_10 = tpu.memref_slice %arg3[%add3A, %dma_start3A, %dma_start3A_8, %dma_start3A_9] : memref<32x168x2x64xi32, #tpu.memory_space<hbm>> -> memref<1x1x2x64xi32, #tpu.memory_space<hbm>>
    %dma_start3A_11 = tpu.memref_squeeze %dma_start3A_10 : memref<1x1x2x64xi32, #tpu.memory_space<hbm>> -> memref<2x64xi32, #tpu.memory_space<hbm>>
    %dma_start3A_12 = arith.constant 0 : i32
    %dma_start3A_13 = arith.constant 0 : i32
    %dma_start3A_14 = tpu.memref_slice %arg6[%dma_start3A_3, %dma_start3A_12, %dma_start3A_13] : memref<8x2x64xi32, #tpu.memory_space<vmem>> -> memref<1x2x64xi32, #tpu.memory_space<vmem>>
    %dma_start3A_15 = tpu.memref_squeeze %dma_start3A_14 : memref<1x2x64xi32, #tpu.memory_space<vmem>> -> memref<2x64xi32, #tpu.memory_space<vmem>>
    %dma_start3A_16 = arith.constant 0 : i32
    %dma_start3A_17 = arith.constant 0 : i32
    %dma_start3A_18 = tpu.memref_slice %arg3[%add3A, %dma_start3A, %dma_start3A_16, %dma_start3A_17] : memref<32x168x2x64xi32, #tpu.memory_space<hbm>> -> memref<1x1x2x64xi32, #tpu.memory_space<hbm>>
    %dma_start3A_19 = tpu.memref_squeeze %dma_start3A_18 : memref<1x1x2x64xi32, #tpu.memory_space<hbm>> -> memref<2x64xi32, #tpu.memory_space<hbm>>
    tpu.enqueue_dma source(%dma_start3A_19 : memref<2x64xi32, #tpu.memory_space<hbm>>) target(%dma_start3A_15 : memref<2x64xi32, #tpu.memory_space<vmem>>) target_semaphore(%arg9 : memref<!tpu.dma_semaphore, #tpu.memory_space<semaphore_mem>>)
    %dma_start3A_20 = arith.constant 1 : i32
    %dma_start3A_21 = arith.constant 1 : i32
    %dma_start3A_22 = arith.constant 0 : i32
    %dma_start3A_23 = arith.constant 0 : i32
    %dma_start3A_24 = tpu.memref_slice %arg6[%dma_start3A_21, %dma_start3A_22, %dma_start3A_23] : memref<8x2x64xi32, #tpu.memory_space<vmem>> -> memref<1x2x64xi32, #tpu.memory_space<vmem>>
    %dma_start3A_25 = tpu.memref_squeeze %dma_start3A_24 : memref<1x2x64xi32, #tpu.memory_space<vmem>> -> memref<2x64xi32, #tpu.memory_space<vmem>>
    %dma_start3A_26 = arith.constant 0 : i32
    %dma_start3A_27 = arith.constant 0 : i32
    %dma_start3A_28 = tpu.memref_slice %arg3[%add3A, %dma_start3A_20, %dma_start3A_26, %dma_start3A_27] : memref<32x168x2x64xi32, #tpu.memory_space<hbm>> -> memref<1x1x2x64xi32, #tpu.memory_space<hbm>>
    %dma_start3A_29 = tpu.memref_squeeze %dma_start3A_28 : memref<1x1x2x64xi32, #tpu.memory_space<hbm>> -> memref<2x64xi32, #tpu.memory_space<hbm>>
    %dma_start3A_30 = arith.constant 0 : i32
    %dma_start3A_31 = arith.constant 0 : i32
    %dma_start3A_32 = tpu.memref_slice %arg6[%dma_start3A_21, %dma_start3A_30, %dma_start3A_31] : memref<8x2x64xi32, #tpu.memory_space<vmem>> -> memref<1x2x64xi32, #tpu.memory_space<vmem>>
    %dma_start3A_33 = tpu.memref_squeeze %dma_start3A_32 : memref<1x2x64xi32, #tpu.memory_space<vmem>> -> memref<2x64xi32, #tpu.memory_space<vmem>>
    %dma_start3A_34 = arith.constant 0 : i32
    %dma_start3A_35 = arith.constant 0 : i32
    %dma_start3A_36 = tpu.memref_slice %arg3[%add3A, %dma_start3A_20, %dma_start3A_34, %dma_start3A_35] : memref<32x168x2x64xi32, #tpu.memory_space<hbm>> -> memref<1x1x2x64xi32, #tpu.memory_space<hbm>>
    %dma_start3A_37 = tpu.memref_squeeze %dma_start3A_36 : memref<1x1x2x64xi32, #tpu.memory_space<hbm>> -> memref<2x64xi32, #tpu.memory_space<hbm>>
    tpu.enqueue_dma source(%dma_start3A_37 : memref<2x64xi32, #tpu.memory_space<hbm>>) target(%dma_start3A_33 : memref<2x64xi32, #tpu.memory_space<vmem>>) target_semaphore(%arg10 : memref<!tpu.dma_semaphore, #tpu.memory_space<semaphore_mem>>)
    %dma_start3A_38 = arith.constant 2 : i32
    %dma_start3A_39 = arith.constant 2 : i32
    %dma_start3A_40 = arith.constant 0 : i32
    %dma_start3A_41 = arith.constant 0 : i32
    %dma_start3A_42 = tpu.memref_slice %arg6[%dma_start3A_39, %dma_start3A_40, %dma_start3A_41] : memref<8x2x64xi32, #tpu.memory_space<vmem>> -> memref<1x2x64xi32, #tpu.memory_space<vmem>>
    %dma_start3A_43 = tpu.memref_squeeze %dma_start3A_42 : memref<1x2x64xi32, #tpu.memory_space<vmem>> -> memref<2x64xi32, #tpu.memory_space<vmem>>
    %dma_start3A_44 = arith.constant 0 : i32
    %dma_start3A_45 = arith.constant 0 : i32
    %dma_start3A_46 = tpu.memref_slice %arg3[%add3A, %dma_start3A_38, %dma_start3A_44, %dma_start3A_45] : memref<32x168x2x64xi32, #tpu.memory_space<hbm>> -> memref<1x1x2x64xi32, #tpu.memory_space<hbm>>
    %dma_start3A_47 = tpu.memref_squeeze %dma_start3A_46 : memref<1x1x2x64xi32, #tpu.memory_space<hbm>> -> memref<2x64xi32, #tpu.memory_space<hbm>>
    %dma_start3A_48 = arith.constant 0 : i32
    %dma_start3A_49 = arith.constant 0 : i32
    %dma_start3A_50 = tpu.memref_slice %arg6[%dma_start3A_39, %dma_start3A_48, %dma_start3A_49] : memref<8x2x64xi32, #tpu.memory_space<vmem>> -> memref<1x2x64xi32, #tpu.memory_space<vmem>>
    %dma_start3A_51 = tpu.memref_squeeze %dma_start3A_50 : memref<1x2x64xi32, #tpu.memory_space<vmem>> -> memref<2x64xi32, #tpu.memory_space<vmem>>
    %dma_start3A_52 = arith.constant 0 : i32
    %dma_start3A_53 = arith.constant 0 : i32
    %dma_start3A_54 = tpu.memref_slice %arg3[%add3A, %dma_start3A_38, %dma_start3A_52, %dma_start3A_53] : memref<32x168x2x64xi32, #tpu.memory_space<hbm>> -> memref<1x1x2x64xi32, #tpu.memory_space<hbm>>
    %dma_start3A_55 = tpu.memref_squeeze %dma_start3A_54 : memref<1x1x2x64xi32, #tpu.memory_space<hbm>> -> memref<2x64xi32, #tpu.memory_space<hbm>>
    tpu.enqueue_dma source(%dma_start3A_55 : memref<2x64xi32, #tpu.memory_space<hbm>>) target(%dma_start3A_51 : memref<2x64xi32, #tpu.memory_space<vmem>>) target_semaphore(%arg11 : memref<!tpu.dma_semaphore, #tpu.memory_space<semaphore_mem>>)
    %dma_start3A_56 = arith.constant 3 : i32
    %dma_start3A_57 = arith.constant 3 : i32
    %dma_start3A_58 = arith.constant 0 : i32
    %dma_start3A_59 = arith.constant 0 : i32
    %dma_start3A_60 = tpu.memref_slice %arg6[%dma_start3A_57, %dma_start3A_58, %dma_start3A_59] : memref<8x2x64xi32, #tpu.memory_space<vmem>> -> memref<1x2x64xi32, #tpu.memory_space<vmem>>
    %dma_start3A_61 = tpu.memref_squeeze %dma_start3A_60 : memref<1x2x64xi32, #tpu.memory_space<vmem>> -> memref<2x64xi32, #tpu.memory_space<vmem>>
    %dma_start3A_62 = arith.constant 0 : i32
    %dma_start3A_63 = arith.constant 0 : i32
    %dma_start3A_64 = tpu.memref_slice %arg3[%add3A, %dma_start3A_56, %dma_start3A_62, %dma_start3A_63] : memref<32x168x2x64xi32, #tpu.memory_space<hbm>> -> memref<1x1x2x64xi32, #tpu.memory_space<hbm>>
    %dma_start3A_65 = tpu.memref_squeeze %dma_start3A_64 : memref<1x1x2x64xi32, #tpu.memory_space<hbm>> -> memref<2x64xi32, #tpu.memory_space<hbm>>
    %dma_start3A_66 = arith.constant 0 : i32
    %dma_start3A_67 = arith.constant 0 : i32
    %dma_start3A_68 = tpu.memref_slice %arg6[%dma_start3A_57, %dma_start3A_66, %dma_start3A_67] : memref<8x2x64xi32, #tpu.memory_space<vmem>> -> memref<1x2x64xi32, #tpu.memory_space<vmem>>
    %dma_start3A_69 = tpu.memref_squeeze %dma_start3A_68 : memref<1x2x64xi32, #tpu.memory_space<vmem>> -> memref<2x64xi32, #tpu.memory_space<vmem>>
    %dma_start3A_70 = arith.constant 0 : i32
    %dma_start3A_71 = arith.constant 0 : i32
    %dma_start3A_72 = tpu.memref_slice %arg3[%add3A, %dma_start3A_56, %dma_start3A_70, %dma_start3A_71] : memref<32x168x2x64xi32, #tpu.memory_space<hbm>> -> memref<1x1x2x64xi32, #tpu.memory_space<hbm>>
    %dma_start3A_73 = tpu.memref_squeeze %dma_start3A_72 : memref<1x1x2x64xi32, #tpu.memory_space<hbm>> -> memref<2x64xi32, #tpu.memory_space<hbm>>
    tpu.enqueue_dma source(%dma_start3A_73 : memref<2x64xi32, #tpu.memory_space<hbm>>) target(%dma_start3A_69 : memref<2x64xi32, #tpu.memory_space<vmem>>) target_semaphore(%arg12 : memref<!tpu.dma_semaphore, #tpu.memory_space<semaphore_mem>>)
    %dma_wait3A = arith.constant 0 : i32
    %dma_wait3A_74 = arith.constant 0 : i32
    %dma_wait3A_75 = arith.constant 0 : i32
    %dma_wait3A_76 = arith.constant 0 : i32
    %dma_wait3A_77 = tpu.memref_slice %arg6[%dma_wait3A_74, %dma_wait3A_75, %dma_wait3A_76] : memref<8x2x64xi32, #tpu.memory_space<vmem>> -> memref<1x2x64xi32, #tpu.memory_space<vmem>>
    %dma_wait3A_78 = tpu.memref_squeeze %dma_wait3A_77 : memref<1x2x64xi32, #tpu.memory_space<vmem>> -> memref<2x64xi32, #tpu.memory_space<vmem>>
    %dma_wait3A_79 = arith.constant 0 : i32
    %dma_wait3A_80 = arith.constant 0 : i32
    %dma_wait3A_81 = tpu.memref_slice %arg3[%add3A, %dma_wait3A, %dma_wait3A_79, %dma_wait3A_80] : memref<32x168x2x64xi32, #tpu.memory_space<hbm>> -> memref<1x1x2x64xi32, #tpu.memory_space<hbm>>
    %dma_wait3A_82 = tpu.memref_squeeze %dma_wait3A_81 : memref<1x1x2x64xi32, #tpu.memory_space<hbm>> -> memref<2x64xi32, #tpu.memory_space<hbm>>
    %dma_wait3A_83 = arith.constant 0 : i32
    %dma_wait3A_84 = arith.constant 0 : i32
    %dma_wait3A_85 = tpu.memref_slice %arg6[%dma_wait3A_74, %dma_wait3A_83, %dma_wait3A_84] : memref<8x2x64xi32, #tpu.memory_space<vmem>> -> memref<1x2x64xi32, #tpu.memory_space<vmem>>
    %dma_wait3A_86 = tpu.memref_squeeze %dma_wait3A_85 : memref<1x2x64xi32, #tpu.memory_space<vmem>> -> memref<2x64xi32, #tpu.memory_space<vmem>>
    %dma_wait3A_87 = arith.constant 0 : i32
    %dma_wait3A_88 = arith.constant 0 : i32
    %dma_wait3A_89 = tpu.memref_slice %arg3[%add3A, %dma_wait3A, %dma_wait3A_87, %dma_wait3A_88] : memref<32x168x2x64xi32, #tpu.memory_space<hbm>> -> memref<1x1x2x64xi32, #tpu.memory_space<hbm>>
    %dma_wait3A_90 = tpu.memref_squeeze %dma_wait3A_89 : memref<1x1x2x64xi32, #tpu.memory_space<hbm>> -> memref<2x64xi32, #tpu.memory_space<hbm>>
    tpu.wait_dma2 semaphore(%arg9 : memref<!tpu.dma_semaphore, #tpu.memory_space<semaphore_mem>>) src(%dma_wait3A_90 : memref<2x64xi32, #tpu.memory_space<hbm>>) dst(%dma_wait3A_86 : memref<2x64xi32, #tpu.memory_space<vmem>>)
    %dma_start3A_91 = arith.constant 0 : i32
    %dma_start3A_92 = arith.constant 0 : i32
    %dma_start3A_93 = arith.constant 0 : i32
    %dma_start3A_94 = arith.constant 0 : i32
    %dma_start3A_95 = arith.constant 0 : i32
    %dma_start3A_96 = tpu.memref_slice %arg7[%dma_start3A_93, %dma_start3A_94, %dma_start3A_95] : memref<4x64x128xf32, #tpu.memory_space<vmem>> -> memref<1x64x128xf32, #tpu.memory_space<vmem>>
    %dma_start3A_97 = tpu.memref_squeeze %dma_start3A_96 : memref<1x64x128xf32, #tpu.memory_space<vmem>> -> memref<64x128xf32, #tpu.memory_space<vmem>>
    %dma_start3A_98 = arith.constant 0 : i32
    %dma_start3A_99 = tpu.memref_slice %arg6[%dma_start3A_91, %dma_start3A_92, %dma_start3A_98] : memref<8x2x64xi32, #tpu.memory_space<vmem>> -> memref<1x1x64xi32, #tpu.memory_space<vmem>>
    %dma_start3A_100 = tpu.memref_squeeze %dma_start3A_99 : memref<1x1x64xi32, #tpu.memory_space<vmem>> -> memref<64xi32, #tpu.memory_space<vmem>>
    %dma_start3A_101 = arith.constant 0 : i32
    %dma_start3A_102 = arith.constant 0 : i32
    %dma_start3A_103 = tpu.memref_slice %arg2[%dma_start3A_101, %dma_start3A_102] : memref<10000x128xf32, #tpu.memory_space<hbm>> -> memref<10000x128xf32, #tpu.memory_space<hbm>>
    tpu.enqueue_indirect_dma source(%dma_start3A_103 : memref<10000x128xf32, #tpu.memory_space<hbm>>) target(%dma_start3A_97 : memref<64x128xf32, #tpu.memory_space<vmem>>) offsets(%dma_start3A_100 : memref<64xi32, #tpu.memory_space<vmem>>) semaphore(%arg17 : memref<!tpu.dma_semaphore, #tpu.memory_space<semaphore_mem>>)
    %dma_start3A_104 = arith.constant 4 : i32
    %dma_start3A_105 = arith.constant 4 : i32
    %dma_start3A_106 = arith.constant 0 : i32
    %dma_start3A_107 = arith.constant 0 : i32
    %dma_start3A_108 = tpu.memref_slice %arg6[%dma_start3A_105, %dma_start3A_106, %dma_start3A_107] : memref<8x2x64xi32, #tpu.memory_space<vmem>> -> memref<1x2x64xi32, #tpu.memory_space<vmem>>
    %dma_start3A_109 = tpu.memref_squeeze %dma_start3A_108 : memref<1x2x64xi32, #tpu.memory_space<vmem>> -> memref<2x64xi32, #tpu.memory_space<vmem>>
    %dma_start3A_110 = arith.constant 0 : i32
    %dma_start3A_111 = arith.constant 0 : i32
    %dma_start3A_112 = tpu.memref_slice %arg3[%add3A, %dma_start3A_104, %dma_start3A_110, %dma_start3A_111] : memref<32x168x2x64xi32, #tpu.memory_space<hbm>> -> memref<1x1x2x64xi32, #tpu.memory_space<hbm>>
    %dma_start3A_113 = tpu.memref_squeeze %dma_start3A_112 : memref<1x1x2x64xi32, #tpu.memory_space<hbm>> -> memref<2x64xi32, #tpu.memory_space<hbm>>
    %dma_start3A_114 = arith.constant 0 : i32
    %dma_start3A_115 = arith.constant 0 : i32
    %dma_start3A_116 = tpu.memref_slice %arg6[%dma_start3A_105, %dma_start3A_114, %dma_start3A_115] : memref<8x2x64xi32, #tpu.memory_space<vmem>> -> memref<1x2x64xi32, #tpu.memory_space<vmem>>
    %dma_start3A_117 = tpu.memref_squeeze %dma_start3A_116 : memref<1x2x64xi32, #tpu.memory_space<vmem>> -> memref<2x64xi32, #tpu.memory_space<vmem>>
    %dma_start3A_118 = arith.constant 0 : i32
    %dma_start3A_119 = arith.constant 0 : i32
    %dma_start3A_120 = tpu.memref_slice %arg3[%add3A, %dma_start3A_104, %dma_start3A_118, %dma_start3A_119] : memref<32x168x2x64xi32, #tpu.memory_space<hbm>> -> memref<1x1x2x64xi32, #tpu.memory_space<hbm>>
    %dma_start3A_121 = tpu.memref_squeeze %dma_start3A_120 : memref<1x1x2x64xi32, #tpu.memory_space<hbm>> -> memref<2x64xi32, #tpu.memory_space<hbm>>
    tpu.enqueue_dma source(%dma_start3A_121 : memref<2x64xi32, #tpu.memory_space<hbm>>) target(%dma_start3A_117 : memref<2x64xi32, #tpu.memory_space<vmem>>) target_semaphore(%arg13 : memref<!tpu.dma_semaphore, #tpu.memory_space<semaphore_mem>>)
    %dma_wait3A_122 = arith.constant 0 : i32
    %dma_wait3A_123 = arith.constant 1 : i32
    %dma_wait3A_124 = arith.constant 0 : i32
    %dma_wait3A_125 = arith.constant 0 : i32
    %dma_wait3A_126 = tpu.memref_slice %arg6[%dma_wait3A_123, %dma_wait3A_124, %dma_wait3A_125] : memref<8x2x64xi32, #tpu.memory_space<vmem>> -> memref<1x2x64xi32, #tpu.memory_space<vmem>>
    %dma_wait3A_127 = tpu.memref_squeeze %dma_wait3A_126 : memref<1x2x64xi32, #tpu.memory_space<vmem>> -> memref<2x64xi32, #tpu.memory_space<vmem>>
    %dma_wait3A_128 = arith.constant 0 : i32
    %dma_wait3A_129 = arith.constant 0 : i32
    %dma_wait3A_130 = tpu.memref_slice %arg3[%add3A, %dma_wait3A_122, %dma_wait3A_128, %dma_wait3A_129] : memref<32x168x2x64xi32, #tpu.memory_space<hbm>> -> memref<1x1x2x64xi32, #tpu.memory_space<hbm>>
    %dma_wait3A_131 = tpu.memref_squeeze %dma_wait3A_130 : memref<1x1x2x64xi32, #tpu.memory_space<hbm>> -> memref<2x64xi32, #tpu.memory_space<hbm>>
    %dma_wait3A_132 = arith.constant 0 : i32
    %dma_wait3A_133 = arith.constant 0 : i32
    %dma_wait3A_134 = tpu.memref_slice %arg6[%dma_wait3A_123, %dma_wait3A_132, %dma_wait3A_133] : memref<8x2x64xi32, #tpu.memory_space<vmem>> -> memref<1x2x64xi32, #tpu.memory_space<vmem>>
    %dma_wait3A_135 = tpu.memref_squeeze %dma_wait3A_134 : memref<1x2x64xi32, #tpu.memory_space<vmem>> -> memref<2x64xi32, #tpu.memory_space<vmem>>
    %dma_wait3A_136 = arith.constant 0 : i32
    %dma_wait3A_137 = arith.constant 0 : i32
    %dma_wait3A_138 = tpu.memref_slice %arg3[%add3A, %dma_wait3A_122, %dma_wait3A_136, %dma_wait3A_137] : memref<32x168x2x64xi32, #tpu.memory_space<hbm>> -> memref<1x1x2x64xi32, #tpu.memory_space<hbm>>
    %dma_wait3A_139 = tpu.memref_squeeze %dma_wait3A_138 : memref<1x1x2x64xi32, #tpu.memory_space<hbm>> -> memref<2x64xi32, #tpu.memory_space<hbm>>
    tpu.wait_dma2 semaphore(%arg10 : memref<!tpu.dma_semaphore, #tpu.memory_space<semaphore_mem>>) src(%dma_wait3A_139 : memref<2x64xi32, #tpu.memory_space<hbm>>) dst(%dma_wait3A_135 : memref<2x64xi32, #tpu.memory_space<vmem>>)
    %dma_start3A_140 = arith.constant 1 : i32
    %dma_start3A_141 = arith.constant 0 : i32
    %dma_start3A_142 = arith.constant 1 : i32
    %dma_start3A_143 = arith.constant 0 : i32
    %dma_start3A_144 = arith.constant 0 : i32
    %dma_start3A_145 = tpu.memref_slice %arg7[%dma_start3A_142, %dma_start3A_143, %dma_start3A_144] : memref<4x64x128xf32, #tpu.memory_space<vmem>> -> memref<1x64x128xf32, #tpu.memory_space<vmem>>
    %dma_start3A_146 = tpu.memref_squeeze %dma_start3A_145 : memref<1x64x128xf32, #tpu.memory_space<vmem>> -> memref<64x128xf32, #tpu.memory_space<vmem>>
    %dma_start3A_147 = arith.constant 0 : i32
    %dma_start3A_148 = tpu.memref_slice %arg6[%dma_start3A_140, %dma_start3A_141, %dma_start3A_147] : memref<8x2x64xi32, #tpu.memory_space<vmem>> -> memref<1x1x64xi32, #tpu.memory_space<vmem>>
    %dma_start3A_149 = tpu.memref_squeeze %dma_start3A_148 : memref<1x1x64xi32, #tpu.memory_space<vmem>> -> memref<64xi32, #tpu.memory_space<vmem>>
    %dma_start3A_150 = arith.constant 0 : i32
    %dma_start3A_151 = arith.constant 0 : i32
    %dma_start3A_152 = tpu.memref_slice %arg2[%dma_start3A_150, %dma_start3A_151] : memref<10000x128xf32, #tpu.memory_space<hbm>> -> memref<10000x128xf32, #tpu.memory_space<hbm>>
    tpu.enqueue_indirect_dma source(%dma_start3A_152 : memref<10000x128xf32, #tpu.memory_space<hbm>>) target(%dma_start3A_146 : memref<64x128xf32, #tpu.memory_space<vmem>>) offsets(%dma_start3A_149 : memref<64xi32, #tpu.memory_space<vmem>>) semaphore(%arg18 : memref<!tpu.dma_semaphore, #tpu.memory_space<semaphore_mem>>)
    %dma_start3A_153 = arith.constant 5 : i32
    %dma_start3A_154 = arith.constant 5 : i32
    %dma_start3A_155 = arith.constant 0 : i32
    %dma_start3A_156 = arith.constant 0 : i32
    %dma_start3A_157 = tpu.memref_slice %arg6[%dma_start3A_154, %dma_start3A_155, %dma_start3A_156] : memref<8x2x64xi32, #tpu.memory_space<vmem>> -> memref<1x2x64xi32, #tpu.memory_space<vmem>>
    %dma_start3A_158 = tpu.memref_squeeze %dma_start3A_157 : memref<1x2x64xi32, #tpu.memory_space<vmem>> -> memref<2x64xi32, #tpu.memory_space<vmem>>
    %dma_start3A_159 = arith.constant 0 : i32
    %dma_start3A_160 = arith.constant 0 : i32
    %dma_start3A_161 = tpu.memref_slice %arg3[%add3A, %dma_start3A_153, %dma_start3A_159, %dma_start3A_160] : memref<32x168x2x64xi32, #tpu.memory_space<hbm>> -> memref<1x1x2x64xi32, #tpu.memory_space<hbm>>
    %dma_start3A_162 = tpu.memref_squeeze %dma_start3A_161 : memref<1x1x2x64xi32, #tpu.memory_space<hbm>> -> memref<2x64xi32, #tpu.memory_space<hbm>>
    %dma_start3A_163 = arith.constant 0 : i32
    %dma_start3A_164 = arith.constant 0 : i32
    %dma_start3A_165 = tpu.memref_slice %arg6[%dma_start3A_154, %dma_start3A_163, %dma_start3A_164] : memref<8x2x64xi32, #tpu.memory_space<vmem>> -> memref<1x2x64xi32, #tpu.memory_space<vmem>>
    %dma_start3A_166 = tpu.memref_squeeze %dma_start3A_165 : memref<1x2x64xi32, #tpu.memory_space<vmem>> -> memref<2x64xi32, #tpu.memory_space<vmem>>
    %dma_start3A_167 = arith.constant 0 : i32
    %dma_start3A_168 = arith.constant 0 : i32
    %dma_start3A_169 = tpu.memref_slice %arg3[%add3A, %dma_start3A_153, %dma_start3A_167, %dma_start3A_168] : memref<32x168x2x64xi32, #tpu.memory_space<hbm>> -> memref<1x1x2x64xi32, #tpu.memory_space<hbm>>
    %dma_start3A_170 = tpu.memref_squeeze %dma_start3A_169 : memref<1x1x2x64xi32, #tpu.memory_space<hbm>> -> memref<2x64xi32, #tpu.memory_space<hbm>>
    tpu.enqueue_dma source(%dma_start3A_170 : memref<2x64xi32, #tpu.memory_space<hbm>>) target(%dma_start3A_166 : memref<2x64xi32, #tpu.memory_space<vmem>>) target_semaphore(%arg14 : memref<!tpu.dma_semaphore, #tpu.memory_space<semaphore_mem>>)
    %dma_wait3A_171 = arith.constant 0 : i32
    %dma_wait3A_172 = arith.constant 2 : i32
    %dma_wait3A_173 = arith.constant 0 : i32
    %dma_wait3A_174 = arith.constant 0 : i32
    %dma_wait3A_175 = tpu.memref_slice %arg6[%dma_wait3A_172, %dma_wait3A_173, %dma_wait3A_174] : memref<8x2x64xi32, #tpu.memory_space<vmem>> -> memref<1x2x64xi32, #tpu.memory_space<vmem>>
    %dma_wait3A_176 = tpu.memref_squeeze %dma_wait3A_175 : memref<1x2x64xi32, #tpu.memory_space<vmem>> -> memref<2x64xi32, #tpu.memory_space<vmem>>
    %dma_wait3A_177 = arith.constant 0 : i32
    %dma_wait3A_178 = arith.constant 0 : i32
    %dma_wait3A_179 = tpu.memref_slice %arg3[%add3A, %dma_wait3A_171, %dma_wait3A_177, %dma_wait3A_178] : memref<32x168x2x64xi32, #tpu.memory_space<hbm>> -> memref<1x1x2x64xi32, #tpu.memory_space<hbm>>
    %dma_wait3A_180 = tpu.memref_squeeze %dma_wait3A_179 : memref<1x1x2x64xi32, #tpu.memory_space<hbm>> -> memref<2x64xi32, #tpu.memory_space<hbm>>
    %dma_wait3A_181 = arith.constant 0 : i32
    %dma_wait3A_182 = arith.constant 0 : i32
    %dma_wait3A_183 = tpu.memref_slice %arg6[%dma_wait3A_172, %dma_wait3A_181, %dma_wait3A_182] : memref<8x2x64xi32, #tpu.memory_space<vmem>> -> memref<1x2x64xi32, #tpu.memory_space<vmem>>
    %dma_wait3A_184 = tpu.memref_squeeze %dma_wait3A_183 : memref<1x2x64xi32, #tpu.memory_space<vmem>> -> memref<2x64xi32, #tpu.memory_space<vmem>>
    %dma_wait3A_185 = arith.constant 0 : i32
    %dma_wait3A_186 = arith.constant 0 : i32
    %dma_wait3A_187 = tpu.memref_slice %arg3[%add3A, %dma_wait3A_171, %dma_wait3A_185, %dma_wait3A_186] : memref<32x168x2x64xi32, #tpu.memory_space<hbm>> -> memref<1x1x2x64xi32, #tpu.memory_space<hbm>>
    %dma_wait3A_188 = tpu.memref_squeeze %dma_wait3A_187 : memref<1x1x2x64xi32, #tpu.memory_space<hbm>> -> memref<2x64xi32, #tpu.memory_space<hbm>>
    tpu.wait_dma2 semaphore(%arg11 : memref<!tpu.dma_semaphore, #tpu.memory_space<semaphore_mem>>) src(%dma_wait3A_188 : memref<2x64xi32, #tpu.memory_space<hbm>>) dst(%dma_wait3A_184 : memref<2x64xi32, #tpu.memory_space<vmem>>)
    %dma_start3A_189 = arith.constant 2 : i32
    %dma_start3A_190 = arith.constant 0 : i32
    %dma_start3A_191 = arith.constant 2 : i32
    %dma_start3A_192 = arith.constant 0 : i32
    %dma_start3A_193 = arith.constant 0 : i32
    %dma_start3A_194 = tpu.memref_slice %arg7[%dma_start3A_191, %dma_start3A_192, %dma_start3A_193] : memref<4x64x128xf32, #tpu.memory_space<vmem>> -> memref<1x64x128xf32, #tpu.memory_space<vmem>>
    %dma_start3A_195 = tpu.memref_squeeze %dma_start3A_194 : memref<1x64x128xf32, #tpu.memory_space<vmem>> -> memref<64x128xf32, #tpu.memory_space<vmem>>
    %dma_start3A_196 = arith.constant 0 : i32
    %dma_start3A_197 = tpu.memref_slice %arg6[%dma_start3A_189, %dma_start3A_190, %dma_start3A_196] : memref<8x2x64xi32, #tpu.memory_space<vmem>> -> memref<1x1x64xi32, #tpu.memory_space<vmem>>
    %dma_start3A_198 = tpu.memref_squeeze %dma_start3A_197 : memref<1x1x64xi32, #tpu.memory_space<vmem>> -> memref<64xi32, #tpu.memory_space<vmem>>
    %dma_start3A_199 = arith.constant 0 : i32
    %dma_start3A_200 = arith.constant 0 : i32
    %dma_start3A_201 = tpu.memref_slice %arg2[%dma_start3A_199, %dma_start3A_200] : memref<10000x128xf32, #tpu.memory_space<hbm>> -> memref<10000x128xf32, #tpu.memory_space<hbm>>
    tpu.enqueue_indirect_dma source(%dma_start3A_201 : memref<10000x128xf32, #tpu.memory_space<hbm>>) target(%dma_start3A_195 : memref<64x128xf32, #tpu.memory_space<vmem>>) offsets(%dma_start3A_198 : memref<64xi32, #tpu.memory_space<vmem>>) semaphore(%arg19 : memref<!tpu.dma_semaphore, #tpu.memory_space<semaphore_mem>>)
    %dma_wait3A_202 = arith.constant 0 : i32
    %dma_wait3A_203 = arith.constant 0 : i32
    %dma_wait3A_204 = arith.constant 0 : i32
    %dma_wait3A_205 = arith.constant 0 : i32
    %dma_wait3A_206 = arith.constant 0 : i32
    %dma_wait3A_207 = tpu.memref_slice %arg7[%dma_wait3A_204, %dma_wait3A_205, %dma_wait3A_206] : memref<4x64x128xf32, #tpu.memory_space<vmem>> -> memref<1x64x128xf32, #tpu.memory_space<vmem>>
    %dma_wait3A_208 = tpu.memref_squeeze %dma_wait3A_207 : memref<1x64x128xf32, #tpu.memory_space<vmem>> -> memref<64x128xf32, #tpu.memory_space<vmem>>
    %dma_wait3A_209 = arith.constant 0 : i32
    %dma_wait3A_210 = tpu.memref_slice %arg6[%dma_wait3A_202, %dma_wait3A_203, %dma_wait3A_209] : memref<8x2x64xi32, #tpu.memory_space<vmem>> -> memref<1x1x64xi32, #tpu.memory_space<vmem>>
    %dma_wait3A_211 = tpu.memref_squeeze %dma_wait3A_210 : memref<1x1x64xi32, #tpu.memory_space<vmem>> -> memref<64xi32, #tpu.memory_space<vmem>>
    %dma_wait3A_212 = arith.constant 0 : i32
    %dma_wait3A_213 = arith.constant 0 : i32
    %dma_wait3A_214 = tpu.memref_slice %arg2[%dma_wait3A_212, %dma_wait3A_213] : memref<10000x128xf32, #tpu.memory_space<hbm>> -> memref<10000x128xf32, #tpu.memory_space<hbm>>
    tpu.wait_indirect_dma semaphore(%arg17 : memref<!tpu.dma_semaphore, #tpu.memory_space<semaphore_mem>>) src(%dma_wait3A_214 : memref<10000x128xf32, #tpu.memory_space<hbm>>) dst(%dma_wait3A_208 : memref<64x128xf32, #tpu.memory_space<vmem>>)
    %dma_start3A_215 = arith.constant 0 : i32
    %dma_start3A_216 = arith.constant 0 : i32
    %dma_start3A_217 = arith.constant 1 : i32
    %dma_start3A_218 = arith.constant 0 : i32
    %dma_start3A_219 = arith.constant 0 : i32
    %dma_start3A_220 = tpu.memref_slice %arg7[%dma_start3A_215, %dma_start3A_218, %dma_start3A_219] : memref<4x64x128xf32, #tpu.memory_space<vmem>> -> memref<1x64x128xf32, #tpu.memory_space<vmem>>
    %dma_start3A_221 = tpu.memref_squeeze %dma_start3A_220 : memref<1x64x128xf32, #tpu.memory_space<vmem>> -> memref<64x128xf32, #tpu.memory_space<vmem>>
    %dma_start3A_222 = arith.constant 0 : i32
    %dma_start3A_223 = tpu.memref_slice %arg6[%dma_start3A_216, %dma_start3A_217, %dma_start3A_222] : memref<8x2x64xi32, #tpu.memory_space<vmem>> -> memref<1x1x64xi32, #tpu.memory_space<vmem>>
    %dma_start3A_224 = tpu.memref_squeeze %dma_start3A_223 : memref<1x1x64xi32, #tpu.memory_space<vmem>> -> memref<64xi32, #tpu.memory_space<vmem>>
    %dma_start3A_225 = arith.constant 0 : i32
    %dma_start3A_226 = arith.constant 0 : i32
    %dma_start3A_227 = tpu.memref_slice %arg8[%dma_start3A_225, %dma_start3A_226] : memref<10112x128xf32, #tpu.memory_space<vmem_shared>> -> memref<10112x128xf32, #tpu.memory_space<vmem_shared>>
    tpu.enqueue_indirect_dma source(%dma_start3A_221 : memref<64x128xf32, #tpu.memory_space<vmem>>) target(%dma_start3A_227 : memref<10112x128xf32, #tpu.memory_space<vmem_shared>>) offsets(%dma_start3A_224 : memref<64xi32, #tpu.memory_space<vmem>>) semaphore(%arg21 : memref<!tpu.dma_semaphore, #tpu.memory_space<semaphore_mem>>) {add = true}
    %dma_start3A_228 = arith.constant 6 : i32
    %dma_start3A_229 = arith.constant 6 : i32
    %dma_start3A_230 = arith.constant 0 : i32
    %dma_start3A_231 = arith.constant 0 : i32
    %dma_start3A_232 = tpu.memref_slice %arg6[%dma_start3A_229, %dma_start3A_230, %dma_start3A_231] : memref<8x2x64xi32, #tpu.memory_space<vmem>> -> memref<1x2x64xi32, #tpu.memory_space<vmem>>
    %dma_start3A_233 = tpu.memref_squeeze %dma_start3A_232 : memref<1x2x64xi32, #tpu.memory_space<vmem>> -> memref<2x64xi32, #tpu.memory_space<vmem>>
    %dma_start3A_234 = arith.constant 0 : i32
    %dma_start3A_235 = arith.constant 0 : i32
    %dma_start3A_236 = tpu.memref_slice %arg3[%add3A, %dma_start3A_228, %dma_start3A_234, %dma_start3A_235] : memref<32x168x2x64xi32, #tpu.memory_space<hbm>> -> memref<1x1x2x64xi32, #tpu.memory_space<hbm>>
    %dma_start3A_237 = tpu.memref_squeeze %dma_start3A_236 : memref<1x1x2x64xi32, #tpu.memory_space<hbm>> -> memref<2x64xi32, #tpu.memory_space<hbm>>
    %dma_start3A_238 = arith.constant 0 : i32
    %dma_start3A_239 = arith.constant 0 : i32
    %dma_start3A_240 = tpu.memref_slice %arg6[%dma_start3A_229, %dma_start3A_238, %dma_start3A_239] : memref<8x2x64xi32, #tpu.memory_space<vmem>> -> memref<1x2x64xi32, #tpu.memory_space<vmem>>
    %dma_start3A_241 = tpu.memref_squeeze %dma_start3A_240 : memref<1x2x64xi32, #tpu.memory_space<vmem>> -> memref<2x64xi32, #tpu.memory_space<vmem>>
    %dma_start3A_242 = arith.constant 0 : i32
    %dma_start3A_243 = arith.constant 0 : i32
    %dma_start3A_244 = tpu.memref_slice %arg3[%add3A, %dma_start3A_228, %dma_start3A_242, %dma_start3A_243] : memref<32x168x2x64xi32, #tpu.memory_space<hbm>> -> memref<1x1x2x64xi32, #tpu.memory_space<hbm>>
    %dma_start3A_245 = tpu.memref_squeeze %dma_start3A_244 : memref<1x1x2x64xi32, #tpu.memory_space<hbm>> -> memref<2x64xi32, #tpu.memory_space<hbm>>
    tpu.enqueue_dma source(%dma_start3A_245 : memref<2x64xi32, #tpu.memory_space<hbm>>) target(%dma_start3A_241 : memref<2x64xi32, #tpu.memory_space<vmem>>) target_semaphore(%arg15 : memref<!tpu.dma_semaphore, #tpu.memory_space<semaphore_mem>>)
    %dma_wait3A_246 = arith.constant 0 : i32
    %dma_wait3A_247 = arith.constant 3 : i32
    %dma_wait3A_248 = arith.constant 0 : i32
    %dma_wait3A_249 = arith.constant 0 : i32
    %dma_wait3A_250 = tpu.memref_slice %arg6[%dma_wait3A_247, %dma_wait3A_248, %dma_wait3A_249] : memref<8x2x64xi32, #tpu.memory_space<vmem>> -> memref<1x2x64xi32, #tpu.memory_space<vmem>>
    %dma_wait3A_251 = tpu.memref_squeeze %dma_wait3A_250 : memref<1x2x64xi32, #tpu.memory_space<vmem>> -> memref<2x64xi32, #tpu.memory_space<vmem>>
    %dma_wait3A_252 = arith.constant 0 : i32
    %dma_wait3A_253 = arith.constant 0 : i32
    %dma_wait3A_254 = tpu.memref_slice %arg3[%add3A, %dma_wait3A_246, %dma_wait3A_252, %dma_wait3A_253] : memref<32x168x2x64xi32, #tpu.memory_space<hbm>> -> memref<1x1x2x64xi32, #tpu.memory_space<hbm>>
    %dma_wait3A_255 = tpu.memref_squeeze %dma_wait3A_254 : memref<1x1x2x64xi32, #tpu.memory_space<hbm>> -> memref<2x64xi32, #tpu.memory_space<hbm>>
    %dma_wait3A_256 = arith.constant 0 : i32
    %dma_wait3A_257 = arith.constant 0 : i32
    %dma_wait3A_258 = tpu.memref_slice %arg6[%dma_wait3A_247, %dma_wait3A_256, %dma_wait3A_257] : memref<8x2x64xi32, #tpu.memory_space<vmem>> -> memref<1x2x64xi32, #tpu.memory_space<vmem>>
    %dma_wait3A_259 = tpu.memref_squeeze %dma_wait3A_258 : memref<1x2x64xi32, #tpu.memory_space<vmem>> -> memref<2x64xi32, #tpu.memory_space<vmem>>
    %dma_wait3A_260 = arith.constant 0 : i32
    %dma_wait3A_261 = arith.constant 0 : i32
    %dma_wait3A_262 = tpu.memref_slice %arg3[%add3A, %dma_wait3A_246, %dma_wait3A_260, %dma_wait3A_261] : memref<32x168x2x64xi32, #tpu.memory_space<hbm>> -> memref<1x1x2x64xi32, #tpu.memory_space<hbm>>
    %dma_wait3A_263 = tpu.memref_squeeze %dma_wait3A_262 : memref<1x1x2x64xi32, #tpu.memory_space<hbm>> -> memref<2x64xi32, #tpu.memory_space<hbm>>
    tpu.wait_dma2 semaphore(%arg12 : memref<!tpu.dma_semaphore, #tpu.memory_space<semaphore_mem>>) src(%dma_wait3A_263 : memref<2x64xi32, #tpu.memory_space<hbm>>) dst(%dma_wait3A_259 : memref<2x64xi32, #tpu.memory_space<vmem>>)
    %dma_start3A_264 = arith.constant 3 : i32
    %dma_start3A_265 = arith.constant 0 : i32
    %dma_start3A_266 = arith.constant 3 : i32
    %dma_start3A_267 = arith.constant 0 : i32
    %dma_start3A_268 = arith.constant 0 : i32
    %dma_start3A_269 = tpu.memref_slice %arg7[%dma_start3A_266, %dma_start3A_267, %dma_start3A_268] : memref<4x64x128xf32, #tpu.memory_space<vmem>> -> memref<1x64x128xf32, #tpu.memory_space<vmem>>
    %dma_start3A_270 = tpu.memref_squeeze %dma_start3A_269 : memref<1x64x128xf32, #tpu.memory_space<vmem>> -> memref<64x128xf32, #tpu.memory_space<vmem>>
    %dma_start3A_271 = arith.constant 0 : i32
    %dma_start3A_272 = tpu.memref_slice %arg6[%dma_start3A_264, %dma_start3A_265, %dma_start3A_271] : memref<8x2x64xi32, #tpu.memory_space<vmem>> -> memref<1x1x64xi32, #tpu.memory_space<vmem>>
    %dma_start3A_273 = tpu.memref_squeeze %dma_start3A_272 : memref<1x1x64xi32, #tpu.memory_space<vmem>> -> memref<64xi32, #tpu.memory_space<vmem>>
    %dma_start3A_274 = arith.constant 0 : i32
    %dma_start3A_275 = arith.constant 0 : i32
    %dma_start3A_276 = tpu.memref_slice %arg2[%dma_start3A_274, %dma_start3A_275] : memref<10000x128xf32, #tpu.memory_space<hbm>> -> memref<10000x128xf32, #tpu.memory_space<hbm>>
    tpu.enqueue_indirect_dma source(%dma_start3A_276 : memref<10000x128xf32, #tpu.memory_space<hbm>>) target(%dma_start3A_270 : memref<64x128xf32, #tpu.memory_space<vmem>>) offsets(%dma_start3A_273 : memref<64xi32, #tpu.memory_space<vmem>>) semaphore(%arg20 : memref<!tpu.dma_semaphore, #tpu.memory_space<semaphore_mem>>)
    %dma_wait3A_277 = arith.constant 1 : i32
    %dma_wait3A_278 = arith.constant 0 : i32
    %dma_wait3A_279 = arith.constant 1 : i32
    %dma_wait3A_280 = arith.constant 0 : i32
    %dma_wait3A_281 = arith.constant 0 : i32
    %dma_wait3A_282 = tpu.memref_slice %arg7[%dma_wait3A_279, %dma_wait3A_280, %dma_wait3A_281] : memref<4x64x128xf32, #tpu.memory_space<vmem>> -> memref<1x64x128xf32, #tpu.memory_space<vmem>>
    %dma_wait3A_283 = tpu.memref_squeeze %dma_wait3A_282 : memref<1x64x128xf32, #tpu.memory_space<vmem>> -> memref<64x128xf32, #tpu.memory_space<vmem>>
    %dma_wait3A_284 = arith.constant 0 : i32
    %dma_wait3A_285 = tpu.memref_slice %arg6[%dma_wait3A_277, %dma_wait3A_278, %dma_wait3A_284] : memref<8x2x64xi32, #tpu.memory_space<vmem>> -> memref<1x1x64xi32, #tpu.memory_space<vmem>>
    %dma_wait3A_286 = tpu.memref_squeeze %dma_wait3A_285 : memref<1x1x64xi32, #tpu.memory_space<vmem>> -> memref<64xi32, #tpu.memory_space<vmem>>
    %dma_wait3A_287 = arith.constant 0 : i32
    %dma_wait3A_288 = arith.constant 0 : i32
    %dma_wait3A_289 = tpu.memref_slice %arg2[%dma_wait3A_287, %dma_wait3A_288] : memref<10000x128xf32, #tpu.memory_space<hbm>> -> memref<10000x128xf32, #tpu.memory_space<hbm>>
    tpu.wait_indirect_dma semaphore(%arg18 : memref<!tpu.dma_semaphore, #tpu.memory_space<semaphore_mem>>) src(%dma_wait3A_289 : memref<10000x128xf32, #tpu.memory_space<hbm>>) dst(%dma_wait3A_283 : memref<64x128xf32, #tpu.memory_space<vmem>>)
    %dma_start3A_290 = arith.constant 1 : i32
    %dma_start3A_291 = arith.constant 1 : i32
    %dma_start3A_292 = arith.constant 1 : i32
    %dma_start3A_293 = arith.constant 0 : i32
    %dma_start3A_294 = arith.constant 0 : i32
    %dma_start3A_295 = tpu.memref_slice %arg7[%dma_start3A_290, %dma_start3A_293, %dma_start3A_294] : memref<4x64x128xf32, #tpu.memory_space<vmem>> -> memref<1x64x128xf32, #tpu.memory_space<vmem>>
    %dma_start3A_296 = tpu.memref_squeeze %dma_start3A_295 : memref<1x64x128xf32, #tpu.memory_space<vmem>> -> memref<64x128xf32, #tpu.memory_space<vmem>>
    %dma_start3A_297 = arith.constant 0 : i32
    %dma_start3A_298 = tpu.memref_slice %arg6[%dma_start3A_291, %dma_start3A_292, %dma_start3A_297] : memref<8x2x64xi32, #tpu.memory_space<vmem>> -> memref<1x1x64xi32, #tpu.memory_space<vmem>>
    %dma_start3A_299 = tpu.memref_squeeze %dma_start3A_298 : memref<1x1x64xi32, #tpu.memory_space<vmem>> -> memref<64xi32, #tpu.memory_space<vmem>>
    %dma_start3A_300 = arith.constant 0 : i32
    %dma_start3A_301 = arith.constant 0 : i32
    %dma_start3A_302 = tpu.memref_slice %arg8[%dma_start3A_300, %dma_start3A_301] : memref<10112x128xf32, #tpu.memory_space<vmem_shared>> -> memref<10112x128xf32, #tpu.memory_space<vmem_shared>>
    tpu.enqueue_indirect_dma source(%dma_start3A_296 : memref<64x128xf32, #tpu.memory_space<vmem>>) target(%dma_start3A_302 : memref<10112x128xf32, #tpu.memory_space<vmem_shared>>) offsets(%dma_start3A_299 : memref<64xi32, #tpu.memory_space<vmem>>) semaphore(%arg22 : memref<!tpu.dma_semaphore, #tpu.memory_space<semaphore_mem>>) {add = true}
    %dma_wait3A_303 = arith.constant 0 : i32
    %dma_wait3A_304 = arith.constant 4 : i32
    %dma_wait3A_305 = arith.constant 1 : i32
    %dma_wait3A_306 = arith.constant 0 : i32
    %dma_wait3A_307 = arith.constant 0 : i32
    %dma_wait3A_308 = tpu.memref_slice %arg7[%dma_wait3A_303, %dma_wait3A_306, %dma_wait3A_307] : memref<4x64x128xf32, #tpu.memory_space<vmem>> -> memref<1x64x128xf32, #tpu.memory_space<vmem>>
    %dma_wait3A_309 = tpu.memref_squeeze %dma_wait3A_308 : memref<1x64x128xf32, #tpu.memory_space<vmem>> -> memref<64x128xf32, #tpu.memory_space<vmem>>
    %dma_wait3A_310 = arith.constant 0 : i32
    %dma_wait3A_311 = tpu.memref_slice %arg6[%dma_wait3A_304, %dma_wait3A_305, %dma_wait3A_310] : memref<8x2x64xi32, #tpu.memory_space<vmem>> -> memref<1x1x64xi32, #tpu.memory_space<vmem>>
    %dma_wait3A_312 = tpu.memref_squeeze %dma_wait3A_311 : memref<1x1x64xi32, #tpu.memory_space<vmem>> -> memref<64xi32, #tpu.memory_space<vmem>>
    %dma_wait3A_313 = arith.constant 0 : i32
    %dma_wait3A_314 = arith.constant 0 : i32
    %dma_wait3A_315 = tpu.memref_slice %arg8[%dma_wait3A_313, %dma_wait3A_314] : memref<10112x128xf32, #tpu.memory_space<vmem_shared>> -> memref<10112x128xf32, #tpu.memory_space<vmem_shared>>
    tpu.wait_indirect_dma semaphore(%arg21 : memref<!tpu.dma_semaphore, #tpu.memory_space<semaphore_mem>>) src(%dma_wait3A_309 : memref<64x128xf32, #tpu.memory_space<vmem>>) dst(%dma_wait3A_315 : memref<10112x128xf32, #tpu.memory_space<vmem_shared>>)
    %dma_start3A_316 = arith.constant 7 : i32
    %dma_start3A_317 = arith.constant 7 : i32
    %dma_start3A_318 = arith.constant 0 : i32
    %dma_start3A_319 = arith.constant 0 : i32
    %dma_start3A_320 = tpu.memref_slice %arg6[%dma_start3A_317, %dma_start3A_318, %dma_start3A_319] : memref<8x2x64xi32, #tpu.memory_space<vmem>> -> memref<1x2x64xi32, #tpu.memory_space<vmem>>
    %dma_start3A_321 = tpu.memref_squeeze %dma_start3A_320 : memref<1x2x64xi32, #tpu.memory_space<vmem>> -> memref<2x64xi32, #tpu.memory_space<vmem>>
    %dma_start3A_322 = arith.constant 0 : i32
    %dma_start3A_323 = arith.constant 0 : i32
    %dma_start3A_324 = tpu.memref_slice %arg3[%add3A, %dma_start3A_316, %dma_start3A_322, %dma_start3A_323] : memref<32x168x2x64xi32, #tpu.memory_space<hbm>> -> memref<1x1x2x64xi32, #tpu.memory_space<hbm>>
    %dma_start3A_325 = tpu.memref_squeeze %dma_start3A_324 : memref<1x1x2x64xi32, #tpu.memory_space<hbm>> -> memref<2x64xi32, #tpu.memory_space<hbm>>
    %dma_start3A_326 = arith.constant 0 : i32
    %dma_start3A_327 = arith.constant 0 : i32
    %dma_start3A_328 = tpu.memref_slice %arg6[%dma_start3A_317, %dma_start3A_326, %dma_start3A_327] : memref<8x2x64xi32, #tpu.memory_space<vmem>> -> memref<1x2x64xi32, #tpu.memory_space<vmem>>
    %dma_start3A_329 = tpu.memref_squeeze %dma_start3A_328 : memref<1x2x64xi32, #tpu.memory_space<vmem>> -> memref<2x64xi32, #tpu.memory_space<vmem>>
    %dma_start3A_330 = arith.constant 0 : i32
    %dma_start3A_331 = arith.constant 0 : i32
    %dma_start3A_332 = tpu.memref_slice %arg3[%add3A, %dma_start3A_316, %dma_start3A_330, %dma_start3A_331] : memref<32x168x2x64xi32, #tpu.memory_space<hbm>> -> memref<1x1x2x64xi32, #tpu.memory_space<hbm>>
    %dma_start3A_333 = tpu.memref_squeeze %dma_start3A_332 : memref<1x1x2x64xi32, #tpu.memory_space<hbm>> -> memref<2x64xi32, #tpu.memory_space<hbm>>
    tpu.enqueue_dma source(%dma_start3A_333 : memref<2x64xi32, #tpu.memory_space<hbm>>) target(%dma_start3A_329 : memref<2x64xi32, #tpu.memory_space<vmem>>) target_semaphore(%arg16 : memref<!tpu.dma_semaphore, #tpu.memory_space<semaphore_mem>>)
    %dma_wait3A_334 = arith.constant 0 : i32
    %dma_wait3A_335 = arith.constant 4 : i32
    %dma_wait3A_336 = arith.constant 0 : i32
    %dma_wait3A_337 = arith.constant 0 : i32
    %dma_wait3A_338 = tpu.memref_slice %arg6[%dma_wait3A_335, %dma_wait3A_336, %dma_wait3A_337] : memref<8x2x64xi32, #tpu.memory_space<vmem>> -> memref<1x2x64xi32, #tpu.memory_space<vmem>>
    %dma_wait3A_339 = tpu.memref_squeeze %dma_wait3A_338 : memref<1x2x64xi32, #tpu.memory_space<vmem>> -> memref<2x64xi32, #tpu.memory_space<vmem>>
    %dma_wait3A_340 = arith.constant 0 : i32
    %dma_wait3A_341 = arith.constant 0 : i32
    %dma_wait3A_342 = tpu.memref_slice %arg3[%add3A, %dma_wait3A_334, %dma_wait3A_340, %dma_wait3A_341] : memref<32x168x2x64xi32, #tpu.memory_space<hbm>> -> memref<1x1x2x64xi32, #tpu.memory_space<hbm>>
    %dma_wait3A_343 = tpu.memref_squeeze %dma_wait3A_342 : memref<1x1x2x64xi32, #tpu.memory_space<hbm>> -> memref<2x64xi32, #tpu.memory_space<hbm>>
    %dma_wait3A_344 = arith.constant 0 : i32
    %dma_wait3A_345 = arith.constant 0 : i32
    %dma_wait3A_346 = tpu.memref_slice %arg6[%dma_wait3A_335, %dma_wait3A_344, %dma_wait3A_345] : memref<8x2x64xi32, #tpu.memory_space<vmem>> -> memref<1x2x64xi32, #tpu.memory_space<vmem>>
    %dma_wait3A_347 = tpu.memref_squeeze %dma_wait3A_346 : memref<1x2x64xi32, #tpu.memory_space<vmem>> -> memref<2x64xi32, #tpu.memory_space<vmem>>
    %dma_wait3A_348 = arith.constant 0 : i32
    %dma_wait3A_349 = arith.constant 0 : i32
    %dma_wait3A_350 = tpu.memref_slice %arg3[%add3A, %dma_wait3A_334, %dma_wait3A_348, %dma_wait3A_349] : memref<32x168x2x64xi32, #tpu.memory_space<hbm>> -> memref<1x1x2x64xi32, #tpu.memory_space<hbm>>
    %dma_wait3A_351 = tpu.memref_squeeze %dma_wait3A_350 : memref<1x1x2x64xi32, #tpu.memory_space<hbm>> -> memref<2x64xi32, #tpu.memory_space<hbm>>
    tpu.wait_dma2 semaphore(%arg13 : memref<!tpu.dma_semaphore, #tpu.memory_space<semaphore_mem>>) src(%dma_wait3A_351 : memref<2x64xi32, #tpu.memory_space<hbm>>) dst(%dma_wait3A_347 : memref<2x64xi32, #tpu.memory_space<vmem>>)
    %dma_start3A_352 = arith.constant 4 : i32
    %dma_start3A_353 = arith.constant 0 : i32
    %dma_start3A_354 = arith.constant 0 : i32
    %dma_start3A_355 = arith.constant 0 : i32
    %dma_start3A_356 = arith.constant 0 : i32
    %dma_start3A_357 = tpu.memref_slice %arg7[%dma_start3A_354, %dma_start3A_355, %dma_start3A_356] : memref<4x64x128xf32, #tpu.memory_space<vmem>> -> memref<1x64x128xf32, #tpu.memory_space<vmem>>
    %dma_start3A_358 = tpu.memref_squeeze %dma_start3A_357 : memref<1x64x128xf32, #tpu.memory_space<vmem>> -> memref<64x128xf32, #tpu.memory_space<vmem>>
    %dma_start3A_359 = arith.constant 0 : i32
    %dma_start3A_360 = tpu.memref_slice %arg6[%dma_start3A_352, %dma_start3A_353, %dma_start3A_359] : memref<8x2x64xi32, #tpu.memory_space<vmem>> -> memref<1x1x64xi32, #tpu.memory_space<vmem>>
    %dma_start3A_361 = tpu.memref_squeeze %dma_start3A_360 : memref<1x1x64xi32, #tpu.memory_space<vmem>> -> memref<64xi32, #tpu.memory_space<vmem>>
    %dma_start3A_362 = arith.constant 0 : i32
    %dma_start3A_363 = arith.constant 0 : i32
    %dma_start3A_364 = tpu.memref_slice %arg2[%dma_start3A_362, %dma_start3A_363] : memref<10000x128xf32, #tpu.memory_space<hbm>> -> memref<10000x128xf32, #tpu.memory_space<hbm>>
    tpu.enqueue_indirect_dma source(%dma_start3A_364 : memref<10000x128xf32, #tpu.memory_space<hbm>>) target(%dma_start3A_358 : memref<64x128xf32, #tpu.memory_space<vmem>>) offsets(%dma_start3A_361 : memref<64xi32, #tpu.memory_space<vmem>>) semaphore(%arg17 : memref<!tpu.dma_semaphore, #tpu.memory_space<semaphore_mem>>)
    %dma_wait3A_365 = arith.constant 2 : i32
    %dma_wait3A_366 = arith.constant 0 : i32
    %dma_wait3A_367 = arith.constant 2 : i32
    %dma_wait3A_368 = arith.constant 0 : i32
    %dma_wait3A_369 = arith.constant 0 : i32
    %dma_wait3A_370 = tpu.memref_slice %arg7[%dma_wait3A_367, %dma_wait3A_368, %dma_wait3A_369] : memref<4x64x128xf32, #tpu.memory_space<vmem>> -> memref<1x64x128xf32, #tpu.memory_space<vmem>>
    %dma_wait3A_371 = tpu.memref_squeeze %dma_wait3A_370 : memref<1x64x128xf32, #tpu.memory_space<vmem>> -> memref<64x128xf32, #tpu.memory_space<vmem>>
    %dma_wait3A_372 = arith.constant 0 : i32
    %dma_wait3A_373 = tpu.memref_slice %arg6[%dma_wait3A_365, %dma_wait3A_366, %dma_wait3A_372] : memref<8x2x64xi32, #tpu.memory_space<vmem>> -> memref<1x1x64xi32, #tpu.memory_space<vmem>>
    %dma_wait3A_374 = tpu.memref_squeeze %dma_wait3A_373 : memref<1x1x64xi32, #tpu.memory_space<vmem>> -> memref<64xi32, #tpu.memory_space<vmem>>
    %dma_wait3A_375 = arith.constant 0 : i32
    %dma_wait3A_376 = arith.constant 0 : i32
    %dma_wait3A_377 = tpu.memref_slice %arg2[%dma_wait3A_375, %dma_wait3A_376] : memref<10000x128xf32, #tpu.memory_space<hbm>> -> memref<10000x128xf32, #tpu.memory_space<hbm>>
    tpu.wait_indirect_dma semaphore(%arg19 : memref<!tpu.dma_semaphore, #tpu.memory_space<semaphore_mem>>) src(%dma_wait3A_377 : memref<10000x128xf32, #tpu.memory_space<hbm>>) dst(%dma_wait3A_371 : memref<64x128xf32, #tpu.memory_space<vmem>>)
    %dma_start3A_378 = arith.constant 2 : i32
    %dma_start3A_379 = arith.constant 2 : i32
    %dma_start3A_380 = arith.constant 1 : i32
    %dma_start3A_381 = arith.constant 0 : i32
    %dma_start3A_382 = arith.constant 0 : i32
    %dma_start3A_383 = tpu.memref_slice %arg7[%dma_start3A_378, %dma_start3A_381, %dma_start3A_382] : memref<4x64x128xf32, #tpu.memory_space<vmem>> -> memref<1x64x128xf32, #tpu.memory_space<vmem>>
    %dma_start3A_384 = tpu.memref_squeeze %dma_start3A_383 : memref<1x64x128xf32, #tpu.memory_space<vmem>> -> memref<64x128xf32, #tpu.memory_space<vmem>>
    %dma_start3A_385 = arith.constant 0 : i32
    %dma_start3A_386 = tpu.memref_slice %arg6[%dma_start3A_379, %dma_start3A_380, %dma_start3A_385] : memref<8x2x64xi32, #tpu.memory_space<vmem>> -> memref<1x1x64xi32, #tpu.memory_space<vmem>>
    %dma_start3A_387 = tpu.memref_squeeze %dma_start3A_386 : memref<1x1x64xi32, #tpu.memory_space<vmem>> -> memref<64xi32, #tpu.memory_space<vmem>>
    %dma_start3A_388 = arith.constant 0 : i32
    %dma_start3A_389 = arith.constant 0 : i32
    %dma_start3A_390 = tpu.memref_slice %arg8[%dma_start3A_388, %dma_start3A_389] : memref<10112x128xf32, #tpu.memory_space<vmem_shared>> -> memref<10112x128xf32, #tpu.memory_space<vmem_shared>>
    tpu.enqueue_indirect_dma source(%dma_start3A_384 : memref<64x128xf32, #tpu.memory_space<vmem>>) target(%dma_start3A_390 : memref<10112x128xf32, #tpu.memory_space<vmem_shared>>) offsets(%dma_start3A_387 : memref<64xi32, #tpu.memory_space<vmem>>) semaphore(%arg23 : memref<!tpu.dma_semaphore, #tpu.memory_space<semaphore_mem>>) {add = true}
    %dma_wait3A_391 = arith.constant 1 : i32
    %dma_wait3A_392 = arith.constant 5 : i32
    %dma_wait3A_393 = arith.constant 1 : i32
    %dma_wait3A_394 = arith.constant 0 : i32
    %dma_wait3A_395 = arith.constant 0 : i32
    %dma_wait3A_396 = tpu.memref_slice %arg7[%dma_wait3A_391, %dma_wait3A_394, %dma_wait3A_395] : memref<4x64x128xf32, #tpu.memory_space<vmem>> -> memref<1x64x128xf32, #tpu.memory_space<vmem>>
    %dma_wait3A_397 = tpu.memref_squeeze %dma_wait3A_396 : memref<1x64x128xf32, #tpu.memory_space<vmem>> -> memref<64x128xf32, #tpu.memory_space<vmem>>
    %dma_wait3A_398 = arith.constant 0 : i32
    %dma_wait3A_399 = tpu.memref_slice %arg6[%dma_wait3A_392, %dma_wait3A_393, %dma_wait3A_398] : memref<8x2x64xi32, #tpu.memory_space<vmem>> -> memref<1x1x64xi32, #tpu.memory_space<vmem>>
    %dma_wait3A_400 = tpu.memref_squeeze %dma_wait3A_399 : memref<1x1x64xi32, #tpu.memory_space<vmem>> -> memref<64xi32, #tpu.memory_space<vmem>>
    %dma_wait3A_401 = arith.constant 0 : i32
    %dma_wait3A_402 = arith.constant 0 : i32
    %dma_wait3A_403 = tpu.memref_slice %arg8[%dma_wait3A_401, %dma_wait3A_402] : memref<10112x128xf32, #tpu.memory_space<vmem_shared>> -> memref<10112x128xf32, #tpu.memory_space<vmem_shared>>
    tpu.wait_indirect_dma semaphore(%arg22 : memref<!tpu.dma_semaphore, #tpu.memory_space<semaphore_mem>>) src(%dma_wait3A_397 : memref<64x128xf32, #tpu.memory_space<vmem>>) dst(%dma_wait3A_403 : memref<10112x128xf32, #tpu.memory_space<vmem_shared>>)
    %dma_start3A_404 = arith.constant 8 : i32
    %dma_start3A_405 = arith.constant 0 : i32
    %dma_start3A_406 = arith.constant 0 : i32
    %dma_start3A_407 = arith.constant 0 : i32
    %dma_start3A_408 = tpu.memref_slice %arg6[%dma_start3A_405, %dma_start3A_406, %dma_start3A_407] : memref<8x2x64xi32, #tpu.memory_space<vmem>> -> memref<1x2x64xi32, #tpu.memory_space<vmem>>
    %dma_start3A_409 = tpu.memref_squeeze %dma_start3A_408 : memref<1x2x64xi32, #tpu.memory_space<vmem>> -> memref<2x64xi32, #tpu.memory_space<vmem>>
    %dma_start3A_410 = arith.constant 0 : i32
    %dma_start3A_411 = arith.constant 0 : i32
    %dma_start3A_412 = tpu.memref_slice %arg3[%add3A, %dma_start3A_404, %dma_start3A_410, %dma_start3A_411] : memref<32x168x2x64xi32, #tpu.memory_space<hbm>> -> memref<1x1x2x64xi32, #tpu.memory_space<hbm>>
    %dma_start3A_413 = tpu.memref_squeeze %dma_start3A_412 : memref<1x1x2x64xi32, #tpu.memory_space<hbm>> -> memref<2x64xi32, #tpu.memory_space<hbm>>
    %dma_start3A_414 = arith.constant 0 : i32
    %dma_start3A_415 = arith.constant 0 : i32
    %dma_start3A_416 = tpu.memref_slice %arg6[%dma_start3A_405, %dma_start3A_414, %dma_start3A_415] : memref<8x2x64xi32, #tpu.memory_space<vmem>> -> memref<1x2x64xi32, #tpu.memory_space<vmem>>
    %dma_start3A_417 = tpu.memref_squeeze %dma_start3A_416 : memref<1x2x64xi32, #tpu.memory_space<vmem>> -> memref<2x64xi32, #tpu.memory_space<vmem>>
    %dma_start3A_418 = arith.constant 0 : i32
    %dma_start3A_419 = arith.constant 0 : i32
    %dma_start3A_420 = tpu.memref_slice %arg3[%add3A, %dma_start3A_404, %dma_start3A_418, %dma_start3A_419] : memref<32x168x2x64xi32, #tpu.memory_space<hbm>> -> memref<1x1x2x64xi32, #tpu.memory_space<hbm>>
    %dma_start3A_421 = tpu.memref_squeeze %dma_start3A_420 : memref<1x1x2x64xi32, #tpu.memory_space<hbm>> -> memref<2x64xi32, #tpu.memory_space<hbm>>
    tpu.enqueue_dma source(%dma_start3A_421 : memref<2x64xi32, #tpu.memory_space<hbm>>) target(%dma_start3A_417 : memref<2x64xi32, #tpu.memory_space<vmem>>) target_semaphore(%arg9 : memref<!tpu.dma_semaphore, #tpu.memory_space<semaphore_mem>>)
    %dma_wait3A_422 = arith.constant 0 : i32
    %dma_wait3A_423 = arith.constant 5 : i32
    %dma_wait3A_424 = arith.constant 0 : i32
    %dma_wait3A_425 = arith.constant 0 : i32
    %dma_wait3A_426 = tpu.memref_slice %arg6[%dma_wait3A_423, %dma_wait3A_424, %dma_wait3A_425] : memref<8x2x64xi32, #tpu.memory_space<vmem>> -> memref<1x2x64xi32, #tpu.memory_space<vmem>>
    %dma_wait3A_427 = tpu.memref_squeeze %dma_wait3A_426 : memref<1x2x64xi32, #tpu.memory_space<vmem>> -> memref<2x64xi32, #tpu.memory_space<vmem>>
    %dma_wait3A_428 = arith.constant 0 : i32
    %dma_wait3A_429 = arith.constant 0 : i32
    %dma_wait3A_430 = tpu.memref_slice %arg3[%add3A, %dma_wait3A_422, %dma_wait3A_428, %dma_wait3A_429] : memref<32x168x2x64xi32, #tpu.memory_space<hbm>> -> memref<1x1x2x64xi32, #tpu.memory_space<hbm>>
    %dma_wait3A_431 = tpu.memref_squeeze %dma_wait3A_430 : memref<1x1x2x64xi32, #tpu.memory_space<hbm>> -> memref<2x64xi32, #tpu.memory_space<hbm>>
    %dma_wait3A_432 = arith.constant 0 : i32
    %dma_wait3A_433 = arith.constant 0 : i32
    %dma_wait3A_434 = tpu.memref_slice %arg6[%dma_wait3A_423, %dma_wait3A_432, %dma_wait3A_433] : memref<8x2x64xi32, #tpu.memory_space<vmem>> -> memref<1x2x64xi32, #tpu.memory_space<vmem>>
    %dma_wait3A_435 = tpu.memref_squeeze %dma_wait3A_434 : memref<1x2x64xi32, #tpu.memory_space<vmem>> -> memref<2x64xi32, #tpu.memory_space<vmem>>
    %dma_wait3A_436 = arith.constant 0 : i32
    %dma_wait3A_437 = arith.constant 0 : i32
    %dma_wait3A_438 = tpu.memref_slice %arg3[%add3A, %dma_wait3A_422, %dma_wait3A_436, %dma_wait3A_437] : memref<32x168x2x64xi32, #tpu.memory_space<hbm>> -> memref<1x1x2x64xi32, #tpu.memory_space<hbm>>
    %dma_wait3A_439 = tpu.memref_squeeze %dma_wait3A_438 : memref<1x1x2x64xi32, #tpu.memory_space<hbm>> -> memref<2x64xi32, #tpu.memory_space<hbm>>
    tpu.wait_dma2 semaphore(%arg14 : memref<!tpu.dma_semaphore, #tpu.memory_space<semaphore_mem>>) src(%dma_wait3A_439 : memref<2x64xi32, #tpu.memory_space<hbm>>) dst(%dma_wait3A_435 : memref<2x64xi32, #tpu.memory_space<vmem>>)
    %dma_start3A_440 = arith.constant 5 : i32
    %dma_start3A_441 = arith.constant 0 : i32
    %dma_start3A_442 = arith.constant 1 : i32
    %dma_start3A_443 = arith.constant 0 : i32
    %dma_start3A_444 = arith.constant 0 : i32
    %dma_start3A_445 = tpu.memref_slice %arg7[%dma_start3A_442, %dma_start3A_443, %dma_start3A_444] : memref<4x64x128xf32, #tpu.memory_space<vmem>> -> memref<1x64x128xf32, #tpu.memory_space<vmem>>
    %dma_start3A_446 = tpu.memref_squeeze %dma_start3A_445 : memref<1x64x128xf32, #tpu.memory_space<vmem>> -> memref<64x128xf32, #tpu.memory_space<vmem>>
    %dma_start3A_447 = arith.constant 0 : i32
    %dma_start3A_448 = tpu.memref_slice %arg6[%dma_start3A_440, %dma_start3A_441, %dma_start3A_447] : memref<8x2x64xi32, #tpu.memory_space<vmem>> -> memref<1x1x64xi32, #tpu.memory_space<vmem>>
    %dma_start3A_449 = tpu.memref_squeeze %dma_start3A_448 : memref<1x1x64xi32, #tpu.memory_space<vmem>> -> memref<64xi32, #tpu.memory_space<vmem>>
    %dma_start3A_450 = arith.constant 0 : i32
    %dma_start3A_451 = arith.constant 0 : i32
    %dma_start3A_452 = tpu.memref_slice %arg2[%dma_start3A_450, %dma_start3A_451] : memref<10000x128xf32, #tpu.memory_space<hbm>> -> memref<10000x128xf32, #tpu.memory_space<hbm>>
    tpu.enqueue_indirect_dma source(%dma_start3A_452 : memref<10000x128xf32, #tpu.memory_space<hbm>>) target(%dma_start3A_446 : memref<64x128xf32, #tpu.memory_space<vmem>>) offsets(%dma_start3A_449 : memref<64xi32, #tpu.memory_space<vmem>>) semaphore(%arg18 : memref<!tpu.dma_semaphore, #tpu.memory_space<semaphore_mem>>)
    %dma_wait3A_453 = arith.constant 3 : i32
    %dma_wait3A_454 = arith.constant 0 : i32
    %dma_wait3A_455 = arith.constant 3 : i32
    %dma_wait3A_456 = arith.constant 0 : i32
    %dma_wait3A_457 = arith.constant 0 : i32
    %dma_wait3A_458 = tpu.memref_slice %arg7[%dma_wait3A_455, %dma_wait3A_456, %dma_wait3A_457] : memref<4x64x128xf32, #tpu.memory_space<vmem>> -> memref<1x64x128xf32, #tpu.memory_space<vmem>>
    %dma_wait3A_459 = tpu.memref_squeeze %dma_wait3A_458 : memref<1x64x128xf32, #tpu.memory_space<vmem>> -> memref<64x128xf32, #tpu.memory_space<vmem>>
    %dma_wait3A_460 = arith.constant 0 : i32
    %dma_wait3A_461 = tpu.memref_slice %arg6[%dma_wait3A_453, %dma_wait3A_454, %dma_wait3A_460] : memref<8x2x64xi32, #tpu.memory_space<vmem>> -> memref<1x1x64xi32, #tpu.memory_space<vmem>>
    %dma_wait3A_462 = tpu.memref_squeeze %dma_wait3A_461 : memref<1x1x64xi32, #tpu.memory_space<vmem>> -> memref<64xi32, #tpu.memory_space<vmem>>
    %dma_wait3A_463 = arith.constant 0 : i32
    %dma_wait3A_464 = arith.constant 0 : i32
    %dma_wait3A_465 = tpu.memref_slice %arg2[%dma_wait3A_463, %dma_wait3A_464] : memref<10000x128xf32, #tpu.memory_space<hbm>> -> memref<10000x128xf32, #tpu.memory_space<hbm>>
    tpu.wait_indirect_dma semaphore(%arg20 : memref<!tpu.dma_semaphore, #tpu.memory_space<semaphore_mem>>) src(%dma_wait3A_465 : memref<10000x128xf32, #tpu.memory_space<hbm>>) dst(%dma_wait3A_459 : memref<64x128xf32, #tpu.memory_space<vmem>>)
    %dma_start3A_466 = arith.constant 3 : i32
    %dma_start3A_467 = arith.constant 3 : i32
    %dma_start3A_468 = arith.constant 1 : i32
    %dma_start3A_469 = arith.constant 0 : i32
    %dma_start3A_470 = arith.constant 0 : i32
    %dma_start3A_471 = tpu.memref_slice %arg7[%dma_start3A_466, %dma_start3A_469, %dma_start3A_470] : memref<4x64x128xf32, #tpu.memory_space<vmem>> -> memref<1x64x128xf32, #tpu.memory_space<vmem>>
    %dma_start3A_472 = tpu.memref_squeeze %dma_start3A_471 : memref<1x64x128xf32, #tpu.memory_space<vmem>> -> memref<64x128xf32, #tpu.memory_space<vmem>>
    %dma_start3A_473 = arith.constant 0 : i32
    %dma_start3A_474 = tpu.memref_slice %arg6[%dma_start3A_467, %dma_start3A_468, %dma_start3A_473] : memref<8x2x64xi32, #tpu.memory_space<vmem>> -> memref<1x1x64xi32, #tpu.memory_space<vmem>>
    %dma_start3A_475 = tpu.memref_squeeze %dma_start3A_474 : memref<1x1x64xi32, #tpu.memory_space<vmem>> -> memref<64xi32, #tpu.memory_space<vmem>>
    %dma_start3A_476 = arith.constant 0 : i32
    %dma_start3A_477 = arith.constant 0 : i32
    %dma_start3A_478 = tpu.memref_slice %arg8[%dma_start3A_476, %dma_start3A_477] : memref<10112x128xf32, #tpu.memory_space<vmem_shared>> -> memref<10112x128xf32, #tpu.memory_space<vmem_shared>>
    tpu.enqueue_indirect_dma source(%dma_start3A_472 : memref<64x128xf32, #tpu.memory_space<vmem>>) target(%dma_start3A_478 : memref<10112x128xf32, #tpu.memory_space<vmem_shared>>) offsets(%dma_start3A_475 : memref<64xi32, #tpu.memory_space<vmem>>) semaphore(%arg24 : memref<!tpu.dma_semaphore, #tpu.memory_space<semaphore_mem>>) {add = true}
    %dma_wait3A_479 = arith.constant 2 : i32
    %dma_wait3A_480 = arith.constant 6 : i32
    %dma_wait3A_481 = arith.constant 1 : i32
    %dma_wait3A_482 = arith.constant 0 : i32
    %dma_wait3A_483 = arith.constant 0 : i32
    %dma_wait3A_484 = tpu.memref_slice %arg7[%dma_wait3A_479, %dma_wait3A_482, %dma_wait3A_483] : memref<4x64x128xf32, #tpu.memory_space<vmem>> -> memref<1x64x128xf32, #tpu.memory_space<vmem>>
    %dma_wait3A_485 = tpu.memref_squeeze %dma_wait3A_484 : memref<1x64x128xf32, #tpu.memory_space<vmem>> -> memref<64x128xf32, #tpu.memory_space<vmem>>
    %dma_wait3A_486 = arith.constant 0 : i32
    %dma_wait3A_487 = tpu.memref_slice %arg6[%dma_wait3A_480, %dma_wait3A_481, %dma_wait3A_486] : memref<8x2x64xi32, #tpu.memory_space<vmem>> -> memref<1x1x64xi32, #tpu.memory_space<vmem>>
    %dma_wait3A_488 = tpu.memref_squeeze %dma_wait3A_487 : memref<1x1x64xi32, #tpu.memory_space<vmem>> -> memref<64xi32, #tpu.memory_space<vmem>>
    %dma_wait3A_489 = arith.constant 0 : i32
    %dma_wait3A_490 = arith.constant 0 : i32
    %dma_wait3A_491 = tpu.memref_slice %arg8[%dma_wait3A_489, %dma_wait3A_490] : memref<10112x128xf32, #tpu.memory_space<vmem_shared>> -> memref<10112x128xf32, #tpu.memory_space<vmem_shared>>
    tpu.wait_indirect_dma semaphore(%arg23 : memref<!tpu.dma_semaphore, #tpu.memory_space<semaphore_mem>>) src(%dma_wait3A_485 : memref<64x128xf32, #tpu.memory_space<vmem>>) dst(%dma_wait3A_491 : memref<10112x128xf32, #tpu.memory_space<vmem_shared>>)
    %dma_start3A_492 = arith.constant 9 : i32
    %dma_start3A_493 = arith.constant 1 : i32
    %dma_start3A_494 = arith.constant 0 : i32
    %dma_start3A_495 = arith.constant 0 : i32
    %dma_start3A_496 = tpu.memref_slice %arg6[%dma_start3A_493, %dma_start3A_494, %dma_start3A_495] : memref<8x2x64xi32, #tpu.memory_space<vmem>> -> memref<1x2x64xi32, #tpu.memory_space<vmem>>
    %dma_start3A_497 = tpu.memref_squeeze %dma_start3A_496 : memref<1x2x64xi32, #tpu.memory_space<vmem>> -> memref<2x64xi32, #tpu.memory_space<vmem>>
    %dma_start3A_498 = arith.constant 0 : i32
    %dma_start3A_499 = arith.constant 0 : i32
    %dma_start3A_500 = tpu.memref_slice %arg3[%add3A, %dma_start3A_492, %dma_start3A_498, %dma_start3A_499] : memref<32x168x2x64xi32, #tpu.memory_space<hbm>> -> memref<1x1x2x64xi32, #tpu.memory_space<hbm>>
    %dma_start3A_501 = tpu.memref_squeeze %dma_start3A_500 : memref<1x1x2x64xi32, #tpu.memory_space<hbm>> -> memref<2x64xi32, #tpu.memory_space<hbm>>
    %dma_start3A_502 = arith.constant 0 : i32
    %dma_start3A_503 = arith.constant 0 : i32
    %dma_start3A_504 = tpu.memref_slice %arg6[%dma_start3A_493, %dma_start3A_502, %dma_start3A_503] : memref<8x2x64xi32, #tpu.memory_space<vmem>> -> memref<1x2x64xi32, #tpu.memory_space<vmem>>
    %dma_start3A_505 = tpu.memref_squeeze %dma_start3A_504 : memref<1x2x64xi32, #tpu.memory_space<vmem>> -> memref<2x64xi32, #tpu.memory_space<vmem>>
    %dma_start3A_506 = arith.constant 0 : i32
    %dma_start3A_507 = arith.constant 0 : i32
    %dma_start3A_508 = tpu.memref_slice %arg3[%add3A, %dma_start3A_492, %dma_start3A_506, %dma_start3A_507] : memref<32x168x2x64xi32, #tpu.memory_space<hbm>> -> memref<1x1x2x64xi32, #tpu.memory_space<hbm>>
    %dma_start3A_509 = tpu.memref_squeeze %dma_start3A_508 : memref<1x1x2x64xi32, #tpu.memory_space<hbm>> -> memref<2x64xi32, #tpu.memory_space<hbm>>
    tpu.enqueue_dma source(%dma_start3A_509 : memref<2x64xi32, #tpu.memory_space<hbm>>) target(%dma_start3A_505 : memref<2x64xi32, #tpu.memory_space<vmem>>) target_semaphore(%arg10 : memref<!tpu.dma_semaphore, #tpu.memory_space<semaphore_mem>>)
    %dma_wait3A_510 = arith.constant 0 : i32
    %dma_wait3A_511 = arith.constant 6 : i32
    %dma_wait3A_512 = arith.constant 0 : i32
    %dma_wait3A_513 = arith.constant 0 : i32
    %dma_wait3A_514 = tpu.memref_slice %arg6[%dma_wait3A_511, %dma_wait3A_512, %dma_wait3A_513] : memref<8x2x64xi32, #tpu.memory_space<vmem>> -> memref<1x2x64xi32, #tpu.memory_space<vmem>>
    %dma_wait3A_515 = tpu.memref_squeeze %dma_wait3A_514 : memref<1x2x64xi32, #tpu.memory_space<vmem>> -> memref<2x64xi32, #tpu.memory_space<vmem>>
    %dma_wait3A_516 = arith.constant 0 : i32
    %dma_wait3A_517 = arith.constant 0 : i32
    %dma_wait3A_518 = tpu.memref_slice %arg3[%add3A, %dma_wait3A_510, %dma_wait3A_516, %dma_wait3A_517] : memref<32x168x2x64xi32, #tpu.memory_space<hbm>> -> memref<1x1x2x64xi32, #tpu.memory_space<hbm>>
    %dma_wait3A_519 = tpu.memref_squeeze %dma_wait3A_518 : memref<1x1x2x64xi32, #tpu.memory_space<hbm>> -> memref<2x64xi32, #tpu.memory_space<hbm>>
    %dma_wait3A_520 = arith.constant 0 : i32
    %dma_wait3A_521 = arith.constant 0 : i32
    %dma_wait3A_522 = tpu.memref_slice %arg6[%dma_wait3A_511, %dma_wait3A_520, %dma_wait3A_521] : memref<8x2x64xi32, #tpu.memory_space<vmem>> -> memref<1x2x64xi32, #tpu.memory_space<vmem>>
    %dma_wait3A_523 = tpu.memref_squeeze %dma_wait3A_522 : memref<1x2x64xi32, #tpu.memory_space<vmem>> -> memref<2x64xi32, #tpu.memory_space<vmem>>
    %dma_wait3A_524 = arith.constant 0 : i32
    %dma_wait3A_525 = arith.constant 0 : i32
    %dma_wait3A_526 = tpu.memref_slice %arg3[%add3A, %dma_wait3A_510, %dma_wait3A_524, %dma_wait3A_525] : memref<32x168x2x64xi32, #tpu.memory_space<hbm>> -> memref<1x1x2x64xi32, #tpu.memory_space<hbm>>
    %dma_wait3A_527 = tpu.memref_squeeze %dma_wait3A_526 : memref<1x1x2x64xi32, #tpu.memory_space<hbm>> -> memref<2x64xi32, #tpu.memory_space<hbm>>
    tpu.wait_dma2 semaphore(%arg15 : memref<!tpu.dma_semaphore, #tpu.memory_space<semaphore_mem>>) src(%dma_wait3A_527 : memref<2x64xi32, #tpu.memory_space<hbm>>) dst(%dma_wait3A_523 : memref<2x64xi32, #tpu.memory_space<vmem>>)
    %dma_start3A_528 = arith.constant 6 : i32
    %dma_start3A_529 = arith.constant 0 : i32
    %dma_start3A_530 = arith.constant 2 : i32
    %dma_start3A_531 = arith.constant 0 : i32
    %dma_start3A_532 = arith.constant 0 : i32
    %dma_start3A_533 = tpu.memref_slice %arg7[%dma_start3A_530, %dma_start3A_531, %dma_start3A_532] : memref<4x64x128xf32, #tpu.memory_space<vmem>> -> memref<1x64x128xf32, #tpu.memory_space<vmem>>
    %dma_start3A_534 = tpu.memref_squeeze %dma_start3A_533 : memref<1x64x128xf32, #tpu.memory_space<vmem>> -> memref<64x128xf32, #tpu.memory_space<vmem>>
    %dma_start3A_535 = arith.constant 0 : i32
    %dma_start3A_536 = tpu.memref_slice %arg6[%dma_start3A_528, %dma_start3A_529, %dma_start3A_535] : memref<8x2x64xi32, #tpu.memory_space<vmem>> -> memref<1x1x64xi32, #tpu.memory_space<vmem>>
    %dma_start3A_537 = tpu.memref_squeeze %dma_start3A_536 : memref<1x1x64xi32, #tpu.memory_space<vmem>> -> memref<64xi32, #tpu.memory_space<vmem>>
    %dma_start3A_538 = arith.constant 0 : i32
    %dma_start3A_539 = arith.constant 0 : i32
    %dma_start3A_540 = tpu.memref_slice %arg2[%dma_start3A_538, %dma_start3A_539] : memref<10000x128xf32, #tpu.memory_space<hbm>> -> memref<10000x128xf32, #tpu.memory_space<hbm>>
    tpu.enqueue_indirect_dma source(%dma_start3A_540 : memref<10000x128xf32, #tpu.memory_space<hbm>>) target(%dma_start3A_534 : memref<64x128xf32, #tpu.memory_space<vmem>>) offsets(%dma_start3A_537 : memref<64xi32, #tpu.memory_space<vmem>>) semaphore(%arg19 : memref<!tpu.dma_semaphore, #tpu.memory_space<semaphore_mem>>)
    %dma_wait3A_541 = arith.constant 4 : i32
    %dma_wait3A_542 = arith.constant 0 : i32
    %dma_wait3A_543 = arith.constant 0 : i32
    %dma_wait3A_544 = arith.constant 0 : i32
    %dma_wait3A_545 = arith.constant 0 : i32
    %dma_wait3A_546 = tpu.memref_slice %arg7[%dma_wait3A_543, %dma_wait3A_544, %dma_wait3A_545] : memref<4x64x128xf32, #tpu.memory_space<vmem>> -> memref<1x64x128xf32, #tpu.memory_space<vmem>>
    %dma_wait3A_547 = tpu.memref_squeeze %dma_wait3A_546 : memref<1x64x128xf32, #tpu.memory_space<vmem>> -> memref<64x128xf32, #tpu.memory_space<vmem>>
    %dma_wait3A_548 = arith.constant 0 : i32
    %dma_wait3A_549 = tpu.memref_slice %arg6[%dma_wait3A_541, %dma_wait3A_542, %dma_wait3A_548] : memref<8x2x64xi32, #tpu.memory_space<vmem>> -> memref<1x1x64xi32, #tpu.memory_space<vmem>>
    %dma_wait3A_550 = tpu.memref_squeeze %dma_wait3A_549 : memref<1x1x64xi32, #tpu.memory_space<vmem>> -> memref<64xi32, #tpu.memory_space<vmem>>
    %dma_wait3A_551 = arith.constant 0 : i32
    %dma_wait3A_552 = arith.constant 0 : i32
    %dma_wait3A_553 = tpu.memref_slice %arg2[%dma_wait3A_551, %dma_wait3A_552] : memref<10000x128xf32, #tpu.memory_space<hbm>> -> memref<10000x128xf32, #tpu.memory_space<hbm>>
    tpu.wait_indirect_dma semaphore(%arg17 : memref<!tpu.dma_semaphore, #tpu.memory_space<semaphore_mem>>) src(%dma_wait3A_553 : memref<10000x128xf32, #tpu.memory_space<hbm>>) dst(%dma_wait3A_547 : memref<64x128xf32, #tpu.memory_space<vmem>>)
    %dma_start3A_554 = arith.constant 0 : i32
    %dma_start3A_555 = arith.constant 4 : i32
    %dma_start3A_556 = arith.constant 1 : i32
    %dma_start3A_557 = arith.constant 0 : i32
    %dma_start3A_558 = arith.constant 0 : i32
    %dma_start3A_559 = tpu.memref_slice %arg7[%dma_start3A_554, %dma_start3A_557, %dma_start3A_558] : memref<4x64x128xf32, #tpu.memory_space<vmem>> -> memref<1x64x128xf32, #tpu.memory_space<vmem>>
    %dma_start3A_560 = tpu.memref_squeeze %dma_start3A_559 : memref<1x64x128xf32, #tpu.memory_space<vmem>> -> memref<64x128xf32, #tpu.memory_space<vmem>>
    %dma_start3A_561 = arith.constant 0 : i32
    %dma_start3A_562 = tpu.memref_slice %arg6[%dma_start3A_555, %dma_start3A_556, %dma_start3A_561] : memref<8x2x64xi32, #tpu.memory_space<vmem>> -> memref<1x1x64xi32, #tpu.memory_space<vmem>>
    %dma_start3A_563 = tpu.memref_squeeze %dma_start3A_562 : memref<1x1x64xi32, #tpu.memory_space<vmem>> -> memref<64xi32, #tpu.memory_space<vmem>>
    %dma_start3A_564 = arith.constant 0 : i32
    %dma_start3A_565 = arith.constant 0 : i32
    %dma_start3A_566 = tpu.memref_slice %arg8[%dma_start3A_564, %dma_start3A_565] : memref<10112x128xf32, #tpu.memory_space<vmem_shared>> -> memref<10112x128xf32, #tpu.memory_space<vmem_shared>>
    tpu.enqueue_indirect_dma source(%dma_start3A_560 : memref<64x128xf32, #tpu.memory_space<vmem>>) target(%dma_start3A_566 : memref<10112x128xf32, #tpu.memory_space<vmem_shared>>) offsets(%dma_start3A_563 : memref<64xi32, #tpu.memory_space<vmem>>) semaphore(%arg21 : memref<!tpu.dma_semaphore, #tpu.memory_space<semaphore_mem>>) {add = true}
    %dma_wait3A_567 = arith.constant 3 : i32
    %dma_wait3A_568 = arith.constant 7 : i32
    %dma_wait3A_569 = arith.constant 1 : i32
    %dma_wait3A_570 = arith.constant 0 : i32
    %dma_wait3A_571 = arith.constant 0 : i32
    %dma_wait3A_572 = tpu.memref_slice %arg7[%dma_wait3A_567, %dma_wait3A_570, %dma_wait3A_571] : memref<4x64x128xf32, #tpu.memory_space<vmem>> -> memref<1x64x128xf32, #tpu.memory_space<vmem>>
    %dma_wait3A_573 = tpu.memref_squeeze %dma_wait3A_572 : memref<1x64x128xf32, #tpu.memory_space<vmem>> -> memref<64x128xf32, #tpu.memory_space<vmem>>
    %dma_wait3A_574 = arith.constant 0 : i32
    %dma_wait3A_575 = tpu.memref_slice %arg6[%dma_wait3A_568, %dma_wait3A_569, %dma_wait3A_574] : memref<8x2x64xi32, #tpu.memory_space<vmem>> -> memref<1x1x64xi32, #tpu.memory_space<vmem>>
    %dma_wait3A_576 = tpu.memref_squeeze %dma_wait3A_575 : memref<1x1x64xi32, #tpu.memory_space<vmem>> -> memref<64xi32, #tpu.memory_space<vmem>>
    %dma_wait3A_577 = arith.constant 0 : i32
    %dma_wait3A_578 = arith.constant 0 : i32
    %dma_wait3A_579 = tpu.memref_slice %arg8[%dma_wait3A_577, %dma_wait3A_578] : memref<10112x128xf32, #tpu.memory_space<vmem_shared>> -> memref<10112x128xf32, #tpu.memory_space<vmem_shared>>
    tpu.wait_indirect_dma semaphore(%arg24 : memref<!tpu.dma_semaphore, #tpu.memory_space<semaphore_mem>>) src(%dma_wait3A_573 : memref<64x128xf32, #tpu.memory_space<vmem>>) dst(%dma_wait3A_579 : memref<10112x128xf32, #tpu.memory_space<vmem_shared>>)
    %dma_start3A_580 = arith.constant 10 : i32
    %dma_start3A_581 = arith.constant 2 : i32
    %dma_start3A_582 = arith.constant 0 : i32
    %dma_start3A_583 = arith.constant 0 : i32
    %dma_start3A_584 = tpu.memref_slice %arg6[%dma_start3A_581, %dma_start3A_582, %dma_start3A_583] : memref<8x2x64xi32, #tpu.memory_space<vmem>> -> memref<1x2x64xi32, #tpu.memory_space<vmem>>
    %dma_start3A_585 = tpu.memref_squeeze %dma_start3A_584 : memref<1x2x64xi32, #tpu.memory_space<vmem>> -> memref<2x64xi32, #tpu.memory_space<vmem>>
    %dma_start3A_586 = arith.constant 0 : i32
    %dma_start3A_587 = arith.constant 0 : i32
    %dma_start3A_588 = tpu.memref_slice %arg3[%add3A, %dma_start3A_580, %dma_start3A_586, %dma_start3A_587] : memref<32x168x2x64xi32, #tpu.memory_space<hbm>> -> memref<1x1x2x64xi32, #tpu.memory_space<hbm>>
    %dma_start3A_589 = tpu.memref_squeeze %dma_start3A_588 : memref<1x1x2x64xi32, #tpu.memory_space<hbm>> -> memref<2x64xi32, #tpu.memory_space<hbm>>
    %dma_start3A_590 = arith.constant 0 : i32
    %dma_start3A_591 = arith.constant 0 : i32
    %dma_start3A_592 = tpu.memref_slice %arg6[%dma_start3A_581, %dma_start3A_590, %dma_start3A_591] : memref<8x2x64xi32, #tpu.memory_space<vmem>> -> memref<1x2x64xi32, #tpu.memory_space<vmem>>
    %dma_start3A_593 = tpu.memref_squeeze %dma_start3A_592 : memref<1x2x64xi32, #tpu.memory_space<vmem>> -> memref<2x64xi32, #tpu.memory_space<vmem>>
    %dma_start3A_594 = arith.constant 0 : i32
    %dma_start3A_595 = arith.constant 0 : i32
    %dma_start3A_596 = tpu.memref_slice %arg3[%add3A, %dma_start3A_580, %dma_start3A_594, %dma_start3A_595] : memref<32x168x2x64xi32, #tpu.memory_space<hbm>> -> memref<1x1x2x64xi32, #tpu.memory_space<hbm>>
    %dma_start3A_597 = tpu.memref_squeeze %dma_start3A_596 : memref<1x1x2x64xi32, #tpu.memory_space<hbm>> -> memref<2x64xi32, #tpu.memory_space<hbm>>
    tpu.enqueue_dma source(%dma_start3A_597 : memref<2x64xi32, #tpu.memory_space<hbm>>) target(%dma_start3A_593 : memref<2x64xi32, #tpu.memory_space<vmem>>) target_semaphore(%arg11 : memref<!tpu.dma_semaphore, #tpu.memory_space<semaphore_mem>>)
    %dma_wait3A_598 = arith.constant 0 : i32
    %dma_wait3A_599 = arith.constant 7 : i32
    %dma_wait3A_600 = arith.constant 0 : i32
    %dma_wait3A_601 = arith.constant 0 : i32
    %dma_wait3A_602 = tpu.memref_slice %arg6[%dma_wait3A_599, %dma_wait3A_600, %dma_wait3A_601] : memref<8x2x64xi32, #tpu.memory_space<vmem>> -> memref<1x2x64xi32, #tpu.memory_space<vmem>>
    %dma_wait3A_603 = tpu.memref_squeeze %dma_wait3A_602 : memref<1x2x64xi32, #tpu.memory_space<vmem>> -> memref<2x64xi32, #tpu.memory_space<vmem>>
    %dma_wait3A_604 = arith.constant 0 : i32
    %dma_wait3A_605 = arith.constant 0 : i32
    %dma_wait3A_606 = tpu.memref_slice %arg3[%add3A, %dma_wait3A_598, %dma_wait3A_604, %dma_wait3A_605] : memref<32x168x2x64xi32, #tpu.memory_space<hbm>> -> memref<1x1x2x64xi32, #tpu.memory_space<hbm>>
    %dma_wait3A_607 = tpu.memref_squeeze %dma_wait3A_606 : memref<1x1x2x64xi32, #tpu.memory_space<hbm>> -> memref<2x64xi32, #tpu.memory_space<hbm>>
    %dma_wait3A_608 = arith.constant 0 : i32
    %dma_wait3A_609 = arith.constant 0 : i32
    %dma_wait3A_610 = tpu.memref_slice %arg6[%dma_wait3A_599, %dma_wait3A_608, %dma_wait3A_609] : memref<8x2x64xi32, #tpu.memory_space<vmem>> -> memref<1x2x64xi32, #tpu.memory_space<vmem>>
    %dma_wait3A_611 = tpu.memref_squeeze %dma_wait3A_610 : memref<1x2x64xi32, #tpu.memory_space<vmem>> -> memref<2x64xi32, #tpu.memory_space<vmem>>
    %dma_wait3A_612 = arith.constant 0 : i32
    %dma_wait3A_613 = arith.constant 0 : i32
    %dma_wait3A_614 = tpu.memref_slice %arg3[%add3A, %dma_wait3A_598, %dma_wait3A_612, %dma_wait3A_613] : memref<32x168x2x64xi32, #tpu.memory_space<hbm>> -> memref<1x1x2x64xi32, #tpu.memory_space<hbm>>
    %dma_wait3A_615 = tpu.memref_squeeze %dma_wait3A_614 : memref<1x1x2x64xi32, #tpu.memory_space<hbm>> -> memref<2x64xi32, #tpu.memory_space<hbm>>
    tpu.wait_dma2 semaphore(%arg16 : memref<!tpu.dma_semaphore, #tpu.memory_space<semaphore_mem>>) src(%dma_wait3A_615 : memref<2x64xi32, #tpu.memory_space<hbm>>) dst(%dma_wait3A_611 : memref<2x64xi32, #tpu.memory_space<vmem>>)
    %dma_start3A_616 = arith.constant 7 : i32
    %dma_start3A_617 = arith.constant 0 : i32
    %dma_start3A_618 = arith.constant 3 : i32
    %dma_start3A_619 = arith.constant 0 : i32
    %dma_start3A_620 = arith.constant 0 : i32
    %dma_start3A_621 = tpu.memref_slice %arg7[%dma_start3A_618, %dma_start3A_619, %dma_start3A_620] : memref<4x64x128xf32, #tpu.memory_space<vmem>> -> memref<1x64x128xf32, #tpu.memory_space<vmem>>
    %dma_start3A_622 = tpu.memref_squeeze %dma_start3A_621 : memref<1x64x128xf32, #tpu.memory_space<vmem>> -> memref<64x128xf32, #tpu.memory_space<vmem>>
    %dma_start3A_623 = arith.constant 0 : i32
    %dma_start3A_624 = tpu.memref_slice %arg6[%dma_start3A_616, %dma_start3A_617, %dma_start3A_623] : memref<8x2x64xi32, #tpu.memory_space<vmem>> -> memref<1x1x64xi32, #tpu.memory_space<vmem>>
    %dma_start3A_625 = tpu.memref_squeeze %dma_start3A_624 : memref<1x1x64xi32, #tpu.memory_space<vmem>> -> memref<64xi32, #tpu.memory_space<vmem>>
    %dma_start3A_626 = arith.constant 0 : i32
    %dma_start3A_627 = arith.constant 0 : i32
    %dma_start3A_628 = tpu.memref_slice %arg2[%dma_start3A_626, %dma_start3A_627] : memref<10000x128xf32, #tpu.memory_space<hbm>> -> memref<10000x128xf32, #tpu.memory_space<hbm>>
    tpu.enqueue_indirect_dma source(%dma_start3A_628 : memref<10000x128xf32, #tpu.memory_space<hbm>>) target(%dma_start3A_622 : memref<64x128xf32, #tpu.memory_space<vmem>>) offsets(%dma_start3A_625 : memref<64xi32, #tpu.memory_space<vmem>>) semaphore(%arg20 : memref<!tpu.dma_semaphore, #tpu.memory_space<semaphore_mem>>)
    %dma_wait3A_629 = arith.constant 5 : i32
    %dma_wait3A_630 = arith.constant 0 : i32
    %dma_wait3A_631 = arith.constant 1 : i32
    %dma_wait3A_632 = arith.constant 0 : i32
    %dma_wait3A_633 = arith.constant 0 : i32
    %dma_wait3A_634 = tpu.memref_slice %arg7[%dma_wait3A_631, %dma_wait3A_632, %dma_wait3A_633] : memref<4x64x128xf32, #tpu.memory_space<vmem>> -> memref<1x64x128xf32, #tpu.memory_space<vmem>>
    %dma_wait3A_635 = tpu.memref_squeeze %dma_wait3A_634 : memref<1x64x128xf32, #tpu.memory_space<vmem>> -> memref<64x128xf32, #tpu.memory_space<vmem>>
    %dma_wait3A_636 = arith.constant 0 : i32
    %dma_wait3A_637 = tpu.memref_slice %arg6[%dma_wait3A_629, %dma_wait3A_630, %dma_wait3A_636] : memref<8x2x64xi32, #tpu.memory_space<vmem>> -> memref<1x1x64xi32, #tpu.memory_space<vmem>>
    %dma_wait3A_638 = tpu.memref_squeeze %dma_wait3A_637 : memref<1x1x64xi32, #tpu.memory_space<vmem>> -> memref<64xi32, #tpu.memory_space<vmem>>
    %dma_wait3A_639 = arith.constant 0 : i32
    %dma_wait3A_640 = arith.constant 0 : i32
    %dma_wait3A_641 = tpu.memref_slice %arg2[%dma_wait3A_639, %dma_wait3A_640] : memref<10000x128xf32, #tpu.memory_space<hbm>> -> memref<10000x128xf32, #tpu.memory_space<hbm>>
    tpu.wait_indirect_dma semaphore(%arg18 : memref<!tpu.dma_semaphore, #tpu.memory_space<semaphore_mem>>) src(%dma_wait3A_641 : memref<10000x128xf32, #tpu.memory_space<hbm>>) dst(%dma_wait3A_635 : memref<64x128xf32, #tpu.memory_space<vmem>>)
    %dma_start3A_642 = arith.constant 1 : i32
    %dma_start3A_643 = arith.constant 5 : i32
    %dma_start3A_644 = arith.constant 1 : i32
    %dma_start3A_645 = arith.constant 0 : i32
    %dma_start3A_646 = arith.constant 0 : i32
    %dma_start3A_647 = tpu.memref_slice %arg7[%dma_start3A_642, %dma_start3A_645, %dma_start3A_646] : memref<4x64x128xf32, #tpu.memory_space<vmem>> -> memref<1x64x128xf32, #tpu.memory_space<vmem>>
    %dma_start3A_648 = tpu.memref_squeeze %dma_start3A_647 : memref<1x64x128xf32, #tpu.memory_space<vmem>> -> memref<64x128xf32, #tpu.memory_space<vmem>>
    %dma_start3A_649 = arith.constant 0 : i32
    %dma_start3A_650 = tpu.memref_slice %arg6[%dma_start3A_643, %dma_start3A_644, %dma_start3A_649] : memref<8x2x64xi32, #tpu.memory_space<vmem>> -> memref<1x1x64xi32, #tpu.memory_space<vmem>>
    %dma_start3A_651 = tpu.memref_squeeze %dma_start3A_650 : memref<1x1x64xi32, #tpu.memory_space<vmem>> -> memref<64xi32, #tpu.memory_space<vmem>>
    %dma_start3A_652 = arith.constant 0 : i32
    %dma_start3A_653 = arith.constant 0 : i32
    %dma_start3A_654 = tpu.memref_slice %arg8[%dma_start3A_652, %dma_start3A_653] : memref<10112x128xf32, #tpu.memory_space<vmem_shared>> -> memref<10112x128xf32, #tpu.memory_space<vmem_shared>>
    tpu.enqueue_indirect_dma source(%dma_start3A_648 : memref<64x128xf32, #tpu.memory_space<vmem>>) target(%dma_start3A_654 : memref<10112x128xf32, #tpu.memory_space<vmem_shared>>) offsets(%dma_start3A_651 : memref<64xi32, #tpu.memory_space<vmem>>) semaphore(%arg22 : memref<!tpu.dma_semaphore, #tpu.memory_space<semaphore_mem>>) {add = true}
    %scan3A = arith.constant 0 : i32
    %scan3A_655 = arith.constant 19 : i32
    %scan3A_656 = arith.addi %scan3A, %scan3A_655 : i32
    %scan3A_657 = arith.constant 1 : i32
    scf.for %scan3A_818 = %scan3A to %scan3A_656 step %scan3A_657  : i32 {
      %mul3A_819 = arith.constant 8 : i32
      %mul3A_820 = arith.muli %scan3A_818, %mul3A_819 : i32
      %add3A_821 = arith.constant 8 : i32
      %add3A_822 = arith.addi %add3A_821, %mul3A_820 : i32
      %add3A_823 = arith.constant 0 : i32
      %add3A_824 = arith.addi %add3A_822, %add3A_823 : i32
      %dma_wait3A_825 = arith.constant 0 : i32
      %dma_wait3A_826 = arith.constant 0 : i32
      %dma_wait3A_827 = arith.constant 1 : i32
      %dma_wait3A_828 = arith.constant 0 : i32
      %dma_wait3A_829 = arith.constant 0 : i32
      %dma_wait3A_830 = tpu.memref_slice %arg7[%dma_wait3A_825, %dma_wait3A_828, %dma_wait3A_829] : memref<4x64x128xf32, #tpu.memory_space<vmem>> -> memref<1x64x128xf32, #tpu.memory_space<vmem>>
      %dma_wait3A_831 = tpu.memref_squeeze %dma_wait3A_830 : memref<1x64x128xf32, #tpu.memory_space<vmem>> -> memref<64x128xf32, #tpu.memory_space<vmem>>
      %dma_wait3A_832 = arith.constant 0 : i32
      %dma_wait3A_833 = tpu.memref_slice %arg6[%dma_wait3A_826, %dma_wait3A_827, %dma_wait3A_832] : memref<8x2x64xi32, #tpu.memory_space<vmem>> -> memref<1x1x64xi32, #tpu.memory_space<vmem>>
      %dma_wait3A_834 = tpu.memref_squeeze %dma_wait3A_833 : memref<1x1x64xi32, #tpu.memory_space<vmem>> -> memref<64xi32, #tpu.memory_space<vmem>>
      %dma_wait3A_835 = arith.constant 0 : i32
      %dma_wait3A_836 = arith.constant 0 : i32
      %dma_wait3A_837 = tpu.memref_slice %arg8[%dma_wait3A_835, %dma_wait3A_836] : memref<10112x128xf32, #tpu.memory_space<vmem_shared>> -> memref<10112x128xf32, #tpu.memory_space<vmem_shared>>
      tpu.wait_indirect_dma semaphore(%arg21 : memref<!tpu.dma_semaphore, #tpu.memory_space<semaphore_mem>>) src(%dma_wait3A_831 : memref<64x128xf32, #tpu.memory_space<vmem>>) dst(%dma_wait3A_837 : memref<10112x128xf32, #tpu.memory_space<vmem_shared>>)
      %add3A_838 = arith.constant 3 : i32
      %add3A_839 = arith.addi %add3A_824, %add3A_838 : i32
      %dma_start3A_840 = arith.constant 3 : i32
      %dma_start3A_841 = arith.constant 0 : i32
      %dma_start3A_842 = arith.constant 0 : i32
      %dma_start3A_843 = tpu.memref_slice %arg6[%dma_start3A_840, %dma_start3A_841, %dma_start3A_842] : memref<8x2x64xi32, #tpu.memory_space<vmem>> -> memref<1x2x64xi32, #tpu.memory_space<vmem>>
      %dma_start3A_844 = tpu.memref_squeeze %dma_start3A_843 : memref<1x2x64xi32, #tpu.memory_space<vmem>> -> memref<2x64xi32, #tpu.memory_space<vmem>>
      %dma_start3A_845 = arith.constant 0 : i32
      %dma_start3A_846 = arith.constant 0 : i32
      %dma_start3A_847 = tpu.memref_slice %arg3[%add3A, %add3A_839, %dma_start3A_845, %dma_start3A_846] : memref<32x168x2x64xi32, #tpu.memory_space<hbm>> -> memref<1x1x2x64xi32, #tpu.memory_space<hbm>>
      %dma_start3A_848 = tpu.memref_squeeze %dma_start3A_847 : memref<1x1x2x64xi32, #tpu.memory_space<hbm>> -> memref<2x64xi32, #tpu.memory_space<hbm>>
      %dma_start3A_849 = arith.constant 0 : i32
      %dma_start3A_850 = arith.constant 0 : i32
      %dma_start3A_851 = tpu.memref_slice %arg6[%dma_start3A_840, %dma_start3A_849, %dma_start3A_850] : memref<8x2x64xi32, #tpu.memory_space<vmem>> -> memref<1x2x64xi32, #tpu.memory_space<vmem>>
      %dma_start3A_852 = tpu.memref_squeeze %dma_start3A_851 : memref<1x2x64xi32, #tpu.memory_space<vmem>> -> memref<2x64xi32, #tpu.memory_space<vmem>>
      %dma_start3A_853 = arith.constant 0 : i32
      %dma_start3A_854 = arith.constant 0 : i32
      %dma_start3A_855 = tpu.memref_slice %arg3[%add3A, %add3A_839, %dma_start3A_853, %dma_start3A_854] : memref<32x168x2x64xi32, #tpu.memory_space<hbm>> -> memref<1x1x2x64xi32, #tpu.memory_space<hbm>>
      %dma_start3A_856 = tpu.memref_squeeze %dma_start3A_855 : memref<1x1x2x64xi32, #tpu.memory_space<hbm>> -> memref<2x64xi32, #tpu.memory_space<hbm>>
      tpu.enqueue_dma source(%dma_start3A_856 : memref<2x64xi32, #tpu.memory_space<hbm>>) target(%dma_start3A_852 : memref<2x64xi32, #tpu.memory_space<vmem>>) target_semaphore(%arg12 : memref<!tpu.dma_semaphore, #tpu.memory_space<semaphore_mem>>)
      %dma_wait3A_857 = arith.constant 0 : i32
      %dma_wait3A_858 = arith.constant 0 : i32
      %dma_wait3A_859 = arith.constant 0 : i32
      %dma_wait3A_860 = arith.constant 0 : i32
      %dma_wait3A_861 = tpu.memref_slice %arg6[%dma_wait3A_858, %dma_wait3A_859, %dma_wait3A_860] : memref<8x2x64xi32, #tpu.memory_space<vmem>> -> memref<1x2x64xi32, #tpu.memory_space<vmem>>
      %dma_wait3A_862 = tpu.memref_squeeze %dma_wait3A_861 : memref<1x2x64xi32, #tpu.memory_space<vmem>> -> memref<2x64xi32, #tpu.memory_space<vmem>>
      %dma_wait3A_863 = arith.constant 0 : i32
      %dma_wait3A_864 = arith.constant 0 : i32
      %dma_wait3A_865 = tpu.memref_slice %arg3[%add3A, %dma_wait3A_857, %dma_wait3A_863, %dma_wait3A_864] : memref<32x168x2x64xi32, #tpu.memory_space<hbm>> -> memref<1x1x2x64xi32, #tpu.memory_space<hbm>>
      %dma_wait3A_866 = tpu.memref_squeeze %dma_wait3A_865 : memref<1x1x2x64xi32, #tpu.memory_space<hbm>> -> memref<2x64xi32, #tpu.memory_space<hbm>>
      %dma_wait3A_867 = arith.constant 0 : i32
      %dma_wait3A_868 = arith.constant 0 : i32
      %dma_wait3A_869 = tpu.memref_slice %arg6[%dma_wait3A_858, %dma_wait3A_867, %dma_wait3A_868] : memref<8x2x64xi32, #tpu.memory_space<vmem>> -> memref<1x2x64xi32, #tpu.memory_space<vmem>>
      %dma_wait3A_870 = tpu.memref_squeeze %dma_wait3A_869 : memref<1x2x64xi32, #tpu.memory_space<vmem>> -> memref<2x64xi32, #tpu.memory_space<vmem>>
      %dma_wait3A_871 = arith.constant 0 : i32
      %dma_wait3A_872 = arith.constant 0 : i32
      %dma_wait3A_873 = tpu.memref_slice %arg3[%add3A, %dma_wait3A_857, %dma_wait3A_871, %dma_wait3A_872] : memref<32x168x2x64xi32, #tpu.memory_space<hbm>> -> memref<1x1x2x64xi32, #tpu.memory_space<hbm>>
      %dma_wait3A_874 = tpu.memref_squeeze %dma_wait3A_873 : memref<1x1x2x64xi32, #tpu.memory_space<hbm>> -> memref<2x64xi32, #tpu.memory_space<hbm>>
      tpu.wait_dma2 semaphore(%arg9 : memref<!tpu.dma_semaphore, #tpu.memory_space<semaphore_mem>>) src(%dma_wait3A_874 : memref<2x64xi32, #tpu.memory_space<hbm>>) dst(%dma_wait3A_870 : memref<2x64xi32, #tpu.memory_space<vmem>>)
      %dma_start3A_875 = arith.constant 0 : i32
      %dma_start3A_876 = arith.constant 0 : i32
      %dma_start3A_877 = arith.constant 0 : i32
      %dma_start3A_878 = arith.constant 0 : i32
      %dma_start3A_879 = arith.constant 0 : i32
      %dma_start3A_880 = tpu.memref_slice %arg7[%dma_start3A_877, %dma_start3A_878, %dma_start3A_879] : memref<4x64x128xf32, #tpu.memory_space<vmem>> -> memref<1x64x128xf32, #tpu.memory_space<vmem>>
      %dma_start3A_881 = tpu.memref_squeeze %dma_start3A_880 : memref<1x64x128xf32, #tpu.memory_space<vmem>> -> memref<64x128xf32, #tpu.memory_space<vmem>>
      %dma_start3A_882 = arith.constant 0 : i32
      %dma_start3A_883 = tpu.memref_slice %arg6[%dma_start3A_875, %dma_start3A_876, %dma_start3A_882] : memref<8x2x64xi32, #tpu.memory_space<vmem>> -> memref<1x1x64xi32, #tpu.memory_space<vmem>>
      %dma_start3A_884 = tpu.memref_squeeze %dma_start3A_883 : memref<1x1x64xi32, #tpu.memory_space<vmem>> -> memref<64xi32, #tpu.memory_space<vmem>>
      %dma_start3A_885 = arith.constant 0 : i32
      %dma_start3A_886 = arith.constant 0 : i32
      %dma_start3A_887 = tpu.memref_slice %arg2[%dma_start3A_885, %dma_start3A_886] : memref<10000x128xf32, #tpu.memory_space<hbm>> -> memref<10000x128xf32, #tpu.memory_space<hbm>>
      tpu.enqueue_indirect_dma source(%dma_start3A_887 : memref<10000x128xf32, #tpu.memory_space<hbm>>) target(%dma_start3A_881 : memref<64x128xf32, #tpu.memory_space<vmem>>) offsets(%dma_start3A_884 : memref<64xi32, #tpu.memory_space<vmem>>) semaphore(%arg17 : memref<!tpu.dma_semaphore, #tpu.memory_space<semaphore_mem>>)
      %dma_wait3A_888 = arith.constant 6 : i32
      %dma_wait3A_889 = arith.constant 0 : i32
      %dma_wait3A_890 = arith.constant 2 : i32
      %dma_wait3A_891 = arith.constant 0 : i32
      %dma_wait3A_892 = arith.constant 0 : i32
      %dma_wait3A_893 = tpu.memref_slice %arg7[%dma_wait3A_890, %dma_wait3A_891, %dma_wait3A_892] : memref<4x64x128xf32, #tpu.memory_space<vmem>> -> memref<1x64x128xf32, #tpu.memory_space<vmem>>
      %dma_wait3A_894 = tpu.memref_squeeze %dma_wait3A_893 : memref<1x64x128xf32, #tpu.memory_space<vmem>> -> memref<64x128xf32, #tpu.memory_space<vmem>>
      %dma_wait3A_895 = arith.constant 0 : i32
      %dma_wait3A_896 = tpu.memref_slice %arg6[%dma_wait3A_888, %dma_wait3A_889, %dma_wait3A_895] : memref<8x2x64xi32, #tpu.memory_space<vmem>> -> memref<1x1x64xi32, #tpu.memory_space<vmem>>
      %dma_wait3A_897 = tpu.memref_squeeze %dma_wait3A_896 : memref<1x1x64xi32, #tpu.memory_space<vmem>> -> memref<64xi32, #tpu.memory_space<vmem>>
      %dma_wait3A_898 = arith.constant 0 : i32
      %dma_wait3A_899 = arith.constant 0 : i32
      %dma_wait3A_900 = tpu.memref_slice %arg2[%dma_wait3A_898, %dma_wait3A_899] : memref<10000x128xf32, #tpu.memory_space<hbm>> -> memref<10000x128xf32, #tpu.memory_space<hbm>>
      tpu.wait_indirect_dma semaphore(%arg19 : memref<!tpu.dma_semaphore, #tpu.memory_space<semaphore_mem>>) src(%dma_wait3A_900 : memref<10000x128xf32, #tpu.memory_space<hbm>>) dst(%dma_wait3A_894 : memref<64x128xf32, #tpu.memory_space<vmem>>)
      %dma_start3A_901 = arith.constant 2 : i32
      %dma_start3A_902 = arith.constant 6 : i32
      %dma_start3A_903 = arith.constant 1 : i32
      %dma_start3A_904 = arith.constant 0 : i32
      %dma_start3A_905 = arith.constant 0 : i32
      %dma_start3A_906 = tpu.memref_slice %arg7[%dma_start3A_901, %dma_start3A_904, %dma_start3A_905] : memref<4x64x128xf32, #tpu.memory_space<vmem>> -> memref<1x64x128xf32, #tpu.memory_space<vmem>>
      %dma_start3A_907 = tpu.memref_squeeze %dma_start3A_906 : memref<1x64x128xf32, #tpu.memory_space<vmem>> -> memref<64x128xf32, #tpu.memory_space<vmem>>
      %dma_start3A_908 = arith.constant 0 : i32
      %dma_start3A_909 = tpu.memref_slice %arg6[%dma_start3A_902, %dma_start3A_903, %dma_start3A_908] : memref<8x2x64xi32, #tpu.memory_space<vmem>> -> memref<1x1x64xi32, #tpu.memory_space<vmem>>
      %dma_start3A_910 = tpu.memref_squeeze %dma_start3A_909 : memref<1x1x64xi32, #tpu.memory_space<vmem>> -> memref<64xi32, #tpu.memory_space<vmem>>
      %dma_start3A_911 = arith.constant 0 : i32
      %dma_start3A_912 = arith.constant 0 : i32
      %dma_start3A_913 = tpu.memref_slice %arg8[%dma_start3A_911, %dma_start3A_912] : memref<10112x128xf32, #tpu.memory_space<vmem_shared>> -> memref<10112x128xf32, #tpu.memory_space<vmem_shared>>
      tpu.enqueue_indirect_dma source(%dma_start3A_907 : memref<64x128xf32, #tpu.memory_space<vmem>>) target(%dma_start3A_913 : memref<10112x128xf32, #tpu.memory_space<vmem_shared>>) offsets(%dma_start3A_910 : memref<64xi32, #tpu.memory_space<vmem>>) semaphore(%arg23 : memref<!tpu.dma_semaphore, #tpu.memory_space<semaphore_mem>>) {add = true}
      %add3A_914 = arith.constant 1 : i32
      %add3A_915 = arith.addi %add3A_822, %add3A_914 : i32
      %dma_wait3A_916 = arith.constant 1 : i32
      %dma_wait3A_917 = arith.constant 1 : i32
      %dma_wait3A_918 = arith.constant 1 : i32
      %dma_wait3A_919 = arith.constant 0 : i32
      %dma_wait3A_920 = arith.constant 0 : i32
      %dma_wait3A_921 = tpu.memref_slice %arg7[%dma_wait3A_916, %dma_wait3A_919, %dma_wait3A_920] : memref<4x64x128xf32, #tpu.memory_space<vmem>> -> memref<1x64x128xf32, #tpu.memory_space<vmem>>
      %dma_wait3A_922 = tpu.memref_squeeze %dma_wait3A_921 : memref<1x64x128xf32, #tpu.memory_space<vmem>> -> memref<64x128xf32, #tpu.memory_space<vmem>>
      %dma_wait3A_923 = arith.constant 0 : i32
      %dma_wait3A_924 = tpu.memref_slice %arg6[%dma_wait3A_917, %dma_wait3A_918, %dma_wait3A_923] : memref<8x2x64xi32, #tpu.memory_space<vmem>> -> memref<1x1x64xi32, #tpu.memory_space<vmem>>
      %dma_wait3A_925 = tpu.memref_squeeze %dma_wait3A_924 : memref<1x1x64xi32, #tpu.memory_space<vmem>> -> memref<64xi32, #tpu.memory_space<vmem>>
      %dma_wait3A_926 = arith.constant 0 : i32
      %dma_wait3A_927 = arith.constant 0 : i32
      %dma_wait3A_928 = tpu.memref_slice %arg8[%dma_wait3A_926, %dma_wait3A_927] : memref<10112x128xf32, #tpu.memory_space<vmem_shared>> -> memref<10112x128xf32, #tpu.memory_space<vmem_shared>>
      tpu.wait_indirect_dma semaphore(%arg22 : memref<!tpu.dma_semaphore, #tpu.memory_space<semaphore_mem>>) src(%dma_wait3A_922 : memref<64x128xf32, #tpu.memory_space<vmem>>) dst(%dma_wait3A_928 : memref<10112x128xf32, #tpu.memory_space<vmem_shared>>)
      %add3A_929 = arith.constant 3 : i32
      %add3A_930 = arith.addi %add3A_915, %add3A_929 : i32
      %dma_start3A_931 = arith.constant 4 : i32
      %dma_start3A_932 = arith.constant 0 : i32
      %dma_start3A_933 = arith.constant 0 : i32
      %dma_start3A_934 = tpu.memref_slice %arg6[%dma_start3A_931, %dma_start3A_932, %dma_start3A_933] : memref<8x2x64xi32, #tpu.memory_space<vmem>> -> memref<1x2x64xi32, #tpu.memory_space<vmem>>
      %dma_start3A_935 = tpu.memref_squeeze %dma_start3A_934 : memref<1x2x64xi32, #tpu.memory_space<vmem>> -> memref<2x64xi32, #tpu.memory_space<vmem>>
      %dma_start3A_936 = arith.constant 0 : i32
      %dma_start3A_937 = arith.constant 0 : i32
      %dma_start3A_938 = tpu.memref_slice %arg3[%add3A, %add3A_930, %dma_start3A_936, %dma_start3A_937] : memref<32x168x2x64xi32, #tpu.memory_space<hbm>> -> memref<1x1x2x64xi32, #tpu.memory_space<hbm>>
      %dma_start3A_939 = tpu.memref_squeeze %dma_start3A_938 : memref<1x1x2x64xi32, #tpu.memory_space<hbm>> -> memref<2x64xi32, #tpu.memory_space<hbm>>
      %dma_start3A_940 = arith.constant 0 : i32
      %dma_start3A_941 = arith.constant 0 : i32
      %dma_start3A_942 = tpu.memref_slice %arg6[%dma_start3A_931, %dma_start3A_940, %dma_start3A_941] : memref<8x2x64xi32, #tpu.memory_space<vmem>> -> memref<1x2x64xi32, #tpu.memory_space<vmem>>
      %dma_start3A_943 = tpu.memref_squeeze %dma_start3A_942 : memref<1x2x64xi32, #tpu.memory_space<vmem>> -> memref<2x64xi32, #tpu.memory_space<vmem>>
      %dma_start3A_944 = arith.constant 0 : i32
      %dma_start3A_945 = arith.constant 0 : i32
      %dma_start3A_946 = tpu.memref_slice %arg3[%add3A, %add3A_930, %dma_start3A_944, %dma_start3A_945] : memref<32x168x2x64xi32, #tpu.memory_space<hbm>> -> memref<1x1x2x64xi32, #tpu.memory_space<hbm>>
      %dma_start3A_947 = tpu.memref_squeeze %dma_start3A_946 : memref<1x1x2x64xi32, #tpu.memory_space<hbm>> -> memref<2x64xi32, #tpu.memory_space<hbm>>
      tpu.enqueue_dma source(%dma_start3A_947 : memref<2x64xi32, #tpu.memory_space<hbm>>) target(%dma_start3A_943 : memref<2x64xi32, #tpu.memory_space<vmem>>) target_semaphore(%arg13 : memref<!tpu.dma_semaphore, #tpu.memory_space<semaphore_mem>>)
      %dma_wait3A_948 = arith.constant 0 : i32
      %dma_wait3A_949 = arith.constant 1 : i32
      %dma_wait3A_950 = arith.constant 0 : i32
      %dma_wait3A_951 = arith.constant 0 : i32
      %dma_wait3A_952 = tpu.memref_slice %arg6[%dma_wait3A_949, %dma_wait3A_950, %dma_wait3A_951] : memref<8x2x64xi32, #tpu.memory_space<vmem>> -> memref<1x2x64xi32, #tpu.memory_space<vmem>>
      %dma_wait3A_953 = tpu.memref_squeeze %dma_wait3A_952 : memref<1x2x64xi32, #tpu.memory_space<vmem>> -> memref<2x64xi32, #tpu.memory_space<vmem>>
      %dma_wait3A_954 = arith.constant 0 : i32
      %dma_wait3A_955 = arith.constant 0 : i32
      %dma_wait3A_956 = tpu.memref_slice %arg3[%add3A, %dma_wait3A_948, %dma_wait3A_954, %dma_wait3A_955] : memref<32x168x2x64xi32, #tpu.memory_space<hbm>> -> memref<1x1x2x64xi32, #tpu.memory_space<hbm>>
      %dma_wait3A_957 = tpu.memref_squeeze %dma_wait3A_956 : memref<1x1x2x64xi32, #tpu.memory_space<hbm>> -> memref<2x64xi32, #tpu.memory_space<hbm>>
      %dma_wait3A_958 = arith.constant 0 : i32
      %dma_wait3A_959 = arith.constant 0 : i32
      %dma_wait3A_960 = tpu.memref_slice %arg6[%dma_wait3A_949, %dma_wait3A_958, %dma_wait3A_959] : memref<8x2x64xi32, #tpu.memory_space<vmem>> -> memref<1x2x64xi32, #tpu.memory_space<vmem>>
      %dma_wait3A_961 = tpu.memref_squeeze %dma_wait3A_960 : memref<1x2x64xi32, #tpu.memory_space<vmem>> -> memref<2x64xi32, #tpu.memory_space<vmem>>
      %dma_wait3A_962 = arith.constant 0 : i32
      %dma_wait3A_963 = arith.constant 0 : i32
      %dma_wait3A_964 = tpu.memref_slice %arg3[%add3A, %dma_wait3A_948, %dma_wait3A_962, %dma_wait3A_963] : memref<32x168x2x64xi32, #tpu.memory_space<hbm>> -> memref<1x1x2x64xi32, #tpu.memory_space<hbm>>
      %dma_wait3A_965 = tpu.memref_squeeze %dma_wait3A_964 : memref<1x1x2x64xi32, #tpu.memory_space<hbm>> -> memref<2x64xi32, #tpu.memory_space<hbm>>
      tpu.wait_dma2 semaphore(%arg10 : memref<!tpu.dma_semaphore, #tpu.memory_space<semaphore_mem>>) src(%dma_wait3A_965 : memref<2x64xi32, #tpu.memory_space<hbm>>) dst(%dma_wait3A_961 : memref<2x64xi32, #tpu.memory_space<vmem>>)
      %dma_start3A_966 = arith.constant 1 : i32
      %dma_start3A_967 = arith.constant 0 : i32
      %dma_start3A_968 = arith.constant 1 : i32
      %dma_start3A_969 = arith.constant 0 : i32
      %dma_start3A_970 = arith.constant 0 : i32
      %dma_start3A_971 = tpu.memref_slice %arg7[%dma_start3A_968, %dma_start3A_969, %dma_start3A_970] : memref<4x64x128xf32, #tpu.memory_space<vmem>> -> memref<1x64x128xf32, #tpu.memory_space<vmem>>
      %dma_start3A_972 = tpu.memref_squeeze %dma_start3A_971 : memref<1x64x128xf32, #tpu.memory_space<vmem>> -> memref<64x128xf32, #tpu.memory_space<vmem>>
      %dma_start3A_973 = arith.constant 0 : i32
      %dma_start3A_974 = tpu.memref_slice %arg6[%dma_start3A_966, %dma_start3A_967, %dma_start3A_973] : memref<8x2x64xi32, #tpu.memory_space<vmem>> -> memref<1x1x64xi32, #tpu.memory_space<vmem>>
      %dma_start3A_975 = tpu.memref_squeeze %dma_start3A_974 : memref<1x1x64xi32, #tpu.memory_space<vmem>> -> memref<64xi32, #tpu.memory_space<vmem>>
      %dma_start3A_976 = arith.constant 0 : i32
      %dma_start3A_977 = arith.constant 0 : i32
      %dma_start3A_978 = tpu.memref_slice %arg2[%dma_start3A_976, %dma_start3A_977] : memref<10000x128xf32, #tpu.memory_space<hbm>> -> memref<10000x128xf32, #tpu.memory_space<hbm>>
      tpu.enqueue_indirect_dma source(%dma_start3A_978 : memref<10000x128xf32, #tpu.memory_space<hbm>>) target(%dma_start3A_972 : memref<64x128xf32, #tpu.memory_space<vmem>>) offsets(%dma_start3A_975 : memref<64xi32, #tpu.memory_space<vmem>>) semaphore(%arg18 : memref<!tpu.dma_semaphore, #tpu.memory_space<semaphore_mem>>)
      %dma_wait3A_979 = arith.constant 7 : i32
      %dma_wait3A_980 = arith.constant 0 : i32
      %dma_wait3A_981 = arith.constant 3 : i32
      %dma_wait3A_982 = arith.constant 0 : i32
      %dma_wait3A_983 = arith.constant 0 : i32
      %dma_wait3A_984 = tpu.memref_slice %arg7[%dma_wait3A_981, %dma_wait3A_982, %dma_wait3A_983] : memref<4x64x128xf32, #tpu.memory_space<vmem>> -> memref<1x64x128xf32, #tpu.memory_space<vmem>>
      %dma_wait3A_985 = tpu.memref_squeeze %dma_wait3A_984 : memref<1x64x128xf32, #tpu.memory_space<vmem>> -> memref<64x128xf32, #tpu.memory_space<vmem>>
      %dma_wait3A_986 = arith.constant 0 : i32
      %dma_wait3A_987 = tpu.memref_slice %arg6[%dma_wait3A_979, %dma_wait3A_980, %dma_wait3A_986] : memref<8x2x64xi32, #tpu.memory_space<vmem>> -> memref<1x1x64xi32, #tpu.memory_space<vmem>>
      %dma_wait3A_988 = tpu.memref_squeeze %dma_wait3A_987 : memref<1x1x64xi32, #tpu.memory_space<vmem>> -> memref<64xi32, #tpu.memory_space<vmem>>
      %dma_wait3A_989 = arith.constant 0 : i32
      %dma_wait3A_990 = arith.constant 0 : i32
      %dma_wait3A_991 = tpu.memref_slice %arg2[%dma_wait3A_989, %dma_wait3A_990] : memref<10000x128xf32, #tpu.memory_space<hbm>> -> memref<10000x128xf32, #tpu.memory_space<hbm>>
      tpu.wait_indirect_dma semaphore(%arg20 : memref<!tpu.dma_semaphore, #tpu.memory_space<semaphore_mem>>) src(%dma_wait3A_991 : memref<10000x128xf32, #tpu.memory_space<hbm>>) dst(%dma_wait3A_985 : memref<64x128xf32, #tpu.memory_space<vmem>>)
      %dma_start3A_992 = arith.constant 3 : i32
      %dma_start3A_993 = arith.constant 7 : i32
      %dma_start3A_994 = arith.constant 1 : i32
      %dma_start3A_995 = arith.constant 0 : i32
      %dma_start3A_996 = arith.constant 0 : i32
      %dma_start3A_997 = tpu.memref_slice %arg7[%dma_start3A_992, %dma_start3A_995, %dma_start3A_996] : memref<4x64x128xf32, #tpu.memory_space<vmem>> -> memref<1x64x128xf32, #tpu.memory_space<vmem>>
      %dma_start3A_998 = tpu.memref_squeeze %dma_start3A_997 : memref<1x64x128xf32, #tpu.memory_space<vmem>> -> memref<64x128xf32, #tpu.memory_space<vmem>>
      %dma_start3A_999 = arith.constant 0 : i32
      %dma_start3A_1000 = tpu.memref_slice %arg6[%dma_start3A_993, %dma_start3A_994, %dma_start3A_999] : memref<8x2x64xi32, #tpu.memory_space<vmem>> -> memref<1x1x64xi32, #tpu.memory_space<vmem>>
      %dma_start3A_1001 = tpu.memref_squeeze %dma_start3A_1000 : memref<1x1x64xi32, #tpu.memory_space<vmem>> -> memref<64xi32, #tpu.memory_space<vmem>>
      %dma_start3A_1002 = arith.constant 0 : i32
      %dma_start3A_1003 = arith.constant 0 : i32
      %dma_start3A_1004 = tpu.memref_slice %arg8[%dma_start3A_1002, %dma_start3A_1003] : memref<10112x128xf32, #tpu.memory_space<vmem_shared>> -> memref<10112x128xf32, #tpu.memory_space<vmem_shared>>
      tpu.enqueue_indirect_dma source(%dma_start3A_998 : memref<64x128xf32, #tpu.memory_space<vmem>>) target(%dma_start3A_1004 : memref<10112x128xf32, #tpu.memory_space<vmem_shared>>) offsets(%dma_start3A_1001 : memref<64xi32, #tpu.memory_space<vmem>>) semaphore(%arg24 : memref<!tpu.dma_semaphore, #tpu.memory_space<semaphore_mem>>) {add = true}
      %add3A_1005 = arith.constant 2 : i32
      %add3A_1006 = arith.addi %add3A_822, %add3A_1005 : i32
      %dma_wait3A_1007 = arith.constant 2 : i32
      %dma_wait3A_1008 = arith.constant 2 : i32
      %dma_wait3A_1009 = arith.constant 1 : i32
      %dma_wait3A_1010 = arith.constant 0 : i32
      %dma_wait3A_1011 = arith.constant 0 : i32
      %dma_wait3A_1012 = tpu.memref_slice %arg7[%dma_wait3A_1007, %dma_wait3A_1010, %dma_wait3A_1011] : memref<4x64x128xf32, #tpu.memory_space<vmem>> -> memref<1x64x128xf32, #tpu.memory_space<vmem>>
      %dma_wait3A_1013 = tpu.memref_squeeze %dma_wait3A_1012 : memref<1x64x128xf32, #tpu.memory_space<vmem>> -> memref<64x128xf32, #tpu.memory_space<vmem>>
      %dma_wait3A_1014 = arith.constant 0 : i32
      %dma_wait3A_1015 = tpu.memref_slice %arg6[%dma_wait3A_1008, %dma_wait3A_1009, %dma_wait3A_1014] : memref<8x2x64xi32, #tpu.memory_space<vmem>> -> memref<1x1x64xi32, #tpu.memory_space<vmem>>
      %dma_wait3A_1016 = tpu.memref_squeeze %dma_wait3A_1015 : memref<1x1x64xi32, #tpu.memory_space<vmem>> -> memref<64xi32, #tpu.memory_space<vmem>>
      %dma_wait3A_1017 = arith.constant 0 : i32
      %dma_wait3A_1018 = arith.constant 0 : i32
      %dma_wait3A_1019 = tpu.memref_slice %arg8[%dma_wait3A_1017, %dma_wait3A_1018] : memref<10112x128xf32, #tpu.memory_space<vmem_shared>> -> memref<10112x128xf32, #tpu.memory_space<vmem_shared>>
      tpu.wait_indirect_dma semaphore(%arg23 : memref<!tpu.dma_semaphore, #tpu.memory_space<semaphore_mem>>) src(%dma_wait3A_1013 : memref<64x128xf32, #tpu.memory_space<vmem>>) dst(%dma_wait3A_1019 : memref<10112x128xf32, #tpu.memory_space<vmem_shared>>)
      %add3A_1020 = arith.constant 3 : i32
      %add3A_1021 = arith.addi %add3A_1006, %add3A_1020 : i32
      %dma_start3A_1022 = arith.constant 5 : i32
      %dma_start3A_1023 = arith.constant 0 : i32
      %dma_start3A_1024 = arith.constant 0 : i32
      %dma_start3A_1025 = tpu.memref_slice %arg6[%dma_start3A_1022, %dma_start3A_1023, %dma_start3A_1024] : memref<8x2x64xi32, #tpu.memory_space<vmem>> -> memref<1x2x64xi32, #tpu.memory_space<vmem>>
      %dma_start3A_1026 = tpu.memref_squeeze %dma_start3A_1025 : memref<1x2x64xi32, #tpu.memory_space<vmem>> -> memref<2x64xi32, #tpu.memory_space<vmem>>
      %dma_start3A_1027 = arith.constant 0 : i32
      %dma_start3A_1028 = arith.constant 0 : i32
      %dma_start3A_1029 = tpu.memref_slice %arg3[%add3A, %add3A_1021, %dma_start3A_1027, %dma_start3A_1028] : memref<32x168x2x64xi32, #tpu.memory_space<hbm>> -> memref<1x1x2x64xi32, #tpu.memory_space<hbm>>
      %dma_start3A_1030 = tpu.memref_squeeze %dma_start3A_1029 : memref<1x1x2x64xi32, #tpu.memory_space<hbm>> -> memref<2x64xi32, #tpu.memory_space<hbm>>
      %dma_start3A_1031 = arith.constant 0 : i32
      %dma_start3A_1032 = arith.constant 0 : i32
      %dma_start3A_1033 = tpu.memref_slice %arg6[%dma_start3A_1022, %dma_start3A_1031, %dma_start3A_1032] : memref<8x2x64xi32, #tpu.memory_space<vmem>> -> memref<1x2x64xi32, #tpu.memory_space<vmem>>
      %dma_start3A_1034 = tpu.memref_squeeze %dma_start3A_1033 : memref<1x2x64xi32, #tpu.memory_space<vmem>> -> memref<2x64xi32, #tpu.memory_space<vmem>>
      %dma_start3A_1035 = arith.constant 0 : i32
      %dma_start3A_1036 = arith.constant 0 : i32
      %dma_start3A_1037 = tpu.memref_slice %arg3[%add3A, %add3A_1021, %dma_start3A_1035, %dma_start3A_1036] : memref<32x168x2x64xi32, #tpu.memory_space<hbm>> -> memref<1x1x2x64xi32, #tpu.memory_space<hbm>>
      %dma_start3A_1038 = tpu.memref_squeeze %dma_start3A_1037 : memref<1x1x2x64xi32, #tpu.memory_space<hbm>> -> memref<2x64xi32, #tpu.memory_space<hbm>>
      tpu.enqueue_dma source(%dma_start3A_1038 : memref<2x64xi32, #tpu.memory_space<hbm>>) target(%dma_start3A_1034 : memref<2x64xi32, #tpu.memory_space<vmem>>) target_semaphore(%arg14 : memref<!tpu.dma_semaphore, #tpu.memory_space<semaphore_mem>>)
      %dma_wait3A_1039 = arith.constant 0 : i32
      %dma_wait3A_1040 = arith.constant 2 : i32
      %dma_wait3A_1041 = arith.constant 0 : i32
      %dma_wait3A_1042 = arith.constant 0 : i32
      %dma_wait3A_1043 = tpu.memref_slice %arg6[%dma_wait3A_1040, %dma_wait3A_1041, %dma_wait3A_1042] : memref<8x2x64xi32, #tpu.memory_space<vmem>> -> memref<1x2x64xi32, #tpu.memory_space<vmem>>
      %dma_wait3A_1044 = tpu.memref_squeeze %dma_wait3A_1043 : memref<1x2x64xi32, #tpu.memory_space<vmem>> -> memref<2x64xi32, #tpu.memory_space<vmem>>
      %dma_wait3A_1045 = arith.constant 0 : i32
      %dma_wait3A_1046 = arith.constant 0 : i32
      %dma_wait3A_1047 = tpu.memref_slice %arg3[%add3A, %dma_wait3A_1039, %dma_wait3A_1045, %dma_wait3A_1046] : memref<32x168x2x64xi32, #tpu.memory_space<hbm>> -> memref<1x1x2x64xi32, #tpu.memory_space<hbm>>
      %dma_wait3A_1048 = tpu.memref_squeeze %dma_wait3A_1047 : memref<1x1x2x64xi32, #tpu.memory_space<hbm>> -> memref<2x64xi32, #tpu.memory_space<hbm>>
      %dma_wait3A_1049 = arith.constant 0 : i32
      %dma_wait3A_1050 = arith.constant 0 : i32
      %dma_wait3A_1051 = tpu.memref_slice %arg6[%dma_wait3A_1040, %dma_wait3A_1049, %dma_wait3A_1050] : memref<8x2x64xi32, #tpu.memory_space<vmem>> -> memref<1x2x64xi32, #tpu.memory_space<vmem>>
      %dma_wait3A_1052 = tpu.memref_squeeze %dma_wait3A_1051 : memref<1x2x64xi32, #tpu.memory_space<vmem>> -> memref<2x64xi32, #tpu.memory_space<vmem>>
      %dma_wait3A_1053 = arith.constant 0 : i32
      %dma_wait3A_1054 = arith.constant 0 : i32
      %dma_wait3A_1055 = tpu.memref_slice %arg3[%add3A, %dma_wait3A_1039, %dma_wait3A_1053, %dma_wait3A_1054] : memref<32x168x2x64xi32, #tpu.memory_space<hbm>> -> memref<1x1x2x64xi32, #tpu.memory_space<hbm>>
      %dma_wait3A_1056 = tpu.memref_squeeze %dma_wait3A_1055 : memref<1x1x2x64xi32, #tpu.memory_space<hbm>> -> memref<2x64xi32, #tpu.memory_space<hbm>>
      tpu.wait_dma2 semaphore(%arg11 : memref<!tpu.dma_semaphore, #tpu.memory_space<semaphore_mem>>) src(%dma_wait3A_1056 : memref<2x64xi32, #tpu.memory_space<hbm>>) dst(%dma_wait3A_1052 : memref<2x64xi32, #tpu.memory_space<vmem>>)
      %dma_start3A_1057 = arith.constant 2 : i32
      %dma_start3A_1058 = arith.constant 0 : i32
      %dma_start3A_1059 = arith.constant 2 : i32
      %dma_start3A_1060 = arith.constant 0 : i32
      %dma_start3A_1061 = arith.constant 0 : i32
      %dma_start3A_1062 = tpu.memref_slice %arg7[%dma_start3A_1059, %dma_start3A_1060, %dma_start3A_1061] : memref<4x64x128xf32, #tpu.memory_space<vmem>> -> memref<1x64x128xf32, #tpu.memory_space<vmem>>
      %dma_start3A_1063 = tpu.memref_squeeze %dma_start3A_1062 : memref<1x64x128xf32, #tpu.memory_space<vmem>> -> memref<64x128xf32, #tpu.memory_space<vmem>>
      %dma_start3A_1064 = arith.constant 0 : i32
      %dma_start3A_1065 = tpu.memref_slice %arg6[%dma_start3A_1057, %dma_start3A_1058, %dma_start3A_1064] : memref<8x2x64xi32, #tpu.memory_space<vmem>> -> memref<1x1x64xi32, #tpu.memory_space<vmem>>
      %dma_start3A_1066 = tpu.memref_squeeze %dma_start3A_1065 : memref<1x1x64xi32, #tpu.memory_space<vmem>> -> memref<64xi32, #tpu.memory_space<vmem>>
      %dma_start3A_1067 = arith.constant 0 : i32
      %dma_start3A_1068 = arith.constant 0 : i32
      %dma_start3A_1069 = tpu.memref_slice %arg2[%dma_start3A_1067, %dma_start3A_1068] : memref<10000x128xf32, #tpu.memory_space<hbm>> -> memref<10000x128xf32, #tpu.memory_space<hbm>>
      tpu.enqueue_indirect_dma source(%dma_start3A_1069 : memref<10000x128xf32, #tpu.memory_space<hbm>>) target(%dma_start3A_1063 : memref<64x128xf32, #tpu.memory_space<vmem>>) offsets(%dma_start3A_1066 : memref<64xi32, #tpu.memory_space<vmem>>) semaphore(%arg19 : memref<!tpu.dma_semaphore, #tpu.memory_space<semaphore_mem>>)
      %dma_wait3A_1070 = arith.constant 0 : i32
      %dma_wait3A_1071 = arith.constant 0 : i32
      %dma_wait3A_1072 = arith.constant 0 : i32
      %dma_wait3A_1073 = arith.constant 0 : i32
      %dma_wait3A_1074 = arith.constant 0 : i32
      %dma_wait3A_1075 = tpu.memref_slice %arg7[%dma_wait3A_1072, %dma_wait3A_1073, %dma_wait3A_1074] : memref<4x64x128xf32, #tpu.memory_space<vmem>> -> memref<1x64x128xf32, #tpu.memory_space<vmem>>
      %dma_wait3A_1076 = tpu.memref_squeeze %dma_wait3A_1075 : memref<1x64x128xf32, #tpu.memory_space<vmem>> -> memref<64x128xf32, #tpu.memory_space<vmem>>
      %dma_wait3A_1077 = arith.constant 0 : i32
      %dma_wait3A_1078 = tpu.memref_slice %arg6[%dma_wait3A_1070, %dma_wait3A_1071, %dma_wait3A_1077] : memref<8x2x64xi32, #tpu.memory_space<vmem>> -> memref<1x1x64xi32, #tpu.memory_space<vmem>>
      %dma_wait3A_1079 = tpu.memref_squeeze %dma_wait3A_1078 : memref<1x1x64xi32, #tpu.memory_space<vmem>> -> memref<64xi32, #tpu.memory_space<vmem>>
      %dma_wait3A_1080 = arith.constant 0 : i32
      %dma_wait3A_1081 = arith.constant 0 : i32
      %dma_wait3A_1082 = tpu.memref_slice %arg2[%dma_wait3A_1080, %dma_wait3A_1081] : memref<10000x128xf32, #tpu.memory_space<hbm>> -> memref<10000x128xf32, #tpu.memory_space<hbm>>
      tpu.wait_indirect_dma semaphore(%arg17 : memref<!tpu.dma_semaphore, #tpu.memory_space<semaphore_mem>>) src(%dma_wait3A_1082 : memref<10000x128xf32, #tpu.memory_space<hbm>>) dst(%dma_wait3A_1076 : memref<64x128xf32, #tpu.memory_space<vmem>>)
      %dma_start3A_1083 = arith.constant 0 : i32
      %dma_start3A_1084 = arith.constant 0 : i32
      %dma_start3A_1085 = arith.constant 1 : i32
      %dma_start3A_1086 = arith.constant 0 : i32
      %dma_start3A_1087 = arith.constant 0 : i32
      %dma_start3A_1088 = tpu.memref_slice %arg7[%dma_start3A_1083, %dma_start3A_1086, %dma_start3A_1087] : memref<4x64x128xf32, #tpu.memory_space<vmem>> -> memref<1x64x128xf32, #tpu.memory_space<vmem>>
      %dma_start3A_1089 = tpu.memref_squeeze %dma_start3A_1088 : memref<1x64x128xf32, #tpu.memory_space<vmem>> -> memref<64x128xf32, #tpu.memory_space<vmem>>
      %dma_start3A_1090 = arith.constant 0 : i32
      %dma_start3A_1091 = tpu.memref_slice %arg6[%dma_start3A_1084, %dma_start3A_1085, %dma_start3A_1090] : memref<8x2x64xi32, #tpu.memory_space<vmem>> -> memref<1x1x64xi32, #tpu.memory_space<vmem>>
      %dma_start3A_1092 = tpu.memref_squeeze %dma_start3A_1091 : memref<1x1x64xi32, #tpu.memory_space<vmem>> -> memref<64xi32, #tpu.memory_space<vmem>>
      %dma_start3A_1093 = arith.constant 0 : i32
      %dma_start3A_1094 = arith.constant 0 : i32
      %dma_start3A_1095 = tpu.memref_slice %arg8[%dma_start3A_1093, %dma_start3A_1094] : memref<10112x128xf32, #tpu.memory_space<vmem_shared>> -> memref<10112x128xf32, #tpu.memory_space<vmem_shared>>
      tpu.enqueue_indirect_dma source(%dma_start3A_1089 : memref<64x128xf32, #tpu.memory_space<vmem>>) target(%dma_start3A_1095 : memref<10112x128xf32, #tpu.memory_space<vmem_shared>>) offsets(%dma_start3A_1092 : memref<64xi32, #tpu.memory_space<vmem>>) semaphore(%arg21 : memref<!tpu.dma_semaphore, #tpu.memory_space<semaphore_mem>>) {add = true}
      %add3A_1096 = arith.constant 3 : i32
      %add3A_1097 = arith.addi %add3A_822, %add3A_1096 : i32
      %dma_wait3A_1098 = arith.constant 3 : i32
      %dma_wait3A_1099 = arith.constant 3 : i32
      %dma_wait3A_1100 = arith.constant 1 : i32
      %dma_wait3A_1101 = arith.constant 0 : i32
      %dma_wait3A_1102 = arith.constant 0 : i32
      %dma_wait3A_1103 = tpu.memref_slice %arg7[%dma_wait3A_1098, %dma_wait3A_1101, %dma_wait3A_1102] : memref<4x64x128xf32, #tpu.memory_space<vmem>> -> memref<1x64x128xf32, #tpu.memory_space<vmem>>
      %dma_wait3A_1104 = tpu.memref_squeeze %dma_wait3A_1103 : memref<1x64x128xf32, #tpu.memory_space<vmem>> -> memref<64x128xf32, #tpu.memory_space<vmem>>
      %dma_wait3A_1105 = arith.constant 0 : i32
      %dma_wait3A_1106 = tpu.memref_slice %arg6[%dma_wait3A_1099, %dma_wait3A_1100, %dma_wait3A_1105] : memref<8x2x64xi32, #tpu.memory_space<vmem>> -> memref<1x1x64xi32, #tpu.memory_space<vmem>>
      %dma_wait3A_1107 = tpu.memref_squeeze %dma_wait3A_1106 : memref<1x1x64xi32, #tpu.memory_space<vmem>> -> memref<64xi32, #tpu.memory_space<vmem>>
      %dma_wait3A_1108 = arith.constant 0 : i32
      %dma_wait3A_1109 = arith.constant 0 : i32
      %dma_wait3A_1110 = tpu.memref_slice %arg8[%dma_wait3A_1108, %dma_wait3A_1109] : memref<10112x128xf32, #tpu.memory_space<vmem_shared>> -> memref<10112x128xf32, #tpu.memory_space<vmem_shared>>
      tpu.wait_indirect_dma semaphore(%arg24 : memref<!tpu.dma_semaphore, #tpu.memory_space<semaphore_mem>>) src(%dma_wait3A_1104 : memref<64x128xf32, #tpu.memory_space<vmem>>) dst(%dma_wait3A_1110 : memref<10112x128xf32, #tpu.memory_space<vmem_shared>>)
      %add3A_1111 = arith.constant 3 : i32
      %add3A_1112 = arith.addi %add3A_1097, %add3A_1111 : i32
      %dma_start3A_1113 = arith.constant 6 : i32
      %dma_start3A_1114 = arith.constant 0 : i32
      %dma_start3A_1115 = arith.constant 0 : i32
      %dma_start3A_1116 = tpu.memref_slice %arg6[%dma_start3A_1113, %dma_start3A_1114, %dma_start3A_1115] : memref<8x2x64xi32, #tpu.memory_space<vmem>> -> memref<1x2x64xi32, #tpu.memory_space<vmem>>
      %dma_start3A_1117 = tpu.memref_squeeze %dma_start3A_1116 : memref<1x2x64xi32, #tpu.memory_space<vmem>> -> memref<2x64xi32, #tpu.memory_space<vmem>>
      %dma_start3A_1118 = arith.constant 0 : i32
      %dma_start3A_1119 = arith.constant 0 : i32
      %dma_start3A_1120 = tpu.memref_slice %arg3[%add3A, %add3A_1112, %dma_start3A_1118, %dma_start3A_1119] : memref<32x168x2x64xi32, #tpu.memory_space<hbm>> -> memref<1x1x2x64xi32, #tpu.memory_space<hbm>>
      %dma_start3A_1121 = tpu.memref_squeeze %dma_start3A_1120 : memref<1x1x2x64xi32, #tpu.memory_space<hbm>> -> memref<2x64xi32, #tpu.memory_space<hbm>>
      %dma_start3A_1122 = arith.constant 0 : i32
      %dma_start3A_1123 = arith.constant 0 : i32
      %dma_start3A_1124 = tpu.memref_slice %arg6[%dma_start3A_1113, %dma_start3A_1122, %dma_start3A_1123] : memref<8x2x64xi32, #tpu.memory_space<vmem>> -> memref<1x2x64xi32, #tpu.memory_space<vmem>>
      %dma_start3A_1125 = tpu.memref_squeeze %dma_start3A_1124 : memref<1x2x64xi32, #tpu.memory_space<vmem>> -> memref<2x64xi32, #tpu.memory_space<vmem>>
      %dma_start3A_1126 = arith.constant 0 : i32
      %dma_start3A_1127 = arith.constant 0 : i32
      %dma_start3A_1128 = tpu.memref_slice %arg3[%add3A, %add3A_1112, %dma_start3A_1126, %dma_start3A_1127] : memref<32x168x2x64xi32, #tpu.memory_space<hbm>> -> memref<1x1x2x64xi32, #tpu.memory_space<hbm>>
      %dma_start3A_1129 = tpu.memref_squeeze %dma_start3A_1128 : memref<1x1x2x64xi32, #tpu.memory_space<hbm>> -> memref<2x64xi32, #tpu.memory_space<hbm>>
      tpu.enqueue_dma source(%dma_start3A_1129 : memref<2x64xi32, #tpu.memory_space<hbm>>) target(%dma_start3A_1125 : memref<2x64xi32, #tpu.memory_space<vmem>>) target_semaphore(%arg15 : memref<!tpu.dma_semaphore, #tpu.memory_space<semaphore_mem>>)
      %dma_wait3A_1130 = arith.constant 0 : i32
      %dma_wait3A_1131 = arith.constant 3 : i32
      %dma_wait3A_1132 = arith.constant 0 : i32
      %dma_wait3A_1133 = arith.constant 0 : i32
      %dma_wait3A_1134 = tpu.memref_slice %arg6[%dma_wait3A_1131, %dma_wait3A_1132, %dma_wait3A_1133] : memref<8x2x64xi32, #tpu.memory_space<vmem>> -> memref<1x2x64xi32, #tpu.memory_space<vmem>>
      %dma_wait3A_1135 = tpu.memref_squeeze %dma_wait3A_1134 : memref<1x2x64xi32, #tpu.memory_space<vmem>> -> memref<2x64xi32, #tpu.memory_space<vmem>>
      %dma_wait3A_1136 = arith.constant 0 : i32
      %dma_wait3A_1137 = arith.constant 0 : i32
      %dma_wait3A_1138 = tpu.memref_slice %arg3[%add3A, %dma_wait3A_1130, %dma_wait3A_1136, %dma_wait3A_1137] : memref<32x168x2x64xi32, #tpu.memory_space<hbm>> -> memref<1x1x2x64xi32, #tpu.memory_space<hbm>>
      %dma_wait3A_1139 = tpu.memref_squeeze %dma_wait3A_1138 : memref<1x1x2x64xi32, #tpu.memory_space<hbm>> -> memref<2x64xi32, #tpu.memory_space<hbm>>
      %dma_wait3A_1140 = arith.constant 0 : i32
      %dma_wait3A_1141 = arith.constant 0 : i32
      %dma_wait3A_1142 = tpu.memref_slice %arg6[%dma_wait3A_1131, %dma_wait3A_1140, %dma_wait3A_1141] : memref<8x2x64xi32, #tpu.memory_space<vmem>> -> memref<1x2x64xi32, #tpu.memory_space<vmem>>
      %dma_wait3A_1143 = tpu.memref_squeeze %dma_wait3A_1142 : memref<1x2x64xi32, #tpu.memory_space<vmem>> -> memref<2x64xi32, #tpu.memory_space<vmem>>
      %dma_wait3A_1144 = arith.constant 0 : i32
      %dma_wait3A_1145 = arith.constant 0 : i32
      %dma_wait3A_1146 = tpu.memref_slice %arg3[%add3A, %dma_wait3A_1130, %dma_wait3A_1144, %dma_wait3A_1145] : memref<32x168x2x64xi32, #tpu.memory_space<hbm>> -> memref<1x1x2x64xi32, #tpu.memory_space<hbm>>
      %dma_wait3A_1147 = tpu.memref_squeeze %dma_wait3A_1146 : memref<1x1x2x64xi32, #tpu.memory_space<hbm>> -> memref<2x64xi32, #tpu.memory_space<hbm>>
      tpu.wait_dma2 semaphore(%arg12 : memref<!tpu.dma_semaphore, #tpu.memory_space<semaphore_mem>>) src(%dma_wait3A_1147 : memref<2x64xi32, #tpu.memory_space<hbm>>) dst(%dma_wait3A_1143 : memref<2x64xi32, #tpu.memory_space<vmem>>)
      %dma_start3A_1148 = arith.constant 3 : i32
      %dma_start3A_1149 = arith.constant 0 : i32
      %dma_start3A_1150 = arith.constant 3 : i32
      %dma_start3A_1151 = arith.constant 0 : i32
      %dma_start3A_1152 = arith.constant 0 : i32
      %dma_start3A_1153 = tpu.memref_slice %arg7[%dma_start3A_1150, %dma_start3A_1151, %dma_start3A_1152] : memref<4x64x128xf32, #tpu.memory_space<vmem>> -> memref<1x64x128xf32, #tpu.memory_space<vmem>>
      %dma_start3A_1154 = tpu.memref_squeeze %dma_start3A_1153 : memref<1x64x128xf32, #tpu.memory_space<vmem>> -> memref<64x128xf32, #tpu.memory_space<vmem>>
      %dma_start3A_1155 = arith.constant 0 : i32
      %dma_start3A_1156 = tpu.memref_slice %arg6[%dma_start3A_1148, %dma_start3A_1149, %dma_start3A_1155] : memref<8x2x64xi32, #tpu.memory_space<vmem>> -> memref<1x1x64xi32, #tpu.memory_space<vmem>>
      %dma_start3A_1157 = tpu.memref_squeeze %dma_start3A_1156 : memref<1x1x64xi32, #tpu.memory_space<vmem>> -> memref<64xi32, #tpu.memory_space<vmem>>
      %dma_start3A_1158 = arith.constant 0 : i32
      %dma_start3A_1159 = arith.constant 0 : i32
      %dma_start3A_1160 = tpu.memref_slice %arg2[%dma_start3A_1158, %dma_start3A_1159] : memref<10000x128xf32, #tpu.memory_space<hbm>> -> memref<10000x128xf32, #tpu.memory_space<hbm>>
      tpu.enqueue_indirect_dma source(%dma_start3A_1160 : memref<10000x128xf32, #tpu.memory_space<hbm>>) target(%dma_start3A_1154 : memref<64x128xf32, #tpu.memory_space<vmem>>) offsets(%dma_start3A_1157 : memref<64xi32, #tpu.memory_space<vmem>>) semaphore(%arg20 : memref<!tpu.dma_semaphore, #tpu.memory_space<semaphore_mem>>)
      %dma_wait3A_1161 = arith.constant 1 : i32
      %dma_wait3A_1162 = arith.constant 0 : i32
      %dma_wait3A_1163 = arith.constant 1 : i32
      %dma_wait3A_1164 = arith.constant 0 : i32
      %dma_wait3A_1165 = arith.constant 0 : i32
      %dma_wait3A_1166 = tpu.memref_slice %arg7[%dma_wait3A_1163, %dma_wait3A_1164, %dma_wait3A_1165] : memref<4x64x128xf32, #tpu.memory_space<vmem>> -> memref<1x64x128xf32, #tpu.memory_space<vmem>>
      %dma_wait3A_1167 = tpu.memref_squeeze %dma_wait3A_1166 : memref<1x64x128xf32, #tpu.memory_space<vmem>> -> memref<64x128xf32, #tpu.memory_space<vmem>>
      %dma_wait3A_1168 = arith.constant 0 : i32
      %dma_wait3A_1169 = tpu.memref_slice %arg6[%dma_wait3A_1161, %dma_wait3A_1162, %dma_wait3A_1168] : memref<8x2x64xi32, #tpu.memory_space<vmem>> -> memref<1x1x64xi32, #tpu.memory_space<vmem>>
      %dma_wait3A_1170 = tpu.memref_squeeze %dma_wait3A_1169 : memref<1x1x64xi32, #tpu.memory_space<vmem>> -> memref<64xi32, #tpu.memory_space<vmem>>
      %dma_wait3A_1171 = arith.constant 0 : i32
      %dma_wait3A_1172 = arith.constant 0 : i32
      %dma_wait3A_1173 = tpu.memref_slice %arg2[%dma_wait3A_1171, %dma_wait3A_1172] : memref<10000x128xf32, #tpu.memory_space<hbm>> -> memref<10000x128xf32, #tpu.memory_space<hbm>>
      tpu.wait_indirect_dma semaphore(%arg18 : memref<!tpu.dma_semaphore, #tpu.memory_space<semaphore_mem>>) src(%dma_wait3A_1173 : memref<10000x128xf32, #tpu.memory_space<hbm>>) dst(%dma_wait3A_1167 : memref<64x128xf32, #tpu.memory_space<vmem>>)
      %dma_start3A_1174 = arith.constant 1 : i32
      %dma_start3A_1175 = arith.constant 1 : i32
      %dma_start3A_1176 = arith.constant 1 : i32
      %dma_start3A_1177 = arith.constant 0 : i32
      %dma_start3A_1178 = arith.constant 0 : i32
      %dma_start3A_1179 = tpu.memref_slice %arg7[%dma_start3A_1174, %dma_start3A_1177, %dma_start3A_1178] : memref<4x64x128xf32, #tpu.memory_space<vmem>> -> memref<1x64x128xf32, #tpu.memory_space<vmem>>
      %dma_start3A_1180 = tpu.memref_squeeze %dma_start3A_1179 : memref<1x64x128xf32, #tpu.memory_space<vmem>> -> memref<64x128xf32, #tpu.memory_space<vmem>>
      %dma_start3A_1181 = arith.constant 0 : i32
      %dma_start3A_1182 = tpu.memref_slice %arg6[%dma_start3A_1175, %dma_start3A_1176, %dma_start3A_1181] : memref<8x2x64xi32, #tpu.memory_space<vmem>> -> memref<1x1x64xi32, #tpu.memory_space<vmem>>
      %dma_start3A_1183 = tpu.memref_squeeze %dma_start3A_1182 : memref<1x1x64xi32, #tpu.memory_space<vmem>> -> memref<64xi32, #tpu.memory_space<vmem>>
      %dma_start3A_1184 = arith.constant 0 : i32
      %dma_start3A_1185 = arith.constant 0 : i32
      %dma_start3A_1186 = tpu.memref_slice %arg8[%dma_start3A_1184, %dma_start3A_1185] : memref<10112x128xf32, #tpu.memory_space<vmem_shared>> -> memref<10112x128xf32, #tpu.memory_space<vmem_shared>>
      tpu.enqueue_indirect_dma source(%dma_start3A_1180 : memref<64x128xf32, #tpu.memory_space<vmem>>) target(%dma_start3A_1186 : memref<10112x128xf32, #tpu.memory_space<vmem_shared>>) offsets(%dma_start3A_1183 : memref<64xi32, #tpu.memory_space<vmem>>) semaphore(%arg22 : memref<!tpu.dma_semaphore, #tpu.memory_space<semaphore_mem>>) {add = true}
      %add3A_1187 = arith.constant 4 : i32
      %add3A_1188 = arith.addi %add3A_822, %add3A_1187 : i32
      %dma_wait3A_1189 = arith.constant 0 : i32
      %dma_wait3A_1190 = arith.constant 4 : i32
      %dma_wait3A_1191 = arith.constant 1 : i32
      %dma_wait3A_1192 = arith.constant 0 : i32
      %dma_wait3A_1193 = arith.constant 0 : i32
      %dma_wait3A_1194 = tpu.memref_slice %arg7[%dma_wait3A_1189, %dma_wait3A_1192, %dma_wait3A_1193] : memref<4x64x128xf32, #tpu.memory_space<vmem>> -> memref<1x64x128xf32, #tpu.memory_space<vmem>>
      %dma_wait3A_1195 = tpu.memref_squeeze %dma_wait3A_1194 : memref<1x64x128xf32, #tpu.memory_space<vmem>> -> memref<64x128xf32, #tpu.memory_space<vmem>>
      %dma_wait3A_1196 = arith.constant 0 : i32
      %dma_wait3A_1197 = tpu.memref_slice %arg6[%dma_wait3A_1190, %dma_wait3A_1191, %dma_wait3A_1196] : memref<8x2x64xi32, #tpu.memory_space<vmem>> -> memref<1x1x64xi32, #tpu.memory_space<vmem>>
      %dma_wait3A_1198 = tpu.memref_squeeze %dma_wait3A_1197 : memref<1x1x64xi32, #tpu.memory_space<vmem>> -> memref<64xi32, #tpu.memory_space<vmem>>
      %dma_wait3A_1199 = arith.constant 0 : i32
      %dma_wait3A_1200 = arith.constant 0 : i32
      %dma_wait3A_1201 = tpu.memref_slice %arg8[%dma_wait3A_1199, %dma_wait3A_1200] : memref<10112x128xf32, #tpu.memory_space<vmem_shared>> -> memref<10112x128xf32, #tpu.memory_space<vmem_shared>>
      tpu.wait_indirect_dma semaphore(%arg21 : memref<!tpu.dma_semaphore, #tpu.memory_space<semaphore_mem>>) src(%dma_wait3A_1195 : memref<64x128xf32, #tpu.memory_space<vmem>>) dst(%dma_wait3A_1201 : memref<10112x128xf32, #tpu.memory_space<vmem_shared>>)
      %add3A_1202 = arith.constant 3 : i32
      %add3A_1203 = arith.addi %add3A_1188, %add3A_1202 : i32
      %dma_start3A_1204 = arith.constant 7 : i32
      %dma_start3A_1205 = arith.constant 0 : i32
      %dma_start3A_1206 = arith.constant 0 : i32
      %dma_start3A_1207 = tpu.memref_slice %arg6[%dma_start3A_1204, %dma_start3A_1205, %dma_start3A_1206] : memref<8x2x64xi32, #tpu.memory_space<vmem>> -> memref<1x2x64xi32, #tpu.memory_space<vmem>>
      %dma_start3A_1208 = tpu.memref_squeeze %dma_start3A_1207 : memref<1x2x64xi32, #tpu.memory_space<vmem>> -> memref<2x64xi32, #tpu.memory_space<vmem>>
      %dma_start3A_1209 = arith.constant 0 : i32
      %dma_start3A_1210 = arith.constant 0 : i32
      %dma_start3A_1211 = tpu.memref_slice %arg3[%add3A, %add3A_1203, %dma_start3A_1209, %dma_start3A_1210] : memref<32x168x2x64xi32, #tpu.memory_space<hbm>> -> memref<1x1x2x64xi32, #tpu.memory_space<hbm>>
      %dma_start3A_1212 = tpu.memref_squeeze %dma_start3A_1211 : memref<1x1x2x64xi32, #tpu.memory_space<hbm>> -> memref<2x64xi32, #tpu.memory_space<hbm>>
      %dma_start3A_1213 = arith.constant 0 : i32
      %dma_start3A_1214 = arith.constant 0 : i32
      %dma_start3A_1215 = tpu.memref_slice %arg6[%dma_start3A_1204, %dma_start3A_1213, %dma_start3A_1214] : memref<8x2x64xi32, #tpu.memory_space<vmem>> -> memref<1x2x64xi32, #tpu.memory_space<vmem>>
      %dma_start3A_1216 = tpu.memref_squeeze %dma_start3A_1215 : memref<1x2x64xi32, #tpu.memory_space<vmem>> -> memref<2x64xi32, #tpu.memory_space<vmem>>
      %dma_start3A_1217 = arith.constant 0 : i32
      %dma_start3A_1218 = arith.constant 0 : i32
      %dma_start3A_1219 = tpu.memref_slice %arg3[%add3A, %add3A_1203, %dma_start3A_1217, %dma_start3A_1218] : memref<32x168x2x64xi32, #tpu.memory_space<hbm>> -> memref<1x1x2x64xi32, #tpu.memory_space<hbm>>
      %dma_start3A_1220 = tpu.memref_squeeze %dma_start3A_1219 : memref<1x1x2x64xi32, #tpu.memory_space<hbm>> -> memref<2x64xi32, #tpu.memory_space<hbm>>
      tpu.enqueue_dma source(%dma_start3A_1220 : memref<2x64xi32, #tpu.memory_space<hbm>>) target(%dma_start3A_1216 : memref<2x64xi32, #tpu.memory_space<vmem>>) target_semaphore(%arg16 : memref<!tpu.dma_semaphore, #tpu.memory_space<semaphore_mem>>)
      %dma_wait3A_1221 = arith.constant 0 : i32
      %dma_wait3A_1222 = arith.constant 4 : i32
      %dma_wait3A_1223 = arith.constant 0 : i32
      %dma_wait3A_1224 = arith.constant 0 : i32
      %dma_wait3A_1225 = tpu.memref_slice %arg6[%dma_wait3A_1222, %dma_wait3A_1223, %dma_wait3A_1224] : memref<8x2x64xi32, #tpu.memory_space<vmem>> -> memref<1x2x64xi32, #tpu.memory_space<vmem>>
      %dma_wait3A_1226 = tpu.memref_squeeze %dma_wait3A_1225 : memref<1x2x64xi32, #tpu.memory_space<vmem>> -> memref<2x64xi32, #tpu.memory_space<vmem>>
      %dma_wait3A_1227 = arith.constant 0 : i32
      %dma_wait3A_1228 = arith.constant 0 : i32
      %dma_wait3A_1229 = tpu.memref_slice %arg3[%add3A, %dma_wait3A_1221, %dma_wait3A_1227, %dma_wait3A_1228] : memref<32x168x2x64xi32, #tpu.memory_space<hbm>> -> memref<1x1x2x64xi32, #tpu.memory_space<hbm>>
      %dma_wait3A_1230 = tpu.memref_squeeze %dma_wait3A_1229 : memref<1x1x2x64xi32, #tpu.memory_space<hbm>> -> memref<2x64xi32, #tpu.memory_space<hbm>>
      %dma_wait3A_1231 = arith.constant 0 : i32
      %dma_wait3A_1232 = arith.constant 0 : i32
      %dma_wait3A_1233 = tpu.memref_slice %arg6[%dma_wait3A_1222, %dma_wait3A_1231, %dma_wait3A_1232] : memref<8x2x64xi32, #tpu.memory_space<vmem>> -> memref<1x2x64xi32, #tpu.memory_space<vmem>>
      %dma_wait3A_1234 = tpu.memref_squeeze %dma_wait3A_1233 : memref<1x2x64xi32, #tpu.memory_space<vmem>> -> memref<2x64xi32, #tpu.memory_space<vmem>>
      %dma_wait3A_1235 = arith.constant 0 : i32
      %dma_wait3A_1236 = arith.constant 0 : i32
      %dma_wait3A_1237 = tpu.memref_slice %arg3[%add3A, %dma_wait3A_1221, %dma_wait3A_1235, %dma_wait3A_1236] : memref<32x168x2x64xi32, #tpu.memory_space<hbm>> -> memref<1x1x2x64xi32, #tpu.memory_space<hbm>>
      %dma_wait3A_1238 = tpu.memref_squeeze %dma_wait3A_1237 : memref<1x1x2x64xi32, #tpu.memory_space<hbm>> -> memref<2x64xi32, #tpu.memory_space<hbm>>
      tpu.wait_dma2 semaphore(%arg13 : memref<!tpu.dma_semaphore, #tpu.memory_space<semaphore_mem>>) src(%dma_wait3A_1238 : memref<2x64xi32, #tpu.memory_space<hbm>>) dst(%dma_wait3A_1234 : memref<2x64xi32, #tpu.memory_space<vmem>>)
      %dma_start3A_1239 = arith.constant 4 : i32
      %dma_start3A_1240 = arith.constant 0 : i32
      %dma_start3A_1241 = arith.constant 0 : i32
      %dma_start3A_1242 = arith.constant 0 : i32
      %dma_start3A_1243 = arith.constant 0 : i32
      %dma_start3A_1244 = tpu.memref_slice %arg7[%dma_start3A_1241, %dma_start3A_1242, %dma_start3A_1243] : memref<4x64x128xf32, #tpu.memory_space<vmem>> -> memref<1x64x128xf32, #tpu.memory_space<vmem>>
      %dma_start3A_1245 = tpu.memref_squeeze %dma_start3A_1244 : memref<1x64x128xf32, #tpu.memory_space<vmem>> -> memref<64x128xf32, #tpu.memory_space<vmem>>
      %dma_start3A_1246 = arith.constant 0 : i32
      %dma_start3A_1247 = tpu.memref_slice %arg6[%dma_start3A_1239, %dma_start3A_1240, %dma_start3A_1246] : memref<8x2x64xi32, #tpu.memory_space<vmem>> -> memref<1x1x64xi32, #tpu.memory_space<vmem>>
      %dma_start3A_1248 = tpu.memref_squeeze %dma_start3A_1247 : memref<1x1x64xi32, #tpu.memory_space<vmem>> -> memref<64xi32, #tpu.memory_space<vmem>>
      %dma_start3A_1249 = arith.constant 0 : i32
      %dma_start3A_1250 = arith.constant 0 : i32
      %dma_start3A_1251 = tpu.memref_slice %arg2[%dma_start3A_1249, %dma_start3A_1250] : memref<10000x128xf32, #tpu.memory_space<hbm>> -> memref<10000x128xf32, #tpu.memory_space<hbm>>
      tpu.enqueue_indirect_dma source(%dma_start3A_1251 : memref<10000x128xf32, #tpu.memory_space<hbm>>) target(%dma_start3A_1245 : memref<64x128xf32, #tpu.memory_space<vmem>>) offsets(%dma_start3A_1248 : memref<64xi32, #tpu.memory_space<vmem>>) semaphore(%arg17 : memref<!tpu.dma_semaphore, #tpu.memory_space<semaphore_mem>>)
      %dma_wait3A_1252 = arith.constant 2 : i32
      %dma_wait3A_1253 = arith.constant 0 : i32
      %dma_wait3A_1254 = arith.constant 2 : i32
      %dma_wait3A_1255 = arith.constant 0 : i32
      %dma_wait3A_1256 = arith.constant 0 : i32
      %dma_wait3A_1257 = tpu.memref_slice %arg7[%dma_wait3A_1254, %dma_wait3A_1255, %dma_wait3A_1256] : memref<4x64x128xf32, #tpu.memory_space<vmem>> -> memref<1x64x128xf32, #tpu.memory_space<vmem>>
      %dma_wait3A_1258 = tpu.memref_squeeze %dma_wait3A_1257 : memref<1x64x128xf32, #tpu.memory_space<vmem>> -> memref<64x128xf32, #tpu.memory_space<vmem>>
      %dma_wait3A_1259 = arith.constant 0 : i32
      %dma_wait3A_1260 = tpu.memref_slice %arg6[%dma_wait3A_1252, %dma_wait3A_1253, %dma_wait3A_1259] : memref<8x2x64xi32, #tpu.memory_space<vmem>> -> memref<1x1x64xi32, #tpu.memory_space<vmem>>
      %dma_wait3A_1261 = tpu.memref_squeeze %dma_wait3A_1260 : memref<1x1x64xi32, #tpu.memory_space<vmem>> -> memref<64xi32, #tpu.memory_space<vmem>>
      %dma_wait3A_1262 = arith.constant 0 : i32
      %dma_wait3A_1263 = arith.constant 0 : i32
      %dma_wait3A_1264 = tpu.memref_slice %arg2[%dma_wait3A_1262, %dma_wait3A_1263] : memref<10000x128xf32, #tpu.memory_space<hbm>> -> memref<10000x128xf32, #tpu.memory_space<hbm>>
      tpu.wait_indirect_dma semaphore(%arg19 : memref<!tpu.dma_semaphore, #tpu.memory_space<semaphore_mem>>) src(%dma_wait3A_1264 : memref<10000x128xf32, #tpu.memory_space<hbm>>) dst(%dma_wait3A_1258 : memref<64x128xf32, #tpu.memory_space<vmem>>)
      %dma_start3A_1265 = arith.constant 2 : i32
      %dma_start3A_1266 = arith.constant 2 : i32
      %dma_start3A_1267 = arith.constant 1 : i32
      %dma_start3A_1268 = arith.constant 0 : i32
      %dma_start3A_1269 = arith.constant 0 : i32
      %dma_start3A_1270 = tpu.memref_slice %arg7[%dma_start3A_1265, %dma_start3A_1268, %dma_start3A_1269] : memref<4x64x128xf32, #tpu.memory_space<vmem>> -> memref<1x64x128xf32, #tpu.memory_space<vmem>>
      %dma_start3A_1271 = tpu.memref_squeeze %dma_start3A_1270 : memref<1x64x128xf32, #tpu.memory_space<vmem>> -> memref<64x128xf32, #tpu.memory_space<vmem>>
      %dma_start3A_1272 = arith.constant 0 : i32
      %dma_start3A_1273 = tpu.memref_slice %arg6[%dma_start3A_1266, %dma_start3A_1267, %dma_start3A_1272] : memref<8x2x64xi32, #tpu.memory_space<vmem>> -> memref<1x1x64xi32, #tpu.memory_space<vmem>>
      %dma_start3A_1274 = tpu.memref_squeeze %dma_start3A_1273 : memref<1x1x64xi32, #tpu.memory_space<vmem>> -> memref<64xi32, #tpu.memory_space<vmem>>
      %dma_start3A_1275 = arith.constant 0 : i32
      %dma_start3A_1276 = arith.constant 0 : i32
      %dma_start3A_1277 = tpu.memref_slice %arg8[%dma_start3A_1275, %dma_start3A_1276] : memref<10112x128xf32, #tpu.memory_space<vmem_shared>> -> memref<10112x128xf32, #tpu.memory_space<vmem_shared>>
      tpu.enqueue_indirect_dma source(%dma_start3A_1271 : memref<64x128xf32, #tpu.memory_space<vmem>>) target(%dma_start3A_1277 : memref<10112x128xf32, #tpu.memory_space<vmem_shared>>) offsets(%dma_start3A_1274 : memref<64xi32, #tpu.memory_space<vmem>>) semaphore(%arg23 : memref<!tpu.dma_semaphore, #tpu.memory_space<semaphore_mem>>) {add = true}
      %add3A_1278 = arith.constant 5 : i32
      %add3A_1279 = arith.addi %add3A_822, %add3A_1278 : i32
      %dma_wait3A_1280 = arith.constant 1 : i32
      %dma_wait3A_1281 = arith.constant 5 : i32
      %dma_wait3A_1282 = arith.constant 1 : i32
      %dma_wait3A_1283 = arith.constant 0 : i32
      %dma_wait3A_1284 = arith.constant 0 : i32
      %dma_wait3A_1285 = tpu.memref_slice %arg7[%dma_wait3A_1280, %dma_wait3A_1283, %dma_wait3A_1284] : memref<4x64x128xf32, #tpu.memory_space<vmem>> -> memref<1x64x128xf32, #tpu.memory_space<vmem>>
      %dma_wait3A_1286 = tpu.memref_squeeze %dma_wait3A_1285 : memref<1x64x128xf32, #tpu.memory_space<vmem>> -> memref<64x128xf32, #tpu.memory_space<vmem>>
      %dma_wait3A_1287 = arith.constant 0 : i32
      %dma_wait3A_1288 = tpu.memref_slice %arg6[%dma_wait3A_1281, %dma_wait3A_1282, %dma_wait3A_1287] : memref<8x2x64xi32, #tpu.memory_space<vmem>> -> memref<1x1x64xi32, #tpu.memory_space<vmem>>
      %dma_wait3A_1289 = tpu.memref_squeeze %dma_wait3A_1288 : memref<1x1x64xi32, #tpu.memory_space<vmem>> -> memref<64xi32, #tpu.memory_space<vmem>>
      %dma_wait3A_1290 = arith.constant 0 : i32
      %dma_wait3A_1291 = arith.constant 0 : i32
      %dma_wait3A_1292 = tpu.memref_slice %arg8[%dma_wait3A_1290, %dma_wait3A_1291] : memref<10112x128xf32, #tpu.memory_space<vmem_shared>> -> memref<10112x128xf32, #tpu.memory_space<vmem_shared>>
      tpu.wait_indirect_dma semaphore(%arg22 : memref<!tpu.dma_semaphore, #tpu.memory_space<semaphore_mem>>) src(%dma_wait3A_1286 : memref<64x128xf32, #tpu.memory_space<vmem>>) dst(%dma_wait3A_1292 : memref<10112x128xf32, #tpu.memory_space<vmem_shared>>)
      %add3A_1293 = arith.constant 3 : i32
      %add3A_1294 = arith.addi %add3A_1279, %add3A_1293 : i32
      %dma_start3A_1295 = arith.constant 0 : i32
      %dma_start3A_1296 = arith.constant 0 : i32
      %dma_start3A_1297 = arith.constant 0 : i32
      %dma_start3A_1298 = tpu.memref_slice %arg6[%dma_start3A_1295, %dma_start3A_1296, %dma_start3A_1297] : memref<8x2x64xi32, #tpu.memory_space<vmem>> -> memref<1x2x64xi32, #tpu.memory_space<vmem>>
      %dma_start3A_1299 = tpu.memref_squeeze %dma_start3A_1298 : memref<1x2x64xi32, #tpu.memory_space<vmem>> -> memref<2x64xi32, #tpu.memory_space<vmem>>
      %dma_start3A_1300 = arith.constant 0 : i32
      %dma_start3A_1301 = arith.constant 0 : i32
      %dma_start3A_1302 = tpu.memref_slice %arg3[%add3A, %add3A_1294, %dma_start3A_1300, %dma_start3A_1301] : memref<32x168x2x64xi32, #tpu.memory_space<hbm>> -> memref<1x1x2x64xi32, #tpu.memory_space<hbm>>
      %dma_start3A_1303 = tpu.memref_squeeze %dma_start3A_1302 : memref<1x1x2x64xi32, #tpu.memory_space<hbm>> -> memref<2x64xi32, #tpu.memory_space<hbm>>
      %dma_start3A_1304 = arith.constant 0 : i32
      %dma_start3A_1305 = arith.constant 0 : i32
      %dma_start3A_1306 = tpu.memref_slice %arg6[%dma_start3A_1295, %dma_start3A_1304, %dma_start3A_1305] : memref<8x2x64xi32, #tpu.memory_space<vmem>> -> memref<1x2x64xi32, #tpu.memory_space<vmem>>
      %dma_start3A_1307 = tpu.memref_squeeze %dma_start3A_1306 : memref<1x2x64xi32, #tpu.memory_space<vmem>> -> memref<2x64xi32, #tpu.memory_space<vmem>>
      %dma_start3A_1308 = arith.constant 0 : i32
      %dma_start3A_1309 = arith.constant 0 : i32
      %dma_start3A_1310 = tpu.memref_slice %arg3[%add3A, %add3A_1294, %dma_start3A_1308, %dma_start3A_1309] : memref<32x168x2x64xi32, #tpu.memory_space<hbm>> -> memref<1x1x2x64xi32, #tpu.memory_space<hbm>>
      %dma_start3A_1311 = tpu.memref_squeeze %dma_start3A_1310 : memref<1x1x2x64xi32, #tpu.memory_space<hbm>> -> memref<2x64xi32, #tpu.memory_space<hbm>>
      tpu.enqueue_dma source(%dma_start3A_1311 : memref<2x64xi32, #tpu.memory_space<hbm>>) target(%dma_start3A_1307 : memref<2x64xi32, #tpu.memory_space<vmem>>) target_semaphore(%arg9 : memref<!tpu.dma_semaphore, #tpu.memory_space<semaphore_mem>>)
      %dma_wait3A_1312 = arith.constant 0 : i32
      %dma_wait3A_1313 = arith.constant 5 : i32
      %dma_wait3A_1314 = arith.constant 0 : i32
      %dma_wait3A_1315 = arith.constant 0 : i32
      %dma_wait3A_1316 = tpu.memref_slice %arg6[%dma_wait3A_1313, %dma_wait3A_1314, %dma_wait3A_1315] : memref<8x2x64xi32, #tpu.memory_space<vmem>> -> memref<1x2x64xi32, #tpu.memory_space<vmem>>
      %dma_wait3A_1317 = tpu.memref_squeeze %dma_wait3A_1316 : memref<1x2x64xi32, #tpu.memory_space<vmem>> -> memref<2x64xi32, #tpu.memory_space<vmem>>
      %dma_wait3A_1318 = arith.constant 0 : i32
      %dma_wait3A_1319 = arith.constant 0 : i32
      %dma_wait3A_1320 = tpu.memref_slice %arg3[%add3A, %dma_wait3A_1312, %dma_wait3A_1318, %dma_wait3A_1319] : memref<32x168x2x64xi32, #tpu.memory_space<hbm>> -> memref<1x1x2x64xi32, #tpu.memory_space<hbm>>
      %dma_wait3A_1321 = tpu.memref_squeeze %dma_wait3A_1320 : memref<1x1x2x64xi32, #tpu.memory_space<hbm>> -> memref<2x64xi32, #tpu.memory_space<hbm>>
      %dma_wait3A_1322 = arith.constant 0 : i32
      %dma_wait3A_1323 = arith.constant 0 : i32
      %dma_wait3A_1324 = tpu.memref_slice %arg6[%dma_wait3A_1313, %dma_wait3A_1322, %dma_wait3A_1323] : memref<8x2x64xi32, #tpu.memory_space<vmem>> -> memref<1x2x64xi32, #tpu.memory_space<vmem>>
      %dma_wait3A_1325 = tpu.memref_squeeze %dma_wait3A_1324 : memref<1x2x64xi32, #tpu.memory_space<vmem>> -> memref<2x64xi32, #tpu.memory_space<vmem>>
      %dma_wait3A_1326 = arith.constant 0 : i32
      %dma_wait3A_1327 = arith.constant 0 : i32
      %dma_wait3A_1328 = tpu.memref_slice %arg3[%add3A, %dma_wait3A_1312, %dma_wait3A_1326, %dma_wait3A_1327] : memref<32x168x2x64xi32, #tpu.memory_space<hbm>> -> memref<1x1x2x64xi32, #tpu.memory_space<hbm>>
      %dma_wait3A_1329 = tpu.memref_squeeze %dma_wait3A_1328 : memref<1x1x2x64xi32, #tpu.memory_space<hbm>> -> memref<2x64xi32, #tpu.memory_space<hbm>>
      tpu.wait_dma2 semaphore(%arg14 : memref<!tpu.dma_semaphore, #tpu.memory_space<semaphore_mem>>) src(%dma_wait3A_1329 : memref<2x64xi32, #tpu.memory_space<hbm>>) dst(%dma_wait3A_1325 : memref<2x64xi32, #tpu.memory_space<vmem>>)
      %dma_start3A_1330 = arith.constant 5 : i32
      %dma_start3A_1331 = arith.constant 0 : i32
      %dma_start3A_1332 = arith.constant 1 : i32
      %dma_start3A_1333 = arith.constant 0 : i32
      %dma_start3A_1334 = arith.constant 0 : i32
      %dma_start3A_1335 = tpu.memref_slice %arg7[%dma_start3A_1332, %dma_start3A_1333, %dma_start3A_1334] : memref<4x64x128xf32, #tpu.memory_space<vmem>> -> memref<1x64x128xf32, #tpu.memory_space<vmem>>
      %dma_start3A_1336 = tpu.memref_squeeze %dma_start3A_1335 : memref<1x64x128xf32, #tpu.memory_space<vmem>> -> memref<64x128xf32, #tpu.memory_space<vmem>>
      %dma_start3A_1337 = arith.constant 0 : i32
      %dma_start3A_1338 = tpu.memref_slice %arg6[%dma_start3A_1330, %dma_start3A_1331, %dma_start3A_1337] : memref<8x2x64xi32, #tpu.memory_space<vmem>> -> memref<1x1x64xi32, #tpu.memory_space<vmem>>
      %dma_start3A_1339 = tpu.memref_squeeze %dma_start3A_1338 : memref<1x1x64xi32, #tpu.memory_space<vmem>> -> memref<64xi32, #tpu.memory_space<vmem>>
      %dma_start3A_1340 = arith.constant 0 : i32
      %dma_start3A_1341 = arith.constant 0 : i32
      %dma_start3A_1342 = tpu.memref_slice %arg2[%dma_start3A_1340, %dma_start3A_1341] : memref<10000x128xf32, #tpu.memory_space<hbm>> -> memref<10000x128xf32, #tpu.memory_space<hbm>>
      tpu.enqueue_indirect_dma source(%dma_start3A_1342 : memref<10000x128xf32, #tpu.memory_space<hbm>>) target(%dma_start3A_1336 : memref<64x128xf32, #tpu.memory_space<vmem>>) offsets(%dma_start3A_1339 : memref<64xi32, #tpu.memory_space<vmem>>) semaphore(%arg18 : memref<!tpu.dma_semaphore, #tpu.memory_space<semaphore_mem>>)
      %dma_wait3A_1343 = arith.constant 3 : i32
      %dma_wait3A_1344 = arith.constant 0 : i32
      %dma_wait3A_1345 = arith.constant 3 : i32
      %dma_wait3A_1346 = arith.constant 0 : i32
      %dma_wait3A_1347 = arith.constant 0 : i32
      %dma_wait3A_1348 = tpu.memref_slice %arg7[%dma_wait3A_1345, %dma_wait3A_1346, %dma_wait3A_1347] : memref<4x64x128xf32, #tpu.memory_space<vmem>> -> memref<1x64x128xf32, #tpu.memory_space<vmem>>
      %dma_wait3A_1349 = tpu.memref_squeeze %dma_wait3A_1348 : memref<1x64x128xf32, #tpu.memory_space<vmem>> -> memref<64x128xf32, #tpu.memory_space<vmem>>
      %dma_wait3A_1350 = arith.constant 0 : i32
      %dma_wait3A_1351 = tpu.memref_slice %arg6[%dma_wait3A_1343, %dma_wait3A_1344, %dma_wait3A_1350] : memref<8x2x64xi32, #tpu.memory_space<vmem>> -> memref<1x1x64xi32, #tpu.memory_space<vmem>>
      %dma_wait3A_1352 = tpu.memref_squeeze %dma_wait3A_1351 : memref<1x1x64xi32, #tpu.memory_space<vmem>> -> memref<64xi32, #tpu.memory_space<vmem>>
      %dma_wait3A_1353 = arith.constant 0 : i32
      %dma_wait3A_1354 = arith.constant 0 : i32
      %dma_wait3A_1355 = tpu.memref_slice %arg2[%dma_wait3A_1353, %dma_wait3A_1354] : memref<10000x128xf32, #tpu.memory_space<hbm>> -> memref<10000x128xf32, #tpu.memory_space<hbm>>
      tpu.wait_indirect_dma semaphore(%arg20 : memref<!tpu.dma_semaphore, #tpu.memory_space<semaphore_mem>>) src(%dma_wait3A_1355 : memref<10000x128xf32, #tpu.memory_space<hbm>>) dst(%dma_wait3A_1349 : memref<64x128xf32, #tpu.memory_space<vmem>>)
      %dma_start3A_1356 = arith.constant 3 : i32
      %dma_start3A_1357 = arith.constant 3 : i32
      %dma_start3A_1358 = arith.constant 1 : i32
      %dma_start3A_1359 = arith.constant 0 : i32
      %dma_start3A_1360 = arith.constant 0 : i32
      %dma_start3A_1361 = tpu.memref_slice %arg7[%dma_start3A_1356, %dma_start3A_1359, %dma_start3A_1360] : memref<4x64x128xf32, #tpu.memory_space<vmem>> -> memref<1x64x128xf32, #tpu.memory_space<vmem>>
      %dma_start3A_1362 = tpu.memref_squeeze %dma_start3A_1361 : memref<1x64x128xf32, #tpu.memory_space<vmem>> -> memref<64x128xf32, #tpu.memory_space<vmem>>
      %dma_start3A_1363 = arith.constant 0 : i32
      %dma_start3A_1364 = tpu.memref_slice %arg6[%dma_start3A_1357, %dma_start3A_1358, %dma_start3A_1363] : memref<8x2x64xi32, #tpu.memory_space<vmem>> -> memref<1x1x64xi32, #tpu.memory_space<vmem>>
      %dma_start3A_1365 = tpu.memref_squeeze %dma_start3A_1364 : memref<1x1x64xi32, #tpu.memory_space<vmem>> -> memref<64xi32, #tpu.memory_space<vmem>>
      %dma_start3A_1366 = arith.constant 0 : i32
      %dma_start3A_1367 = arith.constant 0 : i32
      %dma_start3A_1368 = tpu.memref_slice %arg8[%dma_start3A_1366, %dma_start3A_1367] : memref<10112x128xf32, #tpu.memory_space<vmem_shared>> -> memref<10112x128xf32, #tpu.memory_space<vmem_shared>>
      tpu.enqueue_indirect_dma source(%dma_start3A_1362 : memref<64x128xf32, #tpu.memory_space<vmem>>) target(%dma_start3A_1368 : memref<10112x128xf32, #tpu.memory_space<vmem_shared>>) offsets(%dma_start3A_1365 : memref<64xi32, #tpu.memory_space<vmem>>) semaphore(%arg24 : memref<!tpu.dma_semaphore, #tpu.memory_space<semaphore_mem>>) {add = true}
      %add3A_1369 = arith.constant 6 : i32
      %add3A_1370 = arith.addi %add3A_822, %add3A_1369 : i32
      %dma_wait3A_1371 = arith.constant 2 : i32
      %dma_wait3A_1372 = arith.constant 6 : i32
      %dma_wait3A_1373 = arith.constant 1 : i32
      %dma_wait3A_1374 = arith.constant 0 : i32
      %dma_wait3A_1375 = arith.constant 0 : i32
      %dma_wait3A_1376 = tpu.memref_slice %arg7[%dma_wait3A_1371, %dma_wait3A_1374, %dma_wait3A_1375] : memref<4x64x128xf32, #tpu.memory_space<vmem>> -> memref<1x64x128xf32, #tpu.memory_space<vmem>>
      %dma_wait3A_1377 = tpu.memref_squeeze %dma_wait3A_1376 : memref<1x64x128xf32, #tpu.memory_space<vmem>> -> memref<64x128xf32, #tpu.memory_space<vmem>>
      %dma_wait3A_1378 = arith.constant 0 : i32
      %dma_wait3A_1379 = tpu.memref_slice %arg6[%dma_wait3A_1372, %dma_wait3A_1373, %dma_wait3A_1378] : memref<8x2x64xi32, #tpu.memory_space<vmem>> -> memref<1x1x64xi32, #tpu.memory_space<vmem>>
      %dma_wait3A_1380 = tpu.memref_squeeze %dma_wait3A_1379 : memref<1x1x64xi32, #tpu.memory_space<vmem>> -> memref<64xi32, #tpu.memory_space<vmem>>
      %dma_wait3A_1381 = arith.constant 0 : i32
      %dma_wait3A_1382 = arith.constant 0 : i32
      %dma_wait3A_1383 = tpu.memref_slice %arg8[%dma_wait3A_1381, %dma_wait3A_1382] : memref<10112x128xf32, #tpu.memory_space<vmem_shared>> -> memref<10112x128xf32, #tpu.memory_space<vmem_shared>>
      tpu.wait_indirect_dma semaphore(%arg23 : memref<!tpu.dma_semaphore, #tpu.memory_space<semaphore_mem>>) src(%dma_wait3A_1377 : memref<64x128xf32, #tpu.memory_space<vmem>>) dst(%dma_wait3A_1383 : memref<10112x128xf32, #tpu.memory_space<vmem_shared>>)
      %add3A_1384 = arith.constant 3 : i32
      %add3A_1385 = arith.addi %add3A_1370, %add3A_1384 : i32
      %dma_start3A_1386 = arith.constant 1 : i32
      %dma_start3A_1387 = arith.constant 0 : i32
      %dma_start3A_1388 = arith.constant 0 : i32
      %dma_start3A_1389 = tpu.memref_slice %arg6[%dma_start3A_1386, %dma_start3A_1387, %dma_start3A_1388] : memref<8x2x64xi32, #tpu.memory_space<vmem>> -> memref<1x2x64xi32, #tpu.memory_space<vmem>>
      %dma_start3A_1390 = tpu.memref_squeeze %dma_start3A_1389 : memref<1x2x64xi32, #tpu.memory_space<vmem>> -> memref<2x64xi32, #tpu.memory_space<vmem>>
      %dma_start3A_1391 = arith.constant 0 : i32
      %dma_start3A_1392 = arith.constant 0 : i32
      %dma_start3A_1393 = tpu.memref_slice %arg3[%add3A, %add3A_1385, %dma_start3A_1391, %dma_start3A_1392] : memref<32x168x2x64xi32, #tpu.memory_space<hbm>> -> memref<1x1x2x64xi32, #tpu.memory_space<hbm>>
      %dma_start3A_1394 = tpu.memref_squeeze %dma_start3A_1393 : memref<1x1x2x64xi32, #tpu.memory_space<hbm>> -> memref<2x64xi32, #tpu.memory_space<hbm>>
      %dma_start3A_1395 = arith.constant 0 : i32
      %dma_start3A_1396 = arith.constant 0 : i32
      %dma_start3A_1397 = tpu.memref_slice %arg6[%dma_start3A_1386, %dma_start3A_1395, %dma_start3A_1396] : memref<8x2x64xi32, #tpu.memory_space<vmem>> -> memref<1x2x64xi32, #tpu.memory_space<vmem>>
      %dma_start3A_1398 = tpu.memref_squeeze %dma_start3A_1397 : memref<1x2x64xi32, #tpu.memory_space<vmem>> -> memref<2x64xi32, #tpu.memory_space<vmem>>
      %dma_start3A_1399 = arith.constant 0 : i32
      %dma_start3A_1400 = arith.constant 0 : i32
      %dma_start3A_1401 = tpu.memref_slice %arg3[%add3A, %add3A_1385, %dma_start3A_1399, %dma_start3A_1400] : memref<32x168x2x64xi32, #tpu.memory_space<hbm>> -> memref<1x1x2x64xi32, #tpu.memory_space<hbm>>
      %dma_start3A_1402 = tpu.memref_squeeze %dma_start3A_1401 : memref<1x1x2x64xi32, #tpu.memory_space<hbm>> -> memref<2x64xi32, #tpu.memory_space<hbm>>
      tpu.enqueue_dma source(%dma_start3A_1402 : memref<2x64xi32, #tpu.memory_space<hbm>>) target(%dma_start3A_1398 : memref<2x64xi32, #tpu.memory_space<vmem>>) target_semaphore(%arg10 : memref<!tpu.dma_semaphore, #tpu.memory_space<semaphore_mem>>)
      %dma_wait3A_1403 = arith.constant 0 : i32
      %dma_wait3A_1404 = arith.constant 6 : i32
      %dma_wait3A_1405 = arith.constant 0 : i32
      %dma_wait3A_1406 = arith.constant 0 : i32
      %dma_wait3A_1407 = tpu.memref_slice %arg6[%dma_wait3A_1404, %dma_wait3A_1405, %dma_wait3A_1406] : memref<8x2x64xi32, #tpu.memory_space<vmem>> -> memref<1x2x64xi32, #tpu.memory_space<vmem>>
      %dma_wait3A_1408 = tpu.memref_squeeze %dma_wait3A_1407 : memref<1x2x64xi32, #tpu.memory_space<vmem>> -> memref<2x64xi32, #tpu.memory_space<vmem>>
      %dma_wait3A_1409 = arith.constant 0 : i32
      %dma_wait3A_1410 = arith.constant 0 : i32
      %dma_wait3A_1411 = tpu.memref_slice %arg3[%add3A, %dma_wait3A_1403, %dma_wait3A_1409, %dma_wait3A_1410] : memref<32x168x2x64xi32, #tpu.memory_space<hbm>> -> memref<1x1x2x64xi32, #tpu.memory_space<hbm>>
      %dma_wait3A_1412 = tpu.memref_squeeze %dma_wait3A_1411 : memref<1x1x2x64xi32, #tpu.memory_space<hbm>> -> memref<2x64xi32, #tpu.memory_space<hbm>>
      %dma_wait3A_1413 = arith.constant 0 : i32
      %dma_wait3A_1414 = arith.constant 0 : i32
      %dma_wait3A_1415 = tpu.memref_slice %arg6[%dma_wait3A_1404, %dma_wait3A_1413, %dma_wait3A_1414] : memref<8x2x64xi32, #tpu.memory_space<vmem>> -> memref<1x2x64xi32, #tpu.memory_space<vmem>>
      %dma_wait3A_1416 = tpu.memref_squeeze %dma_wait3A_1415 : memref<1x2x64xi32, #tpu.memory_space<vmem>> -> memref<2x64xi32, #tpu.memory_space<vmem>>
      %dma_wait3A_1417 = arith.constant 0 : i32
      %dma_wait3A_1418 = arith.constant 0 : i32
      %dma_wait3A_1419 = tpu.memref_slice %arg3[%add3A, %dma_wait3A_1403, %dma_wait3A_1417, %dma_wait3A_1418] : memref<32x168x2x64xi32, #tpu.memory_space<hbm>> -> memref<1x1x2x64xi32, #tpu.memory_space<hbm>>
      %dma_wait3A_1420 = tpu.memref_squeeze %dma_wait3A_1419 : memref<1x1x2x64xi32, #tpu.memory_space<hbm>> -> memref<2x64xi32, #tpu.memory_space<hbm>>
      tpu.wait_dma2 semaphore(%arg15 : memref<!tpu.dma_semaphore, #tpu.memory_space<semaphore_mem>>) src(%dma_wait3A_1420 : memref<2x64xi32, #tpu.memory_space<hbm>>) dst(%dma_wait3A_1416 : memref<2x64xi32, #tpu.memory_space<vmem>>)
      %dma_start3A_1421 = arith.constant 6 : i32
      %dma_start3A_1422 = arith.constant 0 : i32
      %dma_start3A_1423 = arith.constant 2 : i32
      %dma_start3A_1424 = arith.constant 0 : i32
      %dma_start3A_1425 = arith.constant 0 : i32
      %dma_start3A_1426 = tpu.memref_slice %arg7[%dma_start3A_1423, %dma_start3A_1424, %dma_start3A_1425] : memref<4x64x128xf32, #tpu.memory_space<vmem>> -> memref<1x64x128xf32, #tpu.memory_space<vmem>>
      %dma_start3A_1427 = tpu.memref_squeeze %dma_start3A_1426 : memref<1x64x128xf32, #tpu.memory_space<vmem>> -> memref<64x128xf32, #tpu.memory_space<vmem>>
      %dma_start3A_1428 = arith.constant 0 : i32
      %dma_start3A_1429 = tpu.memref_slice %arg6[%dma_start3A_1421, %dma_start3A_1422, %dma_start3A_1428] : memref<8x2x64xi32, #tpu.memory_space<vmem>> -> memref<1x1x64xi32, #tpu.memory_space<vmem>>
      %dma_start3A_1430 = tpu.memref_squeeze %dma_start3A_1429 : memref<1x1x64xi32, #tpu.memory_space<vmem>> -> memref<64xi32, #tpu.memory_space<vmem>>
      %dma_start3A_1431 = arith.constant 0 : i32
      %dma_start3A_1432 = arith.constant 0 : i32
      %dma_start3A_1433 = tpu.memref_slice %arg2[%dma_start3A_1431, %dma_start3A_1432] : memref<10000x128xf32, #tpu.memory_space<hbm>> -> memref<10000x128xf32, #tpu.memory_space<hbm>>
      tpu.enqueue_indirect_dma source(%dma_start3A_1433 : memref<10000x128xf32, #tpu.memory_space<hbm>>) target(%dma_start3A_1427 : memref<64x128xf32, #tpu.memory_space<vmem>>) offsets(%dma_start3A_1430 : memref<64xi32, #tpu.memory_space<vmem>>) semaphore(%arg19 : memref<!tpu.dma_semaphore, #tpu.memory_space<semaphore_mem>>)
      %dma_wait3A_1434 = arith.constant 4 : i32
      %dma_wait3A_1435 = arith.constant 0 : i32
      %dma_wait3A_1436 = arith.constant 0 : i32
      %dma_wait3A_1437 = arith.constant 0 : i32
      %dma_wait3A_1438 = arith.constant 0 : i32
      %dma_wait3A_1439 = tpu.memref_slice %arg7[%dma_wait3A_1436, %dma_wait3A_1437, %dma_wait3A_1438] : memref<4x64x128xf32, #tpu.memory_space<vmem>> -> memref<1x64x128xf32, #tpu.memory_space<vmem>>
      %dma_wait3A_1440 = tpu.memref_squeeze %dma_wait3A_1439 : memref<1x64x128xf32, #tpu.memory_space<vmem>> -> memref<64x128xf32, #tpu.memory_space<vmem>>
      %dma_wait3A_1441 = arith.constant 0 : i32
      %dma_wait3A_1442 = tpu.memref_slice %arg6[%dma_wait3A_1434, %dma_wait3A_1435, %dma_wait3A_1441] : memref<8x2x64xi32, #tpu.memory_space<vmem>> -> memref<1x1x64xi32, #tpu.memory_space<vmem>>
      %dma_wait3A_1443 = tpu.memref_squeeze %dma_wait3A_1442 : memref<1x1x64xi32, #tpu.memory_space<vmem>> -> memref<64xi32, #tpu.memory_space<vmem>>
      %dma_wait3A_1444 = arith.constant 0 : i32
      %dma_wait3A_1445 = arith.constant 0 : i32
      %dma_wait3A_1446 = tpu.memref_slice %arg2[%dma_wait3A_1444, %dma_wait3A_1445] : memref<10000x128xf32, #tpu.memory_space<hbm>> -> memref<10000x128xf32, #tpu.memory_space<hbm>>
      tpu.wait_indirect_dma semaphore(%arg17 : memref<!tpu.dma_semaphore, #tpu.memory_space<semaphore_mem>>) src(%dma_wait3A_1446 : memref<10000x128xf32, #tpu.memory_space<hbm>>) dst(%dma_wait3A_1440 : memref<64x128xf32, #tpu.memory_space<vmem>>)
      %dma_start3A_1447 = arith.constant 0 : i32
      %dma_start3A_1448 = arith.constant 4 : i32
      %dma_start3A_1449 = arith.constant 1 : i32
      %dma_start3A_1450 = arith.constant 0 : i32
      %dma_start3A_1451 = arith.constant 0 : i32
      %dma_start3A_1452 = tpu.memref_slice %arg7[%dma_start3A_1447, %dma_start3A_1450, %dma_start3A_1451] : memref<4x64x128xf32, #tpu.memory_space<vmem>> -> memref<1x64x128xf32, #tpu.memory_space<vmem>>
      %dma_start3A_1453 = tpu.memref_squeeze %dma_start3A_1452 : memref<1x64x128xf32, #tpu.memory_space<vmem>> -> memref<64x128xf32, #tpu.memory_space<vmem>>
      %dma_start3A_1454 = arith.constant 0 : i32
      %dma_start3A_1455 = tpu.memref_slice %arg6[%dma_start3A_1448, %dma_start3A_1449, %dma_start3A_1454] : memref<8x2x64xi32, #tpu.memory_space<vmem>> -> memref<1x1x64xi32, #tpu.memory_space<vmem>>
      %dma_start3A_1456 = tpu.memref_squeeze %dma_start3A_1455 : memref<1x1x64xi32, #tpu.memory_space<vmem>> -> memref<64xi32, #tpu.memory_space<vmem>>
      %dma_start3A_1457 = arith.constant 0 : i32
      %dma_start3A_1458 = arith.constant 0 : i32
      %dma_start3A_1459 = tpu.memref_slice %arg8[%dma_start3A_1457, %dma_start3A_1458] : memref<10112x128xf32, #tpu.memory_space<vmem_shared>> -> memref<10112x128xf32, #tpu.memory_space<vmem_shared>>
      tpu.enqueue_indirect_dma source(%dma_start3A_1453 : memref<64x128xf32, #tpu.memory_space<vmem>>) target(%dma_start3A_1459 : memref<10112x128xf32, #tpu.memory_space<vmem_shared>>) offsets(%dma_start3A_1456 : memref<64xi32, #tpu.memory_space<vmem>>) semaphore(%arg21 : memref<!tpu.dma_semaphore, #tpu.memory_space<semaphore_mem>>) {add = true}
      %add3A_1460 = arith.constant 7 : i32
      %add3A_1461 = arith.addi %add3A_822, %add3A_1460 : i32
      %dma_wait3A_1462 = arith.constant 3 : i32
      %dma_wait3A_1463 = arith.constant 7 : i32
      %dma_wait3A_1464 = arith.constant 1 : i32
      %dma_wait3A_1465 = arith.constant 0 : i32
      %dma_wait3A_1466 = arith.constant 0 : i32
      %dma_wait3A_1467 = tpu.memref_slice %arg7[%dma_wait3A_1462, %dma_wait3A_1465, %dma_wait3A_1466] : memref<4x64x128xf32, #tpu.memory_space<vmem>> -> memref<1x64x128xf32, #tpu.memory_space<vmem>>
      %dma_wait3A_1468 = tpu.memref_squeeze %dma_wait3A_1467 : memref<1x64x128xf32, #tpu.memory_space<vmem>> -> memref<64x128xf32, #tpu.memory_space<vmem>>
      %dma_wait3A_1469 = arith.constant 0 : i32
      %dma_wait3A_1470 = tpu.memref_slice %arg6[%dma_wait3A_1463, %dma_wait3A_1464, %dma_wait3A_1469] : memref<8x2x64xi32, #tpu.memory_space<vmem>> -> memref<1x1x64xi32, #tpu.memory_space<vmem>>
      %dma_wait3A_1471 = tpu.memref_squeeze %dma_wait3A_1470 : memref<1x1x64xi32, #tpu.memory_space<vmem>> -> memref<64xi32, #tpu.memory_space<vmem>>
      %dma_wait3A_1472 = arith.constant 0 : i32
      %dma_wait3A_1473 = arith.constant 0 : i32
      %dma_wait3A_1474 = tpu.memref_slice %arg8[%dma_wait3A_1472, %dma_wait3A_1473] : memref<10112x128xf32, #tpu.memory_space<vmem_shared>> -> memref<10112x128xf32, #tpu.memory_space<vmem_shared>>
      tpu.wait_indirect_dma semaphore(%arg24 : memref<!tpu.dma_semaphore, #tpu.memory_space<semaphore_mem>>) src(%dma_wait3A_1468 : memref<64x128xf32, #tpu.memory_space<vmem>>) dst(%dma_wait3A_1474 : memref<10112x128xf32, #tpu.memory_space<vmem_shared>>)
      %add3A_1475 = arith.constant 3 : i32
      %add3A_1476 = arith.addi %add3A_1461, %add3A_1475 : i32
      %dma_start3A_1477 = arith.constant 2 : i32
      %dma_start3A_1478 = arith.constant 0 : i32
      %dma_start3A_1479 = arith.constant 0 : i32
      %dma_start3A_1480 = tpu.memref_slice %arg6[%dma_start3A_1477, %dma_start3A_1478, %dma_start3A_1479] : memref<8x2x64xi32, #tpu.memory_space<vmem>> -> memref<1x2x64xi32, #tpu.memory_space<vmem>>
      %dma_start3A_1481 = tpu.memref_squeeze %dma_start3A_1480 : memref<1x2x64xi32, #tpu.memory_space<vmem>> -> memref<2x64xi32, #tpu.memory_space<vmem>>
      %dma_start3A_1482 = arith.constant 0 : i32
      %dma_start3A_1483 = arith.constant 0 : i32
      %dma_start3A_1484 = tpu.memref_slice %arg3[%add3A, %add3A_1476, %dma_start3A_1482, %dma_start3A_1483] : memref<32x168x2x64xi32, #tpu.memory_space<hbm>> -> memref<1x1x2x64xi32, #tpu.memory_space<hbm>>
      %dma_start3A_1485 = tpu.memref_squeeze %dma_start3A_1484 : memref<1x1x2x64xi32, #tpu.memory_space<hbm>> -> memref<2x64xi32, #tpu.memory_space<hbm>>
      %dma_start3A_1486 = arith.constant 0 : i32
      %dma_start3A_1487 = arith.constant 0 : i32
      %dma_start3A_1488 = tpu.memref_slice %arg6[%dma_start3A_1477, %dma_start3A_1486, %dma_start3A_1487] : memref<8x2x64xi32, #tpu.memory_space<vmem>> -> memref<1x2x64xi32, #tpu.memory_space<vmem>>
      %dma_start3A_1489 = tpu.memref_squeeze %dma_start3A_1488 : memref<1x2x64xi32, #tpu.memory_space<vmem>> -> memref<2x64xi32, #tpu.memory_space<vmem>>
      %dma_start3A_1490 = arith.constant 0 : i32
      %dma_start3A_1491 = arith.constant 0 : i32
      %dma_start3A_1492 = tpu.memref_slice %arg3[%add3A, %add3A_1476, %dma_start3A_1490, %dma_start3A_1491] : memref<32x168x2x64xi32, #tpu.memory_space<hbm>> -> memref<1x1x2x64xi32, #tpu.memory_space<hbm>>
      %dma_start3A_1493 = tpu.memref_squeeze %dma_start3A_1492 : memref<1x1x2x64xi32, #tpu.memory_space<hbm>> -> memref<2x64xi32, #tpu.memory_space<hbm>>
      tpu.enqueue_dma source(%dma_start3A_1493 : memref<2x64xi32, #tpu.memory_space<hbm>>) target(%dma_start3A_1489 : memref<2x64xi32, #tpu.memory_space<vmem>>) target_semaphore(%arg11 : memref<!tpu.dma_semaphore, #tpu.memory_space<semaphore_mem>>)
      %dma_wait3A_1494 = arith.constant 0 : i32
      %dma_wait3A_1495 = arith.constant 7 : i32
      %dma_wait3A_1496 = arith.constant 0 : i32
      %dma_wait3A_1497 = arith.constant 0 : i32
      %dma_wait3A_1498 = tpu.memref_slice %arg6[%dma_wait3A_1495, %dma_wait3A_1496, %dma_wait3A_1497] : memref<8x2x64xi32, #tpu.memory_space<vmem>> -> memref<1x2x64xi32, #tpu.memory_space<vmem>>
      %dma_wait3A_1499 = tpu.memref_squeeze %dma_wait3A_1498 : memref<1x2x64xi32, #tpu.memory_space<vmem>> -> memref<2x64xi32, #tpu.memory_space<vmem>>
      %dma_wait3A_1500 = arith.constant 0 : i32
      %dma_wait3A_1501 = arith.constant 0 : i32
      %dma_wait3A_1502 = tpu.memref_slice %arg3[%add3A, %dma_wait3A_1494, %dma_wait3A_1500, %dma_wait3A_1501] : memref<32x168x2x64xi32, #tpu.memory_space<hbm>> -> memref<1x1x2x64xi32, #tpu.memory_space<hbm>>
      %dma_wait3A_1503 = tpu.memref_squeeze %dma_wait3A_1502 : memref<1x1x2x64xi32, #tpu.memory_space<hbm>> -> memref<2x64xi32, #tpu.memory_space<hbm>>
      %dma_wait3A_1504 = arith.constant 0 : i32
      %dma_wait3A_1505 = arith.constant 0 : i32
      %dma_wait3A_1506 = tpu.memref_slice %arg6[%dma_wait3A_1495, %dma_wait3A_1504, %dma_wait3A_1505] : memref<8x2x64xi32, #tpu.memory_space<vmem>> -> memref<1x2x64xi32, #tpu.memory_space<vmem>>
      %dma_wait3A_1507 = tpu.memref_squeeze %dma_wait3A_1506 : memref<1x2x64xi32, #tpu.memory_space<vmem>> -> memref<2x64xi32, #tpu.memory_space<vmem>>
      %dma_wait3A_1508 = arith.constant 0 : i32
      %dma_wait3A_1509 = arith.constant 0 : i32
      %dma_wait3A_1510 = tpu.memref_slice %arg3[%add3A, %dma_wait3A_1494, %dma_wait3A_1508, %dma_wait3A_1509] : memref<32x168x2x64xi32, #tpu.memory_space<hbm>> -> memref<1x1x2x64xi32, #tpu.memory_space<hbm>>
      %dma_wait3A_1511 = tpu.memref_squeeze %dma_wait3A_1510 : memref<1x1x2x64xi32, #tpu.memory_space<hbm>> -> memref<2x64xi32, #tpu.memory_space<hbm>>
      tpu.wait_dma2 semaphore(%arg16 : memref<!tpu.dma_semaphore, #tpu.memory_space<semaphore_mem>>) src(%dma_wait3A_1511 : memref<2x64xi32, #tpu.memory_space<hbm>>) dst(%dma_wait3A_1507 : memref<2x64xi32, #tpu.memory_space<vmem>>)
      %dma_start3A_1512 = arith.constant 7 : i32
      %dma_start3A_1513 = arith.constant 0 : i32
      %dma_start3A_1514 = arith.constant 3 : i32
      %dma_start3A_1515 = arith.constant 0 : i32
      %dma_start3A_1516 = arith.constant 0 : i32
      %dma_start3A_1517 = tpu.memref_slice %arg7[%dma_start3A_1514, %dma_start3A_1515, %dma_start3A_1516] : memref<4x64x128xf32, #tpu.memory_space<vmem>> -> memref<1x64x128xf32, #tpu.memory_space<vmem>>
      %dma_start3A_1518 = tpu.memref_squeeze %dma_start3A_1517 : memref<1x64x128xf32, #tpu.memory_space<vmem>> -> memref<64x128xf32, #tpu.memory_space<vmem>>
      %dma_start3A_1519 = arith.constant 0 : i32
      %dma_start3A_1520 = tpu.memref_slice %arg6[%dma_start3A_1512, %dma_start3A_1513, %dma_start3A_1519] : memref<8x2x64xi32, #tpu.memory_space<vmem>> -> memref<1x1x64xi32, #tpu.memory_space<vmem>>
      %dma_start3A_1521 = tpu.memref_squeeze %dma_start3A_1520 : memref<1x1x64xi32, #tpu.memory_space<vmem>> -> memref<64xi32, #tpu.memory_space<vmem>>
      %dma_start3A_1522 = arith.constant 0 : i32
      %dma_start3A_1523 = arith.constant 0 : i32
      %dma_start3A_1524 = tpu.memref_slice %arg2[%dma_start3A_1522, %dma_start3A_1523] : memref<10000x128xf32, #tpu.memory_space<hbm>> -> memref<10000x128xf32, #tpu.memory_space<hbm>>
      tpu.enqueue_indirect_dma source(%dma_start3A_1524 : memref<10000x128xf32, #tpu.memory_space<hbm>>) target(%dma_start3A_1518 : memref<64x128xf32, #tpu.memory_space<vmem>>) offsets(%dma_start3A_1521 : memref<64xi32, #tpu.memory_space<vmem>>) semaphore(%arg20 : memref<!tpu.dma_semaphore, #tpu.memory_space<semaphore_mem>>)
      %dma_wait3A_1525 = arith.constant 5 : i32
      %dma_wait3A_1526 = arith.constant 0 : i32
      %dma_wait3A_1527 = arith.constant 1 : i32
      %dma_wait3A_1528 = arith.constant 0 : i32
      %dma_wait3A_1529 = arith.constant 0 : i32
      %dma_wait3A_1530 = tpu.memref_slice %arg7[%dma_wait3A_1527, %dma_wait3A_1528, %dma_wait3A_1529] : memref<4x64x128xf32, #tpu.memory_space<vmem>> -> memref<1x64x128xf32, #tpu.memory_space<vmem>>
      %dma_wait3A_1531 = tpu.memref_squeeze %dma_wait3A_1530 : memref<1x64x128xf32, #tpu.memory_space<vmem>> -> memref<64x128xf32, #tpu.memory_space<vmem>>
      %dma_wait3A_1532 = arith.constant 0 : i32
      %dma_wait3A_1533 = tpu.memref_slice %arg6[%dma_wait3A_1525, %dma_wait3A_1526, %dma_wait3A_1532] : memref<8x2x64xi32, #tpu.memory_space<vmem>> -> memref<1x1x64xi32, #tpu.memory_space<vmem>>
      %dma_wait3A_1534 = tpu.memref_squeeze %dma_wait3A_1533 : memref<1x1x64xi32, #tpu.memory_space<vmem>> -> memref<64xi32, #tpu.memory_space<vmem>>
      %dma_wait3A_1535 = arith.constant 0 : i32
      %dma_wait3A_1536 = arith.constant 0 : i32
      %dma_wait3A_1537 = tpu.memref_slice %arg2[%dma_wait3A_1535, %dma_wait3A_1536] : memref<10000x128xf32, #tpu.memory_space<hbm>> -> memref<10000x128xf32, #tpu.memory_space<hbm>>
      tpu.wait_indirect_dma semaphore(%arg18 : memref<!tpu.dma_semaphore, #tpu.memory_space<semaphore_mem>>) src(%dma_wait3A_1537 : memref<10000x128xf32, #tpu.memory_space<hbm>>) dst(%dma_wait3A_1531 : memref<64x128xf32, #tpu.memory_space<vmem>>)
      %dma_start3A_1538 = arith.constant 1 : i32
      %dma_start3A_1539 = arith.constant 5 : i32
      %dma_start3A_1540 = arith.constant 1 : i32
      %dma_start3A_1541 = arith.constant 0 : i32
      %dma_start3A_1542 = arith.constant 0 : i32
      %dma_start3A_1543 = tpu.memref_slice %arg7[%dma_start3A_1538, %dma_start3A_1541, %dma_start3A_1542] : memref<4x64x128xf32, #tpu.memory_space<vmem>> -> memref<1x64x128xf32, #tpu.memory_space<vmem>>
      %dma_start3A_1544 = tpu.memref_squeeze %dma_start3A_1543 : memref<1x64x128xf32, #tpu.memory_space<vmem>> -> memref<64x128xf32, #tpu.memory_space<vmem>>
      %dma_start3A_1545 = arith.constant 0 : i32
      %dma_start3A_1546 = tpu.memref_slice %arg6[%dma_start3A_1539, %dma_start3A_1540, %dma_start3A_1545] : memref<8x2x64xi32, #tpu.memory_space<vmem>> -> memref<1x1x64xi32, #tpu.memory_space<vmem>>
      %dma_start3A_1547 = tpu.memref_squeeze %dma_start3A_1546 : memref<1x1x64xi32, #tpu.memory_space<vmem>> -> memref<64xi32, #tpu.memory_space<vmem>>
      %dma_start3A_1548 = arith.constant 0 : i32
      %dma_start3A_1549 = arith.constant 0 : i32
      %dma_start3A_1550 = tpu.memref_slice %arg8[%dma_start3A_1548, %dma_start3A_1549] : memref<10112x128xf32, #tpu.memory_space<vmem_shared>> -> memref<10112x128xf32, #tpu.memory_space<vmem_shared>>
      tpu.enqueue_indirect_dma source(%dma_start3A_1544 : memref<64x128xf32, #tpu.memory_space<vmem>>) target(%dma_start3A_1550 : memref<10112x128xf32, #tpu.memory_space<vmem_shared>>) offsets(%dma_start3A_1547 : memref<64xi32, #tpu.memory_space<vmem>>) semaphore(%arg22 : memref<!tpu.dma_semaphore, #tpu.memory_space<semaphore_mem>>) {add = true}
    }
    %scan3A_658 = arith.constant 19 : i32
    %dma_wait3A_659 = arith.constant 6 : i32
    %dma_wait3A_660 = arith.constant 0 : i32
    %dma_wait3A_661 = arith.constant 2 : i32
    %dma_wait3A_662 = arith.constant 0 : i32
    %dma_wait3A_663 = arith.constant 0 : i32
    %dma_wait3A_664 = tpu.memref_slice %arg7[%dma_wait3A_661, %dma_wait3A_662, %dma_wait3A_663] : memref<4x64x128xf32, #tpu.memory_space<vmem>> -> memref<1x64x128xf32, #tpu.memory_space<vmem>>
    %dma_wait3A_665 = tpu.memref_squeeze %dma_wait3A_664 : memref<1x64x128xf32, #tpu.memory_space<vmem>> -> memref<64x128xf32, #tpu.memory_space<vmem>>
    %dma_wait3A_666 = arith.constant 0 : i32
    %dma_wait3A_667 = tpu.memref_slice %arg6[%dma_wait3A_659, %dma_wait3A_660, %dma_wait3A_666] : memref<8x2x64xi32, #tpu.memory_space<vmem>> -> memref<1x1x64xi32, #tpu.memory_space<vmem>>
    %dma_wait3A_668 = tpu.memref_squeeze %dma_wait3A_667 : memref<1x1x64xi32, #tpu.memory_space<vmem>> -> memref<64xi32, #tpu.memory_space<vmem>>
    %dma_wait3A_669 = arith.constant 0 : i32
    %dma_wait3A_670 = arith.constant 0 : i32
    %dma_wait3A_671 = tpu.memref_slice %arg2[%dma_wait3A_669, %dma_wait3A_670] : memref<10000x128xf32, #tpu.memory_space<hbm>> -> memref<10000x128xf32, #tpu.memory_space<hbm>>
    tpu.wait_indirect_dma semaphore(%arg19 : memref<!tpu.dma_semaphore, #tpu.memory_space<semaphore_mem>>) src(%dma_wait3A_671 : memref<10000x128xf32, #tpu.memory_space<hbm>>) dst(%dma_wait3A_665 : memref<64x128xf32, #tpu.memory_space<vmem>>)
    %dma_start3A_672 = arith.constant 2 : i32
    %dma_start3A_673 = arith.constant 6 : i32
    %dma_start3A_674 = arith.constant 1 : i32
    %dma_start3A_675 = arith.constant 0 : i32
    %dma_start3A_676 = arith.constant 0 : i32
    %dma_start3A_677 = tpu.memref_slice %arg7[%dma_start3A_672, %dma_start3A_675, %dma_start3A_676] : memref<4x64x128xf32, #tpu.memory_space<vmem>> -> memref<1x64x128xf32, #tpu.memory_space<vmem>>
    %dma_start3A_678 = tpu.memref_squeeze %dma_start3A_677 : memref<1x64x128xf32, #tpu.memory_space<vmem>> -> memref<64x128xf32, #tpu.memory_space<vmem>>
    %dma_start3A_679 = arith.constant 0 : i32
    %dma_start3A_680 = tpu.memref_slice %arg6[%dma_start3A_673, %dma_start3A_674, %dma_start3A_679] : memref<8x2x64xi32, #tpu.memory_space<vmem>> -> memref<1x1x64xi32, #tpu.memory_space<vmem>>
    %dma_start3A_681 = tpu.memref_squeeze %dma_start3A_680 : memref<1x1x64xi32, #tpu.memory_space<vmem>> -> memref<64xi32, #tpu.memory_space<vmem>>
    %dma_start3A_682 = arith.constant 0 : i32
    %dma_start3A_683 = arith.constant 0 : i32
    %dma_start3A_684 = tpu.memref_slice %arg8[%dma_start3A_682, %dma_start3A_683] : memref<10112x128xf32, #tpu.memory_space<vmem_shared>> -> memref<10112x128xf32, #tpu.memory_space<vmem_shared>>
    tpu.enqueue_indirect_dma source(%dma_start3A_678 : memref<64x128xf32, #tpu.memory_space<vmem>>) target(%dma_start3A_684 : memref<10112x128xf32, #tpu.memory_space<vmem_shared>>) offsets(%dma_start3A_681 : memref<64xi32, #tpu.memory_space<vmem>>) semaphore(%arg23 : memref<!tpu.dma_semaphore, #tpu.memory_space<semaphore_mem>>) {add = true}
    %dma_wait3A_685 = arith.constant 7 : i32
    %dma_wait3A_686 = arith.constant 0 : i32
    %dma_wait3A_687 = arith.constant 3 : i32
    %dma_wait3A_688 = arith.constant 0 : i32
    %dma_wait3A_689 = arith.constant 0 : i32
    %dma_wait3A_690 = tpu.memref_slice %arg7[%dma_wait3A_687, %dma_wait3A_688, %dma_wait3A_689] : memref<4x64x128xf32, #tpu.memory_space<vmem>> -> memref<1x64x128xf32, #tpu.memory_space<vmem>>
    %dma_wait3A_691 = tpu.memref_squeeze %dma_wait3A_690 : memref<1x64x128xf32, #tpu.memory_space<vmem>> -> memref<64x128xf32, #tpu.memory_space<vmem>>
    %dma_wait3A_692 = arith.constant 0 : i32
    %dma_wait3A_693 = tpu.memref_slice %arg6[%dma_wait3A_685, %dma_wait3A_686, %dma_wait3A_692] : memref<8x2x64xi32, #tpu.memory_space<vmem>> -> memref<1x1x64xi32, #tpu.memory_space<vmem>>
    %dma_wait3A_694 = tpu.memref_squeeze %dma_wait3A_693 : memref<1x1x64xi32, #tpu.memory_space<vmem>> -> memref<64xi32, #tpu.memory_space<vmem>>
    %dma_wait3A_695 = arith.constant 0 : i32
    %dma_wait3A_696 = arith.constant 0 : i32
    %dma_wait3A_697 = tpu.memref_slice %arg2[%dma_wait3A_695, %dma_wait3A_696] : memref<10000x128xf32, #tpu.memory_space<hbm>> -> memref<10000x128xf32, #tpu.memory_space<hbm>>
    tpu.wait_indirect_dma semaphore(%arg20 : memref<!tpu.dma_semaphore, #tpu.memory_space<semaphore_mem>>) src(%dma_wait3A_697 : memref<10000x128xf32, #tpu.memory_space<hbm>>) dst(%dma_wait3A_691 : memref<64x128xf32, #tpu.memory_space<vmem>>)
    %dma_start3A_698 = arith.constant 3 : i32
    %dma_start3A_699 = arith.constant 7 : i32
    %dma_start3A_700 = arith.constant 1 : i32
    %dma_start3A_701 = arith.constant 0 : i32
    %dma_start3A_702 = arith.constant 0 : i32
    %dma_start3A_703 = tpu.memref_slice %arg7[%dma_start3A_698, %dma_start3A_701, %dma_start3A_702] : memref<4x64x128xf32, #tpu.memory_space<vmem>> -> memref<1x64x128xf32, #tpu.memory_space<vmem>>
    %dma_start3A_704 = tpu.memref_squeeze %dma_start3A_703 : memref<1x64x128xf32, #tpu.memory_space<vmem>> -> memref<64x128xf32, #tpu.memory_space<vmem>>
    %dma_start3A_705 = arith.constant 0 : i32
    %dma_start3A_706 = tpu.memref_slice %arg6[%dma_start3A_699, %dma_start3A_700, %dma_start3A_705] : memref<8x2x64xi32, #tpu.memory_space<vmem>> -> memref<1x1x64xi32, #tpu.memory_space<vmem>>
    %dma_start3A_707 = tpu.memref_squeeze %dma_start3A_706 : memref<1x1x64xi32, #tpu.memory_space<vmem>> -> memref<64xi32, #tpu.memory_space<vmem>>
    %dma_start3A_708 = arith.constant 0 : i32
    %dma_start3A_709 = arith.constant 0 : i32
    %dma_start3A_710 = tpu.memref_slice %arg8[%dma_start3A_708, %dma_start3A_709] : memref<10112x128xf32, #tpu.memory_space<vmem_shared>> -> memref<10112x128xf32, #tpu.memory_space<vmem_shared>>
    tpu.enqueue_indirect_dma source(%dma_start3A_704 : memref<64x128xf32, #tpu.memory_space<vmem>>) target(%dma_start3A_710 : memref<10112x128xf32, #tpu.memory_space<vmem_shared>>) offsets(%dma_start3A_707 : memref<64xi32, #tpu.memory_space<vmem>>) semaphore(%arg24 : memref<!tpu.dma_semaphore, #tpu.memory_space<semaphore_mem>>) {add = true}
    %dma_wait3A_711 = arith.constant 0 : i32
    %dma_wait3A_712 = arith.constant 4 : i32
    %dma_wait3A_713 = arith.constant 1 : i32
    %dma_wait3A_714 = arith.constant 0 : i32
    %dma_wait3A_715 = arith.constant 0 : i32
    %dma_wait3A_716 = tpu.memref_slice %arg7[%dma_wait3A_711, %dma_wait3A_714, %dma_wait3A_715] : memref<4x64x128xf32, #tpu.memory_space<vmem>> -> memref<1x64x128xf32, #tpu.memory_space<vmem>>
    %dma_wait3A_717 = tpu.memref_squeeze %dma_wait3A_716 : memref<1x64x128xf32, #tpu.memory_space<vmem>> -> memref<64x128xf32, #tpu.memory_space<vmem>>
    %dma_wait3A_718 = arith.constant 0 : i32
    %dma_wait3A_719 = tpu.memref_slice %arg6[%dma_wait3A_712, %dma_wait3A_713, %dma_wait3A_718] : memref<8x2x64xi32, #tpu.memory_space<vmem>> -> memref<1x1x64xi32, #tpu.memory_space<vmem>>
    %dma_wait3A_720 = tpu.memref_squeeze %dma_wait3A_719 : memref<1x1x64xi32, #tpu.memory_space<vmem>> -> memref<64xi32, #tpu.memory_space<vmem>>
    %dma_wait3A_721 = arith.constant 0 : i32
    %dma_wait3A_722 = arith.constant 0 : i32
    %dma_wait3A_723 = tpu.memref_slice %arg8[%dma_wait3A_721, %dma_wait3A_722] : memref<10112x128xf32, #tpu.memory_space<vmem_shared>> -> memref<10112x128xf32, #tpu.memory_space<vmem_shared>>
    tpu.wait_indirect_dma semaphore(%arg21 : memref<!tpu.dma_semaphore, #tpu.memory_space<semaphore_mem>>) src(%dma_wait3A_717 : memref<64x128xf32, #tpu.memory_space<vmem>>) dst(%dma_wait3A_723 : memref<10112x128xf32, #tpu.memory_space<vmem_shared>>)
    %dma_wait3A_724 = arith.constant 1 : i32
    %dma_wait3A_725 = arith.constant 5 : i32
    %dma_wait3A_726 = arith.constant 1 : i32
    %dma_wait3A_727 = arith.constant 0 : i32
    %dma_wait3A_728 = arith.constant 0 : i32
    %dma_wait3A_729 = tpu.memref_slice %arg7[%dma_wait3A_724, %dma_wait3A_727, %dma_wait3A_728] : memref<4x64x128xf32, #tpu.memory_space<vmem>> -> memref<1x64x128xf32, #tpu.memory_space<vmem>>
    %dma_wait3A_730 = tpu.memref_squeeze %dma_wait3A_729 : memref<1x64x128xf32, #tpu.memory_space<vmem>> -> memref<64x128xf32, #tpu.memory_space<vmem>>
    %dma_wait3A_731 = arith.constant 0 : i32
    %dma_wait3A_732 = tpu.memref_slice %arg6[%dma_wait3A_725, %dma_wait3A_726, %dma_wait3A_731] : memref<8x2x64xi32, #tpu.memory_space<vmem>> -> memref<1x1x64xi32, #tpu.memory_space<vmem>>
    %dma_wait3A_733 = tpu.memref_squeeze %dma_wait3A_732 : memref<1x1x64xi32, #tpu.memory_space<vmem>> -> memref<64xi32, #tpu.memory_space<vmem>>
    %dma_wait3A_734 = arith.constant 0 : i32
    %dma_wait3A_735 = arith.constant 0 : i32
    %dma_wait3A_736 = tpu.memref_slice %arg8[%dma_wait3A_734, %dma_wait3A_735] : memref<10112x128xf32, #tpu.memory_space<vmem_shared>> -> memref<10112x128xf32, #tpu.memory_space<vmem_shared>>
    tpu.wait_indirect_dma semaphore(%arg22 : memref<!tpu.dma_semaphore, #tpu.memory_space<semaphore_mem>>) src(%dma_wait3A_730 : memref<64x128xf32, #tpu.memory_space<vmem>>) dst(%dma_wait3A_736 : memref<10112x128xf32, #tpu.memory_space<vmem_shared>>)
    %dma_wait3A_737 = arith.constant 2 : i32
    %dma_wait3A_738 = arith.constant 6 : i32
    %dma_wait3A_739 = arith.constant 1 : i32
    %dma_wait3A_740 = arith.constant 0 : i32
    %dma_wait3A_741 = arith.constant 0 : i32
    %dma_wait3A_742 = tpu.memref_slice %arg7[%dma_wait3A_737, %dma_wait3A_740, %dma_wait3A_741] : memref<4x64x128xf32, #tpu.memory_space<vmem>> -> memref<1x64x128xf32, #tpu.memory_space<vmem>>
    %dma_wait3A_743 = tpu.memref_squeeze %dma_wait3A_742 : memref<1x64x128xf32, #tpu.memory_space<vmem>> -> memref<64x128xf32, #tpu.memory_space<vmem>>
    %dma_wait3A_744 = arith.constant 0 : i32
    %dma_wait3A_745 = tpu.memref_slice %arg6[%dma_wait3A_738, %dma_wait3A_739, %dma_wait3A_744] : memref<8x2x64xi32, #tpu.memory_space<vmem>> -> memref<1x1x64xi32, #tpu.memory_space<vmem>>
    %dma_wait3A_746 = tpu.memref_squeeze %dma_wait3A_745 : memref<1x1x64xi32, #tpu.memory_space<vmem>> -> memref<64xi32, #tpu.memory_space<vmem>>
    %dma_wait3A_747 = arith.constant 0 : i32
    %dma_wait3A_748 = arith.constant 0 : i32
    %dma_wait3A_749 = tpu.memref_slice %arg8[%dma_wait3A_747, %dma_wait3A_748] : memref<10112x128xf32, #tpu.memory_space<vmem_shared>> -> memref<10112x128xf32, #tpu.memory_space<vmem_shared>>
    tpu.wait_indirect_dma semaphore(%arg23 : memref<!tpu.dma_semaphore, #tpu.memory_space<semaphore_mem>>) src(%dma_wait3A_743 : memref<64x128xf32, #tpu.memory_space<vmem>>) dst(%dma_wait3A_749 : memref<10112x128xf32, #tpu.memory_space<vmem_shared>>)
    %dma_wait3A_750 = arith.constant 3 : i32
    %dma_wait3A_751 = arith.constant 7 : i32
    %dma_wait3A_752 = arith.constant 1 : i32
    %dma_wait3A_753 = arith.constant 0 : i32
    %dma_wait3A_754 = arith.constant 0 : i32
    %dma_wait3A_755 = tpu.memref_slice %arg7[%dma_wait3A_750, %dma_wait3A_753, %dma_wait3A_754] : memref<4x64x128xf32, #tpu.memory_space<vmem>> -> memref<1x64x128xf32, #tpu.memory_space<vmem>>
    %dma_wait3A_756 = tpu.memref_squeeze %dma_wait3A_755 : memref<1x64x128xf32, #tpu.memory_space<vmem>> -> memref<64x128xf32, #tpu.memory_space<vmem>>
    %dma_wait3A_757 = arith.constant 0 : i32
    %dma_wait3A_758 = tpu.memref_slice %arg6[%dma_wait3A_751, %dma_wait3A_752, %dma_wait3A_757] : memref<8x2x64xi32, #tpu.memory_space<vmem>> -> memref<1x1x64xi32, #tpu.memory_space<vmem>>
    %dma_wait3A_759 = tpu.memref_squeeze %dma_wait3A_758 : memref<1x1x64xi32, #tpu.memory_space<vmem>> -> memref<64xi32, #tpu.memory_space<vmem>>
    %dma_wait3A_760 = arith.constant 0 : i32
    %dma_wait3A_761 = arith.constant 0 : i32
    %dma_wait3A_762 = tpu.memref_slice %arg8[%dma_wait3A_760, %dma_wait3A_761] : memref<10112x128xf32, #tpu.memory_space<vmem_shared>> -> memref<10112x128xf32, #tpu.memory_space<vmem_shared>>
    tpu.wait_indirect_dma semaphore(%arg24 : memref<!tpu.dma_semaphore, #tpu.memory_space<semaphore_mem>>) src(%dma_wait3A_756 : memref<64x128xf32, #tpu.memory_space<vmem>>) dst(%dma_wait3A_762 : memref<10112x128xf32, #tpu.memory_space<vmem_shared>>)
    %dma_wait3A_763 = arith.constant 0 : i32
    %dma_wait3A_764 = arith.constant 0 : i32
    %dma_wait3A_765 = arith.constant 0 : i32
    %dma_wait3A_766 = arith.constant 0 : i32
    %dma_wait3A_767 = tpu.memref_slice %arg6[%dma_wait3A_764, %dma_wait3A_765, %dma_wait3A_766] : memref<8x2x64xi32, #tpu.memory_space<vmem>> -> memref<1x2x64xi32, #tpu.memory_space<vmem>>
    %dma_wait3A_768 = tpu.memref_squeeze %dma_wait3A_767 : memref<1x2x64xi32, #tpu.memory_space<vmem>> -> memref<2x64xi32, #tpu.memory_space<vmem>>
    %dma_wait3A_769 = arith.constant 0 : i32
    %dma_wait3A_770 = arith.constant 0 : i32
    %dma_wait3A_771 = tpu.memref_slice %arg3[%add3A, %dma_wait3A_763, %dma_wait3A_769, %dma_wait3A_770] : memref<32x168x2x64xi32, #tpu.memory_space<hbm>> -> memref<1x1x2x64xi32, #tpu.memory_space<hbm>>
    %dma_wait3A_772 = tpu.memref_squeeze %dma_wait3A_771 : memref<1x1x2x64xi32, #tpu.memory_space<hbm>> -> memref<2x64xi32, #tpu.memory_space<hbm>>
    %dma_wait3A_773 = arith.constant 0 : i32
    %dma_wait3A_774 = arith.constant 0 : i32
    %dma_wait3A_775 = tpu.memref_slice %arg6[%dma_wait3A_764, %dma_wait3A_773, %dma_wait3A_774] : memref<8x2x64xi32, #tpu.memory_space<vmem>> -> memref<1x2x64xi32, #tpu.memory_space<vmem>>
    %dma_wait3A_776 = tpu.memref_squeeze %dma_wait3A_775 : memref<1x2x64xi32, #tpu.memory_space<vmem>> -> memref<2x64xi32, #tpu.memory_space<vmem>>
    %dma_wait3A_777 = arith.constant 0 : i32
    %dma_wait3A_778 = arith.constant 0 : i32
    %dma_wait3A_779 = tpu.memref_slice %arg3[%add3A, %dma_wait3A_763, %dma_wait3A_777, %dma_wait3A_778] : memref<32x168x2x64xi32, #tpu.memory_space<hbm>> -> memref<1x1x2x64xi32, #tpu.memory_space<hbm>>
    %dma_wait3A_780 = tpu.memref_squeeze %dma_wait3A_779 : memref<1x1x2x64xi32, #tpu.memory_space<hbm>> -> memref<2x64xi32, #tpu.memory_space<hbm>>
    tpu.wait_dma2 semaphore(%arg9 : memref<!tpu.dma_semaphore, #tpu.memory_space<semaphore_mem>>) src(%dma_wait3A_780 : memref<2x64xi32, #tpu.memory_space<hbm>>) dst(%dma_wait3A_776 : memref<2x64xi32, #tpu.memory_space<vmem>>)
    %dma_wait3A_781 = arith.constant 0 : i32
    %dma_wait3A_782 = arith.constant 1 : i32
    %dma_wait3A_783 = arith.constant 0 : i32
    %dma_wait3A_784 = arith.constant 0 : i32
    %dma_wait3A_785 = tpu.memref_slice %arg6[%dma_wait3A_782, %dma_wait3A_783, %dma_wait3A_784] : memref<8x2x64xi32, #tpu.memory_space<vmem>> -> memref<1x2x64xi32, #tpu.memory_space<vmem>>
    %dma_wait3A_786 = tpu.memref_squeeze %dma_wait3A_785 : memref<1x2x64xi32, #tpu.memory_space<vmem>> -> memref<2x64xi32, #tpu.memory_space<vmem>>
    %dma_wait3A_787 = arith.constant 0 : i32
    %dma_wait3A_788 = arith.constant 0 : i32
    %dma_wait3A_789 = tpu.memref_slice %arg3[%add3A, %dma_wait3A_781, %dma_wait3A_787, %dma_wait3A_788] : memref<32x168x2x64xi32, #tpu.memory_space<hbm>> -> memref<1x1x2x64xi32, #tpu.memory_space<hbm>>
    %dma_wait3A_790 = tpu.memref_squeeze %dma_wait3A_789 : memref<1x1x2x64xi32, #tpu.memory_space<hbm>> -> memref<2x64xi32, #tpu.memory_space<hbm>>
    %dma_wait3A_791 = arith.constant 0 : i32
    %dma_wait3A_792 = arith.constant 0 : i32
    %dma_wait3A_793 = tpu.memref_slice %arg6[%dma_wait3A_782, %dma_wait3A_791, %dma_wait3A_792] : memref<8x2x64xi32, #tpu.memory_space<vmem>> -> memref<1x2x64xi32, #tpu.memory_space<vmem>>
    %dma_wait3A_794 = tpu.memref_squeeze %dma_wait3A_793 : memref<1x2x64xi32, #tpu.memory_space<vmem>> -> memref<2x64xi32, #tpu.memory_space<vmem>>
    %dma_wait3A_795 = arith.constant 0 : i32
    %dma_wait3A_796 = arith.constant 0 : i32
    %dma_wait3A_797 = tpu.memref_slice %arg3[%add3A, %dma_wait3A_781, %dma_wait3A_795, %dma_wait3A_796] : memref<32x168x2x64xi32, #tpu.memory_space<hbm>> -> memref<1x1x2x64xi32, #tpu.memory_space<hbm>>
    %dma_wait3A_798 = tpu.memref_squeeze %dma_wait3A_797 : memref<1x1x2x64xi32, #tpu.memory_space<hbm>> -> memref<2x64xi32, #tpu.memory_space<hbm>>
    tpu.wait_dma2 semaphore(%arg10 : memref<!tpu.dma_semaphore, #tpu.memory_space<semaphore_mem>>) src(%dma_wait3A_798 : memref<2x64xi32, #tpu.memory_space<hbm>>) dst(%dma_wait3A_794 : memref<2x64xi32, #tpu.memory_space<vmem>>)
    %dma_wait3A_799 = arith.constant 0 : i32
    %dma_wait3A_800 = arith.constant 2 : i32
    %dma_wait3A_801 = arith.constant 0 : i32
    %dma_wait3A_802 = arith.constant 0 : i32
    %dma_wait3A_803 = tpu.memref_slice %arg6[%dma_wait3A_800, %dma_wait3A_801, %dma_wait3A_802] : memref<8x2x64xi32, #tpu.memory_space<vmem>> -> memref<1x2x64xi32, #tpu.memory_space<vmem>>
    %dma_wait3A_804 = tpu.memref_squeeze %dma_wait3A_803 : memref<1x2x64xi32, #tpu.memory_space<vmem>> -> memref<2x64xi32, #tpu.memory_space<vmem>>
    %dma_wait3A_805 = arith.constant 0 : i32
    %dma_wait3A_806 = arith.constant 0 : i32
    %dma_wait3A_807 = tpu.memref_slice %arg3[%add3A, %dma_wait3A_799, %dma_wait3A_805, %dma_wait3A_806] : memref<32x168x2x64xi32, #tpu.memory_space<hbm>> -> memref<1x1x2x64xi32, #tpu.memory_space<hbm>>
    %dma_wait3A_808 = tpu.memref_squeeze %dma_wait3A_807 : memref<1x1x2x64xi32, #tpu.memory_space<hbm>> -> memref<2x64xi32, #tpu.memory_space<hbm>>
    %dma_wait3A_809 = arith.constant 0 : i32
    %dma_wait3A_810 = arith.constant 0 : i32
    %dma_wait3A_811 = tpu.memref_slice %arg6[%dma_wait3A_800, %dma_wait3A_809, %dma_wait3A_810] : memref<8x2x64xi32, #tpu.memory_space<vmem>> -> memref<1x2x64xi32, #tpu.memory_space<vmem>>
    %dma_wait3A_812 = tpu.memref_squeeze %dma_wait3A_811 : memref<1x2x64xi32, #tpu.memory_space<vmem>> -> memref<2x64xi32, #tpu.memory_space<vmem>>
    %dma_wait3A_813 = arith.constant 0 : i32
    %dma_wait3A_814 = arith.constant 0 : i32
    %dma_wait3A_815 = tpu.memref_slice %arg3[%add3A, %dma_wait3A_799, %dma_wait3A_813, %dma_wait3A_814] : memref<32x168x2x64xi32, #tpu.memory_space<hbm>> -> memref<1x1x2x64xi32, #tpu.memory_space<hbm>>
    %dma_wait3A_816 = tpu.memref_squeeze %dma_wait3A_815 : memref<1x1x2x64xi32, #tpu.memory_space<hbm>> -> memref<2x64xi32, #tpu.memory_space<hbm>>
    tpu.wait_dma2 semaphore(%arg11 : memref<!tpu.dma_semaphore, #tpu.memory_space<semaphore_mem>>) src(%dma_wait3A_816 : memref<2x64xi32, #tpu.memory_space<hbm>>) dst(%dma_wait3A_812 : memref<2x64xi32, #tpu.memory_space<vmem>>)
    %barrier3A_817 = arith.constant 0 : index
    tpu.barrier barrier_id(%barrier3A_817)
    "tpu.region"() ({
      %run_scoped3A = tpu.sem_alloc : memref<!tpu.dma_semaphore, #tpu.memory_space<semaphore_mem>>
      %dma_start3A_818 = arith.constant 0 : i32
      %dma_start3A_819 = tpu.memref_slice %arg5[%arg0, %mul3A_2, %dma_start3A_818] : memref<2x10112x128xf32, #tpu.memory_space<hbm>> -> memref<1x632x128xf32, #tpu.memory_space<hbm>>
      %dma_start3A_820 = tpu.memref_squeeze %dma_start3A_819 : memref<1x632x128xf32, #tpu.memory_space<hbm>> -> memref<632x128xf32, #tpu.memory_space<hbm>>
      %dma_start3A_821 = arith.constant 0 : i32
      %dma_start3A_822 = tpu.memref_slice %arg8[%mul3A_2, %dma_start3A_821] : memref<10112x128xf32, #tpu.memory_space<vmem_shared>> -> memref<632x128xf32, #tpu.memory_space<vmem_shared>>
      tpu.enqueue_dma source(%dma_start3A_822 : memref<632x128xf32, #tpu.memory_space<vmem_shared>>) target(%dma_start3A_820 : memref<632x128xf32, #tpu.memory_space<hbm>>) target_semaphore(%run_scoped3A : memref<!tpu.dma_semaphore, #tpu.memory_space<semaphore_mem>>)
      %dma_wait3A_823 = arith.constant 0 : i32
      %dma_wait3A_824 = tpu.memref_slice %arg5[%arg0, %mul3A_2, %dma_wait3A_823] : memref<2x10112x128xf32, #tpu.memory_space<hbm>> -> memref<1x632x128xf32, #tpu.memory_space<hbm>>
      %dma_wait3A_825 = tpu.memref_squeeze %dma_wait3A_824 : memref<1x632x128xf32, #tpu.memory_space<hbm>> -> memref<632x128xf32, #tpu.memory_space<hbm>>
      %dma_wait3A_826 = arith.constant 0 : i32
      %dma_wait3A_827 = tpu.memref_slice %arg8[%mul3A_2, %dma_wait3A_826] : memref<10112x128xf32, #tpu.memory_space<vmem_shared>> -> memref<632x128xf32, #tpu.memory_space<vmem_shared>>
      tpu.wait_dma2 semaphore(%run_scoped3A : memref<!tpu.dma_semaphore, #tpu.memory_space<semaphore_mem>>) src(%dma_wait3A_827 : memref<632x128xf32, #tpu.memory_space<vmem_shared>>) dst(%dma_wait3A_825 : memref<632x128xf32, #tpu.memory_space<hbm>>)
      tpu.yield
    }) : () -> ()
    return
  }
}

#map = affine_map<(d0, d1) -> (0)>
module attributes {stable_mosaic.version = 14 : i64} {
  func.func @body(%arg0: i32, %arg1: i32, %arg2: memref<320000xi32, #tpu.memory_space<hbm>>, %arg3: memref<320000xf32, #tpu.memory_space<hbm>>, %arg4: memref<10000xi32, #tpu.memory_space<vmem>>, %arg5: memref<10000xf32, #tpu.memory_space<vmem>>) attributes {dimension_semantics = [#tpu.dimension_semantics<core_parallel>, #tpu.dimension_semantics<subcore_parallel>], iteration_bounds = array<i64: 2, 16>, scalar_prefetch = 0 : i64, scratch_operands = 2 : i64, tpu.core_type = #tpu.core_type<sc_vector_subcore>, window_params = [{transform_indices = #map}, {transform_indices = #map}]} {
    %mul3A = arith.constant 16 : i32
    %mul3A_0 = arith.muli %arg0, %mul3A : i32
    %add3A = arith.addi %mul3A_0, %arg1 : i32
    %mul3A_1 = arith.constant 10000 : i32
    %mul3A_2 = arith.muli %add3A, %mul3A_1 : i32
    "tpu.region"() ({
      %run_scoped3A = tpu.sem_alloc : memref<!tpu.dma_semaphore, #tpu.memory_space<semaphore_mem>>
      %dma_start3A = tpu.memref_slice %arg2[%mul3A_2] : memref<320000xi32, #tpu.memory_space<hbm>> -> memref<10000xi32, #tpu.memory_space<hbm>>
      %dma_start3A_17 = tpu.memref_slice %arg2[%mul3A_2] : memref<320000xi32, #tpu.memory_space<hbm>> -> memref<10000xi32, #tpu.memory_space<hbm>>
      tpu.enqueue_dma source(%dma_start3A_17 : memref<10000xi32, #tpu.memory_space<hbm>>) target(%arg4 : memref<10000xi32, #tpu.memory_space<vmem>>) target_semaphore(%run_scoped3A : memref<!tpu.dma_semaphore, #tpu.memory_space<semaphore_mem>>)
      %dma_wait3A = tpu.memref_slice %arg2[%mul3A_2] : memref<320000xi32, #tpu.memory_space<hbm>> -> memref<10000xi32, #tpu.memory_space<hbm>>
      %dma_wait3A_18 = tpu.memref_slice %arg2[%mul3A_2] : memref<320000xi32, #tpu.memory_space<hbm>> -> memref<10000xi32, #tpu.memory_space<hbm>>
      tpu.wait_dma2 semaphore(%run_scoped3A : memref<!tpu.dma_semaphore, #tpu.memory_space<semaphore_mem>>) src(%dma_wait3A_18 : memref<10000xi32, #tpu.memory_space<hbm>>) dst(%arg4 : memref<10000xi32, #tpu.memory_space<vmem>>)
      tpu.yield
    }) : () -> ()
    %broadcast_in_dim3A = arith.constant 0.000000e+00 : f32
    %broadcast_in_dim3A_3 = vector.broadcast %broadcast_in_dim3A : f32 to vector<16xf32>
    %scan3A = arith.constant 0 : i32
    %scan3A_4 = arith.constant 625 : i32
    %scan3A_5 = arith.addi %scan3A, %scan3A_4 : i32
    %scan3A_6 = arith.constant 1 : i32
    scf.for %scan3A_17 = %scan3A to %scan3A_5 step %scan3A_6  : i32 {
      %mul3A_18 = arith.constant 1 : i32
      %mul3A_19 = arith.muli %scan3A_17, %mul3A_18 : i32
      %add3A_20 = arith.constant 0 : i32
      %add3A_21 = arith.addi %add3A_20, %mul3A_19 : i32
      %mul3A_22 = arith.constant 16 : i32
      %mul3A_23 = arith.muli %add3A_21, %mul3A_22 : i32
      %swap3A = arith.index_cast %mul3A_23 : i32 to index
      %swap3A_24 = tpu.vector_load %arg5[%swap3A] {strides = array<i32>} : memref<10000xf32, #tpu.memory_space<vmem>>, vector<16xf32>,
      tpu.vector_store %arg5[%swap3A], %broadcast_in_dim3A_3 {strides = array<i32>} : memref<10000xf32, #tpu.memory_space<vmem>>, vector<16xf32>,
    }
    %scan3A_7 = arith.constant 625 : i32
    %broadcast_in_dim3A_8 = arith.constant 1.000000e+00 : f32
    %broadcast_in_dim3A_9 = vector.broadcast %broadcast_in_dim3A_8 : f32 to vector<16xf32>
    %scan3A_10 = arith.constant 0 : i32
    %scan3A_11 = arith.constant 625 : i32
    %scan3A_12 = arith.addi %scan3A_10, %scan3A_11 : i32
    %scan3A_13 = arith.constant 1 : i32
    scf.for %scan3A_17 = %scan3A_10 to %scan3A_12 step %scan3A_13  : i32 {
      %mul3A_18 = arith.constant 1 : i32
      %mul3A_19 = arith.muli %scan3A_17, %mul3A_18 : i32
      %add3A_20 = arith.constant 0 : i32
      %add3A_21 = arith.addi %add3A_20, %mul3A_19 : i32
      %mul3A_22 = arith.constant 16 : i32
      %mul3A_23 = arith.muli %add3A_21, %mul3A_22 : i32
      %get3A = arith.index_cast %mul3A_23 : i32 to index
      %get3A_24 = tpu.vector_load %arg4[%get3A] {strides = array<i32>} : memref<10000xi32, #tpu.memory_space<vmem>>, vector<16xi32>,
      tpu.vector_store_idx %arg5[%get3A_24], %broadcast_in_dim3A_9 {add = true} : memref<10000xf32, #tpu.memory_space<vmem>>[vector<16xi32>], vector<16xf32>,
    }
    %scan3A_14 = arith.constant 625 : i32
    %mul3A_15 = arith.constant 10000 : i32
    %mul3A_16 = arith.muli %add3A, %mul3A_15 : i32
    "tpu.region"() ({
      %run_scoped3A = tpu.sem_alloc : memref<!tpu.dma_semaphore, #tpu.memory_space<semaphore_mem>>
      %dma_start3A = tpu.memref_slice %arg3[%mul3A_16] : memref<320000xf32, #tpu.memory_space<hbm>> -> memref<10000xf32, #tpu.memory_space<hbm>>
      %dma_start3A_17 = tpu.memref_slice %arg3[%mul3A_16] : memref<320000xf32, #tpu.memory_space<hbm>> -> memref<10000xf32, #tpu.memory_space<hbm>>
      tpu.enqueue_dma source(%arg5 : memref<10000xf32, #tpu.memory_space<vmem>>) target(%dma_start3A_17 : memref<10000xf32, #tpu.memory_space<hbm>>) target_semaphore(%run_scoped3A : memref<!tpu.dma_semaphore, #tpu.memory_space<semaphore_mem>>)
      %dma_wait3A = tpu.memref_slice %arg3[%mul3A_16] : memref<320000xf32, #tpu.memory_space<hbm>> -> memref<10000xf32, #tpu.memory_space<hbm>>
      %dma_wait3A_18 = tpu.memref_slice %arg3[%mul3A_16] : memref<320000xf32, #tpu.memory_space<hbm>> -> memref<10000xf32, #tpu.memory_space<hbm>>
      tpu.wait_dma2 semaphore(%run_scoped3A : memref<!tpu.dma_semaphore, #tpu.memory_space<semaphore_mem>>) src(%arg5 : memref<10000xf32, #tpu.memory_space<vmem>>) dst(%dma_wait3A_18 : memref<10000xf32, #tpu.memory_space<hbm>>)
      tpu.yield
    }) : () -> ()
    return
  }
}

#map = affine_map<(d0, d1) -> (0, 0)>
#map1 = affine_map<(d0, d1) -> (0, 0, 0, 0)>
#map2 = affine_map<(d0, d1) -> (0, 0, 0)>
module attributes {stable_mosaic.version = 14 : i64} {
  func.func @body(%arg0: i32, %arg1: i32, %arg2: memref<10000x128xf32, #tpu.memory_space<hbm>>, %arg3: memref<32x168x2x64xi32, #tpu.memory_space<hbm>>, %arg4: memref<632x128xf32, #tpu.memory_space<hbm>>, %arg5: memref<2x10112x128xf32, #tpu.memory_space<hbm>>, %arg6: memref<8x2x64xi32, #tpu.memory_space<vmem>>, %arg7: memref<4x64x128xf32, #tpu.memory_space<vmem>>, %arg8: memref<10112x128xf32, #tpu.memory_space<vmem_shared>>, %arg9: memref<!tpu.dma_semaphore, #tpu.memory_space<semaphore_mem>>, %arg10: memref<!tpu.dma_semaphore, #tpu.memory_space<semaphore_mem>>, %arg11: memref<!tpu.dma_semaphore, #tpu.memory_space<semaphore_mem>>, %arg12: memref<!tpu.dma_semaphore, #tpu.memory_space<semaphore_mem>>, %arg13: memref<!tpu.dma_semaphore, #tpu.memory_space<semaphore_mem>>, %arg14: memref<!tpu.dma_semaphore, #tpu.memory_space<semaphore_mem>>, %arg15: memref<!tpu.dma_semaphore, #tpu.memory_space<semaphore_mem>>, %arg16: memref<!tpu.dma_semaphore, #tpu.memory_space<semaphore_mem>>, %arg17: memref<!tpu.dma_semaphore, #tpu.memory_space<semaphore_mem>>, %arg18: memref<!tpu.dma_semaphore, #tpu.memory_space<semaphore_mem>>, %arg19: memref<!tpu.dma_semaphore, #tpu.memory_space<semaphore_mem>>, %arg20: memref<!tpu.dma_semaphore, #tpu.memory_space<semaphore_mem>>, %arg21: memref<!tpu.dma_semaphore, #tpu.memory_space<semaphore_mem>>, %arg22: memref<!tpu.dma_semaphore, #tpu.memory_space<semaphore_mem>>, %arg23: memref<!tpu.dma_semaphore, #tpu.memory_space<semaphore_mem>>, %arg24: memref<!tpu.dma_semaphore, #tpu.memory_space<semaphore_mem>>) attributes {dimension_semantics = [#tpu.dimension_semantics<core_parallel>, #tpu.dimension_semantics<subcore_parallel>], iteration_bounds = array<i64: 2, 16>, scalar_prefetch = 0 : i64, scratch_operands = 19 : i64, tpu.core_type = #tpu.core_type<sc_vector_subcore>, window_params = [{transform_indices = #map}, {transform_indices = #map1}, {transform_indices = #map}, {transform_indices = #map2}]} {
    %mul3A = arith.constant 16 : i32
    %mul3A_0 = arith.muli %arg0, %mul3A : i32
    %add3A = arith.addi %mul3A_0, %arg1 : i32
    %mul3A_1 = arith.constant 632 : i32
    %mul3A_2 = arith.muli %arg1, %mul3A_1 : i32
    "tpu.region"() ({
      %run_scoped3A = tpu.sem_alloc : memref<!tpu.dma_semaphore, #tpu.memory_space<semaphore_mem>>
      %dma_start3A_818 = arith.constant 0 : i32
      %dma_start3A_819 = tpu.memref_slice %arg8[%mul3A_2, %dma_start3A_818] : memref<10112x128xf32, #tpu.memory_space<vmem_shared>> -> memref<632x128xf32, #tpu.memory_space<vmem_shared>>
      tpu.enqueue_dma source(%arg4 : memref<632x128xf32, #tpu.memory_space<hbm>>) target(%dma_start3A_819 : memref<632x128xf32, #tpu.memory_space<vmem_shared>>) target_semaphore(%run_scoped3A : memref<!tpu.dma_semaphore, #tpu.memory_space<semaphore_mem>>)
      %dma_wait3A_820 = arith.constant 0 : i32
      %dma_wait3A_821 = tpu.memref_slice %arg8[%mul3A_2, %dma_wait3A_820] : memref<10112x128xf32, #tpu.memory_space<vmem_shared>> -> memref<632x128xf32, #tpu.memory_space<vmem_shared>>
      tpu.wait_dma2 semaphore(%run_scoped3A : memref<!tpu.dma_semaphore, #tpu.memory_space<semaphore_mem>>) src(%arg4 : memref<632x128xf32, #tpu.memory_space<hbm>>) dst(%dma_wait3A_821 : memref<632x128xf32, #tpu.memory_space<vmem_shared>>)
      tpu.yield
    }) : () -> ()
    %barrier3A = arith.constant 0 : index
    tpu.barrier barrier_id(%barrier3A)
    %dma_start3A = arith.constant 0 : i32
    %dma_start3A_3 = arith.constant 0 : i32
    %dma_start3A_4 = arith.constant 0 : i32
    %dma_start3A_5 = arith.constant 0 : i32
    %dma_start3A_6 = tpu.memref_slice %arg6[%dma_start3A_3, %dma_start3A_4, %dma_start3A_5] : memref<8x2x64xi32, #tpu.memory_space<vmem>> -> memref<1x2x64xi32, #tpu.memory_space<vmem>>
    %dma_start3A_7 = tpu.memref_squeeze %dma_start3A_6 : memref<1x2x64xi32, #tpu.memory_space<vmem>> -> memref<2x64xi32, #tpu.memory_space<vmem>>
    %dma_start3A_8 = arith.constant 0 : i32
    %dma_start3A_9 = arith.constant 0 : i32
    %dma_start3A_10 = tpu.memref_slice %arg3[%add3A, %dma_start3A, %dma_start3A_8, %dma_start3A_9] : memref<32x168x2x64xi32, #tpu.memory_space<hbm>> -> memref<1x1x2x64xi32, #tpu.memory_space<hbm>>
    %dma_start3A_11 = tpu.memref_squeeze %dma_start3A_10 : memref<1x1x2x64xi32, #tpu.memory_space<hbm>> -> memref<2x64xi32, #tpu.memory_space<hbm>>
    %dma_start3A_12 = arith.constant 0 : i32
    %dma_start3A_13 = arith.constant 0 : i32
    %dma_start3A_14 = tpu.memref_slice %arg6[%dma_start3A_3, %dma_start3A_12, %dma_start3A_13] : memref<8x2x64xi32, #tpu.memory_space<vmem>> -> memref<1x2x64xi32, #tpu.memory_space<vmem>>
    %dma_start3A_15 = tpu.memref_squeeze %dma_start3A_14 : memref<1x2x64xi32, #tpu.memory_space<vmem>> -> memref<2x64xi32, #tpu.memory_space<vmem>>
    %dma_start3A_16 = arith.constant 0 : i32
    %dma_start3A_17 = arith.constant 0 : i32
    %dma_start3A_18 = tpu.memref_slice %arg3[%add3A, %dma_start3A, %dma_start3A_16, %dma_start3A_17] : memref<32x168x2x64xi32, #tpu.memory_space<hbm>> -> memref<1x1x2x64xi32, #tpu.memory_space<hbm>>
    %dma_start3A_19 = tpu.memref_squeeze %dma_start3A_18 : memref<1x1x2x64xi32, #tpu.memory_space<hbm>> -> memref<2x64xi32, #tpu.memory_space<hbm>>
    tpu.enqueue_dma source(%dma_start3A_19 : memref<2x64xi32, #tpu.memory_space<hbm>>) target(%dma_start3A_15 : memref<2x64xi32, #tpu.memory_space<vmem>>) target_semaphore(%arg9 : memref<!tpu.dma_semaphore, #tpu.memory_space<semaphore_mem>>)
    %dma_start3A_20 = arith.constant 1 : i32
    %dma_start3A_21 = arith.constant 1 : i32
    %dma_start3A_22 = arith.constant 0 : i32
    %dma_start3A_23 = arith.constant 0 : i32
    %dma_start3A_24 = tpu.memref_slice %arg6[%dma_start3A_21, %dma_start3A_22, %dma_start3A_23] : memref<8x2x64xi32, #tpu.memory_space<vmem>> -> memref<1x2x64xi32, #tpu.memory_space<vmem>>
    %dma_start3A_25 = tpu.memref_squeeze %dma_start3A_24 : memref<1x2x64xi32, #tpu.memory_space<vmem>> -> memref<2x64xi32, #tpu.memory_space<vmem>>
    %dma_start3A_26 = arith.constant 0 : i32
    %dma_start3A_27 = arith.constant 0 : i32
    %dma_start3A_28 = tpu.memref_slice %arg3[%add3A, %dma_start3A_20, %dma_start3A_26, %dma_start3A_27] : memref<32x168x2x64xi32, #tpu.memory_space<hbm>> -> memref<1x1x2x64xi32, #tpu.memory_space<hbm>>
    %dma_start3A_29 = tpu.memref_squeeze %dma_start3A_28 : memref<1x1x2x64xi32, #tpu.memory_space<hbm>> -> memref<2x64xi32, #tpu.memory_space<hbm>>
    %dma_start3A_30 = arith.constant 0 : i32
    %dma_start3A_31 = arith.constant 0 : i32
    %dma_start3A_32 = tpu.memref_slice %arg6[%dma_start3A_21, %dma_start3A_30, %dma_start3A_31] : memref<8x2x64xi32, #tpu.memory_space<vmem>> -> memref<1x2x64xi32, #tpu.memory_space<vmem>>
    %dma_start3A_33 = tpu.memref_squeeze %dma_start3A_32 : memref<1x2x64xi32, #tpu.memory_space<vmem>> -> memref<2x64xi32, #tpu.memory_space<vmem>>
    %dma_start3A_34 = arith.constant 0 : i32
    %dma_start3A_35 = arith.constant 0 : i32
    %dma_start3A_36 = tpu.memref_slice %arg3[%add3A, %dma_start3A_20, %dma_start3A_34, %dma_start3A_35] : memref<32x168x2x64xi32, #tpu.memory_space<hbm>> -> memref<1x1x2x64xi32, #tpu.memory_space<hbm>>
    %dma_start3A_37 = tpu.memref_squeeze %dma_start3A_36 : memref<1x1x2x64xi32, #tpu.memory_space<hbm>> -> memref<2x64xi32, #tpu.memory_space<hbm>>
    tpu.enqueue_dma source(%dma_start3A_37 : memref<2x64xi32, #tpu.memory_space<hbm>>) target(%dma_start3A_33 : memref<2x64xi32, #tpu.memory_space<vmem>>) target_semaphore(%arg10 : memref<!tpu.dma_semaphore, #tpu.memory_space<semaphore_mem>>)
    %dma_start3A_38 = arith.constant 2 : i32
    %dma_start3A_39 = arith.constant 2 : i32
    %dma_start3A_40 = arith.constant 0 : i32
    %dma_start3A_41 = arith.constant 0 : i32
    %dma_start3A_42 = tpu.memref_slice %arg6[%dma_start3A_39, %dma_start3A_40, %dma_start3A_41] : memref<8x2x64xi32, #tpu.memory_space<vmem>> -> memref<1x2x64xi32, #tpu.memory_space<vmem>>
    %dma_start3A_43 = tpu.memref_squeeze %dma_start3A_42 : memref<1x2x64xi32, #tpu.memory_space<vmem>> -> memref<2x64xi32, #tpu.memory_space<vmem>>
    %dma_start3A_44 = arith.constant 0 : i32
    %dma_start3A_45 = arith.constant 0 : i32
    %dma_start3A_46 = tpu.memref_slice %arg3[%add3A, %dma_start3A_38, %dma_start3A_44, %dma_start3A_45] : memref<32x168x2x64xi32, #tpu.memory_space<hbm>> -> memref<1x1x2x64xi32, #tpu.memory_space<hbm>>
    %dma_start3A_47 = tpu.memref_squeeze %dma_start3A_46 : memref<1x1x2x64xi32, #tpu.memory_space<hbm>> -> memref<2x64xi32, #tpu.memory_space<hbm>>
    %dma_start3A_48 = arith.constant 0 : i32
    %dma_start3A_49 = arith.constant 0 : i32
    %dma_start3A_50 = tpu.memref_slice %arg6[%dma_start3A_39, %dma_start3A_48, %dma_start3A_49] : memref<8x2x64xi32, #tpu.memory_space<vmem>> -> memref<1x2x64xi32, #tpu.memory_space<vmem>>
    %dma_start3A_51 = tpu.memref_squeeze %dma_start3A_50 : memref<1x2x64xi32, #tpu.memory_space<vmem>> -> memref<2x64xi32, #tpu.memory_space<vmem>>
    %dma_start3A_52 = arith.constant 0 : i32
    %dma_start3A_53 = arith.constant 0 : i32
    %dma_start3A_54 = tpu.memref_slice %arg3[%add3A, %dma_start3A_38, %dma_start3A_52, %dma_start3A_53] : memref<32x168x2x64xi32, #tpu.memory_space<hbm>> -> memref<1x1x2x64xi32, #tpu.memory_space<hbm>>
    %dma_start3A_55 = tpu.memref_squeeze %dma_start3A_54 : memref<1x1x2x64xi32, #tpu.memory_space<hbm>> -> memref<2x64xi32, #tpu.memory_space<hbm>>
    tpu.enqueue_dma source(%dma_start3A_55 : memref<2x64xi32, #tpu.memory_space<hbm>>) target(%dma_start3A_51 : memref<2x64xi32, #tpu.memory_space<vmem>>) target_semaphore(%arg11 : memref<!tpu.dma_semaphore, #tpu.memory_space<semaphore_mem>>)
    %dma_start3A_56 = arith.constant 3 : i32
    %dma_start3A_57 = arith.constant 3 : i32
    %dma_start3A_58 = arith.constant 0 : i32
    %dma_start3A_59 = arith.constant 0 : i32
    %dma_start3A_60 = tpu.memref_slice %arg6[%dma_start3A_57, %dma_start3A_58, %dma_start3A_59] : memref<8x2x64xi32, #tpu.memory_space<vmem>> -> memref<1x2x64xi32, #tpu.memory_space<vmem>>
    %dma_start3A_61 = tpu.memref_squeeze %dma_start3A_60 : memref<1x2x64xi32, #tpu.memory_space<vmem>> -> memref<2x64xi32, #tpu.memory_space<vmem>>
    %dma_start3A_62 = arith.constant 0 : i32
    %dma_start3A_63 = arith.constant 0 : i32
    %dma_start3A_64 = tpu.memref_slice %arg3[%add3A, %dma_start3A_56, %dma_start3A_62, %dma_start3A_63] : memref<32x168x2x64xi32, #tpu.memory_space<hbm>> -> memref<1x1x2x64xi32, #tpu.memory_space<hbm>>
    %dma_start3A_65 = tpu.memref_squeeze %dma_start3A_64 : memref<1x1x2x64xi32, #tpu.memory_space<hbm>> -> memref<2x64xi32, #tpu.memory_space<hbm>>
    %dma_start3A_66 = arith.constant 0 : i32
    %dma_start3A_67 = arith.constant 0 : i32
    %dma_start3A_68 = tpu.memref_slice %arg6[%dma_start3A_57, %dma_start3A_66, %dma_start3A_67] : memref<8x2x64xi32, #tpu.memory_space<vmem>> -> memref<1x2x64xi32, #tpu.memory_space<vmem>>
    %dma_start3A_69 = tpu.memref_squeeze %dma_start3A_68 : memref<1x2x64xi32, #tpu.memory_space<vmem>> -> memref<2x64xi32, #tpu.memory_space<vmem>>
    %dma_start3A_70 = arith.constant 0 : i32
    %dma_start3A_71 = arith.constant 0 : i32
    %dma_start3A_72 = tpu.memref_slice %arg3[%add3A, %dma_start3A_56, %dma_start3A_70, %dma_start3A_71] : memref<32x168x2x64xi32, #tpu.memory_space<hbm>> -> memref<1x1x2x64xi32, #tpu.memory_space<hbm>>
    %dma_start3A_73 = tpu.memref_squeeze %dma_start3A_72 : memref<1x1x2x64xi32, #tpu.memory_space<hbm>> -> memref<2x64xi32, #tpu.memory_space<hbm>>
    tpu.enqueue_dma source(%dma_start3A_73 : memref<2x64xi32, #tpu.memory_space<hbm>>) target(%dma_start3A_69 : memref<2x64xi32, #tpu.memory_space<vmem>>) target_semaphore(%arg12 : memref<!tpu.dma_semaphore, #tpu.memory_space<semaphore_mem>>)
    %dma_wait3A = arith.constant 0 : i32
    %dma_wait3A_74 = arith.constant 0 : i32
    %dma_wait3A_75 = arith.constant 0 : i32
    %dma_wait3A_76 = arith.constant 0 : i32
    %dma_wait3A_77 = tpu.memref_slice %arg6[%dma_wait3A_74, %dma_wait3A_75, %dma_wait3A_76] : memref<8x2x64xi32, #tpu.memory_space<vmem>> -> memref<1x2x64xi32, #tpu.memory_space<vmem>>
    %dma_wait3A_78 = tpu.memref_squeeze %dma_wait3A_77 : memref<1x2x64xi32, #tpu.memory_space<vmem>> -> memref<2x64xi32, #tpu.memory_space<vmem>>
    %dma_wait3A_79 = arith.constant 0 : i32
    %dma_wait3A_80 = arith.constant 0 : i32
    %dma_wait3A_81 = tpu.memref_slice %arg3[%add3A, %dma_wait3A, %dma_wait3A_79, %dma_wait3A_80] : memref<32x168x2x64xi32, #tpu.memory_space<hbm>> -> memref<1x1x2x64xi32, #tpu.memory_space<hbm>>
    %dma_wait3A_82 = tpu.memref_squeeze %dma_wait3A_81 : memref<1x1x2x64xi32, #tpu.memory_space<hbm>> -> memref<2x64xi32, #tpu.memory_space<hbm>>
    %dma_wait3A_83 = arith.constant 0 : i32
    %dma_wait3A_84 = arith.constant 0 : i32
    %dma_wait3A_85 = tpu.memref_slice %arg6[%dma_wait3A_74, %dma_wait3A_83, %dma_wait3A_84] : memref<8x2x64xi32, #tpu.memory_space<vmem>> -> memref<1x2x64xi32, #tpu.memory_space<vmem>>
    %dma_wait3A_86 = tpu.memref_squeeze %dma_wait3A_85 : memref<1x2x64xi32, #tpu.memory_space<vmem>> -> memref<2x64xi32, #tpu.memory_space<vmem>>
    %dma_wait3A_87 = arith.constant 0 : i32
    %dma_wait3A_88 = arith.constant 0 : i32
    %dma_wait3A_89 = tpu.memref_slice %arg3[%add3A, %dma_wait3A, %dma_wait3A_87, %dma_wait3A_88] : memref<32x168x2x64xi32, #tpu.memory_space<hbm>> -> memref<1x1x2x64xi32, #tpu.memory_space<hbm>>
    %dma_wait3A_90 = tpu.memref_squeeze %dma_wait3A_89 : memref<1x1x2x64xi32, #tpu.memory_space<hbm>> -> memref<2x64xi32, #tpu.memory_space<hbm>>
    tpu.wait_dma2 semaphore(%arg9 : memref<!tpu.dma_semaphore, #tpu.memory_space<semaphore_mem>>) src(%dma_wait3A_90 : memref<2x64xi32, #tpu.memory_space<hbm>>) dst(%dma_wait3A_86 : memref<2x64xi32, #tpu.memory_space<vmem>>)
    %dma_start3A_91 = arith.constant 0 : i32
    %dma_start3A_92 = arith.constant 0 : i32
    %dma_start3A_93 = arith.constant 0 : i32
    %dma_start3A_94 = arith.constant 0 : i32
    %dma_start3A_95 = arith.constant 0 : i32
    %dma_start3A_96 = tpu.memref_slice %arg7[%dma_start3A_93, %dma_start3A_94, %dma_start3A_95] : memref<4x64x128xf32, #tpu.memory_space<vmem>> -> memref<1x64x128xf32, #tpu.memory_space<vmem>>
    %dma_start3A_97 = tpu.memref_squeeze %dma_start3A_96 : memref<1x64x128xf32, #tpu.memory_space<vmem>> -> memref<64x128xf32, #tpu.memory_space<vmem>>
    %dma_start3A_98 = arith.constant 0 : i32
    %dma_start3A_99 = tpu.memref_slice %arg6[%dma_start3A_91, %dma_start3A_92, %dma_start3A_98] : memref<8x2x64xi32, #tpu.memory_space<vmem>> -> memref<1x1x64xi32, #tpu.memory_space<vmem>>
    %dma_start3A_100 = tpu.memref_squeeze %dma_start3A_99 : memref<1x1x64xi32, #tpu.memory_space<vmem>> -> memref<64xi32, #tpu.memory_space<vmem>>
    %dma_start3A_101 = arith.constant 0 : i32
    %dma_start3A_102 = arith.constant 0 : i32
    %dma_start3A_103 = tpu.memref_slice %arg2[%dma_start3A_101, %dma_start3A_102] : memref<10000x128xf32, #tpu.memory_space<hbm>> -> memref<10000x128xf32, #tpu.memory_space<hbm>>
    tpu.enqueue_indirect_dma source(%dma_start3A_103 : memref<10000x128xf32, #tpu.memory_space<hbm>>) target(%dma_start3A_97 : memref<64x128xf32, #tpu.memory_space<vmem>>) offsets(%dma_start3A_100 : memref<64xi32, #tpu.memory_space<vmem>>) semaphore(%arg17 : memref<!tpu.dma_semaphore, #tpu.memory_space<semaphore_mem>>)
    %dma_start3A_104 = arith.constant 4 : i32
    %dma_start3A_105 = arith.constant 4 : i32
    %dma_start3A_106 = arith.constant 0 : i32
    %dma_start3A_107 = arith.constant 0 : i32
    %dma_start3A_108 = tpu.memref_slice %arg6[%dma_start3A_105, %dma_start3A_106, %dma_start3A_107] : memref<8x2x64xi32, #tpu.memory_space<vmem>> -> memref<1x2x64xi32, #tpu.memory_space<vmem>>
    %dma_start3A_109 = tpu.memref_squeeze %dma_start3A_108 : memref<1x2x64xi32, #tpu.memory_space<vmem>> -> memref<2x64xi32, #tpu.memory_space<vmem>>
    %dma_start3A_110 = arith.constant 0 : i32
    %dma_start3A_111 = arith.constant 0 : i32
    %dma_start3A_112 = tpu.memref_slice %arg3[%add3A, %dma_start3A_104, %dma_start3A_110, %dma_start3A_111] : memref<32x168x2x64xi32, #tpu.memory_space<hbm>> -> memref<1x1x2x64xi32, #tpu.memory_space<hbm>>
    %dma_start3A_113 = tpu.memref_squeeze %dma_start3A_112 : memref<1x1x2x64xi32, #tpu.memory_space<hbm>> -> memref<2x64xi32, #tpu.memory_space<hbm>>
    %dma_start3A_114 = arith.constant 0 : i32
    %dma_start3A_115 = arith.constant 0 : i32
    %dma_start3A_116 = tpu.memref_slice %arg6[%dma_start3A_105, %dma_start3A_114, %dma_start3A_115] : memref<8x2x64xi32, #tpu.memory_space<vmem>> -> memref<1x2x64xi32, #tpu.memory_space<vmem>>
    %dma_start3A_117 = tpu.memref_squeeze %dma_start3A_116 : memref<1x2x64xi32, #tpu.memory_space<vmem>> -> memref<2x64xi32, #tpu.memory_space<vmem>>
    %dma_start3A_118 = arith.constant 0 : i32
    %dma_start3A_119 = arith.constant 0 : i32
    %dma_start3A_120 = tpu.memref_slice %arg3[%add3A, %dma_start3A_104, %dma_start3A_118, %dma_start3A_119] : memref<32x168x2x64xi32, #tpu.memory_space<hbm>> -> memref<1x1x2x64xi32, #tpu.memory_space<hbm>>
    %dma_start3A_121 = tpu.memref_squeeze %dma_start3A_120 : memref<1x1x2x64xi32, #tpu.memory_space<hbm>> -> memref<2x64xi32, #tpu.memory_space<hbm>>
    tpu.enqueue_dma source(%dma_start3A_121 : memref<2x64xi32, #tpu.memory_space<hbm>>) target(%dma_start3A_117 : memref<2x64xi32, #tpu.memory_space<vmem>>) target_semaphore(%arg13 : memref<!tpu.dma_semaphore, #tpu.memory_space<semaphore_mem>>)
    %dma_wait3A_122 = arith.constant 0 : i32
    %dma_wait3A_123 = arith.constant 1 : i32
    %dma_wait3A_124 = arith.constant 0 : i32
    %dma_wait3A_125 = arith.constant 0 : i32
    %dma_wait3A_126 = tpu.memref_slice %arg6[%dma_wait3A_123, %dma_wait3A_124, %dma_wait3A_125] : memref<8x2x64xi32, #tpu.memory_space<vmem>> -> memref<1x2x64xi32, #tpu.memory_space<vmem>>
    %dma_wait3A_127 = tpu.memref_squeeze %dma_wait3A_126 : memref<1x2x64xi32, #tpu.memory_space<vmem>> -> memref<2x64xi32, #tpu.memory_space<vmem>>
    %dma_wait3A_128 = arith.constant 0 : i32
    %dma_wait3A_129 = arith.constant 0 : i32
    %dma_wait3A_130 = tpu.memref_slice %arg3[%add3A, %dma_wait3A_122, %dma_wait3A_128, %dma_wait3A_129] : memref<32x168x2x64xi32, #tpu.memory_space<hbm>> -> memref<1x1x2x64xi32, #tpu.memory_space<hbm>>
    %dma_wait3A_131 = tpu.memref_squeeze %dma_wait3A_130 : memref<1x1x2x64xi32, #tpu.memory_space<hbm>> -> memref<2x64xi32, #tpu.memory_space<hbm>>
    %dma_wait3A_132 = arith.constant 0 : i32
    %dma_wait3A_133 = arith.constant 0 : i32
    %dma_wait3A_134 = tpu.memref_slice %arg6[%dma_wait3A_123, %dma_wait3A_132, %dma_wait3A_133] : memref<8x2x64xi32, #tpu.memory_space<vmem>> -> memref<1x2x64xi32, #tpu.memory_space<vmem>>
    %dma_wait3A_135 = tpu.memref_squeeze %dma_wait3A_134 : memref<1x2x64xi32, #tpu.memory_space<vmem>> -> memref<2x64xi32, #tpu.memory_space<vmem>>
    %dma_wait3A_136 = arith.constant 0 : i32
    %dma_wait3A_137 = arith.constant 0 : i32
    %dma_wait3A_138 = tpu.memref_slice %arg3[%add3A, %dma_wait3A_122, %dma_wait3A_136, %dma_wait3A_137] : memref<32x168x2x64xi32, #tpu.memory_space<hbm>> -> memref<1x1x2x64xi32, #tpu.memory_space<hbm>>
    %dma_wait3A_139 = tpu.memref_squeeze %dma_wait3A_138 : memref<1x1x2x64xi32, #tpu.memory_space<hbm>> -> memref<2x64xi32, #tpu.memory_space<hbm>>
    tpu.wait_dma2 semaphore(%arg10 : memref<!tpu.dma_semaphore, #tpu.memory_space<semaphore_mem>>) src(%dma_wait3A_139 : memref<2x64xi32, #tpu.memory_space<hbm>>) dst(%dma_wait3A_135 : memref<2x64xi32, #tpu.memory_space<vmem>>)
    %dma_start3A_140 = arith.constant 1 : i32
    %dma_start3A_141 = arith.constant 0 : i32
    %dma_start3A_142 = arith.constant 1 : i32
    %dma_start3A_143 = arith.constant 0 : i32
    %dma_start3A_144 = arith.constant 0 : i32
    %dma_start3A_145 = tpu.memref_slice %arg7[%dma_start3A_142, %dma_start3A_143, %dma_start3A_144] : memref<4x64x128xf32, #tpu.memory_space<vmem>> -> memref<1x64x128xf32, #tpu.memory_space<vmem>>
    %dma_start3A_146 = tpu.memref_squeeze %dma_start3A_145 : memref<1x64x128xf32, #tpu.memory_space<vmem>> -> memref<64x128xf32, #tpu.memory_space<vmem>>
    %dma_start3A_147 = arith.constant 0 : i32
    %dma_start3A_148 = tpu.memref_slice %arg6[%dma_start3A_140, %dma_start3A_141, %dma_start3A_147] : memref<8x2x64xi32, #tpu.memory_space<vmem>> -> memref<1x1x64xi32, #tpu.memory_space<vmem>>
    %dma_start3A_149 = tpu.memref_squeeze %dma_start3A_148 : memref<1x1x64xi32, #tpu.memory_space<vmem>> -> memref<64xi32, #tpu.memory_space<vmem>>
    %dma_start3A_150 = arith.constant 0 : i32
    %dma_start3A_151 = arith.constant 0 : i32
    %dma_start3A_152 = tpu.memref_slice %arg2[%dma_start3A_150, %dma_start3A_151] : memref<10000x128xf32, #tpu.memory_space<hbm>> -> memref<10000x128xf32, #tpu.memory_space<hbm>>
    tpu.enqueue_indirect_dma source(%dma_start3A_152 : memref<10000x128xf32, #tpu.memory_space<hbm>>) target(%dma_start3A_146 : memref<64x128xf32, #tpu.memory_space<vmem>>) offsets(%dma_start3A_149 : memref<64xi32, #tpu.memory_space<vmem>>) semaphore(%arg18 : memref<!tpu.dma_semaphore, #tpu.memory_space<semaphore_mem>>)
    %dma_start3A_153 = arith.constant 5 : i32
    %dma_start3A_154 = arith.constant 5 : i32
    %dma_start3A_155 = arith.constant 0 : i32
    %dma_start3A_156 = arith.constant 0 : i32
    %dma_start3A_157 = tpu.memref_slice %arg6[%dma_start3A_154, %dma_start3A_155, %dma_start3A_156] : memref<8x2x64xi32, #tpu.memory_space<vmem>> -> memref<1x2x64xi32, #tpu.memory_space<vmem>>
    %dma_start3A_158 = tpu.memref_squeeze %dma_start3A_157 : memref<1x2x64xi32, #tpu.memory_space<vmem>> -> memref<2x64xi32, #tpu.memory_space<vmem>>
    %dma_start3A_159 = arith.constant 0 : i32
    %dma_start3A_160 = arith.constant 0 : i32
    %dma_start3A_161 = tpu.memref_slice %arg3[%add3A, %dma_start3A_153, %dma_start3A_159, %dma_start3A_160] : memref<32x168x2x64xi32, #tpu.memory_space<hbm>> -> memref<1x1x2x64xi32, #tpu.memory_space<hbm>>
    %dma_start3A_162 = tpu.memref_squeeze %dma_start3A_161 : memref<1x1x2x64xi32, #tpu.memory_space<hbm>> -> memref<2x64xi32, #tpu.memory_space<hbm>>
    %dma_start3A_163 = arith.constant 0 : i32
    %dma_start3A_164 = arith.constant 0 : i32
    %dma_start3A_165 = tpu.memref_slice %arg6[%dma_start3A_154, %dma_start3A_163, %dma_start3A_164] : memref<8x2x64xi32, #tpu.memory_space<vmem>> -> memref<1x2x64xi32, #tpu.memory_space<vmem>>
    %dma_start3A_166 = tpu.memref_squeeze %dma_start3A_165 : memref<1x2x64xi32, #tpu.memory_space<vmem>> -> memref<2x64xi32, #tpu.memory_space<vmem>>
    %dma_start3A_167 = arith.constant 0 : i32
    %dma_start3A_168 = arith.constant 0 : i32
    %dma_start3A_169 = tpu.memref_slice %arg3[%add3A, %dma_start3A_153, %dma_start3A_167, %dma_start3A_168] : memref<32x168x2x64xi32, #tpu.memory_space<hbm>> -> memref<1x1x2x64xi32, #tpu.memory_space<hbm>>
    %dma_start3A_170 = tpu.memref_squeeze %dma_start3A_169 : memref<1x1x2x64xi32, #tpu.memory_space<hbm>> -> memref<2x64xi32, #tpu.memory_space<hbm>>
    tpu.enqueue_dma source(%dma_start3A_170 : memref<2x64xi32, #tpu.memory_space<hbm>>) target(%dma_start3A_166 : memref<2x64xi32, #tpu.memory_space<vmem>>) target_semaphore(%arg14 : memref<!tpu.dma_semaphore, #tpu.memory_space<semaphore_mem>>)
    %dma_wait3A_171 = arith.constant 0 : i32
    %dma_wait3A_172 = arith.constant 2 : i32
    %dma_wait3A_173 = arith.constant 0 : i32
    %dma_wait3A_174 = arith.constant 0 : i32
    %dma_wait3A_175 = tpu.memref_slice %arg6[%dma_wait3A_172, %dma_wait3A_173, %dma_wait3A_174] : memref<8x2x64xi32, #tpu.memory_space<vmem>> -> memref<1x2x64xi32, #tpu.memory_space<vmem>>
    %dma_wait3A_176 = tpu.memref_squeeze %dma_wait3A_175 : memref<1x2x64xi32, #tpu.memory_space<vmem>> -> memref<2x64xi32, #tpu.memory_space<vmem>>
    %dma_wait3A_177 = arith.constant 0 : i32
    %dma_wait3A_178 = arith.constant 0 : i32
    %dma_wait3A_179 = tpu.memref_slice %arg3[%add3A, %dma_wait3A_171, %dma_wait3A_177, %dma_wait3A_178] : memref<32x168x2x64xi32, #tpu.memory_space<hbm>> -> memref<1x1x2x64xi32, #tpu.memory_space<hbm>>
    %dma_wait3A_180 = tpu.memref_squeeze %dma_wait3A_179 : memref<1x1x2x64xi32, #tpu.memory_space<hbm>> -> memref<2x64xi32, #tpu.memory_space<hbm>>
    %dma_wait3A_181 = arith.constant 0 : i32
    %dma_wait3A_182 = arith.constant 0 : i32
    %dma_wait3A_183 = tpu.memref_slice %arg6[%dma_wait3A_172, %dma_wait3A_181, %dma_wait3A_182] : memref<8x2x64xi32, #tpu.memory_space<vmem>> -> memref<1x2x64xi32, #tpu.memory_space<vmem>>
    %dma_wait3A_184 = tpu.memref_squeeze %dma_wait3A_183 : memref<1x2x64xi32, #tpu.memory_space<vmem>> -> memref<2x64xi32, #tpu.memory_space<vmem>>
    %dma_wait3A_185 = arith.constant 0 : i32
    %dma_wait3A_186 = arith.constant 0 : i32
    %dma_wait3A_187 = tpu.memref_slice %arg3[%add3A, %dma_wait3A_171, %dma_wait3A_185, %dma_wait3A_186] : memref<32x168x2x64xi32, #tpu.memory_space<hbm>> -> memref<1x1x2x64xi32, #tpu.memory_space<hbm>>
    %dma_wait3A_188 = tpu.memref_squeeze %dma_wait3A_187 : memref<1x1x2x64xi32, #tpu.memory_space<hbm>> -> memref<2x64xi32, #tpu.memory_space<hbm>>
    tpu.wait_dma2 semaphore(%arg11 : memref<!tpu.dma_semaphore, #tpu.memory_space<semaphore_mem>>) src(%dma_wait3A_188 : memref<2x64xi32, #tpu.memory_space<hbm>>) dst(%dma_wait3A_184 : memref<2x64xi32, #tpu.memory_space<vmem>>)
    %dma_start3A_189 = arith.constant 2 : i32
    %dma_start3A_190 = arith.constant 0 : i32
    %dma_start3A_191 = arith.constant 2 : i32
    %dma_start3A_192 = arith.constant 0 : i32
    %dma_start3A_193 = arith.constant 0 : i32
    %dma_start3A_194 = tpu.memref_slice %arg7[%dma_start3A_191, %dma_start3A_192, %dma_start3A_193] : memref<4x64x128xf32, #tpu.memory_space<vmem>> -> memref<1x64x128xf32, #tpu.memory_space<vmem>>
    %dma_start3A_195 = tpu.memref_squeeze %dma_start3A_194 : memref<1x64x128xf32, #tpu.memory_space<vmem>> -> memref<64x128xf32, #tpu.memory_space<vmem>>
    %dma_start3A_196 = arith.constant 0 : i32
    %dma_start3A_197 = tpu.memref_slice %arg6[%dma_start3A_189, %dma_start3A_190, %dma_start3A_196] : memref<8x2x64xi32, #tpu.memory_space<vmem>> -> memref<1x1x64xi32, #tpu.memory_space<vmem>>
    %dma_start3A_198 = tpu.memref_squeeze %dma_start3A_197 : memref<1x1x64xi32, #tpu.memory_space<vmem>> -> memref<64xi32, #tpu.memory_space<vmem>>
    %dma_start3A_199 = arith.constant 0 : i32
    %dma_start3A_200 = arith.constant 0 : i32
    %dma_start3A_201 = tpu.memref_slice %arg2[%dma_start3A_199, %dma_start3A_200] : memref<10000x128xf32, #tpu.memory_space<hbm>> -> memref<10000x128xf32, #tpu.memory_space<hbm>>
    tpu.enqueue_indirect_dma source(%dma_start3A_201 : memref<10000x128xf32, #tpu.memory_space<hbm>>) target(%dma_start3A_195 : memref<64x128xf32, #tpu.memory_space<vmem>>) offsets(%dma_start3A_198 : memref<64xi32, #tpu.memory_space<vmem>>) semaphore(%arg19 : memref<!tpu.dma_semaphore, #tpu.memory_space<semaphore_mem>>)
    %dma_wait3A_202 = arith.constant 0 : i32
    %dma_wait3A_203 = arith.constant 0 : i32
    %dma_wait3A_204 = arith.constant 0 : i32
    %dma_wait3A_205 = arith.constant 0 : i32
    %dma_wait3A_206 = arith.constant 0 : i32
    %dma_wait3A_207 = tpu.memref_slice %arg7[%dma_wait3A_204, %dma_wait3A_205, %dma_wait3A_206] : memref<4x64x128xf32, #tpu.memory_space<vmem>> -> memref<1x64x128xf32, #tpu.memory_space<vmem>>
    %dma_wait3A_208 = tpu.memref_squeeze %dma_wait3A_207 : memref<1x64x128xf32, #tpu.memory_space<vmem>> -> memref<64x128xf32, #tpu.memory_space<vmem>>
    %dma_wait3A_209 = arith.constant 0 : i32
    %dma_wait3A_210 = tpu.memref_slice %arg6[%dma_wait3A_202, %dma_wait3A_203, %dma_wait3A_209] : memref<8x2x64xi32, #tpu.memory_space<vmem>> -> memref<1x1x64xi32, #tpu.memory_space<vmem>>
    %dma_wait3A_211 = tpu.memref_squeeze %dma_wait3A_210 : memref<1x1x64xi32, #tpu.memory_space<vmem>> -> memref<64xi32, #tpu.memory_space<vmem>>
    %dma_wait3A_212 = arith.constant 0 : i32
    %dma_wait3A_213 = arith.constant 0 : i32
    %dma_wait3A_214 = tpu.memref_slice %arg2[%dma_wait3A_212, %dma_wait3A_213] : memref<10000x128xf32, #tpu.memory_space<hbm>> -> memref<10000x128xf32, #tpu.memory_space<hbm>>
    tpu.wait_indirect_dma semaphore(%arg17 : memref<!tpu.dma_semaphore, #tpu.memory_space<semaphore_mem>>) src(%dma_wait3A_214 : memref<10000x128xf32, #tpu.memory_space<hbm>>) dst(%dma_wait3A_208 : memref<64x128xf32, #tpu.memory_space<vmem>>)
    %dma_start3A_215 = arith.constant 0 : i32
    %dma_start3A_216 = arith.constant 0 : i32
    %dma_start3A_217 = arith.constant 1 : i32
    %dma_start3A_218 = arith.constant 0 : i32
    %dma_start3A_219 = arith.constant 0 : i32
    %dma_start3A_220 = tpu.memref_slice %arg7[%dma_start3A_215, %dma_start3A_218, %dma_start3A_219] : memref<4x64x128xf32, #tpu.memory_space<vmem>> -> memref<1x64x128xf32, #tpu.memory_space<vmem>>
    %dma_start3A_221 = tpu.memref_squeeze %dma_start3A_220 : memref<1x64x128xf32, #tpu.memory_space<vmem>> -> memref<64x128xf32, #tpu.memory_space<vmem>>
    %dma_start3A_222 = arith.constant 0 : i32
    %dma_start3A_223 = tpu.memref_slice %arg6[%dma_start3A_216, %dma_start3A_217, %dma_start3A_222] : memref<8x2x64xi32, #tpu.memory_space<vmem>> -> memref<1x1x64xi32, #tpu.memory_space<vmem>>
    %dma_start3A_224 = tpu.memref_squeeze %dma_start3A_223 : memref<1x1x64xi32, #tpu.memory_space<vmem>> -> memref<64xi32, #tpu.memory_space<vmem>>
    %dma_start3A_225 = arith.constant 0 : i32
    %dma_start3A_226 = arith.constant 0 : i32
    %dma_start3A_227 = tpu.memref_slice %arg8[%dma_start3A_225, %dma_start3A_226] : memref<10112x128xf32, #tpu.memory_space<vmem_shared>> -> memref<10112x128xf32, #tpu.memory_space<vmem_shared>>
    tpu.enqueue_indirect_dma source(%dma_start3A_221 : memref<64x128xf32, #tpu.memory_space<vmem>>) target(%dma_start3A_227 : memref<10112x128xf32, #tpu.memory_space<vmem_shared>>) offsets(%dma_start3A_224 : memref<64xi32, #tpu.memory_space<vmem>>) semaphore(%arg21 : memref<!tpu.dma_semaphore, #tpu.memory_space<semaphore_mem>>) {add = true}
    %dma_start3A_228 = arith.constant 6 : i32
    %dma_start3A_229 = arith.constant 6 : i32
    %dma_start3A_230 = arith.constant 0 : i32
    %dma_start3A_231 = arith.constant 0 : i32
    %dma_start3A_232 = tpu.memref_slice %arg6[%dma_start3A_229, %dma_start3A_230, %dma_start3A_231] : memref<8x2x64xi32, #tpu.memory_space<vmem>> -> memref<1x2x64xi32, #tpu.memory_space<vmem>>
    %dma_start3A_233 = tpu.memref_squeeze %dma_start3A_232 : memref<1x2x64xi32, #tpu.memory_space<vmem>> -> memref<2x64xi32, #tpu.memory_space<vmem>>
    %dma_start3A_234 = arith.constant 0 : i32
    %dma_start3A_235 = arith.constant 0 : i32
    %dma_start3A_236 = tpu.memref_slice %arg3[%add3A, %dma_start3A_228, %dma_start3A_234, %dma_start3A_235] : memref<32x168x2x64xi32, #tpu.memory_space<hbm>> -> memref<1x1x2x64xi32, #tpu.memory_space<hbm>>
    %dma_start3A_237 = tpu.memref_squeeze %dma_start3A_236 : memref<1x1x2x64xi32, #tpu.memory_space<hbm>> -> memref<2x64xi32, #tpu.memory_space<hbm>>
    %dma_start3A_238 = arith.constant 0 : i32
    %dma_start3A_239 = arith.constant 0 : i32
    %dma_start3A_240 = tpu.memref_slice %arg6[%dma_start3A_229, %dma_start3A_238, %dma_start3A_239] : memref<8x2x64xi32, #tpu.memory_space<vmem>> -> memref<1x2x64xi32, #tpu.memory_space<vmem>>
    %dma_start3A_241 = tpu.memref_squeeze %dma_start3A_240 : memref<1x2x64xi32, #tpu.memory_space<vmem>> -> memref<2x64xi32, #tpu.memory_space<vmem>>
    %dma_start3A_242 = arith.constant 0 : i32
    %dma_start3A_243 = arith.constant 0 : i32
    %dma_start3A_244 = tpu.memref_slice %arg3[%add3A, %dma_start3A_228, %dma_start3A_242, %dma_start3A_243] : memref<32x168x2x64xi32, #tpu.memory_space<hbm>> -> memref<1x1x2x64xi32, #tpu.memory_space<hbm>>
    %dma_start3A_245 = tpu.memref_squeeze %dma_start3A_244 : memref<1x1x2x64xi32, #tpu.memory_space<hbm>> -> memref<2x64xi32, #tpu.memory_space<hbm>>
    tpu.enqueue_dma source(%dma_start3A_245 : memref<2x64xi32, #tpu.memory_space<hbm>>) target(%dma_start3A_241 : memref<2x64xi32, #tpu.memory_space<vmem>>) target_semaphore(%arg15 : memref<!tpu.dma_semaphore, #tpu.memory_space<semaphore_mem>>)
    %dma_wait3A_246 = arith.constant 0 : i32
    %dma_wait3A_247 = arith.constant 3 : i32
    %dma_wait3A_248 = arith.constant 0 : i32
    %dma_wait3A_249 = arith.constant 0 : i32
    %dma_wait3A_250 = tpu.memref_slice %arg6[%dma_wait3A_247, %dma_wait3A_248, %dma_wait3A_249] : memref<8x2x64xi32, #tpu.memory_space<vmem>> -> memref<1x2x64xi32, #tpu.memory_space<vmem>>
    %dma_wait3A_251 = tpu.memref_squeeze %dma_wait3A_250 : memref<1x2x64xi32, #tpu.memory_space<vmem>> -> memref<2x64xi32, #tpu.memory_space<vmem>>
    %dma_wait3A_252 = arith.constant 0 : i32
    %dma_wait3A_253 = arith.constant 0 : i32
    %dma_wait3A_254 = tpu.memref_slice %arg3[%add3A, %dma_wait3A_246, %dma_wait3A_252, %dma_wait3A_253] : memref<32x168x2x64xi32, #tpu.memory_space<hbm>> -> memref<1x1x2x64xi32, #tpu.memory_space<hbm>>
    %dma_wait3A_255 = tpu.memref_squeeze %dma_wait3A_254 : memref<1x1x2x64xi32, #tpu.memory_space<hbm>> -> memref<2x64xi32, #tpu.memory_space<hbm>>
    %dma_wait3A_256 = arith.constant 0 : i32
    %dma_wait3A_257 = arith.constant 0 : i32
    %dma_wait3A_258 = tpu.memref_slice %arg6[%dma_wait3A_247, %dma_wait3A_256, %dma_wait3A_257] : memref<8x2x64xi32, #tpu.memory_space<vmem>> -> memref<1x2x64xi32, #tpu.memory_space<vmem>>
    %dma_wait3A_259 = tpu.memref_squeeze %dma_wait3A_258 : memref<1x2x64xi32, #tpu.memory_space<vmem>> -> memref<2x64xi32, #tpu.memory_space<vmem>>
    %dma_wait3A_260 = arith.constant 0 : i32
    %dma_wait3A_261 = arith.constant 0 : i32
    %dma_wait3A_262 = tpu.memref_slice %arg3[%add3A, %dma_wait3A_246, %dma_wait3A_260, %dma_wait3A_261] : memref<32x168x2x64xi32, #tpu.memory_space<hbm>> -> memref<1x1x2x64xi32, #tpu.memory_space<hbm>>
    %dma_wait3A_263 = tpu.memref_squeeze %dma_wait3A_262 : memref<1x1x2x64xi32, #tpu.memory_space<hbm>> -> memref<2x64xi32, #tpu.memory_space<hbm>>
    tpu.wait_dma2 semaphore(%arg12 : memref<!tpu.dma_semaphore, #tpu.memory_space<semaphore_mem>>) src(%dma_wait3A_263 : memref<2x64xi32, #tpu.memory_space<hbm>>) dst(%dma_wait3A_259 : memref<2x64xi32, #tpu.memory_space<vmem>>)
    %dma_start3A_264 = arith.constant 3 : i32
    %dma_start3A_265 = arith.constant 0 : i32
    %dma_start3A_266 = arith.constant 3 : i32
    %dma_start3A_267 = arith.constant 0 : i32
    %dma_start3A_268 = arith.constant 0 : i32
    %dma_start3A_269 = tpu.memref_slice %arg7[%dma_start3A_266, %dma_start3A_267, %dma_start3A_268] : memref<4x64x128xf32, #tpu.memory_space<vmem>> -> memref<1x64x128xf32, #tpu.memory_space<vmem>>
    %dma_start3A_270 = tpu.memref_squeeze %dma_start3A_269 : memref<1x64x128xf32, #tpu.memory_space<vmem>> -> memref<64x128xf32, #tpu.memory_space<vmem>>
    %dma_start3A_271 = arith.constant 0 : i32
    %dma_start3A_272 = tpu.memref_slice %arg6[%dma_start3A_264, %dma_start3A_265, %dma_start3A_271] : memref<8x2x64xi32, #tpu.memory_space<vmem>> -> memref<1x1x64xi32, #tpu.memory_space<vmem>>
    %dma_start3A_273 = tpu.memref_squeeze %dma_start3A_272 : memref<1x1x64xi32, #tpu.memory_space<vmem>> -> memref<64xi32, #tpu.memory_space<vmem>>
    %dma_start3A_274 = arith.constant 0 : i32
    %dma_start3A_275 = arith.constant 0 : i32
    %dma_start3A_276 = tpu.memref_slice %arg2[%dma_start3A_274, %dma_start3A_275] : memref<10000x128xf32, #tpu.memory_space<hbm>> -> memref<10000x128xf32, #tpu.memory_space<hbm>>
    tpu.enqueue_indirect_dma source(%dma_start3A_276 : memref<10000x128xf32, #tpu.memory_space<hbm>>) target(%dma_start3A_270 : memref<64x128xf32, #tpu.memory_space<vmem>>) offsets(%dma_start3A_273 : memref<64xi32, #tpu.memory_space<vmem>>) semaphore(%arg20 : memref<!tpu.dma_semaphore, #tpu.memory_space<semaphore_mem>>)
    %dma_wait3A_277 = arith.constant 1 : i32
    %dma_wait3A_278 = arith.constant 0 : i32
    %dma_wait3A_279 = arith.constant 1 : i32
    %dma_wait3A_280 = arith.constant 0 : i32
    %dma_wait3A_281 = arith.constant 0 : i32
    %dma_wait3A_282 = tpu.memref_slice %arg7[%dma_wait3A_279, %dma_wait3A_280, %dma_wait3A_281] : memref<4x64x128xf32, #tpu.memory_space<vmem>> -> memref<1x64x128xf32, #tpu.memory_space<vmem>>
    %dma_wait3A_283 = tpu.memref_squeeze %dma_wait3A_282 : memref<1x64x128xf32, #tpu.memory_space<vmem>> -> memref<64x128xf32, #tpu.memory_space<vmem>>
    %dma_wait3A_284 = arith.constant 0 : i32
    %dma_wait3A_285 = tpu.memref_slice %arg6[%dma_wait3A_277, %dma_wait3A_278, %dma_wait3A_284] : memref<8x2x64xi32, #tpu.memory_space<vmem>> -> memref<1x1x64xi32, #tpu.memory_space<vmem>>
    %dma_wait3A_286 = tpu.memref_squeeze %dma_wait3A_285 : memref<1x1x64xi32, #tpu.memory_space<vmem>> -> memref<64xi32, #tpu.memory_space<vmem>>
    %dma_wait3A_287 = arith.constant 0 : i32
    %dma_wait3A_288 = arith.constant 0 : i32
    %dma_wait3A_289 = tpu.memref_slice %arg2[%dma_wait3A_287, %dma_wait3A_288] : memref<10000x128xf32, #tpu.memory_space<hbm>> -> memref<10000x128xf32, #tpu.memory_space<hbm>>
    tpu.wait_indirect_dma semaphore(%arg18 : memref<!tpu.dma_semaphore, #tpu.memory_space<semaphore_mem>>) src(%dma_wait3A_289 : memref<10000x128xf32, #tpu.memory_space<hbm>>) dst(%dma_wait3A_283 : memref<64x128xf32, #tpu.memory_space<vmem>>)
    %dma_start3A_290 = arith.constant 1 : i32
    %dma_start3A_291 = arith.constant 1 : i32
    %dma_start3A_292 = arith.constant 1 : i32
    %dma_start3A_293 = arith.constant 0 : i32
    %dma_start3A_294 = arith.constant 0 : i32
    %dma_start3A_295 = tpu.memref_slice %arg7[%dma_start3A_290, %dma_start3A_293, %dma_start3A_294] : memref<4x64x128xf32, #tpu.memory_space<vmem>> -> memref<1x64x128xf32, #tpu.memory_space<vmem>>
    %dma_start3A_296 = tpu.memref_squeeze %dma_start3A_295 : memref<1x64x128xf32, #tpu.memory_space<vmem>> -> memref<64x128xf32, #tpu.memory_space<vmem>>
    %dma_start3A_297 = arith.constant 0 : i32
    %dma_start3A_298 = tpu.memref_slice %arg6[%dma_start3A_291, %dma_start3A_292, %dma_start3A_297] : memref<8x2x64xi32, #tpu.memory_space<vmem>> -> memref<1x1x64xi32, #tpu.memory_space<vmem>>
    %dma_start3A_299 = tpu.memref_squeeze %dma_start3A_298 : memref<1x1x64xi32, #tpu.memory_space<vmem>> -> memref<64xi32, #tpu.memory_space<vmem>>
    %dma_start3A_300 = arith.constant 0 : i32
    %dma_start3A_301 = arith.constant 0 : i32
    %dma_start3A_302 = tpu.memref_slice %arg8[%dma_start3A_300, %dma_start3A_301] : memref<10112x128xf32, #tpu.memory_space<vmem_shared>> -> memref<10112x128xf32, #tpu.memory_space<vmem_shared>>
    tpu.enqueue_indirect_dma source(%dma_start3A_296 : memref<64x128xf32, #tpu.memory_space<vmem>>) target(%dma_start3A_302 : memref<10112x128xf32, #tpu.memory_space<vmem_shared>>) offsets(%dma_start3A_299 : memref<64xi32, #tpu.memory_space<vmem>>) semaphore(%arg22 : memref<!tpu.dma_semaphore, #tpu.memory_space<semaphore_mem>>) {add = true}
    %dma_wait3A_303 = arith.constant 0 : i32
    %dma_wait3A_304 = arith.constant 4 : i32
    %dma_wait3A_305 = arith.constant 1 : i32
    %dma_wait3A_306 = arith.constant 0 : i32
    %dma_wait3A_307 = arith.constant 0 : i32
    %dma_wait3A_308 = tpu.memref_slice %arg7[%dma_wait3A_303, %dma_wait3A_306, %dma_wait3A_307] : memref<4x64x128xf32, #tpu.memory_space<vmem>> -> memref<1x64x128xf32, #tpu.memory_space<vmem>>
    %dma_wait3A_309 = tpu.memref_squeeze %dma_wait3A_308 : memref<1x64x128xf32, #tpu.memory_space<vmem>> -> memref<64x128xf32, #tpu.memory_space<vmem>>
    %dma_wait3A_310 = arith.constant 0 : i32
    %dma_wait3A_311 = tpu.memref_slice %arg6[%dma_wait3A_304, %dma_wait3A_305, %dma_wait3A_310] : memref<8x2x64xi32, #tpu.memory_space<vmem>> -> memref<1x1x64xi32, #tpu.memory_space<vmem>>
    %dma_wait3A_312 = tpu.memref_squeeze %dma_wait3A_311 : memref<1x1x64xi32, #tpu.memory_space<vmem>> -> memref<64xi32, #tpu.memory_space<vmem>>
    %dma_wait3A_313 = arith.constant 0 : i32
    %dma_wait3A_314 = arith.constant 0 : i32
    %dma_wait3A_315 = tpu.memref_slice %arg8[%dma_wait3A_313, %dma_wait3A_314] : memref<10112x128xf32, #tpu.memory_space<vmem_shared>> -> memref<10112x128xf32, #tpu.memory_space<vmem_shared>>
    tpu.wait_indirect_dma semaphore(%arg21 : memref<!tpu.dma_semaphore, #tpu.memory_space<semaphore_mem>>) src(%dma_wait3A_309 : memref<64x128xf32, #tpu.memory_space<vmem>>) dst(%dma_wait3A_315 : memref<10112x128xf32, #tpu.memory_space<vmem_shared>>)
    %dma_start3A_316 = arith.constant 7 : i32
    %dma_start3A_317 = arith.constant 7 : i32
    %dma_start3A_318 = arith.constant 0 : i32
    %dma_start3A_319 = arith.constant 0 : i32
    %dma_start3A_320 = tpu.memref_slice %arg6[%dma_start3A_317, %dma_start3A_318, %dma_start3A_319] : memref<8x2x64xi32, #tpu.memory_space<vmem>> -> memref<1x2x64xi32, #tpu.memory_space<vmem>>
    %dma_start3A_321 = tpu.memref_squeeze %dma_start3A_320 : memref<1x2x64xi32, #tpu.memory_space<vmem>> -> memref<2x64xi32, #tpu.memory_space<vmem>>
    %dma_start3A_322 = arith.constant 0 : i32
    %dma_start3A_323 = arith.constant 0 : i32
    %dma_start3A_324 = tpu.memref_slice %arg3[%add3A, %dma_start3A_316, %dma_start3A_322, %dma_start3A_323] : memref<32x168x2x64xi32, #tpu.memory_space<hbm>> -> memref<1x1x2x64xi32, #tpu.memory_space<hbm>>
    %dma_start3A_325 = tpu.memref_squeeze %dma_start3A_324 : memref<1x1x2x64xi32, #tpu.memory_space<hbm>> -> memref<2x64xi32, #tpu.memory_space<hbm>>
    %dma_start3A_326 = arith.constant 0 : i32
    %dma_start3A_327 = arith.constant 0 : i32
    %dma_start3A_328 = tpu.memref_slice %arg6[%dma_start3A_317, %dma_start3A_326, %dma_start3A_327] : memref<8x2x64xi32, #tpu.memory_space<vmem>> -> memref<1x2x64xi32, #tpu.memory_space<vmem>>
    %dma_start3A_329 = tpu.memref_squeeze %dma_start3A_328 : memref<1x2x64xi32, #tpu.memory_space<vmem>> -> memref<2x64xi32, #tpu.memory_space<vmem>>
    %dma_start3A_330 = arith.constant 0 : i32
    %dma_start3A_331 = arith.constant 0 : i32
    %dma_start3A_332 = tpu.memref_slice %arg3[%add3A, %dma_start3A_316, %dma_start3A_330, %dma_start3A_331] : memref<32x168x2x64xi32, #tpu.memory_space<hbm>> -> memref<1x1x2x64xi32, #tpu.memory_space<hbm>>
    %dma_start3A_333 = tpu.memref_squeeze %dma_start3A_332 : memref<1x1x2x64xi32, #tpu.memory_space<hbm>> -> memref<2x64xi32, #tpu.memory_space<hbm>>
    tpu.enqueue_dma source(%dma_start3A_333 : memref<2x64xi32, #tpu.memory_space<hbm>>) target(%dma_start3A_329 : memref<2x64xi32, #tpu.memory_space<vmem>>) target_semaphore(%arg16 : memref<!tpu.dma_semaphore, #tpu.memory_space<semaphore_mem>>)
    %dma_wait3A_334 = arith.constant 0 : i32
    %dma_wait3A_335 = arith.constant 4 : i32
    %dma_wait3A_336 = arith.constant 0 : i32
    %dma_wait3A_337 = arith.constant 0 : i32
    %dma_wait3A_338 = tpu.memref_slice %arg6[%dma_wait3A_335, %dma_wait3A_336, %dma_wait3A_337] : memref<8x2x64xi32, #tpu.memory_space<vmem>> -> memref<1x2x64xi32, #tpu.memory_space<vmem>>
    %dma_wait3A_339 = tpu.memref_squeeze %dma_wait3A_338 : memref<1x2x64xi32, #tpu.memory_space<vmem>> -> memref<2x64xi32, #tpu.memory_space<vmem>>
    %dma_wait3A_340 = arith.constant 0 : i32
    %dma_wait3A_341 = arith.constant 0 : i32
    %dma_wait3A_342 = tpu.memref_slice %arg3[%add3A, %dma_wait3A_334, %dma_wait3A_340, %dma_wait3A_341] : memref<32x168x2x64xi32, #tpu.memory_space<hbm>> -> memref<1x1x2x64xi32, #tpu.memory_space<hbm>>
    %dma_wait3A_343 = tpu.memref_squeeze %dma_wait3A_342 : memref<1x1x2x64xi32, #tpu.memory_space<hbm>> -> memref<2x64xi32, #tpu.memory_space<hbm>>
    %dma_wait3A_344 = arith.constant 0 : i32
    %dma_wait3A_345 = arith.constant 0 : i32
    %dma_wait3A_346 = tpu.memref_slice %arg6[%dma_wait3A_335, %dma_wait3A_344, %dma_wait3A_345] : memref<8x2x64xi32, #tpu.memory_space<vmem>> -> memref<1x2x64xi32, #tpu.memory_space<vmem>>
    %dma_wait3A_347 = tpu.memref_squeeze %dma_wait3A_346 : memref<1x2x64xi32, #tpu.memory_space<vmem>> -> memref<2x64xi32, #tpu.memory_space<vmem>>
    %dma_wait3A_348 = arith.constant 0 : i32
    %dma_wait3A_349 = arith.constant 0 : i32
    %dma_wait3A_350 = tpu.memref_slice %arg3[%add3A, %dma_wait3A_334, %dma_wait3A_348, %dma_wait3A_349] : memref<32x168x2x64xi32, #tpu.memory_space<hbm>> -> memref<1x1x2x64xi32, #tpu.memory_space<hbm>>
    %dma_wait3A_351 = tpu.memref_squeeze %dma_wait3A_350 : memref<1x1x2x64xi32, #tpu.memory_space<hbm>> -> memref<2x64xi32, #tpu.memory_space<hbm>>
    tpu.wait_dma2 semaphore(%arg13 : memref<!tpu.dma_semaphore, #tpu.memory_space<semaphore_mem>>) src(%dma_wait3A_351 : memref<2x64xi32, #tpu.memory_space<hbm>>) dst(%dma_wait3A_347 : memref<2x64xi32, #tpu.memory_space<vmem>>)
    %dma_start3A_352 = arith.constant 4 : i32
    %dma_start3A_353 = arith.constant 0 : i32
    %dma_start3A_354 = arith.constant 0 : i32
    %dma_start3A_355 = arith.constant 0 : i32
    %dma_start3A_356 = arith.constant 0 : i32
    %dma_start3A_357 = tpu.memref_slice %arg7[%dma_start3A_354, %dma_start3A_355, %dma_start3A_356] : memref<4x64x128xf32, #tpu.memory_space<vmem>> -> memref<1x64x128xf32, #tpu.memory_space<vmem>>
    %dma_start3A_358 = tpu.memref_squeeze %dma_start3A_357 : memref<1x64x128xf32, #tpu.memory_space<vmem>> -> memref<64x128xf32, #tpu.memory_space<vmem>>
    %dma_start3A_359 = arith.constant 0 : i32
    %dma_start3A_360 = tpu.memref_slice %arg6[%dma_start3A_352, %dma_start3A_353, %dma_start3A_359] : memref<8x2x64xi32, #tpu.memory_space<vmem>> -> memref<1x1x64xi32, #tpu.memory_space<vmem>>
    %dma_start3A_361 = tpu.memref_squeeze %dma_start3A_360 : memref<1x1x64xi32, #tpu.memory_space<vmem>> -> memref<64xi32, #tpu.memory_space<vmem>>
    %dma_start3A_362 = arith.constant 0 : i32
    %dma_start3A_363 = arith.constant 0 : i32
    %dma_start3A_364 = tpu.memref_slice %arg2[%dma_start3A_362, %dma_start3A_363] : memref<10000x128xf32, #tpu.memory_space<hbm>> -> memref<10000x128xf32, #tpu.memory_space<hbm>>
    tpu.enqueue_indirect_dma source(%dma_start3A_364 : memref<10000x128xf32, #tpu.memory_space<hbm>>) target(%dma_start3A_358 : memref<64x128xf32, #tpu.memory_space<vmem>>) offsets(%dma_start3A_361 : memref<64xi32, #tpu.memory_space<vmem>>) semaphore(%arg17 : memref<!tpu.dma_semaphore, #tpu.memory_space<semaphore_mem>>)
    %dma_wait3A_365 = arith.constant 2 : i32
    %dma_wait3A_366 = arith.constant 0 : i32
    %dma_wait3A_367 = arith.constant 2 : i32
    %dma_wait3A_368 = arith.constant 0 : i32
    %dma_wait3A_369 = arith.constant 0 : i32
    %dma_wait3A_370 = tpu.memref_slice %arg7[%dma_wait3A_367, %dma_wait3A_368, %dma_wait3A_369] : memref<4x64x128xf32, #tpu.memory_space<vmem>> -> memref<1x64x128xf32, #tpu.memory_space<vmem>>
    %dma_wait3A_371 = tpu.memref_squeeze %dma_wait3A_370 : memref<1x64x128xf32, #tpu.memory_space<vmem>> -> memref<64x128xf32, #tpu.memory_space<vmem>>
    %dma_wait3A_372 = arith.constant 0 : i32
    %dma_wait3A_373 = tpu.memref_slice %arg6[%dma_wait3A_365, %dma_wait3A_366, %dma_wait3A_372] : memref<8x2x64xi32, #tpu.memory_space<vmem>> -> memref<1x1x64xi32, #tpu.memory_space<vmem>>
    %dma_wait3A_374 = tpu.memref_squeeze %dma_wait3A_373 : memref<1x1x64xi32, #tpu.memory_space<vmem>> -> memref<64xi32, #tpu.memory_space<vmem>>
    %dma_wait3A_375 = arith.constant 0 : i32
    %dma_wait3A_376 = arith.constant 0 : i32
    %dma_wait3A_377 = tpu.memref_slice %arg2[%dma_wait3A_375, %dma_wait3A_376] : memref<10000x128xf32, #tpu.memory_space<hbm>> -> memref<10000x128xf32, #tpu.memory_space<hbm>>
    tpu.wait_indirect_dma semaphore(%arg19 : memref<!tpu.dma_semaphore, #tpu.memory_space<semaphore_mem>>) src(%dma_wait3A_377 : memref<10000x128xf32, #tpu.memory_space<hbm>>) dst(%dma_wait3A_371 : memref<64x128xf32, #tpu.memory_space<vmem>>)
    %dma_start3A_378 = arith.constant 2 : i32
    %dma_start3A_379 = arith.constant 2 : i32
    %dma_start3A_380 = arith.constant 1 : i32
    %dma_start3A_381 = arith.constant 0 : i32
    %dma_start3A_382 = arith.constant 0 : i32
    %dma_start3A_383 = tpu.memref_slice %arg7[%dma_start3A_378, %dma_start3A_381, %dma_start3A_382] : memref<4x64x128xf32, #tpu.memory_space<vmem>> -> memref<1x64x128xf32, #tpu.memory_space<vmem>>
    %dma_start3A_384 = tpu.memref_squeeze %dma_start3A_383 : memref<1x64x128xf32, #tpu.memory_space<vmem>> -> memref<64x128xf32, #tpu.memory_space<vmem>>
    %dma_start3A_385 = arith.constant 0 : i32
    %dma_start3A_386 = tpu.memref_slice %arg6[%dma_start3A_379, %dma_start3A_380, %dma_start3A_385] : memref<8x2x64xi32, #tpu.memory_space<vmem>> -> memref<1x1x64xi32, #tpu.memory_space<vmem>>
    %dma_start3A_387 = tpu.memref_squeeze %dma_start3A_386 : memref<1x1x64xi32, #tpu.memory_space<vmem>> -> memref<64xi32, #tpu.memory_space<vmem>>
    %dma_start3A_388 = arith.constant 0 : i32
    %dma_start3A_389 = arith.constant 0 : i32
    %dma_start3A_390 = tpu.memref_slice %arg8[%dma_start3A_388, %dma_start3A_389] : memref<10112x128xf32, #tpu.memory_space<vmem_shared>> -> memref<10112x128xf32, #tpu.memory_space<vmem_shared>>
    tpu.enqueue_indirect_dma source(%dma_start3A_384 : memref<64x128xf32, #tpu.memory_space<vmem>>) target(%dma_start3A_390 : memref<10112x128xf32, #tpu.memory_space<vmem_shared>>) offsets(%dma_start3A_387 : memref<64xi32, #tpu.memory_space<vmem>>) semaphore(%arg23 : memref<!tpu.dma_semaphore, #tpu.memory_space<semaphore_mem>>) {add = true}
    %dma_wait3A_391 = arith.constant 1 : i32
    %dma_wait3A_392 = arith.constant 5 : i32
    %dma_wait3A_393 = arith.constant 1 : i32
    %dma_wait3A_394 = arith.constant 0 : i32
    %dma_wait3A_395 = arith.constant 0 : i32
    %dma_wait3A_396 = tpu.memref_slice %arg7[%dma_wait3A_391, %dma_wait3A_394, %dma_wait3A_395] : memref<4x64x128xf32, #tpu.memory_space<vmem>> -> memref<1x64x128xf32, #tpu.memory_space<vmem>>
    %dma_wait3A_397 = tpu.memref_squeeze %dma_wait3A_396 : memref<1x64x128xf32, #tpu.memory_space<vmem>> -> memref<64x128xf32, #tpu.memory_space<vmem>>
    %dma_wait3A_398 = arith.constant 0 : i32
    %dma_wait3A_399 = tpu.memref_slice %arg6[%dma_wait3A_392, %dma_wait3A_393, %dma_wait3A_398] : memref<8x2x64xi32, #tpu.memory_space<vmem>> -> memref<1x1x64xi32, #tpu.memory_space<vmem>>
    %dma_wait3A_400 = tpu.memref_squeeze %dma_wait3A_399 : memref<1x1x64xi32, #tpu.memory_space<vmem>> -> memref<64xi32, #tpu.memory_space<vmem>>
    %dma_wait3A_401 = arith.constant 0 : i32
    %dma_wait3A_402 = arith.constant 0 : i32
    %dma_wait3A_403 = tpu.memref_slice %arg8[%dma_wait3A_401, %dma_wait3A_402] : memref<10112x128xf32, #tpu.memory_space<vmem_shared>> -> memref<10112x128xf32, #tpu.memory_space<vmem_shared>>
    tpu.wait_indirect_dma semaphore(%arg22 : memref<!tpu.dma_semaphore, #tpu.memory_space<semaphore_mem>>) src(%dma_wait3A_397 : memref<64x128xf32, #tpu.memory_space<vmem>>) dst(%dma_wait3A_403 : memref<10112x128xf32, #tpu.memory_space<vmem_shared>>)
    %dma_start3A_404 = arith.constant 8 : i32
    %dma_start3A_405 = arith.constant 0 : i32
    %dma_start3A_406 = arith.constant 0 : i32
    %dma_start3A_407 = arith.constant 0 : i32
    %dma_start3A_408 = tpu.memref_slice %arg6[%dma_start3A_405, %dma_start3A_406, %dma_start3A_407] : memref<8x2x64xi32, #tpu.memory_space<vmem>> -> memref<1x2x64xi32, #tpu.memory_space<vmem>>
    %dma_start3A_409 = tpu.memref_squeeze %dma_start3A_408 : memref<1x2x64xi32, #tpu.memory_space<vmem>> -> memref<2x64xi32, #tpu.memory_space<vmem>>
    %dma_start3A_410 = arith.constant 0 : i32
    %dma_start3A_411 = arith.constant 0 : i32
    %dma_start3A_412 = tpu.memref_slice %arg3[%add3A, %dma_start3A_404, %dma_start3A_410, %dma_start3A_411] : memref<32x168x2x64xi32, #tpu.memory_space<hbm>> -> memref<1x1x2x64xi32, #tpu.memory_space<hbm>>
    %dma_start3A_413 = tpu.memref_squeeze %dma_start3A_412 : memref<1x1x2x64xi32, #tpu.memory_space<hbm>> -> memref<2x64xi32, #tpu.memory_space<hbm>>
    %dma_start3A_414 = arith.constant 0 : i32
    %dma_start3A_415 = arith.constant 0 : i32
    %dma_start3A_416 = tpu.memref_slice %arg6[%dma_start3A_405, %dma_start3A_414, %dma_start3A_415] : memref<8x2x64xi32, #tpu.memory_space<vmem>> -> memref<1x2x64xi32, #tpu.memory_space<vmem>>
    %dma_start3A_417 = tpu.memref_squeeze %dma_start3A_416 : memref<1x2x64xi32, #tpu.memory_space<vmem>> -> memref<2x64xi32, #tpu.memory_space<vmem>>
    %dma_start3A_418 = arith.constant 0 : i32
    %dma_start3A_419 = arith.constant 0 : i32
    %dma_start3A_420 = tpu.memref_slice %arg3[%add3A, %dma_start3A_404, %dma_start3A_418, %dma_start3A_419] : memref<32x168x2x64xi32, #tpu.memory_space<hbm>> -> memref<1x1x2x64xi32, #tpu.memory_space<hbm>>
    %dma_start3A_421 = tpu.memref_squeeze %dma_start3A_420 : memref<1x1x2x64xi32, #tpu.memory_space<hbm>> -> memref<2x64xi32, #tpu.memory_space<hbm>>
    tpu.enqueue_dma source(%dma_start3A_421 : memref<2x64xi32, #tpu.memory_space<hbm>>) target(%dma_start3A_417 : memref<2x64xi32, #tpu.memory_space<vmem>>) target_semaphore(%arg9 : memref<!tpu.dma_semaphore, #tpu.memory_space<semaphore_mem>>)
    %dma_wait3A_422 = arith.constant 0 : i32
    %dma_wait3A_423 = arith.constant 5 : i32
    %dma_wait3A_424 = arith.constant 0 : i32
    %dma_wait3A_425 = arith.constant 0 : i32
    %dma_wait3A_426 = tpu.memref_slice %arg6[%dma_wait3A_423, %dma_wait3A_424, %dma_wait3A_425] : memref<8x2x64xi32, #tpu.memory_space<vmem>> -> memref<1x2x64xi32, #tpu.memory_space<vmem>>
    %dma_wait3A_427 = tpu.memref_squeeze %dma_wait3A_426 : memref<1x2x64xi32, #tpu.memory_space<vmem>> -> memref<2x64xi32, #tpu.memory_space<vmem>>
    %dma_wait3A_428 = arith.constant 0 : i32
    %dma_wait3A_429 = arith.constant 0 : i32
    %dma_wait3A_430 = tpu.memref_slice %arg3[%add3A, %dma_wait3A_422, %dma_wait3A_428, %dma_wait3A_429] : memref<32x168x2x64xi32, #tpu.memory_space<hbm>> -> memref<1x1x2x64xi32, #tpu.memory_space<hbm>>
    %dma_wait3A_431 = tpu.memref_squeeze %dma_wait3A_430 : memref<1x1x2x64xi32, #tpu.memory_space<hbm>> -> memref<2x64xi32, #tpu.memory_space<hbm>>
    %dma_wait3A_432 = arith.constant 0 : i32
    %dma_wait3A_433 = arith.constant 0 : i32
    %dma_wait3A_434 = tpu.memref_slice %arg6[%dma_wait3A_423, %dma_wait3A_432, %dma_wait3A_433] : memref<8x2x64xi32, #tpu.memory_space<vmem>> -> memref<1x2x64xi32, #tpu.memory_space<vmem>>
    %dma_wait3A_435 = tpu.memref_squeeze %dma_wait3A_434 : memref<1x2x64xi32, #tpu.memory_space<vmem>> -> memref<2x64xi32, #tpu.memory_space<vmem>>
    %dma_wait3A_436 = arith.constant 0 : i32
    %dma_wait3A_437 = arith.constant 0 : i32
    %dma_wait3A_438 = tpu.memref_slice %arg3[%add3A, %dma_wait3A_422, %dma_wait3A_436, %dma_wait3A_437] : memref<32x168x2x64xi32, #tpu.memory_space<hbm>> -> memref<1x1x2x64xi32, #tpu.memory_space<hbm>>
    %dma_wait3A_439 = tpu.memref_squeeze %dma_wait3A_438 : memref<1x1x2x64xi32, #tpu.memory_space<hbm>> -> memref<2x64xi32, #tpu.memory_space<hbm>>
    tpu.wait_dma2 semaphore(%arg14 : memref<!tpu.dma_semaphore, #tpu.memory_space<semaphore_mem>>) src(%dma_wait3A_439 : memref<2x64xi32, #tpu.memory_space<hbm>>) dst(%dma_wait3A_435 : memref<2x64xi32, #tpu.memory_space<vmem>>)
    %dma_start3A_440 = arith.constant 5 : i32
    %dma_start3A_441 = arith.constant 0 : i32
    %dma_start3A_442 = arith.constant 1 : i32
    %dma_start3A_443 = arith.constant 0 : i32
    %dma_start3A_444 = arith.constant 0 : i32
    %dma_start3A_445 = tpu.memref_slice %arg7[%dma_start3A_442, %dma_start3A_443, %dma_start3A_444] : memref<4x64x128xf32, #tpu.memory_space<vmem>> -> memref<1x64x128xf32, #tpu.memory_space<vmem>>
    %dma_start3A_446 = tpu.memref_squeeze %dma_start3A_445 : memref<1x64x128xf32, #tpu.memory_space<vmem>> -> memref<64x128xf32, #tpu.memory_space<vmem>>
    %dma_start3A_447 = arith.constant 0 : i32
    %dma_start3A_448 = tpu.memref_slice %arg6[%dma_start3A_440, %dma_start3A_441, %dma_start3A_447] : memref<8x2x64xi32, #tpu.memory_space<vmem>> -> memref<1x1x64xi32, #tpu.memory_space<vmem>>
    %dma_start3A_449 = tpu.memref_squeeze %dma_start3A_448 : memref<1x1x64xi32, #tpu.memory_space<vmem>> -> memref<64xi32, #tpu.memory_space<vmem>>
    %dma_start3A_450 = arith.constant 0 : i32
    %dma_start3A_451 = arith.constant 0 : i32
    %dma_start3A_452 = tpu.memref_slice %arg2[%dma_start3A_450, %dma_start3A_451] : memref<10000x128xf32, #tpu.memory_space<hbm>> -> memref<10000x128xf32, #tpu.memory_space<hbm>>
    tpu.enqueue_indirect_dma source(%dma_start3A_452 : memref<10000x128xf32, #tpu.memory_space<hbm>>) target(%dma_start3A_446 : memref<64x128xf32, #tpu.memory_space<vmem>>) offsets(%dma_start3A_449 : memref<64xi32, #tpu.memory_space<vmem>>) semaphore(%arg18 : memref<!tpu.dma_semaphore, #tpu.memory_space<semaphore_mem>>)
    %dma_wait3A_453 = arith.constant 3 : i32
    %dma_wait3A_454 = arith.constant 0 : i32
    %dma_wait3A_455 = arith.constant 3 : i32
    %dma_wait3A_456 = arith.constant 0 : i32
    %dma_wait3A_457 = arith.constant 0 : i32
    %dma_wait3A_458 = tpu.memref_slice %arg7[%dma_wait3A_455, %dma_wait3A_456, %dma_wait3A_457] : memref<4x64x128xf32, #tpu.memory_space<vmem>> -> memref<1x64x128xf32, #tpu.memory_space<vmem>>
    %dma_wait3A_459 = tpu.memref_squeeze %dma_wait3A_458 : memref<1x64x128xf32, #tpu.memory_space<vmem>> -> memref<64x128xf32, #tpu.memory_space<vmem>>
    %dma_wait3A_460 = arith.constant 0 : i32
    %dma_wait3A_461 = tpu.memref_slice %arg6[%dma_wait3A_453, %dma_wait3A_454, %dma_wait3A_460] : memref<8x2x64xi32, #tpu.memory_space<vmem>> -> memref<1x1x64xi32, #tpu.memory_space<vmem>>
    %dma_wait3A_462 = tpu.memref_squeeze %dma_wait3A_461 : memref<1x1x64xi32, #tpu.memory_space<vmem>> -> memref<64xi32, #tpu.memory_space<vmem>>
    %dma_wait3A_463 = arith.constant 0 : i32
    %dma_wait3A_464 = arith.constant 0 : i32
    %dma_wait3A_465 = tpu.memref_slice %arg2[%dma_wait3A_463, %dma_wait3A_464] : memref<10000x128xf32, #tpu.memory_space<hbm>> -> memref<10000x128xf32, #tpu.memory_space<hbm>>
    tpu.wait_indirect_dma semaphore(%arg20 : memref<!tpu.dma_semaphore, #tpu.memory_space<semaphore_mem>>) src(%dma_wait3A_465 : memref<10000x128xf32, #tpu.memory_space<hbm>>) dst(%dma_wait3A_459 : memref<64x128xf32, #tpu.memory_space<vmem>>)
    %dma_start3A_466 = arith.constant 3 : i32
    %dma_start3A_467 = arith.constant 3 : i32
    %dma_start3A_468 = arith.constant 1 : i32
    %dma_start3A_469 = arith.constant 0 : i32
    %dma_start3A_470 = arith.constant 0 : i32
    %dma_start3A_471 = tpu.memref_slice %arg7[%dma_start3A_466, %dma_start3A_469, %dma_start3A_470] : memref<4x64x128xf32, #tpu.memory_space<vmem>> -> memref<1x64x128xf32, #tpu.memory_space<vmem>>
    %dma_start3A_472 = tpu.memref_squeeze %dma_start3A_471 : memref<1x64x128xf32, #tpu.memory_space<vmem>> -> memref<64x128xf32, #tpu.memory_space<vmem>>
    %dma_start3A_473 = arith.constant 0 : i32
    %dma_start3A_474 = tpu.memref_slice %arg6[%dma_start3A_467, %dma_start3A_468, %dma_start3A_473] : memref<8x2x64xi32, #tpu.memory_space<vmem>> -> memref<1x1x64xi32, #tpu.memory_space<vmem>>
    %dma_start3A_475 = tpu.memref_squeeze %dma_start3A_474 : memref<1x1x64xi32, #tpu.memory_space<vmem>> -> memref<64xi32, #tpu.memory_space<vmem>>
    %dma_start3A_476 = arith.constant 0 : i32
    %dma_start3A_477 = arith.constant 0 : i32
    %dma_start3A_478 = tpu.memref_slice %arg8[%dma_start3A_476, %dma_start3A_477] : memref<10112x128xf32, #tpu.memory_space<vmem_shared>> -> memref<10112x128xf32, #tpu.memory_space<vmem_shared>>
    tpu.enqueue_indirect_dma source(%dma_start3A_472 : memref<64x128xf32, #tpu.memory_space<vmem>>) target(%dma_start3A_478 : memref<10112x128xf32, #tpu.memory_space<vmem_shared>>) offsets(%dma_start3A_475 : memref<64xi32, #tpu.memory_space<vmem>>) semaphore(%arg24 : memref<!tpu.dma_semaphore, #tpu.memory_space<semaphore_mem>>) {add = true}
    %dma_wait3A_479 = arith.constant 2 : i32
    %dma_wait3A_480 = arith.constant 6 : i32
    %dma_wait3A_481 = arith.constant 1 : i32
    %dma_wait3A_482 = arith.constant 0 : i32
    %dma_wait3A_483 = arith.constant 0 : i32
    %dma_wait3A_484 = tpu.memref_slice %arg7[%dma_wait3A_479, %dma_wait3A_482, %dma_wait3A_483] : memref<4x64x128xf32, #tpu.memory_space<vmem>> -> memref<1x64x128xf32, #tpu.memory_space<vmem>>
    %dma_wait3A_485 = tpu.memref_squeeze %dma_wait3A_484 : memref<1x64x128xf32, #tpu.memory_space<vmem>> -> memref<64x128xf32, #tpu.memory_space<vmem>>
    %dma_wait3A_486 = arith.constant 0 : i32
    %dma_wait3A_487 = tpu.memref_slice %arg6[%dma_wait3A_480, %dma_wait3A_481, %dma_wait3A_486] : memref<8x2x64xi32, #tpu.memory_space<vmem>> -> memref<1x1x64xi32, #tpu.memory_space<vmem>>
    %dma_wait3A_488 = tpu.memref_squeeze %dma_wait3A_487 : memref<1x1x64xi32, #tpu.memory_space<vmem>> -> memref<64xi32, #tpu.memory_space<vmem>>
    %dma_wait3A_489 = arith.constant 0 : i32
    %dma_wait3A_490 = arith.constant 0 : i32
    %dma_wait3A_491 = tpu.memref_slice %arg8[%dma_wait3A_489, %dma_wait3A_490] : memref<10112x128xf32, #tpu.memory_space<vmem_shared>> -> memref<10112x128xf32, #tpu.memory_space<vmem_shared>>
    tpu.wait_indirect_dma semaphore(%arg23 : memref<!tpu.dma_semaphore, #tpu.memory_space<semaphore_mem>>) src(%dma_wait3A_485 : memref<64x128xf32, #tpu.memory_space<vmem>>) dst(%dma_wait3A_491 : memref<10112x128xf32, #tpu.memory_space<vmem_shared>>)
    %dma_start3A_492 = arith.constant 9 : i32
    %dma_start3A_493 = arith.constant 1 : i32
    %dma_start3A_494 = arith.constant 0 : i32
    %dma_start3A_495 = arith.constant 0 : i32
    %dma_start3A_496 = tpu.memref_slice %arg6[%dma_start3A_493, %dma_start3A_494, %dma_start3A_495] : memref<8x2x64xi32, #tpu.memory_space<vmem>> -> memref<1x2x64xi32, #tpu.memory_space<vmem>>
    %dma_start3A_497 = tpu.memref_squeeze %dma_start3A_496 : memref<1x2x64xi32, #tpu.memory_space<vmem>> -> memref<2x64xi32, #tpu.memory_space<vmem>>
    %dma_start3A_498 = arith.constant 0 : i32
    %dma_start3A_499 = arith.constant 0 : i32
    %dma_start3A_500 = tpu.memref_slice %arg3[%add3A, %dma_start3A_492, %dma_start3A_498, %dma_start3A_499] : memref<32x168x2x64xi32, #tpu.memory_space<hbm>> -> memref<1x1x2x64xi32, #tpu.memory_space<hbm>>
    %dma_start3A_501 = tpu.memref_squeeze %dma_start3A_500 : memref<1x1x2x64xi32, #tpu.memory_space<hbm>> -> memref<2x64xi32, #tpu.memory_space<hbm>>
    %dma_start3A_502 = arith.constant 0 : i32
    %dma_start3A_503 = arith.constant 0 : i32
    %dma_start3A_504 = tpu.memref_slice %arg6[%dma_start3A_493, %dma_start3A_502, %dma_start3A_503] : memref<8x2x64xi32, #tpu.memory_space<vmem>> -> memref<1x2x64xi32, #tpu.memory_space<vmem>>
    %dma_start3A_505 = tpu.memref_squeeze %dma_start3A_504 : memref<1x2x64xi32, #tpu.memory_space<vmem>> -> memref<2x64xi32, #tpu.memory_space<vmem>>
    %dma_start3A_506 = arith.constant 0 : i32
    %dma_start3A_507 = arith.constant 0 : i32
    %dma_start3A_508 = tpu.memref_slice %arg3[%add3A, %dma_start3A_492, %dma_start3A_506, %dma_start3A_507] : memref<32x168x2x64xi32, #tpu.memory_space<hbm>> -> memref<1x1x2x64xi32, #tpu.memory_space<hbm>>
    %dma_start3A_509 = tpu.memref_squeeze %dma_start3A_508 : memref<1x1x2x64xi32, #tpu.memory_space<hbm>> -> memref<2x64xi32, #tpu.memory_space<hbm>>
    tpu.enqueue_dma source(%dma_start3A_509 : memref<2x64xi32, #tpu.memory_space<hbm>>) target(%dma_start3A_505 : memref<2x64xi32, #tpu.memory_space<vmem>>) target_semaphore(%arg10 : memref<!tpu.dma_semaphore, #tpu.memory_space<semaphore_mem>>)
    %dma_wait3A_510 = arith.constant 0 : i32
    %dma_wait3A_511 = arith.constant 6 : i32
    %dma_wait3A_512 = arith.constant 0 : i32
    %dma_wait3A_513 = arith.constant 0 : i32
    %dma_wait3A_514 = tpu.memref_slice %arg6[%dma_wait3A_511, %dma_wait3A_512, %dma_wait3A_513] : memref<8x2x64xi32, #tpu.memory_space<vmem>> -> memref<1x2x64xi32, #tpu.memory_space<vmem>>
    %dma_wait3A_515 = tpu.memref_squeeze %dma_wait3A_514 : memref<1x2x64xi32, #tpu.memory_space<vmem>> -> memref<2x64xi32, #tpu.memory_space<vmem>>
    %dma_wait3A_516 = arith.constant 0 : i32
    %dma_wait3A_517 = arith.constant 0 : i32
    %dma_wait3A_518 = tpu.memref_slice %arg3[%add3A, %dma_wait3A_510, %dma_wait3A_516, %dma_wait3A_517] : memref<32x168x2x64xi32, #tpu.memory_space<hbm>> -> memref<1x1x2x64xi32, #tpu.memory_space<hbm>>
    %dma_wait3A_519 = tpu.memref_squeeze %dma_wait3A_518 : memref<1x1x2x64xi32, #tpu.memory_space<hbm>> -> memref<2x64xi32, #tpu.memory_space<hbm>>
    %dma_wait3A_520 = arith.constant 0 : i32
    %dma_wait3A_521 = arith.constant 0 : i32
    %dma_wait3A_522 = tpu.memref_slice %arg6[%dma_wait3A_511, %dma_wait3A_520, %dma_wait3A_521] : memref<8x2x64xi32, #tpu.memory_space<vmem>> -> memref<1x2x64xi32, #tpu.memory_space<vmem>>
    %dma_wait3A_523 = tpu.memref_squeeze %dma_wait3A_522 : memref<1x2x64xi32, #tpu.memory_space<vmem>> -> memref<2x64xi32, #tpu.memory_space<vmem>>
    %dma_wait3A_524 = arith.constant 0 : i32
    %dma_wait3A_525 = arith.constant 0 : i32
    %dma_wait3A_526 = tpu.memref_slice %arg3[%add3A, %dma_wait3A_510, %dma_wait3A_524, %dma_wait3A_525] : memref<32x168x2x64xi32, #tpu.memory_space<hbm>> -> memref<1x1x2x64xi32, #tpu.memory_space<hbm>>
    %dma_wait3A_527 = tpu.memref_squeeze %dma_wait3A_526 : memref<1x1x2x64xi32, #tpu.memory_space<hbm>> -> memref<2x64xi32, #tpu.memory_space<hbm>>
    tpu.wait_dma2 semaphore(%arg15 : memref<!tpu.dma_semaphore, #tpu.memory_space<semaphore_mem>>) src(%dma_wait3A_527 : memref<2x64xi32, #tpu.memory_space<hbm>>) dst(%dma_wait3A_523 : memref<2x64xi32, #tpu.memory_space<vmem>>)
    %dma_start3A_528 = arith.constant 6 : i32
    %dma_start3A_529 = arith.constant 0 : i32
    %dma_start3A_530 = arith.constant 2 : i32
    %dma_start3A_531 = arith.constant 0 : i32
    %dma_start3A_532 = arith.constant 0 : i32
    %dma_start3A_533 = tpu.memref_slice %arg7[%dma_start3A_530, %dma_start3A_531, %dma_start3A_532] : memref<4x64x128xf32, #tpu.memory_space<vmem>> -> memref<1x64x128xf32, #tpu.memory_space<vmem>>
    %dma_start3A_534 = tpu.memref_squeeze %dma_start3A_533 : memref<1x64x128xf32, #tpu.memory_space<vmem>> -> memref<64x128xf32, #tpu.memory_space<vmem>>
    %dma_start3A_535 = arith.constant 0 : i32
    %dma_start3A_536 = tpu.memref_slice %arg6[%dma_start3A_528, %dma_start3A_529, %dma_start3A_535] : memref<8x2x64xi32, #tpu.memory_space<vmem>> -> memref<1x1x64xi32, #tpu.memory_space<vmem>>
    %dma_start3A_537 = tpu.memref_squeeze %dma_start3A_536 : memref<1x1x64xi32, #tpu.memory_space<vmem>> -> memref<64xi32, #tpu.memory_space<vmem>>
    %dma_start3A_538 = arith.constant 0 : i32
    %dma_start3A_539 = arith.constant 0 : i32
    %dma_start3A_540 = tpu.memref_slice %arg2[%dma_start3A_538, %dma_start3A_539] : memref<10000x128xf32, #tpu.memory_space<hbm>> -> memref<10000x128xf32, #tpu.memory_space<hbm>>
    tpu.enqueue_indirect_dma source(%dma_start3A_540 : memref<10000x128xf32, #tpu.memory_space<hbm>>) target(%dma_start3A_534 : memref<64x128xf32, #tpu.memory_space<vmem>>) offsets(%dma_start3A_537 : memref<64xi32, #tpu.memory_space<vmem>>) semaphore(%arg19 : memref<!tpu.dma_semaphore, #tpu.memory_space<semaphore_mem>>)
    %dma_wait3A_541 = arith.constant 4 : i32
    %dma_wait3A_542 = arith.constant 0 : i32
    %dma_wait3A_543 = arith.constant 0 : i32
    %dma_wait3A_544 = arith.constant 0 : i32
    %dma_wait3A_545 = arith.constant 0 : i32
    %dma_wait3A_546 = tpu.memref_slice %arg7[%dma_wait3A_543, %dma_wait3A_544, %dma_wait3A_545] : memref<4x64x128xf32, #tpu.memory_space<vmem>> -> memref<1x64x128xf32, #tpu.memory_space<vmem>>
    %dma_wait3A_547 = tpu.memref_squeeze %dma_wait3A_546 : memref<1x64x128xf32, #tpu.memory_space<vmem>> -> memref<64x128xf32, #tpu.memory_space<vmem>>
    %dma_wait3A_548 = arith.constant 0 : i32
    %dma_wait3A_549 = tpu.memref_slice %arg6[%dma_wait3A_541, %dma_wait3A_542, %dma_wait3A_548] : memref<8x2x64xi32, #tpu.memory_space<vmem>> -> memref<1x1x64xi32, #tpu.memory_space<vmem>>
    %dma_wait3A_550 = tpu.memref_squeeze %dma_wait3A_549 : memref<1x1x64xi32, #tpu.memory_space<vmem>> -> memref<64xi32, #tpu.memory_space<vmem>>
    %dma_wait3A_551 = arith.constant 0 : i32
    %dma_wait3A_552 = arith.constant 0 : i32
    %dma_wait3A_553 = tpu.memref_slice %arg2[%dma_wait3A_551, %dma_wait3A_552] : memref<10000x128xf32, #tpu.memory_space<hbm>> -> memref<10000x128xf32, #tpu.memory_space<hbm>>
    tpu.wait_indirect_dma semaphore(%arg17 : memref<!tpu.dma_semaphore, #tpu.memory_space<semaphore_mem>>) src(%dma_wait3A_553 : memref<10000x128xf32, #tpu.memory_space<hbm>>) dst(%dma_wait3A_547 : memref<64x128xf32, #tpu.memory_space<vmem>>)
    %dma_start3A_554 = arith.constant 0 : i32
    %dma_start3A_555 = arith.constant 4 : i32
    %dma_start3A_556 = arith.constant 1 : i32
    %dma_start3A_557 = arith.constant 0 : i32
    %dma_start3A_558 = arith.constant 0 : i32
    %dma_start3A_559 = tpu.memref_slice %arg7[%dma_start3A_554, %dma_start3A_557, %dma_start3A_558] : memref<4x64x128xf32, #tpu.memory_space<vmem>> -> memref<1x64x128xf32, #tpu.memory_space<vmem>>
    %dma_start3A_560 = tpu.memref_squeeze %dma_start3A_559 : memref<1x64x128xf32, #tpu.memory_space<vmem>> -> memref<64x128xf32, #tpu.memory_space<vmem>>
    %dma_start3A_561 = arith.constant 0 : i32
    %dma_start3A_562 = tpu.memref_slice %arg6[%dma_start3A_555, %dma_start3A_556, %dma_start3A_561] : memref<8x2x64xi32, #tpu.memory_space<vmem>> -> memref<1x1x64xi32, #tpu.memory_space<vmem>>
    %dma_start3A_563 = tpu.memref_squeeze %dma_start3A_562 : memref<1x1x64xi32, #tpu.memory_space<vmem>> -> memref<64xi32, #tpu.memory_space<vmem>>
    %dma_start3A_564 = arith.constant 0 : i32
    %dma_start3A_565 = arith.constant 0 : i32
    %dma_start3A_566 = tpu.memref_slice %arg8[%dma_start3A_564, %dma_start3A_565] : memref<10112x128xf32, #tpu.memory_space<vmem_shared>> -> memref<10112x128xf32, #tpu.memory_space<vmem_shared>>
    tpu.enqueue_indirect_dma source(%dma_start3A_560 : memref<64x128xf32, #tpu.memory_space<vmem>>) target(%dma_start3A_566 : memref<10112x128xf32, #tpu.memory_space<vmem_shared>>) offsets(%dma_start3A_563 : memref<64xi32, #tpu.memory_space<vmem>>) semaphore(%arg21 : memref<!tpu.dma_semaphore, #tpu.memory_space<semaphore_mem>>) {add = true}
    %dma_wait3A_567 = arith.constant 3 : i32
    %dma_wait3A_568 = arith.constant 7 : i32
    %dma_wait3A_569 = arith.constant 1 : i32
    %dma_wait3A_570 = arith.constant 0 : i32
    %dma_wait3A_571 = arith.constant 0 : i32
    %dma_wait3A_572 = tpu.memref_slice %arg7[%dma_wait3A_567, %dma_wait3A_570, %dma_wait3A_571] : memref<4x64x128xf32, #tpu.memory_space<vmem>> -> memref<1x64x128xf32, #tpu.memory_space<vmem>>
    %dma_wait3A_573 = tpu.memref_squeeze %dma_wait3A_572 : memref<1x64x128xf32, #tpu.memory_space<vmem>> -> memref<64x128xf32, #tpu.memory_space<vmem>>
    %dma_wait3A_574 = arith.constant 0 : i32
    %dma_wait3A_575 = tpu.memref_slice %arg6[%dma_wait3A_568, %dma_wait3A_569, %dma_wait3A_574] : memref<8x2x64xi32, #tpu.memory_space<vmem>> -> memref<1x1x64xi32, #tpu.memory_space<vmem>>
    %dma_wait3A_576 = tpu.memref_squeeze %dma_wait3A_575 : memref<1x1x64xi32, #tpu.memory_space<vmem>> -> memref<64xi32, #tpu.memory_space<vmem>>
    %dma_wait3A_577 = arith.constant 0 : i32
    %dma_wait3A_578 = arith.constant 0 : i32
    %dma_wait3A_579 = tpu.memref_slice %arg8[%dma_wait3A_577, %dma_wait3A_578] : memref<10112x128xf32, #tpu.memory_space<vmem_shared>> -> memref<10112x128xf32, #tpu.memory_space<vmem_shared>>
    tpu.wait_indirect_dma semaphore(%arg24 : memref<!tpu.dma_semaphore, #tpu.memory_space<semaphore_mem>>) src(%dma_wait3A_573 : memref<64x128xf32, #tpu.memory_space<vmem>>) dst(%dma_wait3A_579 : memref<10112x128xf32, #tpu.memory_space<vmem_shared>>)
    %dma_start3A_580 = arith.constant 10 : i32
    %dma_start3A_581 = arith.constant 2 : i32
    %dma_start3A_582 = arith.constant 0 : i32
    %dma_start3A_583 = arith.constant 0 : i32
    %dma_start3A_584 = tpu.memref_slice %arg6[%dma_start3A_581, %dma_start3A_582, %dma_start3A_583] : memref<8x2x64xi32, #tpu.memory_space<vmem>> -> memref<1x2x64xi32, #tpu.memory_space<vmem>>
    %dma_start3A_585 = tpu.memref_squeeze %dma_start3A_584 : memref<1x2x64xi32, #tpu.memory_space<vmem>> -> memref<2x64xi32, #tpu.memory_space<vmem>>
    %dma_start3A_586 = arith.constant 0 : i32
    %dma_start3A_587 = arith.constant 0 : i32
    %dma_start3A_588 = tpu.memref_slice %arg3[%add3A, %dma_start3A_580, %dma_start3A_586, %dma_start3A_587] : memref<32x168x2x64xi32, #tpu.memory_space<hbm>> -> memref<1x1x2x64xi32, #tpu.memory_space<hbm>>
    %dma_start3A_589 = tpu.memref_squeeze %dma_start3A_588 : memref<1x1x2x64xi32, #tpu.memory_space<hbm>> -> memref<2x64xi32, #tpu.memory_space<hbm>>
    %dma_start3A_590 = arith.constant 0 : i32
    %dma_start3A_591 = arith.constant 0 : i32
    %dma_start3A_592 = tpu.memref_slice %arg6[%dma_start3A_581, %dma_start3A_590, %dma_start3A_591] : memref<8x2x64xi32, #tpu.memory_space<vmem>> -> memref<1x2x64xi32, #tpu.memory_space<vmem>>
    %dma_start3A_593 = tpu.memref_squeeze %dma_start3A_592 : memref<1x2x64xi32, #tpu.memory_space<vmem>> -> memref<2x64xi32, #tpu.memory_space<vmem>>
    %dma_start3A_594 = arith.constant 0 : i32
    %dma_start3A_595 = arith.constant 0 : i32
    %dma_start3A_596 = tpu.memref_slice %arg3[%add3A, %dma_start3A_580, %dma_start3A_594, %dma_start3A_595] : memref<32x168x2x64xi32, #tpu.memory_space<hbm>> -> memref<1x1x2x64xi32, #tpu.memory_space<hbm>>
    %dma_start3A_597 = tpu.memref_squeeze %dma_start3A_596 : memref<1x1x2x64xi32, #tpu.memory_space<hbm>> -> memref<2x64xi32, #tpu.memory_space<hbm>>
    tpu.enqueue_dma source(%dma_start3A_597 : memref<2x64xi32, #tpu.memory_space<hbm>>) target(%dma_start3A_593 : memref<2x64xi32, #tpu.memory_space<vmem>>) target_semaphore(%arg11 : memref<!tpu.dma_semaphore, #tpu.memory_space<semaphore_mem>>)
    %dma_wait3A_598 = arith.constant 0 : i32
    %dma_wait3A_599 = arith.constant 7 : i32
    %dma_wait3A_600 = arith.constant 0 : i32
    %dma_wait3A_601 = arith.constant 0 : i32
    %dma_wait3A_602 = tpu.memref_slice %arg6[%dma_wait3A_599, %dma_wait3A_600, %dma_wait3A_601] : memref<8x2x64xi32, #tpu.memory_space<vmem>> -> memref<1x2x64xi32, #tpu.memory_space<vmem>>
    %dma_wait3A_603 = tpu.memref_squeeze %dma_wait3A_602 : memref<1x2x64xi32, #tpu.memory_space<vmem>> -> memref<2x64xi32, #tpu.memory_space<vmem>>
    %dma_wait3A_604 = arith.constant 0 : i32
    %dma_wait3A_605 = arith.constant 0 : i32
    %dma_wait3A_606 = tpu.memref_slice %arg3[%add3A, %dma_wait3A_598, %dma_wait3A_604, %dma_wait3A_605] : memref<32x168x2x64xi32, #tpu.memory_space<hbm>> -> memref<1x1x2x64xi32, #tpu.memory_space<hbm>>
    %dma_wait3A_607 = tpu.memref_squeeze %dma_wait3A_606 : memref<1x1x2x64xi32, #tpu.memory_space<hbm>> -> memref<2x64xi32, #tpu.memory_space<hbm>>
    %dma_wait3A_608 = arith.constant 0 : i32
    %dma_wait3A_609 = arith.constant 0 : i32
    %dma_wait3A_610 = tpu.memref_slice %arg6[%dma_wait3A_599, %dma_wait3A_608, %dma_wait3A_609] : memref<8x2x64xi32, #tpu.memory_space<vmem>> -> memref<1x2x64xi32, #tpu.memory_space<vmem>>
    %dma_wait3A_611 = tpu.memref_squeeze %dma_wait3A_610 : memref<1x2x64xi32, #tpu.memory_space<vmem>> -> memref<2x64xi32, #tpu.memory_space<vmem>>
    %dma_wait3A_612 = arith.constant 0 : i32
    %dma_wait3A_613 = arith.constant 0 : i32
    %dma_wait3A_614 = tpu.memref_slice %arg3[%add3A, %dma_wait3A_598, %dma_wait3A_612, %dma_wait3A_613] : memref<32x168x2x64xi32, #tpu.memory_space<hbm>> -> memref<1x1x2x64xi32, #tpu.memory_space<hbm>>
    %dma_wait3A_615 = tpu.memref_squeeze %dma_wait3A_614 : memref<1x1x2x64xi32, #tpu.memory_space<hbm>> -> memref<2x64xi32, #tpu.memory_space<hbm>>
    tpu.wait_dma2 semaphore(%arg16 : memref<!tpu.dma_semaphore, #tpu.memory_space<semaphore_mem>>) src(%dma_wait3A_615 : memref<2x64xi32, #tpu.memory_space<hbm>>) dst(%dma_wait3A_611 : memref<2x64xi32, #tpu.memory_space<vmem>>)
    %dma_start3A_616 = arith.constant 7 : i32
    %dma_start3A_617 = arith.constant 0 : i32
    %dma_start3A_618 = arith.constant 3 : i32
    %dma_start3A_619 = arith.constant 0 : i32
    %dma_start3A_620 = arith.constant 0 : i32
    %dma_start3A_621 = tpu.memref_slice %arg7[%dma_start3A_618, %dma_start3A_619, %dma_start3A_620] : memref<4x64x128xf32, #tpu.memory_space<vmem>> -> memref<1x64x128xf32, #tpu.memory_space<vmem>>
    %dma_start3A_622 = tpu.memref_squeeze %dma_start3A_621 : memref<1x64x128xf32, #tpu.memory_space<vmem>> -> memref<64x128xf32, #tpu.memory_space<vmem>>
    %dma_start3A_623 = arith.constant 0 : i32
    %dma_start3A_624 = tpu.memref_slice %arg6[%dma_start3A_616, %dma_start3A_617, %dma_start3A_623] : memref<8x2x64xi32, #tpu.memory_space<vmem>> -> memref<1x1x64xi32, #tpu.memory_space<vmem>>
    %dma_start3A_625 = tpu.memref_squeeze %dma_start3A_624 : memref<1x1x64xi32, #tpu.memory_space<vmem>> -> memref<64xi32, #tpu.memory_space<vmem>>
    %dma_start3A_626 = arith.constant 0 : i32
    %dma_start3A_627 = arith.constant 0 : i32
    %dma_start3A_628 = tpu.memref_slice %arg2[%dma_start3A_626, %dma_start3A_627] : memref<10000x128xf32, #tpu.memory_space<hbm>> -> memref<10000x128xf32, #tpu.memory_space<hbm>>
    tpu.enqueue_indirect_dma source(%dma_start3A_628 : memref<10000x128xf32, #tpu.memory_space<hbm>>) target(%dma_start3A_622 : memref<64x128xf32, #tpu.memory_space<vmem>>) offsets(%dma_start3A_625 : memref<64xi32, #tpu.memory_space<vmem>>) semaphore(%arg20 : memref<!tpu.dma_semaphore, #tpu.memory_space<semaphore_mem>>)
    %dma_wait3A_629 = arith.constant 5 : i32
    %dma_wait3A_630 = arith.constant 0 : i32
    %dma_wait3A_631 = arith.constant 1 : i32
    %dma_wait3A_632 = arith.constant 0 : i32
    %dma_wait3A_633 = arith.constant 0 : i32
    %dma_wait3A_634 = tpu.memref_slice %arg7[%dma_wait3A_631, %dma_wait3A_632, %dma_wait3A_633] : memref<4x64x128xf32, #tpu.memory_space<vmem>> -> memref<1x64x128xf32, #tpu.memory_space<vmem>>
    %dma_wait3A_635 = tpu.memref_squeeze %dma_wait3A_634 : memref<1x64x128xf32, #tpu.memory_space<vmem>> -> memref<64x128xf32, #tpu.memory_space<vmem>>
    %dma_wait3A_636 = arith.constant 0 : i32
    %dma_wait3A_637 = tpu.memref_slice %arg6[%dma_wait3A_629, %dma_wait3A_630, %dma_wait3A_636] : memref<8x2x64xi32, #tpu.memory_space<vmem>> -> memref<1x1x64xi32, #tpu.memory_space<vmem>>
    %dma_wait3A_638 = tpu.memref_squeeze %dma_wait3A_637 : memref<1x1x64xi32, #tpu.memory_space<vmem>> -> memref<64xi32, #tpu.memory_space<vmem>>
    %dma_wait3A_639 = arith.constant 0 : i32
    %dma_wait3A_640 = arith.constant 0 : i32
    %dma_wait3A_641 = tpu.memref_slice %arg2[%dma_wait3A_639, %dma_wait3A_640] : memref<10000x128xf32, #tpu.memory_space<hbm>> -> memref<10000x128xf32, #tpu.memory_space<hbm>>
    tpu.wait_indirect_dma semaphore(%arg18 : memref<!tpu.dma_semaphore, #tpu.memory_space<semaphore_mem>>) src(%dma_wait3A_641 : memref<10000x128xf32, #tpu.memory_space<hbm>>) dst(%dma_wait3A_635 : memref<64x128xf32, #tpu.memory_space<vmem>>)
    %dma_start3A_642 = arith.constant 1 : i32
    %dma_start3A_643 = arith.constant 5 : i32
    %dma_start3A_644 = arith.constant 1 : i32
    %dma_start3A_645 = arith.constant 0 : i32
    %dma_start3A_646 = arith.constant 0 : i32
    %dma_start3A_647 = tpu.memref_slice %arg7[%dma_start3A_642, %dma_start3A_645, %dma_start3A_646] : memref<4x64x128xf32, #tpu.memory_space<vmem>> -> memref<1x64x128xf32, #tpu.memory_space<vmem>>
    %dma_start3A_648 = tpu.memref_squeeze %dma_start3A_647 : memref<1x64x128xf32, #tpu.memory_space<vmem>> -> memref<64x128xf32, #tpu.memory_space<vmem>>
    %dma_start3A_649 = arith.constant 0 : i32
    %dma_start3A_650 = tpu.memref_slice %arg6[%dma_start3A_643, %dma_start3A_644, %dma_start3A_649] : memref<8x2x64xi32, #tpu.memory_space<vmem>> -> memref<1x1x64xi32, #tpu.memory_space<vmem>>
    %dma_start3A_651 = tpu.memref_squeeze %dma_start3A_650 : memref<1x1x64xi32, #tpu.memory_space<vmem>> -> memref<64xi32, #tpu.memory_space<vmem>>
    %dma_start3A_652 = arith.constant 0 : i32
    %dma_start3A_653 = arith.constant 0 : i32
    %dma_start3A_654 = tpu.memref_slice %arg8[%dma_start3A_652, %dma_start3A_653] : memref<10112x128xf32, #tpu.memory_space<vmem_shared>> -> memref<10112x128xf32, #tpu.memory_space<vmem_shared>>
    tpu.enqueue_indirect_dma source(%dma_start3A_648 : memref<64x128xf32, #tpu.memory_space<vmem>>) target(%dma_start3A_654 : memref<10112x128xf32, #tpu.memory_space<vmem_shared>>) offsets(%dma_start3A_651 : memref<64xi32, #tpu.memory_space<vmem>>) semaphore(%arg22 : memref<!tpu.dma_semaphore, #tpu.memory_space<semaphore_mem>>) {add = true}
    %scan3A = arith.constant 0 : i32
    %scan3A_655 = arith.constant 19 : i32
    %scan3A_656 = arith.addi %scan3A, %scan3A_655 : i32
    %scan3A_657 = arith.constant 1 : i32
    scf.for %scan3A_818 = %scan3A to %scan3A_656 step %scan3A_657  : i32 {
      %mul3A_819 = arith.constant 8 : i32
      %mul3A_820 = arith.muli %scan3A_818, %mul3A_819 : i32
      %add3A_821 = arith.constant 8 : i32
      %add3A_822 = arith.addi %add3A_821, %mul3A_820 : i32
      %add3A_823 = arith.constant 0 : i32
      %add3A_824 = arith.addi %add3A_822, %add3A_823 : i32
      %dma_wait3A_825 = arith.constant 0 : i32
      %dma_wait3A_826 = arith.constant 0 : i32
      %dma_wait3A_827 = arith.constant 1 : i32
      %dma_wait3A_828 = arith.constant 0 : i32
      %dma_wait3A_829 = arith.constant 0 : i32
      %dma_wait3A_830 = tpu.memref_slice %arg7[%dma_wait3A_825, %dma_wait3A_828, %dma_wait3A_829] : memref<4x64x128xf32, #tpu.memory_space<vmem>> -> memref<1x64x128xf32, #tpu.memory_space<vmem>>
      %dma_wait3A_831 = tpu.memref_squeeze %dma_wait3A_830 : memref<1x64x128xf32, #tpu.memory_space<vmem>> -> memref<64x128xf32, #tpu.memory_space<vmem>>
      %dma_wait3A_832 = arith.constant 0 : i32
      %dma_wait3A_833 = tpu.memref_slice %arg6[%dma_wait3A_826, %dma_wait3A_827, %dma_wait3A_832] : memref<8x2x64xi32, #tpu.memory_space<vmem>> -> memref<1x1x64xi32, #tpu.memory_space<vmem>>
      %dma_wait3A_834 = tpu.memref_squeeze %dma_wait3A_833 : memref<1x1x64xi32, #tpu.memory_space<vmem>> -> memref<64xi32, #tpu.memory_space<vmem>>
      %dma_wait3A_835 = arith.constant 0 : i32
      %dma_wait3A_836 = arith.constant 0 : i32
      %dma_wait3A_837 = tpu.memref_slice %arg8[%dma_wait3A_835, %dma_wait3A_836] : memref<10112x128xf32, #tpu.memory_space<vmem_shared>> -> memref<10112x128xf32, #tpu.memory_space<vmem_shared>>
      tpu.wait_indirect_dma semaphore(%arg21 : memref<!tpu.dma_semaphore, #tpu.memory_space<semaphore_mem>>) src(%dma_wait3A_831 : memref<64x128xf32, #tpu.memory_space<vmem>>) dst(%dma_wait3A_837 : memref<10112x128xf32, #tpu.memory_space<vmem_shared>>)
      %add3A_838 = arith.constant 3 : i32
      %add3A_839 = arith.addi %add3A_824, %add3A_838 : i32
      %dma_start3A_840 = arith.constant 3 : i32
      %dma_start3A_841 = arith.constant 0 : i32
      %dma_start3A_842 = arith.constant 0 : i32
      %dma_start3A_843 = tpu.memref_slice %arg6[%dma_start3A_840, %dma_start3A_841, %dma_start3A_842] : memref<8x2x64xi32, #tpu.memory_space<vmem>> -> memref<1x2x64xi32, #tpu.memory_space<vmem>>
      %dma_start3A_844 = tpu.memref_squeeze %dma_start3A_843 : memref<1x2x64xi32, #tpu.memory_space<vmem>> -> memref<2x64xi32, #tpu.memory_space<vmem>>
      %dma_start3A_845 = arith.constant 0 : i32
      %dma_start3A_846 = arith.constant 0 : i32
      %dma_start3A_847 = tpu.memref_slice %arg3[%add3A, %add3A_839, %dma_start3A_845, %dma_start3A_846] : memref<32x168x2x64xi32, #tpu.memory_space<hbm>> -> memref<1x1x2x64xi32, #tpu.memory_space<hbm>>
      %dma_start3A_848 = tpu.memref_squeeze %dma_start3A_847 : memref<1x1x2x64xi32, #tpu.memory_space<hbm>> -> memref<2x64xi32, #tpu.memory_space<hbm>>
      %dma_start3A_849 = arith.constant 0 : i32
      %dma_start3A_850 = arith.constant 0 : i32
      %dma_start3A_851 = tpu.memref_slice %arg6[%dma_start3A_840, %dma_start3A_849, %dma_start3A_850] : memref<8x2x64xi32, #tpu.memory_space<vmem>> -> memref<1x2x64xi32, #tpu.memory_space<vmem>>
      %dma_start3A_852 = tpu.memref_squeeze %dma_start3A_851 : memref<1x2x64xi32, #tpu.memory_space<vmem>> -> memref<2x64xi32, #tpu.memory_space<vmem>>
      %dma_start3A_853 = arith.constant 0 : i32
      %dma_start3A_854 = arith.constant 0 : i32
      %dma_start3A_855 = tpu.memref_slice %arg3[%add3A, %add3A_839, %dma_start3A_853, %dma_start3A_854] : memref<32x168x2x64xi32, #tpu.memory_space<hbm>> -> memref<1x1x2x64xi32, #tpu.memory_space<hbm>>
      %dma_start3A_856 = tpu.memref_squeeze %dma_start3A_855 : memref<1x1x2x64xi32, #tpu.memory_space<hbm>> -> memref<2x64xi32, #tpu.memory_space<hbm>>
      tpu.enqueue_dma source(%dma_start3A_856 : memref<2x64xi32, #tpu.memory_space<hbm>>) target(%dma_start3A_852 : memref<2x64xi32, #tpu.memory_space<vmem>>) target_semaphore(%arg12 : memref<!tpu.dma_semaphore, #tpu.memory_space<semaphore_mem>>)
      %dma_wait3A_857 = arith.constant 0 : i32
      %dma_wait3A_858 = arith.constant 0 : i32
      %dma_wait3A_859 = arith.constant 0 : i32
      %dma_wait3A_860 = arith.constant 0 : i32
      %dma_wait3A_861 = tpu.memref_slice %arg6[%dma_wait3A_858, %dma_wait3A_859, %dma_wait3A_860] : memref<8x2x64xi32, #tpu.memory_space<vmem>> -> memref<1x2x64xi32, #tpu.memory_space<vmem>>
      %dma_wait3A_862 = tpu.memref_squeeze %dma_wait3A_861 : memref<1x2x64xi32, #tpu.memory_space<vmem>> -> memref<2x64xi32, #tpu.memory_space<vmem>>
      %dma_wait3A_863 = arith.constant 0 : i32
      %dma_wait3A_864 = arith.constant 0 : i32
      %dma_wait3A_865 = tpu.memref_slice %arg3[%add3A, %dma_wait3A_857, %dma_wait3A_863, %dma_wait3A_864] : memref<32x168x2x64xi32, #tpu.memory_space<hbm>> -> memref<1x1x2x64xi32, #tpu.memory_space<hbm>>
      %dma_wait3A_866 = tpu.memref_squeeze %dma_wait3A_865 : memref<1x1x2x64xi32, #tpu.memory_space<hbm>> -> memref<2x64xi32, #tpu.memory_space<hbm>>
      %dma_wait3A_867 = arith.constant 0 : i32
      %dma_wait3A_868 = arith.constant 0 : i32
      %dma_wait3A_869 = tpu.memref_slice %arg6[%dma_wait3A_858, %dma_wait3A_867, %dma_wait3A_868] : memref<8x2x64xi32, #tpu.memory_space<vmem>> -> memref<1x2x64xi32, #tpu.memory_space<vmem>>
      %dma_wait3A_870 = tpu.memref_squeeze %dma_wait3A_869 : memref<1x2x64xi32, #tpu.memory_space<vmem>> -> memref<2x64xi32, #tpu.memory_space<vmem>>
      %dma_wait3A_871 = arith.constant 0 : i32
      %dma_wait3A_872 = arith.constant 0 : i32
      %dma_wait3A_873 = tpu.memref_slice %arg3[%add3A, %dma_wait3A_857, %dma_wait3A_871, %dma_wait3A_872] : memref<32x168x2x64xi32, #tpu.memory_space<hbm>> -> memref<1x1x2x64xi32, #tpu.memory_space<hbm>>
      %dma_wait3A_874 = tpu.memref_squeeze %dma_wait3A_873 : memref<1x1x2x64xi32, #tpu.memory_space<hbm>> -> memref<2x64xi32, #tpu.memory_space<hbm>>
      tpu.wait_dma2 semaphore(%arg9 : memref<!tpu.dma_semaphore, #tpu.memory_space<semaphore_mem>>) src(%dma_wait3A_874 : memref<2x64xi32, #tpu.memory_space<hbm>>) dst(%dma_wait3A_870 : memref<2x64xi32, #tpu.memory_space<vmem>>)
      %dma_start3A_875 = arith.constant 0 : i32
      %dma_start3A_876 = arith.constant 0 : i32
      %dma_start3A_877 = arith.constant 0 : i32
      %dma_start3A_878 = arith.constant 0 : i32
      %dma_start3A_879 = arith.constant 0 : i32
      %dma_start3A_880 = tpu.memref_slice %arg7[%dma_start3A_877, %dma_start3A_878, %dma_start3A_879] : memref<4x64x128xf32, #tpu.memory_space<vmem>> -> memref<1x64x128xf32, #tpu.memory_space<vmem>>
      %dma_start3A_881 = tpu.memref_squeeze %dma_start3A_880 : memref<1x64x128xf32, #tpu.memory_space<vmem>> -> memref<64x128xf32, #tpu.memory_space<vmem>>
      %dma_start3A_882 = arith.constant 0 : i32
      %dma_start3A_883 = tpu.memref_slice %arg6[%dma_start3A_875, %dma_start3A_876, %dma_start3A_882] : memref<8x2x64xi32, #tpu.memory_space<vmem>> -> memref<1x1x64xi32, #tpu.memory_space<vmem>>
      %dma_start3A_884 = tpu.memref_squeeze %dma_start3A_883 : memref<1x1x64xi32, #tpu.memory_space<vmem>> -> memref<64xi32, #tpu.memory_space<vmem>>
      %dma_start3A_885 = arith.constant 0 : i32
      %dma_start3A_886 = arith.constant 0 : i32
      %dma_start3A_887 = tpu.memref_slice %arg2[%dma_start3A_885, %dma_start3A_886] : memref<10000x128xf32, #tpu.memory_space<hbm>> -> memref<10000x128xf32, #tpu.memory_space<hbm>>
      tpu.enqueue_indirect_dma source(%dma_start3A_887 : memref<10000x128xf32, #tpu.memory_space<hbm>>) target(%dma_start3A_881 : memref<64x128xf32, #tpu.memory_space<vmem>>) offsets(%dma_start3A_884 : memref<64xi32, #tpu.memory_space<vmem>>) semaphore(%arg17 : memref<!tpu.dma_semaphore, #tpu.memory_space<semaphore_mem>>)
      %dma_wait3A_888 = arith.constant 6 : i32
      %dma_wait3A_889 = arith.constant 0 : i32
      %dma_wait3A_890 = arith.constant 2 : i32
      %dma_wait3A_891 = arith.constant 0 : i32
      %dma_wait3A_892 = arith.constant 0 : i32
      %dma_wait3A_893 = tpu.memref_slice %arg7[%dma_wait3A_890, %dma_wait3A_891, %dma_wait3A_892] : memref<4x64x128xf32, #tpu.memory_space<vmem>> -> memref<1x64x128xf32, #tpu.memory_space<vmem>>
      %dma_wait3A_894 = tpu.memref_squeeze %dma_wait3A_893 : memref<1x64x128xf32, #tpu.memory_space<vmem>> -> memref<64x128xf32, #tpu.memory_space<vmem>>
      %dma_wait3A_895 = arith.constant 0 : i32
      %dma_wait3A_896 = tpu.memref_slice %arg6[%dma_wait3A_888, %dma_wait3A_889, %dma_wait3A_895] : memref<8x2x64xi32, #tpu.memory_space<vmem>> -> memref<1x1x64xi32, #tpu.memory_space<vmem>>
      %dma_wait3A_897 = tpu.memref_squeeze %dma_wait3A_896 : memref<1x1x64xi32, #tpu.memory_space<vmem>> -> memref<64xi32, #tpu.memory_space<vmem>>
      %dma_wait3A_898 = arith.constant 0 : i32
      %dma_wait3A_899 = arith.constant 0 : i32
      %dma_wait3A_900 = tpu.memref_slice %arg2[%dma_wait3A_898, %dma_wait3A_899] : memref<10000x128xf32, #tpu.memory_space<hbm>> -> memref<10000x128xf32, #tpu.memory_space<hbm>>
      tpu.wait_indirect_dma semaphore(%arg19 : memref<!tpu.dma_semaphore, #tpu.memory_space<semaphore_mem>>) src(%dma_wait3A_900 : memref<10000x128xf32, #tpu.memory_space<hbm>>) dst(%dma_wait3A_894 : memref<64x128xf32, #tpu.memory_space<vmem>>)
      %dma_start3A_901 = arith.constant 2 : i32
      %dma_start3A_902 = arith.constant 6 : i32
      %dma_start3A_903 = arith.constant 1 : i32
      %dma_start3A_904 = arith.constant 0 : i32
      %dma_start3A_905 = arith.constant 0 : i32
      %dma_start3A_906 = tpu.memref_slice %arg7[%dma_start3A_901, %dma_start3A_904, %dma_start3A_905] : memref<4x64x128xf32, #tpu.memory_space<vmem>> -> memref<1x64x128xf32, #tpu.memory_space<vmem>>
      %dma_start3A_907 = tpu.memref_squeeze %dma_start3A_906 : memref<1x64x128xf32, #tpu.memory_space<vmem>> -> memref<64x128xf32, #tpu.memory_space<vmem>>
      %dma_start3A_908 = arith.constant 0 : i32
      %dma_start3A_909 = tpu.memref_slice %arg6[%dma_start3A_902, %dma_start3A_903, %dma_start3A_908] : memref<8x2x64xi32, #tpu.memory_space<vmem>> -> memref<1x1x64xi32, #tpu.memory_space<vmem>>
      %dma_start3A_910 = tpu.memref_squeeze %dma_start3A_909 : memref<1x1x64xi32, #tpu.memory_space<vmem>> -> memref<64xi32, #tpu.memory_space<vmem>>
      %dma_start3A_911 = arith.constant 0 : i32
      %dma_start3A_912 = arith.constant 0 : i32
      %dma_start3A_913 = tpu.memref_slice %arg8[%dma_start3A_911, %dma_start3A_912] : memref<10112x128xf32, #tpu.memory_space<vmem_shared>> -> memref<10112x128xf32, #tpu.memory_space<vmem_shared>>
      tpu.enqueue_indirect_dma source(%dma_start3A_907 : memref<64x128xf32, #tpu.memory_space<vmem>>) target(%dma_start3A_913 : memref<10112x128xf32, #tpu.memory_space<vmem_shared>>) offsets(%dma_start3A_910 : memref<64xi32, #tpu.memory_space<vmem>>) semaphore(%arg23 : memref<!tpu.dma_semaphore, #tpu.memory_space<semaphore_mem>>) {add = true}
      %add3A_914 = arith.constant 1 : i32
      %add3A_915 = arith.addi %add3A_822, %add3A_914 : i32
      %dma_wait3A_916 = arith.constant 1 : i32
      %dma_wait3A_917 = arith.constant 1 : i32
      %dma_wait3A_918 = arith.constant 1 : i32
      %dma_wait3A_919 = arith.constant 0 : i32
      %dma_wait3A_920 = arith.constant 0 : i32
      %dma_wait3A_921 = tpu.memref_slice %arg7[%dma_wait3A_916, %dma_wait3A_919, %dma_wait3A_920] : memref<4x64x128xf32, #tpu.memory_space<vmem>> -> memref<1x64x128xf32, #tpu.memory_space<vmem>>
      %dma_wait3A_922 = tpu.memref_squeeze %dma_wait3A_921 : memref<1x64x128xf32, #tpu.memory_space<vmem>> -> memref<64x128xf32, #tpu.memory_space<vmem>>
      %dma_wait3A_923 = arith.constant 0 : i32
      %dma_wait3A_924 = tpu.memref_slice %arg6[%dma_wait3A_917, %dma_wait3A_918, %dma_wait3A_923] : memref<8x2x64xi32, #tpu.memory_space<vmem>> -> memref<1x1x64xi32, #tpu.memory_space<vmem>>
      %dma_wait3A_925 = tpu.memref_squeeze %dma_wait3A_924 : memref<1x1x64xi32, #tpu.memory_space<vmem>> -> memref<64xi32, #tpu.memory_space<vmem>>
      %dma_wait3A_926 = arith.constant 0 : i32
      %dma_wait3A_927 = arith.constant 0 : i32
      %dma_wait3A_928 = tpu.memref_slice %arg8[%dma_wait3A_926, %dma_wait3A_927] : memref<10112x128xf32, #tpu.memory_space<vmem_shared>> -> memref<10112x128xf32, #tpu.memory_space<vmem_shared>>
      tpu.wait_indirect_dma semaphore(%arg22 : memref<!tpu.dma_semaphore, #tpu.memory_space<semaphore_mem>>) src(%dma_wait3A_922 : memref<64x128xf32, #tpu.memory_space<vmem>>) dst(%dma_wait3A_928 : memref<10112x128xf32, #tpu.memory_space<vmem_shared>>)
      %add3A_929 = arith.constant 3 : i32
      %add3A_930 = arith.addi %add3A_915, %add3A_929 : i32
      %dma_start3A_931 = arith.constant 4 : i32
      %dma_start3A_932 = arith.constant 0 : i32
      %dma_start3A_933 = arith.constant 0 : i32
      %dma_start3A_934 = tpu.memref_slice %arg6[%dma_start3A_931, %dma_start3A_932, %dma_start3A_933] : memref<8x2x64xi32, #tpu.memory_space<vmem>> -> memref<1x2x64xi32, #tpu.memory_space<vmem>>
      %dma_start3A_935 = tpu.memref_squeeze %dma_start3A_934 : memref<1x2x64xi32, #tpu.memory_space<vmem>> -> memref<2x64xi32, #tpu.memory_space<vmem>>
      %dma_start3A_936 = arith.constant 0 : i32
      %dma_start3A_937 = arith.constant 0 : i32
      %dma_start3A_938 = tpu.memref_slice %arg3[%add3A, %add3A_930, %dma_start3A_936, %dma_start3A_937] : memref<32x168x2x64xi32, #tpu.memory_space<hbm>> -> memref<1x1x2x64xi32, #tpu.memory_space<hbm>>
      %dma_start3A_939 = tpu.memref_squeeze %dma_start3A_938 : memref<1x1x2x64xi32, #tpu.memory_space<hbm>> -> memref<2x64xi32, #tpu.memory_space<hbm>>
      %dma_start3A_940 = arith.constant 0 : i32
      %dma_start3A_941 = arith.constant 0 : i32
      %dma_start3A_942 = tpu.memref_slice %arg6[%dma_start3A_931, %dma_start3A_940, %dma_start3A_941] : memref<8x2x64xi32, #tpu.memory_space<vmem>> -> memref<1x2x64xi32, #tpu.memory_space<vmem>>
      %dma_start3A_943 = tpu.memref_squeeze %dma_start3A_942 : memref<1x2x64xi32, #tpu.memory_space<vmem>> -> memref<2x64xi32, #tpu.memory_space<vmem>>
      %dma_start3A_944 = arith.constant 0 : i32
      %dma_start3A_945 = arith.constant 0 : i32
      %dma_start3A_946 = tpu.memref_slice %arg3[%add3A, %add3A_930, %dma_start3A_944, %dma_start3A_945] : memref<32x168x2x64xi32, #tpu.memory_space<hbm>> -> memref<1x1x2x64xi32, #tpu.memory_space<hbm>>
      %dma_start3A_947 = tpu.memref_squeeze %dma_start3A_946 : memref<1x1x2x64xi32, #tpu.memory_space<hbm>> -> memref<2x64xi32, #tpu.memory_space<hbm>>
      tpu.enqueue_dma source(%dma_start3A_947 : memref<2x64xi32, #tpu.memory_space<hbm>>) target(%dma_start3A_943 : memref<2x64xi32, #tpu.memory_space<vmem>>) target_semaphore(%arg13 : memref<!tpu.dma_semaphore, #tpu.memory_space<semaphore_mem>>)
      %dma_wait3A_948 = arith.constant 0 : i32
      %dma_wait3A_949 = arith.constant 1 : i32
      %dma_wait3A_950 = arith.constant 0 : i32
      %dma_wait3A_951 = arith.constant 0 : i32
      %dma_wait3A_952 = tpu.memref_slice %arg6[%dma_wait3A_949, %dma_wait3A_950, %dma_wait3A_951] : memref<8x2x64xi32, #tpu.memory_space<vmem>> -> memref<1x2x64xi32, #tpu.memory_space<vmem>>
      %dma_wait3A_953 = tpu.memref_squeeze %dma_wait3A_952 : memref<1x2x64xi32, #tpu.memory_space<vmem>> -> memref<2x64xi32, #tpu.memory_space<vmem>>
      %dma_wait3A_954 = arith.constant 0 : i32
      %dma_wait3A_955 = arith.constant 0 : i32
      %dma_wait3A_956 = tpu.memref_slice %arg3[%add3A, %dma_wait3A_948, %dma_wait3A_954, %dma_wait3A_955] : memref<32x168x2x64xi32, #tpu.memory_space<hbm>> -> memref<1x1x2x64xi32, #tpu.memory_space<hbm>>
      %dma_wait3A_957 = tpu.memref_squeeze %dma_wait3A_956 : memref<1x1x2x64xi32, #tpu.memory_space<hbm>> -> memref<2x64xi32, #tpu.memory_space<hbm>>
      %dma_wait3A_958 = arith.constant 0 : i32
      %dma_wait3A_959 = arith.constant 0 : i32
      %dma_wait3A_960 = tpu.memref_slice %arg6[%dma_wait3A_949, %dma_wait3A_958, %dma_wait3A_959] : memref<8x2x64xi32, #tpu.memory_space<vmem>> -> memref<1x2x64xi32, #tpu.memory_space<vmem>>
      %dma_wait3A_961 = tpu.memref_squeeze %dma_wait3A_960 : memref<1x2x64xi32, #tpu.memory_space<vmem>> -> memref<2x64xi32, #tpu.memory_space<vmem>>
      %dma_wait3A_962 = arith.constant 0 : i32
      %dma_wait3A_963 = arith.constant 0 : i32
      %dma_wait3A_964 = tpu.memref_slice %arg3[%add3A, %dma_wait3A_948, %dma_wait3A_962, %dma_wait3A_963] : memref<32x168x2x64xi32, #tpu.memory_space<hbm>> -> memref<1x1x2x64xi32, #tpu.memory_space<hbm>>
      %dma_wait3A_965 = tpu.memref_squeeze %dma_wait3A_964 : memref<1x1x2x64xi32, #tpu.memory_space<hbm>> -> memref<2x64xi32, #tpu.memory_space<hbm>>
      tpu.wait_dma2 semaphore(%arg10 : memref<!tpu.dma_semaphore, #tpu.memory_space<semaphore_mem>>) src(%dma_wait3A_965 : memref<2x64xi32, #tpu.memory_space<hbm>>) dst(%dma_wait3A_961 : memref<2x64xi32, #tpu.memory_space<vmem>>)
      %dma_start3A_966 = arith.constant 1 : i32
      %dma_start3A_967 = arith.constant 0 : i32
      %dma_start3A_968 = arith.constant 1 : i32
      %dma_start3A_969 = arith.constant 0 : i32
      %dma_start3A_970 = arith.constant 0 : i32
      %dma_start3A_971 = tpu.memref_slice %arg7[%dma_start3A_968, %dma_start3A_969, %dma_start3A_970] : memref<4x64x128xf32, #tpu.memory_space<vmem>> -> memref<1x64x128xf32, #tpu.memory_space<vmem>>
      %dma_start3A_972 = tpu.memref_squeeze %dma_start3A_971 : memref<1x64x128xf32, #tpu.memory_space<vmem>> -> memref<64x128xf32, #tpu.memory_space<vmem>>
      %dma_start3A_973 = arith.constant 0 : i32
      %dma_start3A_974 = tpu.memref_slice %arg6[%dma_start3A_966, %dma_start3A_967, %dma_start3A_973] : memref<8x2x64xi32, #tpu.memory_space<vmem>> -> memref<1x1x64xi32, #tpu.memory_space<vmem>>
      %dma_start3A_975 = tpu.memref_squeeze %dma_start3A_974 : memref<1x1x64xi32, #tpu.memory_space<vmem>> -> memref<64xi32, #tpu.memory_space<vmem>>
      %dma_start3A_976 = arith.constant 0 : i32
      %dma_start3A_977 = arith.constant 0 : i32
      %dma_start3A_978 = tpu.memref_slice %arg2[%dma_start3A_976, %dma_start3A_977] : memref<10000x128xf32, #tpu.memory_space<hbm>> -> memref<10000x128xf32, #tpu.memory_space<hbm>>
      tpu.enqueue_indirect_dma source(%dma_start3A_978 : memref<10000x128xf32, #tpu.memory_space<hbm>>) target(%dma_start3A_972 : memref<64x128xf32, #tpu.memory_space<vmem>>) offsets(%dma_start3A_975 : memref<64xi32, #tpu.memory_space<vmem>>) semaphore(%arg18 : memref<!tpu.dma_semaphore, #tpu.memory_space<semaphore_mem>>)
      %dma_wait3A_979 = arith.constant 7 : i32
      %dma_wait3A_980 = arith.constant 0 : i32
      %dma_wait3A_981 = arith.constant 3 : i32
      %dma_wait3A_982 = arith.constant 0 : i32
      %dma_wait3A_983 = arith.constant 0 : i32
      %dma_wait3A_984 = tpu.memref_slice %arg7[%dma_wait3A_981, %dma_wait3A_982, %dma_wait3A_983] : memref<4x64x128xf32, #tpu.memory_space<vmem>> -> memref<1x64x128xf32, #tpu.memory_space<vmem>>
      %dma_wait3A_985 = tpu.memref_squeeze %dma_wait3A_984 : memref<1x64x128xf32, #tpu.memory_space<vmem>> -> memref<64x128xf32, #tpu.memory_space<vmem>>
      %dma_wait3A_986 = arith.constant 0 : i32
      %dma_wait3A_987 = tpu.memref_slice %arg6[%dma_wait3A_979, %dma_wait3A_980, %dma_wait3A_986] : memref<8x2x64xi32, #tpu.memory_space<vmem>> -> memref<1x1x64xi32, #tpu.memory_space<vmem>>
      %dma_wait3A_988 = tpu.memref_squeeze %dma_wait3A_987 : memref<1x1x64xi32, #tpu.memory_space<vmem>> -> memref<64xi32, #tpu.memory_space<vmem>>
      %dma_wait3A_989 = arith.constant 0 : i32
      %dma_wait3A_990 = arith.constant 0 : i32
      %dma_wait3A_991 = tpu.memref_slice %arg2[%dma_wait3A_989, %dma_wait3A_990] : memref<10000x128xf32, #tpu.memory_space<hbm>> -> memref<10000x128xf32, #tpu.memory_space<hbm>>
      tpu.wait_indirect_dma semaphore(%arg20 : memref<!tpu.dma_semaphore, #tpu.memory_space<semaphore_mem>>) src(%dma_wait3A_991 : memref<10000x128xf32, #tpu.memory_space<hbm>>) dst(%dma_wait3A_985 : memref<64x128xf32, #tpu.memory_space<vmem>>)
      %dma_start3A_992 = arith.constant 3 : i32
      %dma_start3A_993 = arith.constant 7 : i32
      %dma_start3A_994 = arith.constant 1 : i32
      %dma_start3A_995 = arith.constant 0 : i32
      %dma_start3A_996 = arith.constant 0 : i32
      %dma_start3A_997 = tpu.memref_slice %arg7[%dma_start3A_992, %dma_start3A_995, %dma_start3A_996] : memref<4x64x128xf32, #tpu.memory_space<vmem>> -> memref<1x64x128xf32, #tpu.memory_space<vmem>>
      %dma_start3A_998 = tpu.memref_squeeze %dma_start3A_997 : memref<1x64x128xf32, #tpu.memory_space<vmem>> -> memref<64x128xf32, #tpu.memory_space<vmem>>
      %dma_start3A_999 = arith.constant 0 : i32
      %dma_start3A_1000 = tpu.memref_slice %arg6[%dma_start3A_993, %dma_start3A_994, %dma_start3A_999] : memref<8x2x64xi32, #tpu.memory_space<vmem>> -> memref<1x1x64xi32, #tpu.memory_space<vmem>>
      %dma_start3A_1001 = tpu.memref_squeeze %dma_start3A_1000 : memref<1x1x64xi32, #tpu.memory_space<vmem>> -> memref<64xi32, #tpu.memory_space<vmem>>
      %dma_start3A_1002 = arith.constant 0 : i32
      %dma_start3A_1003 = arith.constant 0 : i32
      %dma_start3A_1004 = tpu.memref_slice %arg8[%dma_start3A_1002, %dma_start3A_1003] : memref<10112x128xf32, #tpu.memory_space<vmem_shared>> -> memref<10112x128xf32, #tpu.memory_space<vmem_shared>>
      tpu.enqueue_indirect_dma source(%dma_start3A_998 : memref<64x128xf32, #tpu.memory_space<vmem>>) target(%dma_start3A_1004 : memref<10112x128xf32, #tpu.memory_space<vmem_shared>>) offsets(%dma_start3A_1001 : memref<64xi32, #tpu.memory_space<vmem>>) semaphore(%arg24 : memref<!tpu.dma_semaphore, #tpu.memory_space<semaphore_mem>>) {add = true}
      %add3A_1005 = arith.constant 2 : i32
      %add3A_1006 = arith.addi %add3A_822, %add3A_1005 : i32
      %dma_wait3A_1007 = arith.constant 2 : i32
      %dma_wait3A_1008 = arith.constant 2 : i32
      %dma_wait3A_1009 = arith.constant 1 : i32
      %dma_wait3A_1010 = arith.constant 0 : i32
      %dma_wait3A_1011 = arith.constant 0 : i32
      %dma_wait3A_1012 = tpu.memref_slice %arg7[%dma_wait3A_1007, %dma_wait3A_1010, %dma_wait3A_1011] : memref<4x64x128xf32, #tpu.memory_space<vmem>> -> memref<1x64x128xf32, #tpu.memory_space<vmem>>
      %dma_wait3A_1013 = tpu.memref_squeeze %dma_wait3A_1012 : memref<1x64x128xf32, #tpu.memory_space<vmem>> -> memref<64x128xf32, #tpu.memory_space<vmem>>
      %dma_wait3A_1014 = arith.constant 0 : i32
      %dma_wait3A_1015 = tpu.memref_slice %arg6[%dma_wait3A_1008, %dma_wait3A_1009, %dma_wait3A_1014] : memref<8x2x64xi32, #tpu.memory_space<vmem>> -> memref<1x1x64xi32, #tpu.memory_space<vmem>>
      %dma_wait3A_1016 = tpu.memref_squeeze %dma_wait3A_1015 : memref<1x1x64xi32, #tpu.memory_space<vmem>> -> memref<64xi32, #tpu.memory_space<vmem>>
      %dma_wait3A_1017 = arith.constant 0 : i32
      %dma_wait3A_1018 = arith.constant 0 : i32
      %dma_wait3A_1019 = tpu.memref_slice %arg8[%dma_wait3A_1017, %dma_wait3A_1018] : memref<10112x128xf32, #tpu.memory_space<vmem_shared>> -> memref<10112x128xf32, #tpu.memory_space<vmem_shared>>
      tpu.wait_indirect_dma semaphore(%arg23 : memref<!tpu.dma_semaphore, #tpu.memory_space<semaphore_mem>>) src(%dma_wait3A_1013 : memref<64x128xf32, #tpu.memory_space<vmem>>) dst(%dma_wait3A_1019 : memref<10112x128xf32, #tpu.memory_space<vmem_shared>>)
      %add3A_1020 = arith.constant 3 : i32
      %add3A_1021 = arith.addi %add3A_1006, %add3A_1020 : i32
      %dma_start3A_1022 = arith.constant 5 : i32
      %dma_start3A_1023 = arith.constant 0 : i32
      %dma_start3A_1024 = arith.constant 0 : i32
      %dma_start3A_1025 = tpu.memref_slice %arg6[%dma_start3A_1022, %dma_start3A_1023, %dma_start3A_1024] : memref<8x2x64xi32, #tpu.memory_space<vmem>> -> memref<1x2x64xi32, #tpu.memory_space<vmem>>
      %dma_start3A_1026 = tpu.memref_squeeze %dma_start3A_1025 : memref<1x2x64xi32, #tpu.memory_space<vmem>> -> memref<2x64xi32, #tpu.memory_space<vmem>>
      %dma_start3A_1027 = arith.constant 0 : i32
      %dma_start3A_1028 = arith.constant 0 : i32
      %dma_start3A_1029 = tpu.memref_slice %arg3[%add3A, %add3A_1021, %dma_start3A_1027, %dma_start3A_1028] : memref<32x168x2x64xi32, #tpu.memory_space<hbm>> -> memref<1x1x2x64xi32, #tpu.memory_space<hbm>>
      %dma_start3A_1030 = tpu.memref_squeeze %dma_start3A_1029 : memref<1x1x2x64xi32, #tpu.memory_space<hbm>> -> memref<2x64xi32, #tpu.memory_space<hbm>>
      %dma_start3A_1031 = arith.constant 0 : i32
      %dma_start3A_1032 = arith.constant 0 : i32
      %dma_start3A_1033 = tpu.memref_slice %arg6[%dma_start3A_1022, %dma_start3A_1031, %dma_start3A_1032] : memref<8x2x64xi32, #tpu.memory_space<vmem>> -> memref<1x2x64xi32, #tpu.memory_space<vmem>>
      %dma_start3A_1034 = tpu.memref_squeeze %dma_start3A_1033 : memref<1x2x64xi32, #tpu.memory_space<vmem>> -> memref<2x64xi32, #tpu.memory_space<vmem>>
      %dma_start3A_1035 = arith.constant 0 : i32
      %dma_start3A_1036 = arith.constant 0 : i32
      %dma_start3A_1037 = tpu.memref_slice %arg3[%add3A, %add3A_1021, %dma_start3A_1035, %dma_start3A_1036] : memref<32x168x2x64xi32, #tpu.memory_space<hbm>> -> memref<1x1x2x64xi32, #tpu.memory_space<hbm>>
      %dma_start3A_1038 = tpu.memref_squeeze %dma_start3A_1037 : memref<1x1x2x64xi32, #tpu.memory_space<hbm>> -> memref<2x64xi32, #tpu.memory_space<hbm>>
      tpu.enqueue_dma source(%dma_start3A_1038 : memref<2x64xi32, #tpu.memory_space<hbm>>) target(%dma_start3A_1034 : memref<2x64xi32, #tpu.memory_space<vmem>>) target_semaphore(%arg14 : memref<!tpu.dma_semaphore, #tpu.memory_space<semaphore_mem>>)
      %dma_wait3A_1039 = arith.constant 0 : i32
      %dma_wait3A_1040 = arith.constant 2 : i32
      %dma_wait3A_1041 = arith.constant 0 : i32
      %dma_wait3A_1042 = arith.constant 0 : i32
      %dma_wait3A_1043 = tpu.memref_slice %arg6[%dma_wait3A_1040, %dma_wait3A_1041, %dma_wait3A_1042] : memref<8x2x64xi32, #tpu.memory_space<vmem>> -> memref<1x2x64xi32, #tpu.memory_space<vmem>>
      %dma_wait3A_1044 = tpu.memref_squeeze %dma_wait3A_1043 : memref<1x2x64xi32, #tpu.memory_space<vmem>> -> memref<2x64xi32, #tpu.memory_space<vmem>>
      %dma_wait3A_1045 = arith.constant 0 : i32
      %dma_wait3A_1046 = arith.constant 0 : i32
      %dma_wait3A_1047 = tpu.memref_slice %arg3[%add3A, %dma_wait3A_1039, %dma_wait3A_1045, %dma_wait3A_1046] : memref<32x168x2x64xi32, #tpu.memory_space<hbm>> -> memref<1x1x2x64xi32, #tpu.memory_space<hbm>>
      %dma_wait3A_1048 = tpu.memref_squeeze %dma_wait3A_1047 : memref<1x1x2x64xi32, #tpu.memory_space<hbm>> -> memref<2x64xi32, #tpu.memory_space<hbm>>
      %dma_wait3A_1049 = arith.constant 0 : i32
      %dma_wait3A_1050 = arith.constant 0 : i32
      %dma_wait3A_1051 = tpu.memref_slice %arg6[%dma_wait3A_1040, %dma_wait3A_1049, %dma_wait3A_1050] : memref<8x2x64xi32, #tpu.memory_space<vmem>> -> memref<1x2x64xi32, #tpu.memory_space<vmem>>
      %dma_wait3A_1052 = tpu.memref_squeeze %dma_wait3A_1051 : memref<1x2x64xi32, #tpu.memory_space<vmem>> -> memref<2x64xi32, #tpu.memory_space<vmem>>
      %dma_wait3A_1053 = arith.constant 0 : i32
      %dma_wait3A_1054 = arith.constant 0 : i32
      %dma_wait3A_1055 = tpu.memref_slice %arg3[%add3A, %dma_wait3A_1039, %dma_wait3A_1053, %dma_wait3A_1054] : memref<32x168x2x64xi32, #tpu.memory_space<hbm>> -> memref<1x1x2x64xi32, #tpu.memory_space<hbm>>
      %dma_wait3A_1056 = tpu.memref_squeeze %dma_wait3A_1055 : memref<1x1x2x64xi32, #tpu.memory_space<hbm>> -> memref<2x64xi32, #tpu.memory_space<hbm>>
      tpu.wait_dma2 semaphore(%arg11 : memref<!tpu.dma_semaphore, #tpu.memory_space<semaphore_mem>>) src(%dma_wait3A_1056 : memref<2x64xi32, #tpu.memory_space<hbm>>) dst(%dma_wait3A_1052 : memref<2x64xi32, #tpu.memory_space<vmem>>)
      %dma_start3A_1057 = arith.constant 2 : i32
      %dma_start3A_1058 = arith.constant 0 : i32
      %dma_start3A_1059 = arith.constant 2 : i32
      %dma_start3A_1060 = arith.constant 0 : i32
      %dma_start3A_1061 = arith.constant 0 : i32
      %dma_start3A_1062 = tpu.memref_slice %arg7[%dma_start3A_1059, %dma_start3A_1060, %dma_start3A_1061] : memref<4x64x128xf32, #tpu.memory_space<vmem>> -> memref<1x64x128xf32, #tpu.memory_space<vmem>>
      %dma_start3A_1063 = tpu.memref_squeeze %dma_start3A_1062 : memref<1x64x128xf32, #tpu.memory_space<vmem>> -> memref<64x128xf32, #tpu.memory_space<vmem>>
      %dma_start3A_1064 = arith.constant 0 : i32
      %dma_start3A_1065 = tpu.memref_slice %arg6[%dma_start3A_1057, %dma_start3A_1058, %dma_start3A_1064] : memref<8x2x64xi32, #tpu.memory_space<vmem>> -> memref<1x1x64xi32, #tpu.memory_space<vmem>>
      %dma_start3A_1066 = tpu.memref_squeeze %dma_start3A_1065 : memref<1x1x64xi32, #tpu.memory_space<vmem>> -> memref<64xi32, #tpu.memory_space<vmem>>
      %dma_start3A_1067 = arith.constant 0 : i32
      %dma_start3A_1068 = arith.constant 0 : i32
      %dma_start3A_1069 = tpu.memref_slice %arg2[%dma_start3A_1067, %dma_start3A_1068] : memref<10000x128xf32, #tpu.memory_space<hbm>> -> memref<10000x128xf32, #tpu.memory_space<hbm>>
      tpu.enqueue_indirect_dma source(%dma_start3A_1069 : memref<10000x128xf32, #tpu.memory_space<hbm>>) target(%dma_start3A_1063 : memref<64x128xf32, #tpu.memory_space<vmem>>) offsets(%dma_start3A_1066 : memref<64xi32, #tpu.memory_space<vmem>>) semaphore(%arg19 : memref<!tpu.dma_semaphore, #tpu.memory_space<semaphore_mem>>)
      %dma_wait3A_1070 = arith.constant 0 : i32
      %dma_wait3A_1071 = arith.constant 0 : i32
      %dma_wait3A_1072 = arith.constant 0 : i32
      %dma_wait3A_1073 = arith.constant 0 : i32
      %dma_wait3A_1074 = arith.constant 0 : i32
      %dma_wait3A_1075 = tpu.memref_slice %arg7[%dma_wait3A_1072, %dma_wait3A_1073, %dma_wait3A_1074] : memref<4x64x128xf32, #tpu.memory_space<vmem>> -> memref<1x64x128xf32, #tpu.memory_space<vmem>>
      %dma_wait3A_1076 = tpu.memref_squeeze %dma_wait3A_1075 : memref<1x64x128xf32, #tpu.memory_space<vmem>> -> memref<64x128xf32, #tpu.memory_space<vmem>>
      %dma_wait3A_1077 = arith.constant 0 : i32
      %dma_wait3A_1078 = tpu.memref_slice %arg6[%dma_wait3A_1070, %dma_wait3A_1071, %dma_wait3A_1077] : memref<8x2x64xi32, #tpu.memory_space<vmem>> -> memref<1x1x64xi32, #tpu.memory_space<vmem>>
      %dma_wait3A_1079 = tpu.memref_squeeze %dma_wait3A_1078 : memref<1x1x64xi32, #tpu.memory_space<vmem>> -> memref<64xi32, #tpu.memory_space<vmem>>
      %dma_wait3A_1080 = arith.constant 0 : i32
      %dma_wait3A_1081 = arith.constant 0 : i32
      %dma_wait3A_1082 = tpu.memref_slice %arg2[%dma_wait3A_1080, %dma_wait3A_1081] : memref<10000x128xf32, #tpu.memory_space<hbm>> -> memref<10000x128xf32, #tpu.memory_space<hbm>>
      tpu.wait_indirect_dma semaphore(%arg17 : memref<!tpu.dma_semaphore, #tpu.memory_space<semaphore_mem>>) src(%dma_wait3A_1082 : memref<10000x128xf32, #tpu.memory_space<hbm>>) dst(%dma_wait3A_1076 : memref<64x128xf32, #tpu.memory_space<vmem>>)
      %dma_start3A_1083 = arith.constant 0 : i32
      %dma_start3A_1084 = arith.constant 0 : i32
      %dma_start3A_1085 = arith.constant 1 : i32
      %dma_start3A_1086 = arith.constant 0 : i32
      %dma_start3A_1087 = arith.constant 0 : i32
      %dma_start3A_1088 = tpu.memref_slice %arg7[%dma_start3A_1083, %dma_start3A_1086, %dma_start3A_1087] : memref<4x64x128xf32, #tpu.memory_space<vmem>> -> memref<1x64x128xf32, #tpu.memory_space<vmem>>
      %dma_start3A_1089 = tpu.memref_squeeze %dma_start3A_1088 : memref<1x64x128xf32, #tpu.memory_space<vmem>> -> memref<64x128xf32, #tpu.memory_space<vmem>>
      %dma_start3A_1090 = arith.constant 0 : i32
      %dma_start3A_1091 = tpu.memref_slice %arg6[%dma_start3A_1084, %dma_start3A_1085, %dma_start3A_1090] : memref<8x2x64xi32, #tpu.memory_space<vmem>> -> memref<1x1x64xi32, #tpu.memory_space<vmem>>
      %dma_start3A_1092 = tpu.memref_squeeze %dma_start3A_1091 : memref<1x1x64xi32, #tpu.memory_space<vmem>> -> memref<64xi32, #tpu.memory_space<vmem>>
      %dma_start3A_1093 = arith.constant 0 : i32
      %dma_start3A_1094 = arith.constant 0 : i32
      %dma_start3A_1095 = tpu.memref_slice %arg8[%dma_start3A_1093, %dma_start3A_1094] : memref<10112x128xf32, #tpu.memory_space<vmem_shared>> -> memref<10112x128xf32, #tpu.memory_space<vmem_shared>>
      tpu.enqueue_indirect_dma source(%dma_start3A_1089 : memref<64x128xf32, #tpu.memory_space<vmem>>) target(%dma_start3A_1095 : memref<10112x128xf32, #tpu.memory_space<vmem_shared>>) offsets(%dma_start3A_1092 : memref<64xi32, #tpu.memory_space<vmem>>) semaphore(%arg21 : memref<!tpu.dma_semaphore, #tpu.memory_space<semaphore_mem>>) {add = true}
      %add3A_1096 = arith.constant 3 : i32
      %add3A_1097 = arith.addi %add3A_822, %add3A_1096 : i32
      %dma_wait3A_1098 = arith.constant 3 : i32
      %dma_wait3A_1099 = arith.constant 3 : i32
      %dma_wait3A_1100 = arith.constant 1 : i32
      %dma_wait3A_1101 = arith.constant 0 : i32
      %dma_wait3A_1102 = arith.constant 0 : i32
      %dma_wait3A_1103 = tpu.memref_slice %arg7[%dma_wait3A_1098, %dma_wait3A_1101, %dma_wait3A_1102] : memref<4x64x128xf32, #tpu.memory_space<vmem>> -> memref<1x64x128xf32, #tpu.memory_space<vmem>>
      %dma_wait3A_1104 = tpu.memref_squeeze %dma_wait3A_1103 : memref<1x64x128xf32, #tpu.memory_space<vmem>> -> memref<64x128xf32, #tpu.memory_space<vmem>>
      %dma_wait3A_1105 = arith.constant 0 : i32
      %dma_wait3A_1106 = tpu.memref_slice %arg6[%dma_wait3A_1099, %dma_wait3A_1100, %dma_wait3A_1105] : memref<8x2x64xi32, #tpu.memory_space<vmem>> -> memref<1x1x64xi32, #tpu.memory_space<vmem>>
      %dma_wait3A_1107 = tpu.memref_squeeze %dma_wait3A_1106 : memref<1x1x64xi32, #tpu.memory_space<vmem>> -> memref<64xi32, #tpu.memory_space<vmem>>
      %dma_wait3A_1108 = arith.constant 0 : i32
      %dma_wait3A_1109 = arith.constant 0 : i32
      %dma_wait3A_1110 = tpu.memref_slice %arg8[%dma_wait3A_1108, %dma_wait3A_1109] : memref<10112x128xf32, #tpu.memory_space<vmem_shared>> -> memref<10112x128xf32, #tpu.memory_space<vmem_shared>>
      tpu.wait_indirect_dma semaphore(%arg24 : memref<!tpu.dma_semaphore, #tpu.memory_space<semaphore_mem>>) src(%dma_wait3A_1104 : memref<64x128xf32, #tpu.memory_space<vmem>>) dst(%dma_wait3A_1110 : memref<10112x128xf32, #tpu.memory_space<vmem_shared>>)
      %add3A_1111 = arith.constant 3 : i32
      %add3A_1112 = arith.addi %add3A_1097, %add3A_1111 : i32
      %dma_start3A_1113 = arith.constant 6 : i32
      %dma_start3A_1114 = arith.constant 0 : i32
      %dma_start3A_1115 = arith.constant 0 : i32
      %dma_start3A_1116 = tpu.memref_slice %arg6[%dma_start3A_1113, %dma_start3A_1114, %dma_start3A_1115] : memref<8x2x64xi32, #tpu.memory_space<vmem>> -> memref<1x2x64xi32, #tpu.memory_space<vmem>>
      %dma_start3A_1117 = tpu.memref_squeeze %dma_start3A_1116 : memref<1x2x64xi32, #tpu.memory_space<vmem>> -> memref<2x64xi32, #tpu.memory_space<vmem>>
      %dma_start3A_1118 = arith.constant 0 : i32
      %dma_start3A_1119 = arith.constant 0 : i32
      %dma_start3A_1120 = tpu.memref_slice %arg3[%add3A, %add3A_1112, %dma_start3A_1118, %dma_start3A_1119] : memref<32x168x2x64xi32, #tpu.memory_space<hbm>> -> memref<1x1x2x64xi32, #tpu.memory_space<hbm>>
      %dma_start3A_1121 = tpu.memref_squeeze %dma_start3A_1120 : memref<1x1x2x64xi32, #tpu.memory_space<hbm>> -> memref<2x64xi32, #tpu.memory_space<hbm>>
      %dma_start3A_1122 = arith.constant 0 : i32
      %dma_start3A_1123 = arith.constant 0 : i32
      %dma_start3A_1124 = tpu.memref_slice %arg6[%dma_start3A_1113, %dma_start3A_1122, %dma_start3A_1123] : memref<8x2x64xi32, #tpu.memory_space<vmem>> -> memref<1x2x64xi32, #tpu.memory_space<vmem>>
      %dma_start3A_1125 = tpu.memref_squeeze %dma_start3A_1124 : memref<1x2x64xi32, #tpu.memory_space<vmem>> -> memref<2x64xi32, #tpu.memory_space<vmem>>
      %dma_start3A_1126 = arith.constant 0 : i32
      %dma_start3A_1127 = arith.constant 0 : i32
      %dma_start3A_1128 = tpu.memref_slice %arg3[%add3A, %add3A_1112, %dma_start3A_1126, %dma_start3A_1127] : memref<32x168x2x64xi32, #tpu.memory_space<hbm>> -> memref<1x1x2x64xi32, #tpu.memory_space<hbm>>
      %dma_start3A_1129 = tpu.memref_squeeze %dma_start3A_1128 : memref<1x1x2x64xi32, #tpu.memory_space<hbm>> -> memref<2x64xi32, #tpu.memory_space<hbm>>
      tpu.enqueue_dma source(%dma_start3A_1129 : memref<2x64xi32, #tpu.memory_space<hbm>>) target(%dma_start3A_1125 : memref<2x64xi32, #tpu.memory_space<vmem>>) target_semaphore(%arg15 : memref<!tpu.dma_semaphore, #tpu.memory_space<semaphore_mem>>)
      %dma_wait3A_1130 = arith.constant 0 : i32
      %dma_wait3A_1131 = arith.constant 3 : i32
      %dma_wait3A_1132 = arith.constant 0 : i32
      %dma_wait3A_1133 = arith.constant 0 : i32
      %dma_wait3A_1134 = tpu.memref_slice %arg6[%dma_wait3A_1131, %dma_wait3A_1132, %dma_wait3A_1133] : memref<8x2x64xi32, #tpu.memory_space<vmem>> -> memref<1x2x64xi32, #tpu.memory_space<vmem>>
      %dma_wait3A_1135 = tpu.memref_squeeze %dma_wait3A_1134 : memref<1x2x64xi32, #tpu.memory_space<vmem>> -> memref<2x64xi32, #tpu.memory_space<vmem>>
      %dma_wait3A_1136 = arith.constant 0 : i32
      %dma_wait3A_1137 = arith.constant 0 : i32
      %dma_wait3A_1138 = tpu.memref_slice %arg3[%add3A, %dma_wait3A_1130, %dma_wait3A_1136, %dma_wait3A_1137] : memref<32x168x2x64xi32, #tpu.memory_space<hbm>> -> memref<1x1x2x64xi32, #tpu.memory_space<hbm>>
      %dma_wait3A_1139 = tpu.memref_squeeze %dma_wait3A_1138 : memref<1x1x2x64xi32, #tpu.memory_space<hbm>> -> memref<2x64xi32, #tpu.memory_space<hbm>>
      %dma_wait3A_1140 = arith.constant 0 : i32
      %dma_wait3A_1141 = arith.constant 0 : i32
      %dma_wait3A_1142 = tpu.memref_slice %arg6[%dma_wait3A_1131, %dma_wait3A_1140, %dma_wait3A_1141] : memref<8x2x64xi32, #tpu.memory_space<vmem>> -> memref<1x2x64xi32, #tpu.memory_space<vmem>>
      %dma_wait3A_1143 = tpu.memref_squeeze %dma_wait3A_1142 : memref<1x2x64xi32, #tpu.memory_space<vmem>> -> memref<2x64xi32, #tpu.memory_space<vmem>>
      %dma_wait3A_1144 = arith.constant 0 : i32
      %dma_wait3A_1145 = arith.constant 0 : i32
      %dma_wait3A_1146 = tpu.memref_slice %arg3[%add3A, %dma_wait3A_1130, %dma_wait3A_1144, %dma_wait3A_1145] : memref<32x168x2x64xi32, #tpu.memory_space<hbm>> -> memref<1x1x2x64xi32, #tpu.memory_space<hbm>>
      %dma_wait3A_1147 = tpu.memref_squeeze %dma_wait3A_1146 : memref<1x1x2x64xi32, #tpu.memory_space<hbm>> -> memref<2x64xi32, #tpu.memory_space<hbm>>
      tpu.wait_dma2 semaphore(%arg12 : memref<!tpu.dma_semaphore, #tpu.memory_space<semaphore_mem>>) src(%dma_wait3A_1147 : memref<2x64xi32, #tpu.memory_space<hbm>>) dst(%dma_wait3A_1143 : memref<2x64xi32, #tpu.memory_space<vmem>>)
      %dma_start3A_1148 = arith.constant 3 : i32
      %dma_start3A_1149 = arith.constant 0 : i32
      %dma_start3A_1150 = arith.constant 3 : i32
      %dma_start3A_1151 = arith.constant 0 : i32
      %dma_start3A_1152 = arith.constant 0 : i32
      %dma_start3A_1153 = tpu.memref_slice %arg7[%dma_start3A_1150, %dma_start3A_1151, %dma_start3A_1152] : memref<4x64x128xf32, #tpu.memory_space<vmem>> -> memref<1x64x128xf32, #tpu.memory_space<vmem>>
      %dma_start3A_1154 = tpu.memref_squeeze %dma_start3A_1153 : memref<1x64x128xf32, #tpu.memory_space<vmem>> -> memref<64x128xf32, #tpu.memory_space<vmem>>
      %dma_start3A_1155 = arith.constant 0 : i32
      %dma_start3A_1156 = tpu.memref_slice %arg6[%dma_start3A_1148, %dma_start3A_1149, %dma_start3A_1155] : memref<8x2x64xi32, #tpu.memory_space<vmem>> -> memref<1x1x64xi32, #tpu.memory_space<vmem>>
      %dma_start3A_1157 = tpu.memref_squeeze %dma_start3A_1156 : memref<1x1x64xi32, #tpu.memory_space<vmem>> -> memref<64xi32, #tpu.memory_space<vmem>>
      %dma_start3A_1158 = arith.constant 0 : i32
      %dma_start3A_1159 = arith.constant 0 : i32
      %dma_start3A_1160 = tpu.memref_slice %arg2[%dma_start3A_1158, %dma_start3A_1159] : memref<10000x128xf32, #tpu.memory_space<hbm>> -> memref<10000x128xf32, #tpu.memory_space<hbm>>
      tpu.enqueue_indirect_dma source(%dma_start3A_1160 : memref<10000x128xf32, #tpu.memory_space<hbm>>) target(%dma_start3A_1154 : memref<64x128xf32, #tpu.memory_space<vmem>>) offsets(%dma_start3A_1157 : memref<64xi32, #tpu.memory_space<vmem>>) semaphore(%arg20 : memref<!tpu.dma_semaphore, #tpu.memory_space<semaphore_mem>>)
      %dma_wait3A_1161 = arith.constant 1 : i32
      %dma_wait3A_1162 = arith.constant 0 : i32
      %dma_wait3A_1163 = arith.constant 1 : i32
      %dma_wait3A_1164 = arith.constant 0 : i32
      %dma_wait3A_1165 = arith.constant 0 : i32
      %dma_wait3A_1166 = tpu.memref_slice %arg7[%dma_wait3A_1163, %dma_wait3A_1164, %dma_wait3A_1165] : memref<4x64x128xf32, #tpu.memory_space<vmem>> -> memref<1x64x128xf32, #tpu.memory_space<vmem>>
      %dma_wait3A_1167 = tpu.memref_squeeze %dma_wait3A_1166 : memref<1x64x128xf32, #tpu.memory_space<vmem>> -> memref<64x128xf32, #tpu.memory_space<vmem>>
      %dma_wait3A_1168 = arith.constant 0 : i32
      %dma_wait3A_1169 = tpu.memref_slice %arg6[%dma_wait3A_1161, %dma_wait3A_1162, %dma_wait3A_1168] : memref<8x2x64xi32, #tpu.memory_space<vmem>> -> memref<1x1x64xi32, #tpu.memory_space<vmem>>
      %dma_wait3A_1170 = tpu.memref_squeeze %dma_wait3A_1169 : memref<1x1x64xi32, #tpu.memory_space<vmem>> -> memref<64xi32, #tpu.memory_space<vmem>>
      %dma_wait3A_1171 = arith.constant 0 : i32
      %dma_wait3A_1172 = arith.constant 0 : i32
      %dma_wait3A_1173 = tpu.memref_slice %arg2[%dma_wait3A_1171, %dma_wait3A_1172] : memref<10000x128xf32, #tpu.memory_space<hbm>> -> memref<10000x128xf32, #tpu.memory_space<hbm>>
      tpu.wait_indirect_dma semaphore(%arg18 : memref<!tpu.dma_semaphore, #tpu.memory_space<semaphore_mem>>) src(%dma_wait3A_1173 : memref<10000x128xf32, #tpu.memory_space<hbm>>) dst(%dma_wait3A_1167 : memref<64x128xf32, #tpu.memory_space<vmem>>)
      %dma_start3A_1174 = arith.constant 1 : i32
      %dma_start3A_1175 = arith.constant 1 : i32
      %dma_start3A_1176 = arith.constant 1 : i32
      %dma_start3A_1177 = arith.constant 0 : i32
      %dma_start3A_1178 = arith.constant 0 : i32
      %dma_start3A_1179 = tpu.memref_slice %arg7[%dma_start3A_1174, %dma_start3A_1177, %dma_start3A_1178] : memref<4x64x128xf32, #tpu.memory_space<vmem>> -> memref<1x64x128xf32, #tpu.memory_space<vmem>>
      %dma_start3A_1180 = tpu.memref_squeeze %dma_start3A_1179 : memref<1x64x128xf32, #tpu.memory_space<vmem>> -> memref<64x128xf32, #tpu.memory_space<vmem>>
      %dma_start3A_1181 = arith.constant 0 : i32
      %dma_start3A_1182 = tpu.memref_slice %arg6[%dma_start3A_1175, %dma_start3A_1176, %dma_start3A_1181] : memref<8x2x64xi32, #tpu.memory_space<vmem>> -> memref<1x1x64xi32, #tpu.memory_space<vmem>>
      %dma_start3A_1183 = tpu.memref_squeeze %dma_start3A_1182 : memref<1x1x64xi32, #tpu.memory_space<vmem>> -> memref<64xi32, #tpu.memory_space<vmem>>
      %dma_start3A_1184 = arith.constant 0 : i32
      %dma_start3A_1185 = arith.constant 0 : i32
      %dma_start3A_1186 = tpu.memref_slice %arg8[%dma_start3A_1184, %dma_start3A_1185] : memref<10112x128xf32, #tpu.memory_space<vmem_shared>> -> memref<10112x128xf32, #tpu.memory_space<vmem_shared>>
      tpu.enqueue_indirect_dma source(%dma_start3A_1180 : memref<64x128xf32, #tpu.memory_space<vmem>>) target(%dma_start3A_1186 : memref<10112x128xf32, #tpu.memory_space<vmem_shared>>) offsets(%dma_start3A_1183 : memref<64xi32, #tpu.memory_space<vmem>>) semaphore(%arg22 : memref<!tpu.dma_semaphore, #tpu.memory_space<semaphore_mem>>) {add = true}
      %add3A_1187 = arith.constant 4 : i32
      %add3A_1188 = arith.addi %add3A_822, %add3A_1187 : i32
      %dma_wait3A_1189 = arith.constant 0 : i32
      %dma_wait3A_1190 = arith.constant 4 : i32
      %dma_wait3A_1191 = arith.constant 1 : i32
      %dma_wait3A_1192 = arith.constant 0 : i32
      %dma_wait3A_1193 = arith.constant 0 : i32
      %dma_wait3A_1194 = tpu.memref_slice %arg7[%dma_wait3A_1189, %dma_wait3A_1192, %dma_wait3A_1193] : memref<4x64x128xf32, #tpu.memory_space<vmem>> -> memref<1x64x128xf32, #tpu.memory_space<vmem>>
      %dma_wait3A_1195 = tpu.memref_squeeze %dma_wait3A_1194 : memref<1x64x128xf32, #tpu.memory_space<vmem>> -> memref<64x128xf32, #tpu.memory_space<vmem>>
      %dma_wait3A_1196 = arith.constant 0 : i32
      %dma_wait3A_1197 = tpu.memref_slice %arg6[%dma_wait3A_1190, %dma_wait3A_1191, %dma_wait3A_1196] : memref<8x2x64xi32, #tpu.memory_space<vmem>> -> memref<1x1x64xi32, #tpu.memory_space<vmem>>
      %dma_wait3A_1198 = tpu.memref_squeeze %dma_wait3A_1197 : memref<1x1x64xi32, #tpu.memory_space<vmem>> -> memref<64xi32, #tpu.memory_space<vmem>>
      %dma_wait3A_1199 = arith.constant 0 : i32
      %dma_wait3A_1200 = arith.constant 0 : i32
      %dma_wait3A_1201 = tpu.memref_slice %arg8[%dma_wait3A_1199, %dma_wait3A_1200] : memref<10112x128xf32, #tpu.memory_space<vmem_shared>> -> memref<10112x128xf32, #tpu.memory_space<vmem_shared>>
      tpu.wait_indirect_dma semaphore(%arg21 : memref<!tpu.dma_semaphore, #tpu.memory_space<semaphore_mem>>) src(%dma_wait3A_1195 : memref<64x128xf32, #tpu.memory_space<vmem>>) dst(%dma_wait3A_1201 : memref<10112x128xf32, #tpu.memory_space<vmem_shared>>)
      %add3A_1202 = arith.constant 3 : i32
      %add3A_1203 = arith.addi %add3A_1188, %add3A_1202 : i32
      %dma_start3A_1204 = arith.constant 7 : i32
      %dma_start3A_1205 = arith.constant 0 : i32
      %dma_start3A_1206 = arith.constant 0 : i32
      %dma_start3A_1207 = tpu.memref_slice %arg6[%dma_start3A_1204, %dma_start3A_1205, %dma_start3A_1206] : memref<8x2x64xi32, #tpu.memory_space<vmem>> -> memref<1x2x64xi32, #tpu.memory_space<vmem>>
      %dma_start3A_1208 = tpu.memref_squeeze %dma_start3A_1207 : memref<1x2x64xi32, #tpu.memory_space<vmem>> -> memref<2x64xi32, #tpu.memory_space<vmem>>
      %dma_start3A_1209 = arith.constant 0 : i32
      %dma_start3A_1210 = arith.constant 0 : i32
      %dma_start3A_1211 = tpu.memref_slice %arg3[%add3A, %add3A_1203, %dma_start3A_1209, %dma_start3A_1210] : memref<32x168x2x64xi32, #tpu.memory_space<hbm>> -> memref<1x1x2x64xi32, #tpu.memory_space<hbm>>
      %dma_start3A_1212 = tpu.memref_squeeze %dma_start3A_1211 : memref<1x1x2x64xi32, #tpu.memory_space<hbm>> -> memref<2x64xi32, #tpu.memory_space<hbm>>
      %dma_start3A_1213 = arith.constant 0 : i32
      %dma_start3A_1214 = arith.constant 0 : i32
      %dma_start3A_1215 = tpu.memref_slice %arg6[%dma_start3A_1204, %dma_start3A_1213, %dma_start3A_1214] : memref<8x2x64xi32, #tpu.memory_space<vmem>> -> memref<1x2x64xi32, #tpu.memory_space<vmem>>
      %dma_start3A_1216 = tpu.memref_squeeze %dma_start3A_1215 : memref<1x2x64xi32, #tpu.memory_space<vmem>> -> memref<2x64xi32, #tpu.memory_space<vmem>>
      %dma_start3A_1217 = arith.constant 0 : i32
      %dma_start3A_1218 = arith.constant 0 : i32
      %dma_start3A_1219 = tpu.memref_slice %arg3[%add3A, %add3A_1203, %dma_start3A_1217, %dma_start3A_1218] : memref<32x168x2x64xi32, #tpu.memory_space<hbm>> -> memref<1x1x2x64xi32, #tpu.memory_space<hbm>>
      %dma_start3A_1220 = tpu.memref_squeeze %dma_start3A_1219 : memref<1x1x2x64xi32, #tpu.memory_space<hbm>> -> memref<2x64xi32, #tpu.memory_space<hbm>>
      tpu.enqueue_dma source(%dma_start3A_1220 : memref<2x64xi32, #tpu.memory_space<hbm>>) target(%dma_start3A_1216 : memref<2x64xi32, #tpu.memory_space<vmem>>) target_semaphore(%arg16 : memref<!tpu.dma_semaphore, #tpu.memory_space<semaphore_mem>>)
      %dma_wait3A_1221 = arith.constant 0 : i32
      %dma_wait3A_1222 = arith.constant 4 : i32
      %dma_wait3A_1223 = arith.constant 0 : i32
      %dma_wait3A_1224 = arith.constant 0 : i32
      %dma_wait3A_1225 = tpu.memref_slice %arg6[%dma_wait3A_1222, %dma_wait3A_1223, %dma_wait3A_1224] : memref<8x2x64xi32, #tpu.memory_space<vmem>> -> memref<1x2x64xi32, #tpu.memory_space<vmem>>
      %dma_wait3A_1226 = tpu.memref_squeeze %dma_wait3A_1225 : memref<1x2x64xi32, #tpu.memory_space<vmem>> -> memref<2x64xi32, #tpu.memory_space<vmem>>
      %dma_wait3A_1227 = arith.constant 0 : i32
      %dma_wait3A_1228 = arith.constant 0 : i32
      %dma_wait3A_1229 = tpu.memref_slice %arg3[%add3A, %dma_wait3A_1221, %dma_wait3A_1227, %dma_wait3A_1228] : memref<32x168x2x64xi32, #tpu.memory_space<hbm>> -> memref<1x1x2x64xi32, #tpu.memory_space<hbm>>
      %dma_wait3A_1230 = tpu.memref_squeeze %dma_wait3A_1229 : memref<1x1x2x64xi32, #tpu.memory_space<hbm>> -> memref<2x64xi32, #tpu.memory_space<hbm>>
      %dma_wait3A_1231 = arith.constant 0 : i32
      %dma_wait3A_1232 = arith.constant 0 : i32
      %dma_wait3A_1233 = tpu.memref_slice %arg6[%dma_wait3A_1222, %dma_wait3A_1231, %dma_wait3A_1232] : memref<8x2x64xi32, #tpu.memory_space<vmem>> -> memref<1x2x64xi32, #tpu.memory_space<vmem>>
      %dma_wait3A_1234 = tpu.memref_squeeze %dma_wait3A_1233 : memref<1x2x64xi32, #tpu.memory_space<vmem>> -> memref<2x64xi32, #tpu.memory_space<vmem>>
      %dma_wait3A_1235 = arith.constant 0 : i32
      %dma_wait3A_1236 = arith.constant 0 : i32
      %dma_wait3A_1237 = tpu.memref_slice %arg3[%add3A, %dma_wait3A_1221, %dma_wait3A_1235, %dma_wait3A_1236] : memref<32x168x2x64xi32, #tpu.memory_space<hbm>> -> memref<1x1x2x64xi32, #tpu.memory_space<hbm>>
      %dma_wait3A_1238 = tpu.memref_squeeze %dma_wait3A_1237 : memref<1x1x2x64xi32, #tpu.memory_space<hbm>> -> memref<2x64xi32, #tpu.memory_space<hbm>>
      tpu.wait_dma2 semaphore(%arg13 : memref<!tpu.dma_semaphore, #tpu.memory_space<semaphore_mem>>) src(%dma_wait3A_1238 : memref<2x64xi32, #tpu.memory_space<hbm>>) dst(%dma_wait3A_1234 : memref<2x64xi32, #tpu.memory_space<vmem>>)
      %dma_start3A_1239 = arith.constant 4 : i32
      %dma_start3A_1240 = arith.constant 0 : i32
      %dma_start3A_1241 = arith.constant 0 : i32
      %dma_start3A_1242 = arith.constant 0 : i32
      %dma_start3A_1243 = arith.constant 0 : i32
      %dma_start3A_1244 = tpu.memref_slice %arg7[%dma_start3A_1241, %dma_start3A_1242, %dma_start3A_1243] : memref<4x64x128xf32, #tpu.memory_space<vmem>> -> memref<1x64x128xf32, #tpu.memory_space<vmem>>
      %dma_start3A_1245 = tpu.memref_squeeze %dma_start3A_1244 : memref<1x64x128xf32, #tpu.memory_space<vmem>> -> memref<64x128xf32, #tpu.memory_space<vmem>>
      %dma_start3A_1246 = arith.constant 0 : i32
      %dma_start3A_1247 = tpu.memref_slice %arg6[%dma_start3A_1239, %dma_start3A_1240, %dma_start3A_1246] : memref<8x2x64xi32, #tpu.memory_space<vmem>> -> memref<1x1x64xi32, #tpu.memory_space<vmem>>
      %dma_start3A_1248 = tpu.memref_squeeze %dma_start3A_1247 : memref<1x1x64xi32, #tpu.memory_space<vmem>> -> memref<64xi32, #tpu.memory_space<vmem>>
      %dma_start3A_1249 = arith.constant 0 : i32
      %dma_start3A_1250 = arith.constant 0 : i32
      %dma_start3A_1251 = tpu.memref_slice %arg2[%dma_start3A_1249, %dma_start3A_1250] : memref<10000x128xf32, #tpu.memory_space<hbm>> -> memref<10000x128xf32, #tpu.memory_space<hbm>>
      tpu.enqueue_indirect_dma source(%dma_start3A_1251 : memref<10000x128xf32, #tpu.memory_space<hbm>>) target(%dma_start3A_1245 : memref<64x128xf32, #tpu.memory_space<vmem>>) offsets(%dma_start3A_1248 : memref<64xi32, #tpu.memory_space<vmem>>) semaphore(%arg17 : memref<!tpu.dma_semaphore, #tpu.memory_space<semaphore_mem>>)
      %dma_wait3A_1252 = arith.constant 2 : i32
      %dma_wait3A_1253 = arith.constant 0 : i32
      %dma_wait3A_1254 = arith.constant 2 : i32
      %dma_wait3A_1255 = arith.constant 0 : i32
      %dma_wait3A_1256 = arith.constant 0 : i32
      %dma_wait3A_1257 = tpu.memref_slice %arg7[%dma_wait3A_1254, %dma_wait3A_1255, %dma_wait3A_1256] : memref<4x64x128xf32, #tpu.memory_space<vmem>> -> memref<1x64x128xf32, #tpu.memory_space<vmem>>
      %dma_wait3A_1258 = tpu.memref_squeeze %dma_wait3A_1257 : memref<1x64x128xf32, #tpu.memory_space<vmem>> -> memref<64x128xf32, #tpu.memory_space<vmem>>
      %dma_wait3A_1259 = arith.constant 0 : i32
      %dma_wait3A_1260 = tpu.memref_slice %arg6[%dma_wait3A_1252, %dma_wait3A_1253, %dma_wait3A_1259] : memref<8x2x64xi32, #tpu.memory_space<vmem>> -> memref<1x1x64xi32, #tpu.memory_space<vmem>>
      %dma_wait3A_1261 = tpu.memref_squeeze %dma_wait3A_1260 : memref<1x1x64xi32, #tpu.memory_space<vmem>> -> memref<64xi32, #tpu.memory_space<vmem>>
      %dma_wait3A_1262 = arith.constant 0 : i32
      %dma_wait3A_1263 = arith.constant 0 : i32
      %dma_wait3A_1264 = tpu.memref_slice %arg2[%dma_wait3A_1262, %dma_wait3A_1263] : memref<10000x128xf32, #tpu.memory_space<hbm>> -> memref<10000x128xf32, #tpu.memory_space<hbm>>
      tpu.wait_indirect_dma semaphore(%arg19 : memref<!tpu.dma_semaphore, #tpu.memory_space<semaphore_mem>>) src(%dma_wait3A_1264 : memref<10000x128xf32, #tpu.memory_space<hbm>>) dst(%dma_wait3A_1258 : memref<64x128xf32, #tpu.memory_space<vmem>>)
      %dma_start3A_1265 = arith.constant 2 : i32
      %dma_start3A_1266 = arith.constant 2 : i32
      %dma_start3A_1267 = arith.constant 1 : i32
      %dma_start3A_1268 = arith.constant 0 : i32
      %dma_start3A_1269 = arith.constant 0 : i32
      %dma_start3A_1270 = tpu.memref_slice %arg7[%dma_start3A_1265, %dma_start3A_1268, %dma_start3A_1269] : memref<4x64x128xf32, #tpu.memory_space<vmem>> -> memref<1x64x128xf32, #tpu.memory_space<vmem>>
      %dma_start3A_1271 = tpu.memref_squeeze %dma_start3A_1270 : memref<1x64x128xf32, #tpu.memory_space<vmem>> -> memref<64x128xf32, #tpu.memory_space<vmem>>
      %dma_start3A_1272 = arith.constant 0 : i32
      %dma_start3A_1273 = tpu.memref_slice %arg6[%dma_start3A_1266, %dma_start3A_1267, %dma_start3A_1272] : memref<8x2x64xi32, #tpu.memory_space<vmem>> -> memref<1x1x64xi32, #tpu.memory_space<vmem>>
      %dma_start3A_1274 = tpu.memref_squeeze %dma_start3A_1273 : memref<1x1x64xi32, #tpu.memory_space<vmem>> -> memref<64xi32, #tpu.memory_space<vmem>>
      %dma_start3A_1275 = arith.constant 0 : i32
      %dma_start3A_1276 = arith.constant 0 : i32
      %dma_start3A_1277 = tpu.memref_slice %arg8[%dma_start3A_1275, %dma_start3A_1276] : memref<10112x128xf32, #tpu.memory_space<vmem_shared>> -> memref<10112x128xf32, #tpu.memory_space<vmem_shared>>
      tpu.enqueue_indirect_dma source(%dma_start3A_1271 : memref<64x128xf32, #tpu.memory_space<vmem>>) target(%dma_start3A_1277 : memref<10112x128xf32, #tpu.memory_space<vmem_shared>>) offsets(%dma_start3A_1274 : memref<64xi32, #tpu.memory_space<vmem>>) semaphore(%arg23 : memref<!tpu.dma_semaphore, #tpu.memory_space<semaphore_mem>>) {add = true}
      %add3A_1278 = arith.constant 5 : i32
      %add3A_1279 = arith.addi %add3A_822, %add3A_1278 : i32
      %dma_wait3A_1280 = arith.constant 1 : i32
      %dma_wait3A_1281 = arith.constant 5 : i32
      %dma_wait3A_1282 = arith.constant 1 : i32
      %dma_wait3A_1283 = arith.constant 0 : i32
      %dma_wait3A_1284 = arith.constant 0 : i32
      %dma_wait3A_1285 = tpu.memref_slice %arg7[%dma_wait3A_1280, %dma_wait3A_1283, %dma_wait3A_1284] : memref<4x64x128xf32, #tpu.memory_space<vmem>> -> memref<1x64x128xf32, #tpu.memory_space<vmem>>
      %dma_wait3A_1286 = tpu.memref_squeeze %dma_wait3A_1285 : memref<1x64x128xf32, #tpu.memory_space<vmem>> -> memref<64x128xf32, #tpu.memory_space<vmem>>
      %dma_wait3A_1287 = arith.constant 0 : i32
      %dma_wait3A_1288 = tpu.memref_slice %arg6[%dma_wait3A_1281, %dma_wait3A_1282, %dma_wait3A_1287] : memref<8x2x64xi32, #tpu.memory_space<vmem>> -> memref<1x1x64xi32, #tpu.memory_space<vmem>>
      %dma_wait3A_1289 = tpu.memref_squeeze %dma_wait3A_1288 : memref<1x1x64xi32, #tpu.memory_space<vmem>> -> memref<64xi32, #tpu.memory_space<vmem>>
      %dma_wait3A_1290 = arith.constant 0 : i32
      %dma_wait3A_1291 = arith.constant 0 : i32
      %dma_wait3A_1292 = tpu.memref_slice %arg8[%dma_wait3A_1290, %dma_wait3A_1291] : memref<10112x128xf32, #tpu.memory_space<vmem_shared>> -> memref<10112x128xf32, #tpu.memory_space<vmem_shared>>
      tpu.wait_indirect_dma semaphore(%arg22 : memref<!tpu.dma_semaphore, #tpu.memory_space<semaphore_mem>>) src(%dma_wait3A_1286 : memref<64x128xf32, #tpu.memory_space<vmem>>) dst(%dma_wait3A_1292 : memref<10112x128xf32, #tpu.memory_space<vmem_shared>>)
      %add3A_1293 = arith.constant 3 : i32
      %add3A_1294 = arith.addi %add3A_1279, %add3A_1293 : i32
      %dma_start3A_1295 = arith.constant 0 : i32
      %dma_start3A_1296 = arith.constant 0 : i32
      %dma_start3A_1297 = arith.constant 0 : i32
      %dma_start3A_1298 = tpu.memref_slice %arg6[%dma_start3A_1295, %dma_start3A_1296, %dma_start3A_1297] : memref<8x2x64xi32, #tpu.memory_space<vmem>> -> memref<1x2x64xi32, #tpu.memory_space<vmem>>
      %dma_start3A_1299 = tpu.memref_squeeze %dma_start3A_1298 : memref<1x2x64xi32, #tpu.memory_space<vmem>> -> memref<2x64xi32, #tpu.memory_space<vmem>>
      %dma_start3A_1300 = arith.constant 0 : i32
      %dma_start3A_1301 = arith.constant 0 : i32
      %dma_start3A_1302 = tpu.memref_slice %arg3[%add3A, %add3A_1294, %dma_start3A_1300, %dma_start3A_1301] : memref<32x168x2x64xi32, #tpu.memory_space<hbm>> -> memref<1x1x2x64xi32, #tpu.memory_space<hbm>>
      %dma_start3A_1303 = tpu.memref_squeeze %dma_start3A_1302 : memref<1x1x2x64xi32, #tpu.memory_space<hbm>> -> memref<2x64xi32, #tpu.memory_space<hbm>>
      %dma_start3A_1304 = arith.constant 0 : i32
      %dma_start3A_1305 = arith.constant 0 : i32
      %dma_start3A_1306 = tpu.memref_slice %arg6[%dma_start3A_1295, %dma_start3A_1304, %dma_start3A_1305] : memref<8x2x64xi32, #tpu.memory_space<vmem>> -> memref<1x2x64xi32, #tpu.memory_space<vmem>>
      %dma_start3A_1307 = tpu.memref_squeeze %dma_start3A_1306 : memref<1x2x64xi32, #tpu.memory_space<vmem>> -> memref<2x64xi32, #tpu.memory_space<vmem>>
      %dma_start3A_1308 = arith.constant 0 : i32
      %dma_start3A_1309 = arith.constant 0 : i32
      %dma_start3A_1310 = tpu.memref_slice %arg3[%add3A, %add3A_1294, %dma_start3A_1308, %dma_start3A_1309] : memref<32x168x2x64xi32, #tpu.memory_space<hbm>> -> memref<1x1x2x64xi32, #tpu.memory_space<hbm>>
      %dma_start3A_1311 = tpu.memref_squeeze %dma_start3A_1310 : memref<1x1x2x64xi32, #tpu.memory_space<hbm>> -> memref<2x64xi32, #tpu.memory_space<hbm>>
      tpu.enqueue_dma source(%dma_start3A_1311 : memref<2x64xi32, #tpu.memory_space<hbm>>) target(%dma_start3A_1307 : memref<2x64xi32, #tpu.memory_space<vmem>>) target_semaphore(%arg9 : memref<!tpu.dma_semaphore, #tpu.memory_space<semaphore_mem>>)
      %dma_wait3A_1312 = arith.constant 0 : i32
      %dma_wait3A_1313 = arith.constant 5 : i32
      %dma_wait3A_1314 = arith.constant 0 : i32
      %dma_wait3A_1315 = arith.constant 0 : i32
      %dma_wait3A_1316 = tpu.memref_slice %arg6[%dma_wait3A_1313, %dma_wait3A_1314, %dma_wait3A_1315] : memref<8x2x64xi32, #tpu.memory_space<vmem>> -> memref<1x2x64xi32, #tpu.memory_space<vmem>>
      %dma_wait3A_1317 = tpu.memref_squeeze %dma_wait3A_1316 : memref<1x2x64xi32, #tpu.memory_space<vmem>> -> memref<2x64xi32, #tpu.memory_space<vmem>>
      %dma_wait3A_1318 = arith.constant 0 : i32
      %dma_wait3A_1319 = arith.constant 0 : i32
      %dma_wait3A_1320 = tpu.memref_slice %arg3[%add3A, %dma_wait3A_1312, %dma_wait3A_1318, %dma_wait3A_1319] : memref<32x168x2x64xi32, #tpu.memory_space<hbm>> -> memref<1x1x2x64xi32, #tpu.memory_space<hbm>>
      %dma_wait3A_1321 = tpu.memref_squeeze %dma_wait3A_1320 : memref<1x1x2x64xi32, #tpu.memory_space<hbm>> -> memref<2x64xi32, #tpu.memory_space<hbm>>
      %dma_wait3A_1322 = arith.constant 0 : i32
      %dma_wait3A_1323 = arith.constant 0 : i32
      %dma_wait3A_1324 = tpu.memref_slice %arg6[%dma_wait3A_1313, %dma_wait3A_1322, %dma_wait3A_1323] : memref<8x2x64xi32, #tpu.memory_space<vmem>> -> memref<1x2x64xi32, #tpu.memory_space<vmem>>
      %dma_wait3A_1325 = tpu.memref_squeeze %dma_wait3A_1324 : memref<1x2x64xi32, #tpu.memory_space<vmem>> -> memref<2x64xi32, #tpu.memory_space<vmem>>
      %dma_wait3A_1326 = arith.constant 0 : i32
      %dma_wait3A_1327 = arith.constant 0 : i32
      %dma_wait3A_1328 = tpu.memref_slice %arg3[%add3A, %dma_wait3A_1312, %dma_wait3A_1326, %dma_wait3A_1327] : memref<32x168x2x64xi32, #tpu.memory_space<hbm>> -> memref<1x1x2x64xi32, #tpu.memory_space<hbm>>
      %dma_wait3A_1329 = tpu.memref_squeeze %dma_wait3A_1328 : memref<1x1x2x64xi32, #tpu.memory_space<hbm>> -> memref<2x64xi32, #tpu.memory_space<hbm>>
      tpu.wait_dma2 semaphore(%arg14 : memref<!tpu.dma_semaphore, #tpu.memory_space<semaphore_mem>>) src(%dma_wait3A_1329 : memref<2x64xi32, #tpu.memory_space<hbm>>) dst(%dma_wait3A_1325 : memref<2x64xi32, #tpu.memory_space<vmem>>)
      %dma_start3A_1330 = arith.constant 5 : i32
      %dma_start3A_1331 = arith.constant 0 : i32
      %dma_start3A_1332 = arith.constant 1 : i32
      %dma_start3A_1333 = arith.constant 0 : i32
      %dma_start3A_1334 = arith.constant 0 : i32
      %dma_start3A_1335 = tpu.memref_slice %arg7[%dma_start3A_1332, %dma_start3A_1333, %dma_start3A_1334] : memref<4x64x128xf32, #tpu.memory_space<vmem>> -> memref<1x64x128xf32, #tpu.memory_space<vmem>>
      %dma_start3A_1336 = tpu.memref_squeeze %dma_start3A_1335 : memref<1x64x128xf32, #tpu.memory_space<vmem>> -> memref<64x128xf32, #tpu.memory_space<vmem>>
      %dma_start3A_1337 = arith.constant 0 : i32
      %dma_start3A_1338 = tpu.memref_slice %arg6[%dma_start3A_1330, %dma_start3A_1331, %dma_start3A_1337] : memref<8x2x64xi32, #tpu.memory_space<vmem>> -> memref<1x1x64xi32, #tpu.memory_space<vmem>>
      %dma_start3A_1339 = tpu.memref_squeeze %dma_start3A_1338 : memref<1x1x64xi32, #tpu.memory_space<vmem>> -> memref<64xi32, #tpu.memory_space<vmem>>
      %dma_start3A_1340 = arith.constant 0 : i32
      %dma_start3A_1341 = arith.constant 0 : i32
      %dma_start3A_1342 = tpu.memref_slice %arg2[%dma_start3A_1340, %dma_start3A_1341] : memref<10000x128xf32, #tpu.memory_space<hbm>> -> memref<10000x128xf32, #tpu.memory_space<hbm>>
      tpu.enqueue_indirect_dma source(%dma_start3A_1342 : memref<10000x128xf32, #tpu.memory_space<hbm>>) target(%dma_start3A_1336 : memref<64x128xf32, #tpu.memory_space<vmem>>) offsets(%dma_start3A_1339 : memref<64xi32, #tpu.memory_space<vmem>>) semaphore(%arg18 : memref<!tpu.dma_semaphore, #tpu.memory_space<semaphore_mem>>)
      %dma_wait3A_1343 = arith.constant 3 : i32
      %dma_wait3A_1344 = arith.constant 0 : i32
      %dma_wait3A_1345 = arith.constant 3 : i32
      %dma_wait3A_1346 = arith.constant 0 : i32
      %dma_wait3A_1347 = arith.constant 0 : i32
      %dma_wait3A_1348 = tpu.memref_slice %arg7[%dma_wait3A_1345, %dma_wait3A_1346, %dma_wait3A_1347] : memref<4x64x128xf32, #tpu.memory_space<vmem>> -> memref<1x64x128xf32, #tpu.memory_space<vmem>>
      %dma_wait3A_1349 = tpu.memref_squeeze %dma_wait3A_1348 : memref<1x64x128xf32, #tpu.memory_space<vmem>> -> memref<64x128xf32, #tpu.memory_space<vmem>>
      %dma_wait3A_1350 = arith.constant 0 : i32
      %dma_wait3A_1351 = tpu.memref_slice %arg6[%dma_wait3A_1343, %dma_wait3A_1344, %dma_wait3A_1350] : memref<8x2x64xi32, #tpu.memory_space<vmem>> -> memref<1x1x64xi32, #tpu.memory_space<vmem>>
      %dma_wait3A_1352 = tpu.memref_squeeze %dma_wait3A_1351 : memref<1x1x64xi32, #tpu.memory_space<vmem>> -> memref<64xi32, #tpu.memory_space<vmem>>
      %dma_wait3A_1353 = arith.constant 0 : i32
      %dma_wait3A_1354 = arith.constant 0 : i32
      %dma_wait3A_1355 = tpu.memref_slice %arg2[%dma_wait3A_1353, %dma_wait3A_1354] : memref<10000x128xf32, #tpu.memory_space<hbm>> -> memref<10000x128xf32, #tpu.memory_space<hbm>>
      tpu.wait_indirect_dma semaphore(%arg20 : memref<!tpu.dma_semaphore, #tpu.memory_space<semaphore_mem>>) src(%dma_wait3A_1355 : memref<10000x128xf32, #tpu.memory_space<hbm>>) dst(%dma_wait3A_1349 : memref<64x128xf32, #tpu.memory_space<vmem>>)
      %dma_start3A_1356 = arith.constant 3 : i32
      %dma_start3A_1357 = arith.constant 3 : i32
      %dma_start3A_1358 = arith.constant 1 : i32
      %dma_start3A_1359 = arith.constant 0 : i32
      %dma_start3A_1360 = arith.constant 0 : i32
      %dma_start3A_1361 = tpu.memref_slice %arg7[%dma_start3A_1356, %dma_start3A_1359, %dma_start3A_1360] : memref<4x64x128xf32, #tpu.memory_space<vmem>> -> memref<1x64x128xf32, #tpu.memory_space<vmem>>
      %dma_start3A_1362 = tpu.memref_squeeze %dma_start3A_1361 : memref<1x64x128xf32, #tpu.memory_space<vmem>> -> memref<64x128xf32, #tpu.memory_space<vmem>>
      %dma_start3A_1363 = arith.constant 0 : i32
      %dma_start3A_1364 = tpu.memref_slice %arg6[%dma_start3A_1357, %dma_start3A_1358, %dma_start3A_1363] : memref<8x2x64xi32, #tpu.memory_space<vmem>> -> memref<1x1x64xi32, #tpu.memory_space<vmem>>
      %dma_start3A_1365 = tpu.memref_squeeze %dma_start3A_1364 : memref<1x1x64xi32, #tpu.memory_space<vmem>> -> memref<64xi32, #tpu.memory_space<vmem>>
      %dma_start3A_1366 = arith.constant 0 : i32
      %dma_start3A_1367 = arith.constant 0 : i32
      %dma_start3A_1368 = tpu.memref_slice %arg8[%dma_start3A_1366, %dma_start3A_1367] : memref<10112x128xf32, #tpu.memory_space<vmem_shared>> -> memref<10112x128xf32, #tpu.memory_space<vmem_shared>>
      tpu.enqueue_indirect_dma source(%dma_start3A_1362 : memref<64x128xf32, #tpu.memory_space<vmem>>) target(%dma_start3A_1368 : memref<10112x128xf32, #tpu.memory_space<vmem_shared>>) offsets(%dma_start3A_1365 : memref<64xi32, #tpu.memory_space<vmem>>) semaphore(%arg24 : memref<!tpu.dma_semaphore, #tpu.memory_space<semaphore_mem>>) {add = true}
      %add3A_1369 = arith.constant 6 : i32
      %add3A_1370 = arith.addi %add3A_822, %add3A_1369 : i32
      %dma_wait3A_1371 = arith.constant 2 : i32
      %dma_wait3A_1372 = arith.constant 6 : i32
      %dma_wait3A_1373 = arith.constant 1 : i32
      %dma_wait3A_1374 = arith.constant 0 : i32
      %dma_wait3A_1375 = arith.constant 0 : i32
      %dma_wait3A_1376 = tpu.memref_slice %arg7[%dma_wait3A_1371, %dma_wait3A_1374, %dma_wait3A_1375] : memref<4x64x128xf32, #tpu.memory_space<vmem>> -> memref<1x64x128xf32, #tpu.memory_space<vmem>>
      %dma_wait3A_1377 = tpu.memref_squeeze %dma_wait3A_1376 : memref<1x64x128xf32, #tpu.memory_space<vmem>> -> memref<64x128xf32, #tpu.memory_space<vmem>>
      %dma_wait3A_1378 = arith.constant 0 : i32
      %dma_wait3A_1379 = tpu.memref_slice %arg6[%dma_wait3A_1372, %dma_wait3A_1373, %dma_wait3A_1378] : memref<8x2x64xi32, #tpu.memory_space<vmem>> -> memref<1x1x64xi32, #tpu.memory_space<vmem>>
      %dma_wait3A_1380 = tpu.memref_squeeze %dma_wait3A_1379 : memref<1x1x64xi32, #tpu.memory_space<vmem>> -> memref<64xi32, #tpu.memory_space<vmem>>
      %dma_wait3A_1381 = arith.constant 0 : i32
      %dma_wait3A_1382 = arith.constant 0 : i32
      %dma_wait3A_1383 = tpu.memref_slice %arg8[%dma_wait3A_1381, %dma_wait3A_1382] : memref<10112x128xf32, #tpu.memory_space<vmem_shared>> -> memref<10112x128xf32, #tpu.memory_space<vmem_shared>>
      tpu.wait_indirect_dma semaphore(%arg23 : memref<!tpu.dma_semaphore, #tpu.memory_space<semaphore_mem>>) src(%dma_wait3A_1377 : memref<64x128xf32, #tpu.memory_space<vmem>>) dst(%dma_wait3A_1383 : memref<10112x128xf32, #tpu.memory_space<vmem_shared>>)
      %add3A_1384 = arith.constant 3 : i32
      %add3A_1385 = arith.addi %add3A_1370, %add3A_1384 : i32
      %dma_start3A_1386 = arith.constant 1 : i32
      %dma_start3A_1387 = arith.constant 0 : i32
      %dma_start3A_1388 = arith.constant 0 : i32
      %dma_start3A_1389 = tpu.memref_slice %arg6[%dma_start3A_1386, %dma_start3A_1387, %dma_start3A_1388] : memref<8x2x64xi32, #tpu.memory_space<vmem>> -> memref<1x2x64xi32, #tpu.memory_space<vmem>>
      %dma_start3A_1390 = tpu.memref_squeeze %dma_start3A_1389 : memref<1x2x64xi32, #tpu.memory_space<vmem>> -> memref<2x64xi32, #tpu.memory_space<vmem>>
      %dma_start3A_1391 = arith.constant 0 : i32
      %dma_start3A_1392 = arith.constant 0 : i32
      %dma_start3A_1393 = tpu.memref_slice %arg3[%add3A, %add3A_1385, %dma_start3A_1391, %dma_start3A_1392] : memref<32x168x2x64xi32, #tpu.memory_space<hbm>> -> memref<1x1x2x64xi32, #tpu.memory_space<hbm>>
      %dma_start3A_1394 = tpu.memref_squeeze %dma_start3A_1393 : memref<1x1x2x64xi32, #tpu.memory_space<hbm>> -> memref<2x64xi32, #tpu.memory_space<hbm>>
      %dma_start3A_1395 = arith.constant 0 : i32
      %dma_start3A_1396 = arith.constant 0 : i32
      %dma_start3A_1397 = tpu.memref_slice %arg6[%dma_start3A_1386, %dma_start3A_1395, %dma_start3A_1396] : memref<8x2x64xi32, #tpu.memory_space<vmem>> -> memref<1x2x64xi32, #tpu.memory_space<vmem>>
      %dma_start3A_1398 = tpu.memref_squeeze %dma_start3A_1397 : memref<1x2x64xi32, #tpu.memory_space<vmem>> -> memref<2x64xi32, #tpu.memory_space<vmem>>
      %dma_start3A_1399 = arith.constant 0 : i32
      %dma_start3A_1400 = arith.constant 0 : i32
      %dma_start3A_1401 = tpu.memref_slice %arg3[%add3A, %add3A_1385, %dma_start3A_1399, %dma_start3A_1400] : memref<32x168x2x64xi32, #tpu.memory_space<hbm>> -> memref<1x1x2x64xi32, #tpu.memory_space<hbm>>
      %dma_start3A_1402 = tpu.memref_squeeze %dma_start3A_1401 : memref<1x1x2x64xi32, #tpu.memory_space<hbm>> -> memref<2x64xi32, #tpu.memory_space<hbm>>
      tpu.enqueue_dma source(%dma_start3A_1402 : memref<2x64xi32, #tpu.memory_space<hbm>>) target(%dma_start3A_1398 : memref<2x64xi32, #tpu.memory_space<vmem>>) target_semaphore(%arg10 : memref<!tpu.dma_semaphore, #tpu.memory_space<semaphore_mem>>)
      %dma_wait3A_1403 = arith.constant 0 : i32
      %dma_wait3A_1404 = arith.constant 6 : i32
      %dma_wait3A_1405 = arith.constant 0 : i32
      %dma_wait3A_1406 = arith.constant 0 : i32
      %dma_wait3A_1407 = tpu.memref_slice %arg6[%dma_wait3A_1404, %dma_wait3A_1405, %dma_wait3A_1406] : memref<8x2x64xi32, #tpu.memory_space<vmem>> -> memref<1x2x64xi32, #tpu.memory_space<vmem>>
      %dma_wait3A_1408 = tpu.memref_squeeze %dma_wait3A_1407 : memref<1x2x64xi32, #tpu.memory_space<vmem>> -> memref<2x64xi32, #tpu.memory_space<vmem>>
      %dma_wait3A_1409 = arith.constant 0 : i32
      %dma_wait3A_1410 = arith.constant 0 : i32
      %dma_wait3A_1411 = tpu.memref_slice %arg3[%add3A, %dma_wait3A_1403, %dma_wait3A_1409, %dma_wait3A_1410] : memref<32x168x2x64xi32, #tpu.memory_space<hbm>> -> memref<1x1x2x64xi32, #tpu.memory_space<hbm>>
      %dma_wait3A_1412 = tpu.memref_squeeze %dma_wait3A_1411 : memref<1x1x2x64xi32, #tpu.memory_space<hbm>> -> memref<2x64xi32, #tpu.memory_space<hbm>>
      %dma_wait3A_1413 = arith.constant 0 : i32
      %dma_wait3A_1414 = arith.constant 0 : i32
      %dma_wait3A_1415 = tpu.memref_slice %arg6[%dma_wait3A_1404, %dma_wait3A_1413, %dma_wait3A_1414] : memref<8x2x64xi32, #tpu.memory_space<vmem>> -> memref<1x2x64xi32, #tpu.memory_space<vmem>>
      %dma_wait3A_1416 = tpu.memref_squeeze %dma_wait3A_1415 : memref<1x2x64xi32, #tpu.memory_space<vmem>> -> memref<2x64xi32, #tpu.memory_space<vmem>>
      %dma_wait3A_1417 = arith.constant 0 : i32
      %dma_wait3A_1418 = arith.constant 0 : i32
      %dma_wait3A_1419 = tpu.memref_slice %arg3[%add3A, %dma_wait3A_1403, %dma_wait3A_1417, %dma_wait3A_1418] : memref<32x168x2x64xi32, #tpu.memory_space<hbm>> -> memref<1x1x2x64xi32, #tpu.memory_space<hbm>>
      %dma_wait3A_1420 = tpu.memref_squeeze %dma_wait3A_1419 : memref<1x1x2x64xi32, #tpu.memory_space<hbm>> -> memref<2x64xi32, #tpu.memory_space<hbm>>
      tpu.wait_dma2 semaphore(%arg15 : memref<!tpu.dma_semaphore, #tpu.memory_space<semaphore_mem>>) src(%dma_wait3A_1420 : memref<2x64xi32, #tpu.memory_space<hbm>>) dst(%dma_wait3A_1416 : memref<2x64xi32, #tpu.memory_space<vmem>>)
      %dma_start3A_1421 = arith.constant 6 : i32
      %dma_start3A_1422 = arith.constant 0 : i32
      %dma_start3A_1423 = arith.constant 2 : i32
      %dma_start3A_1424 = arith.constant 0 : i32
      %dma_start3A_1425 = arith.constant 0 : i32
      %dma_start3A_1426 = tpu.memref_slice %arg7[%dma_start3A_1423, %dma_start3A_1424, %dma_start3A_1425] : memref<4x64x128xf32, #tpu.memory_space<vmem>> -> memref<1x64x128xf32, #tpu.memory_space<vmem>>
      %dma_start3A_1427 = tpu.memref_squeeze %dma_start3A_1426 : memref<1x64x128xf32, #tpu.memory_space<vmem>> -> memref<64x128xf32, #tpu.memory_space<vmem>>
      %dma_start3A_1428 = arith.constant 0 : i32
      %dma_start3A_1429 = tpu.memref_slice %arg6[%dma_start3A_1421, %dma_start3A_1422, %dma_start3A_1428] : memref<8x2x64xi32, #tpu.memory_space<vmem>> -> memref<1x1x64xi32, #tpu.memory_space<vmem>>
      %dma_start3A_1430 = tpu.memref_squeeze %dma_start3A_1429 : memref<1x1x64xi32, #tpu.memory_space<vmem>> -> memref<64xi32, #tpu.memory_space<vmem>>
      %dma_start3A_1431 = arith.constant 0 : i32
      %dma_start3A_1432 = arith.constant 0 : i32
      %dma_start3A_1433 = tpu.memref_slice %arg2[%dma_start3A_1431, %dma_start3A_1432] : memref<10000x128xf32, #tpu.memory_space<hbm>> -> memref<10000x128xf32, #tpu.memory_space<hbm>>
      tpu.enqueue_indirect_dma source(%dma_start3A_1433 : memref<10000x128xf32, #tpu.memory_space<hbm>>) target(%dma_start3A_1427 : memref<64x128xf32, #tpu.memory_space<vmem>>) offsets(%dma_start3A_1430 : memref<64xi32, #tpu.memory_space<vmem>>) semaphore(%arg19 : memref<!tpu.dma_semaphore, #tpu.memory_space<semaphore_mem>>)
      %dma_wait3A_1434 = arith.constant 4 : i32
      %dma_wait3A_1435 = arith.constant 0 : i32
      %dma_wait3A_1436 = arith.constant 0 : i32
      %dma_wait3A_1437 = arith.constant 0 : i32
      %dma_wait3A_1438 = arith.constant 0 : i32
      %dma_wait3A_1439 = tpu.memref_slice %arg7[%dma_wait3A_1436, %dma_wait3A_1437, %dma_wait3A_1438] : memref<4x64x128xf32, #tpu.memory_space<vmem>> -> memref<1x64x128xf32, #tpu.memory_space<vmem>>
      %dma_wait3A_1440 = tpu.memref_squeeze %dma_wait3A_1439 : memref<1x64x128xf32, #tpu.memory_space<vmem>> -> memref<64x128xf32, #tpu.memory_space<vmem>>
      %dma_wait3A_1441 = arith.constant 0 : i32
      %dma_wait3A_1442 = tpu.memref_slice %arg6[%dma_wait3A_1434, %dma_wait3A_1435, %dma_wait3A_1441] : memref<8x2x64xi32, #tpu.memory_space<vmem>> -> memref<1x1x64xi32, #tpu.memory_space<vmem>>
      %dma_wait3A_1443 = tpu.memref_squeeze %dma_wait3A_1442 : memref<1x1x64xi32, #tpu.memory_space<vmem>> -> memref<64xi32, #tpu.memory_space<vmem>>
      %dma_wait3A_1444 = arith.constant 0 : i32
      %dma_wait3A_1445 = arith.constant 0 : i32
      %dma_wait3A_1446 = tpu.memref_slice %arg2[%dma_wait3A_1444, %dma_wait3A_1445] : memref<10000x128xf32, #tpu.memory_space<hbm>> -> memref<10000x128xf32, #tpu.memory_space<hbm>>
      tpu.wait_indirect_dma semaphore(%arg17 : memref<!tpu.dma_semaphore, #tpu.memory_space<semaphore_mem>>) src(%dma_wait3A_1446 : memref<10000x128xf32, #tpu.memory_space<hbm>>) dst(%dma_wait3A_1440 : memref<64x128xf32, #tpu.memory_space<vmem>>)
      %dma_start3A_1447 = arith.constant 0 : i32
      %dma_start3A_1448 = arith.constant 4 : i32
      %dma_start3A_1449 = arith.constant 1 : i32
      %dma_start3A_1450 = arith.constant 0 : i32
      %dma_start3A_1451 = arith.constant 0 : i32
      %dma_start3A_1452 = tpu.memref_slice %arg7[%dma_start3A_1447, %dma_start3A_1450, %dma_start3A_1451] : memref<4x64x128xf32, #tpu.memory_space<vmem>> -> memref<1x64x128xf32, #tpu.memory_space<vmem>>
      %dma_start3A_1453 = tpu.memref_squeeze %dma_start3A_1452 : memref<1x64x128xf32, #tpu.memory_space<vmem>> -> memref<64x128xf32, #tpu.memory_space<vmem>>
      %dma_start3A_1454 = arith.constant 0 : i32
      %dma_start3A_1455 = tpu.memref_slice %arg6[%dma_start3A_1448, %dma_start3A_1449, %dma_start3A_1454] : memref<8x2x64xi32, #tpu.memory_space<vmem>> -> memref<1x1x64xi32, #tpu.memory_space<vmem>>
      %dma_start3A_1456 = tpu.memref_squeeze %dma_start3A_1455 : memref<1x1x64xi32, #tpu.memory_space<vmem>> -> memref<64xi32, #tpu.memory_space<vmem>>
      %dma_start3A_1457 = arith.constant 0 : i32
      %dma_start3A_1458 = arith.constant 0 : i32
      %dma_start3A_1459 = tpu.memref_slice %arg8[%dma_start3A_1457, %dma_start3A_1458] : memref<10112x128xf32, #tpu.memory_space<vmem_shared>> -> memref<10112x128xf32, #tpu.memory_space<vmem_shared>>
      tpu.enqueue_indirect_dma source(%dma_start3A_1453 : memref<64x128xf32, #tpu.memory_space<vmem>>) target(%dma_start3A_1459 : memref<10112x128xf32, #tpu.memory_space<vmem_shared>>) offsets(%dma_start3A_1456 : memref<64xi32, #tpu.memory_space<vmem>>) semaphore(%arg21 : memref<!tpu.dma_semaphore, #tpu.memory_space<semaphore_mem>>) {add = true}
      %add3A_1460 = arith.constant 7 : i32
      %add3A_1461 = arith.addi %add3A_822, %add3A_1460 : i32
      %dma_wait3A_1462 = arith.constant 3 : i32
      %dma_wait3A_1463 = arith.constant 7 : i32
      %dma_wait3A_1464 = arith.constant 1 : i32
      %dma_wait3A_1465 = arith.constant 0 : i32
      %dma_wait3A_1466 = arith.constant 0 : i32
      %dma_wait3A_1467 = tpu.memref_slice %arg7[%dma_wait3A_1462, %dma_wait3A_1465, %dma_wait3A_1466] : memref<4x64x128xf32, #tpu.memory_space<vmem>> -> memref<1x64x128xf32, #tpu.memory_space<vmem>>
      %dma_wait3A_1468 = tpu.memref_squeeze %dma_wait3A_1467 : memref<1x64x128xf32, #tpu.memory_space<vmem>> -> memref<64x128xf32, #tpu.memory_space<vmem>>
      %dma_wait3A_1469 = arith.constant 0 : i32
      %dma_wait3A_1470 = tpu.memref_slice %arg6[%dma_wait3A_1463, %dma_wait3A_1464, %dma_wait3A_1469] : memref<8x2x64xi32, #tpu.memory_space<vmem>> -> memref<1x1x64xi32, #tpu.memory_space<vmem>>
      %dma_wait3A_1471 = tpu.memref_squeeze %dma_wait3A_1470 : memref<1x1x64xi32, #tpu.memory_space<vmem>> -> memref<64xi32, #tpu.memory_space<vmem>>
      %dma_wait3A_1472 = arith.constant 0 : i32
      %dma_wait3A_1473 = arith.constant 0 : i32
      %dma_wait3A_1474 = tpu.memref_slice %arg8[%dma_wait3A_1472, %dma_wait3A_1473] : memref<10112x128xf32, #tpu.memory_space<vmem_shared>> -> memref<10112x128xf32, #tpu.memory_space<vmem_shared>>
      tpu.wait_indirect_dma semaphore(%arg24 : memref<!tpu.dma_semaphore, #tpu.memory_space<semaphore_mem>>) src(%dma_wait3A_1468 : memref<64x128xf32, #tpu.memory_space<vmem>>) dst(%dma_wait3A_1474 : memref<10112x128xf32, #tpu.memory_space<vmem_shared>>)
      %add3A_1475 = arith.constant 3 : i32
      %add3A_1476 = arith.addi %add3A_1461, %add3A_1475 : i32
      %dma_start3A_1477 = arith.constant 2 : i32
      %dma_start3A_1478 = arith.constant 0 : i32
      %dma_start3A_1479 = arith.constant 0 : i32
      %dma_start3A_1480 = tpu.memref_slice %arg6[%dma_start3A_1477, %dma_start3A_1478, %dma_start3A_1479] : memref<8x2x64xi32, #tpu.memory_space<vmem>> -> memref<1x2x64xi32, #tpu.memory_space<vmem>>
      %dma_start3A_1481 = tpu.memref_squeeze %dma_start3A_1480 : memref<1x2x64xi32, #tpu.memory_space<vmem>> -> memref<2x64xi32, #tpu.memory_space<vmem>>
      %dma_start3A_1482 = arith.constant 0 : i32
      %dma_start3A_1483 = arith.constant 0 : i32
      %dma_start3A_1484 = tpu.memref_slice %arg3[%add3A, %add3A_1476, %dma_start3A_1482, %dma_start3A_1483] : memref<32x168x2x64xi32, #tpu.memory_space<hbm>> -> memref<1x1x2x64xi32, #tpu.memory_space<hbm>>
      %dma_start3A_1485 = tpu.memref_squeeze %dma_start3A_1484 : memref<1x1x2x64xi32, #tpu.memory_space<hbm>> -> memref<2x64xi32, #tpu.memory_space<hbm>>
      %dma_start3A_1486 = arith.constant 0 : i32
      %dma_start3A_1487 = arith.constant 0 : i32
      %dma_start3A_1488 = tpu.memref_slice %arg6[%dma_start3A_1477, %dma_start3A_1486, %dma_start3A_1487] : memref<8x2x64xi32, #tpu.memory_space<vmem>> -> memref<1x2x64xi32, #tpu.memory_space<vmem>>
      %dma_start3A_1489 = tpu.memref_squeeze %dma_start3A_1488 : memref<1x2x64xi32, #tpu.memory_space<vmem>> -> memref<2x64xi32, #tpu.memory_space<vmem>>
      %dma_start3A_1490 = arith.constant 0 : i32
      %dma_start3A_1491 = arith.constant 0 : i32
      %dma_start3A_1492 = tpu.memref_slice %arg3[%add3A, %add3A_1476, %dma_start3A_1490, %dma_start3A_1491] : memref<32x168x2x64xi32, #tpu.memory_space<hbm>> -> memref<1x1x2x64xi32, #tpu.memory_space<hbm>>
      %dma_start3A_1493 = tpu.memref_squeeze %dma_start3A_1492 : memref<1x1x2x64xi32, #tpu.memory_space<hbm>> -> memref<2x64xi32, #tpu.memory_space<hbm>>
      tpu.enqueue_dma source(%dma_start3A_1493 : memref<2x64xi32, #tpu.memory_space<hbm>>) target(%dma_start3A_1489 : memref<2x64xi32, #tpu.memory_space<vmem>>) target_semaphore(%arg11 : memref<!tpu.dma_semaphore, #tpu.memory_space<semaphore_mem>>)
      %dma_wait3A_1494 = arith.constant 0 : i32
      %dma_wait3A_1495 = arith.constant 7 : i32
      %dma_wait3A_1496 = arith.constant 0 : i32
      %dma_wait3A_1497 = arith.constant 0 : i32
      %dma_wait3A_1498 = tpu.memref_slice %arg6[%dma_wait3A_1495, %dma_wait3A_1496, %dma_wait3A_1497] : memref<8x2x64xi32, #tpu.memory_space<vmem>> -> memref<1x2x64xi32, #tpu.memory_space<vmem>>
      %dma_wait3A_1499 = tpu.memref_squeeze %dma_wait3A_1498 : memref<1x2x64xi32, #tpu.memory_space<vmem>> -> memref<2x64xi32, #tpu.memory_space<vmem>>
      %dma_wait3A_1500 = arith.constant 0 : i32
      %dma_wait3A_1501 = arith.constant 0 : i32
      %dma_wait3A_1502 = tpu.memref_slice %arg3[%add3A, %dma_wait3A_1494, %dma_wait3A_1500, %dma_wait3A_1501] : memref<32x168x2x64xi32, #tpu.memory_space<hbm>> -> memref<1x1x2x64xi32, #tpu.memory_space<hbm>>
      %dma_wait3A_1503 = tpu.memref_squeeze %dma_wait3A_1502 : memref<1x1x2x64xi32, #tpu.memory_space<hbm>> -> memref<2x64xi32, #tpu.memory_space<hbm>>
      %dma_wait3A_1504 = arith.constant 0 : i32
      %dma_wait3A_1505 = arith.constant 0 : i32
      %dma_wait3A_1506 = tpu.memref_slice %arg6[%dma_wait3A_1495, %dma_wait3A_1504, %dma_wait3A_1505] : memref<8x2x64xi32, #tpu.memory_space<vmem>> -> memref<1x2x64xi32, #tpu.memory_space<vmem>>
      %dma_wait3A_1507 = tpu.memref_squeeze %dma_wait3A_1506 : memref<1x2x64xi32, #tpu.memory_space<vmem>> -> memref<2x64xi32, #tpu.memory_space<vmem>>
      %dma_wait3A_1508 = arith.constant 0 : i32
      %dma_wait3A_1509 = arith.constant 0 : i32
      %dma_wait3A_1510 = tpu.memref_slice %arg3[%add3A, %dma_wait3A_1494, %dma_wait3A_1508, %dma_wait3A_1509] : memref<32x168x2x64xi32, #tpu.memory_space<hbm>> -> memref<1x1x2x64xi32, #tpu.memory_space<hbm>>
      %dma_wait3A_1511 = tpu.memref_squeeze %dma_wait3A_1510 : memref<1x1x2x64xi32, #tpu.memory_space<hbm>> -> memref<2x64xi32, #tpu.memory_space<hbm>>
      tpu.wait_dma2 semaphore(%arg16 : memref<!tpu.dma_semaphore, #tpu.memory_space<semaphore_mem>>) src(%dma_wait3A_1511 : memref<2x64xi32, #tpu.memory_space<hbm>>) dst(%dma_wait3A_1507 : memref<2x64xi32, #tpu.memory_space<vmem>>)
      %dma_start3A_1512 = arith.constant 7 : i32
      %dma_start3A_1513 = arith.constant 0 : i32
      %dma_start3A_1514 = arith.constant 3 : i32
      %dma_start3A_1515 = arith.constant 0 : i32
      %dma_start3A_1516 = arith.constant 0 : i32
      %dma_start3A_1517 = tpu.memref_slice %arg7[%dma_start3A_1514, %dma_start3A_1515, %dma_start3A_1516] : memref<4x64x128xf32, #tpu.memory_space<vmem>> -> memref<1x64x128xf32, #tpu.memory_space<vmem>>
      %dma_start3A_1518 = tpu.memref_squeeze %dma_start3A_1517 : memref<1x64x128xf32, #tpu.memory_space<vmem>> -> memref<64x128xf32, #tpu.memory_space<vmem>>
      %dma_start3A_1519 = arith.constant 0 : i32
      %dma_start3A_1520 = tpu.memref_slice %arg6[%dma_start3A_1512, %dma_start3A_1513, %dma_start3A_1519] : memref<8x2x64xi32, #tpu.memory_space<vmem>> -> memref<1x1x64xi32, #tpu.memory_space<vmem>>
      %dma_start3A_1521 = tpu.memref_squeeze %dma_start3A_1520 : memref<1x1x64xi32, #tpu.memory_space<vmem>> -> memref<64xi32, #tpu.memory_space<vmem>>
      %dma_start3A_1522 = arith.constant 0 : i32
      %dma_start3A_1523 = arith.constant 0 : i32
      %dma_start3A_1524 = tpu.memref_slice %arg2[%dma_start3A_1522, %dma_start3A_1523] : memref<10000x128xf32, #tpu.memory_space<hbm>> -> memref<10000x128xf32, #tpu.memory_space<hbm>>
      tpu.enqueue_indirect_dma source(%dma_start3A_1524 : memref<10000x128xf32, #tpu.memory_space<hbm>>) target(%dma_start3A_1518 : memref<64x128xf32, #tpu.memory_space<vmem>>) offsets(%dma_start3A_1521 : memref<64xi32, #tpu.memory_space<vmem>>) semaphore(%arg20 : memref<!tpu.dma_semaphore, #tpu.memory_space<semaphore_mem>>)
      %dma_wait3A_1525 = arith.constant 5 : i32
      %dma_wait3A_1526 = arith.constant 0 : i32
      %dma_wait3A_1527 = arith.constant 1 : i32
      %dma_wait3A_1528 = arith.constant 0 : i32
      %dma_wait3A_1529 = arith.constant 0 : i32
      %dma_wait3A_1530 = tpu.memref_slice %arg7[%dma_wait3A_1527, %dma_wait3A_1528, %dma_wait3A_1529] : memref<4x64x128xf32, #tpu.memory_space<vmem>> -> memref<1x64x128xf32, #tpu.memory_space<vmem>>
      %dma_wait3A_1531 = tpu.memref_squeeze %dma_wait3A_1530 : memref<1x64x128xf32, #tpu.memory_space<vmem>> -> memref<64x128xf32, #tpu.memory_space<vmem>>
      %dma_wait3A_1532 = arith.constant 0 : i32
      %dma_wait3A_1533 = tpu.memref_slice %arg6[%dma_wait3A_1525, %dma_wait3A_1526, %dma_wait3A_1532] : memref<8x2x64xi32, #tpu.memory_space<vmem>> -> memref<1x1x64xi32, #tpu.memory_space<vmem>>
      %dma_wait3A_1534 = tpu.memref_squeeze %dma_wait3A_1533 : memref<1x1x64xi32, #tpu.memory_space<vmem>> -> memref<64xi32, #tpu.memory_space<vmem>>
      %dma_wait3A_1535 = arith.constant 0 : i32
      %dma_wait3A_1536 = arith.constant 0 : i32
      %dma_wait3A_1537 = tpu.memref_slice %arg2[%dma_wait3A_1535, %dma_wait3A_1536] : memref<10000x128xf32, #tpu.memory_space<hbm>> -> memref<10000x128xf32, #tpu.memory_space<hbm>>
      tpu.wait_indirect_dma semaphore(%arg18 : memref<!tpu.dma_semaphore, #tpu.memory_space<semaphore_mem>>) src(%dma_wait3A_1537 : memref<10000x128xf32, #tpu.memory_space<hbm>>) dst(%dma_wait3A_1531 : memref<64x128xf32, #tpu.memory_space<vmem>>)
      %dma_start3A_1538 = arith.constant 1 : i32
      %dma_start3A_1539 = arith.constant 5 : i32
      %dma_start3A_1540 = arith.constant 1 : i32
      %dma_start3A_1541 = arith.constant 0 : i32
      %dma_start3A_1542 = arith.constant 0 : i32
      %dma_start3A_1543 = tpu.memref_slice %arg7[%dma_start3A_1538, %dma_start3A_1541, %dma_start3A_1542] : memref<4x64x128xf32, #tpu.memory_space<vmem>> -> memref<1x64x128xf32, #tpu.memory_space<vmem>>
      %dma_start3A_1544 = tpu.memref_squeeze %dma_start3A_1543 : memref<1x64x128xf32, #tpu.memory_space<vmem>> -> memref<64x128xf32, #tpu.memory_space<vmem>>
      %dma_start3A_1545 = arith.constant 0 : i32
      %dma_start3A_1546 = tpu.memref_slice %arg6[%dma_start3A_1539, %dma_start3A_1540, %dma_start3A_1545] : memref<8x2x64xi32, #tpu.memory_space<vmem>> -> memref<1x1x64xi32, #tpu.memory_space<vmem>>
      %dma_start3A_1547 = tpu.memref_squeeze %dma_start3A_1546 : memref<1x1x64xi32, #tpu.memory_space<vmem>> -> memref<64xi32, #tpu.memory_space<vmem>>
      %dma_start3A_1548 = arith.constant 0 : i32
      %dma_start3A_1549 = arith.constant 0 : i32
      %dma_start3A_1550 = tpu.memref_slice %arg8[%dma_start3A_1548, %dma_start3A_1549] : memref<10112x128xf32, #tpu.memory_space<vmem_shared>> -> memref<10112x128xf32, #tpu.memory_space<vmem_shared>>
      tpu.enqueue_indirect_dma source(%dma_start3A_1544 : memref<64x128xf32, #tpu.memory_space<vmem>>) target(%dma_start3A_1550 : memref<10112x128xf32, #tpu.memory_space<vmem_shared>>) offsets(%dma_start3A_1547 : memref<64xi32, #tpu.memory_space<vmem>>) semaphore(%arg22 : memref<!tpu.dma_semaphore, #tpu.memory_space<semaphore_mem>>) {add = true}
    }
    %scan3A_658 = arith.constant 19 : i32
    %dma_wait3A_659 = arith.constant 6 : i32
    %dma_wait3A_660 = arith.constant 0 : i32
    %dma_wait3A_661 = arith.constant 2 : i32
    %dma_wait3A_662 = arith.constant 0 : i32
    %dma_wait3A_663 = arith.constant 0 : i32
    %dma_wait3A_664 = tpu.memref_slice %arg7[%dma_wait3A_661, %dma_wait3A_662, %dma_wait3A_663] : memref<4x64x128xf32, #tpu.memory_space<vmem>> -> memref<1x64x128xf32, #tpu.memory_space<vmem>>
    %dma_wait3A_665 = tpu.memref_squeeze %dma_wait3A_664 : memref<1x64x128xf32, #tpu.memory_space<vmem>> -> memref<64x128xf32, #tpu.memory_space<vmem>>
    %dma_wait3A_666 = arith.constant 0 : i32
    %dma_wait3A_667 = tpu.memref_slice %arg6[%dma_wait3A_659, %dma_wait3A_660, %dma_wait3A_666] : memref<8x2x64xi32, #tpu.memory_space<vmem>> -> memref<1x1x64xi32, #tpu.memory_space<vmem>>
    %dma_wait3A_668 = tpu.memref_squeeze %dma_wait3A_667 : memref<1x1x64xi32, #tpu.memory_space<vmem>> -> memref<64xi32, #tpu.memory_space<vmem>>
    %dma_wait3A_669 = arith.constant 0 : i32
    %dma_wait3A_670 = arith.constant 0 : i32
    %dma_wait3A_671 = tpu.memref_slice %arg2[%dma_wait3A_669, %dma_wait3A_670] : memref<10000x128xf32, #tpu.memory_space<hbm>> -> memref<10000x128xf32, #tpu.memory_space<hbm>>
    tpu.wait_indirect_dma semaphore(%arg19 : memref<!tpu.dma_semaphore, #tpu.memory_space<semaphore_mem>>) src(%dma_wait3A_671 : memref<10000x128xf32, #tpu.memory_space<hbm>>) dst(%dma_wait3A_665 : memref<64x128xf32, #tpu.memory_space<vmem>>)
    %dma_start3A_672 = arith.constant 2 : i32
    %dma_start3A_673 = arith.constant 6 : i32
    %dma_start3A_674 = arith.constant 1 : i32
    %dma_start3A_675 = arith.constant 0 : i32
    %dma_start3A_676 = arith.constant 0 : i32
    %dma_start3A_677 = tpu.memref_slice %arg7[%dma_start3A_672, %dma_start3A_675, %dma_start3A_676] : memref<4x64x128xf32, #tpu.memory_space<vmem>> -> memref<1x64x128xf32, #tpu.memory_space<vmem>>
    %dma_start3A_678 = tpu.memref_squeeze %dma_start3A_677 : memref<1x64x128xf32, #tpu.memory_space<vmem>> -> memref<64x128xf32, #tpu.memory_space<vmem>>
    %dma_start3A_679 = arith.constant 0 : i32
    %dma_start3A_680 = tpu.memref_slice %arg6[%dma_start3A_673, %dma_start3A_674, %dma_start3A_679] : memref<8x2x64xi32, #tpu.memory_space<vmem>> -> memref<1x1x64xi32, #tpu.memory_space<vmem>>
    %dma_start3A_681 = tpu.memref_squeeze %dma_start3A_680 : memref<1x1x64xi32, #tpu.memory_space<vmem>> -> memref<64xi32, #tpu.memory_space<vmem>>
    %dma_start3A_682 = arith.constant 0 : i32
    %dma_start3A_683 = arith.constant 0 : i32
    %dma_start3A_684 = tpu.memref_slice %arg8[%dma_start3A_682, %dma_start3A_683] : memref<10112x128xf32, #tpu.memory_space<vmem_shared>> -> memref<10112x128xf32, #tpu.memory_space<vmem_shared>>
    tpu.enqueue_indirect_dma source(%dma_start3A_678 : memref<64x128xf32, #tpu.memory_space<vmem>>) target(%dma_start3A_684 : memref<10112x128xf32, #tpu.memory_space<vmem_shared>>) offsets(%dma_start3A_681 : memref<64xi32, #tpu.memory_space<vmem>>) semaphore(%arg23 : memref<!tpu.dma_semaphore, #tpu.memory_space<semaphore_mem>>) {add = true}
    %dma_wait3A_685 = arith.constant 7 : i32
    %dma_wait3A_686 = arith.constant 0 : i32
    %dma_wait3A_687 = arith.constant 3 : i32
    %dma_wait3A_688 = arith.constant 0 : i32
    %dma_wait3A_689 = arith.constant 0 : i32
    %dma_wait3A_690 = tpu.memref_slice %arg7[%dma_wait3A_687, %dma_wait3A_688, %dma_wait3A_689] : memref<4x64x128xf32, #tpu.memory_space<vmem>> -> memref<1x64x128xf32, #tpu.memory_space<vmem>>
    %dma_wait3A_691 = tpu.memref_squeeze %dma_wait3A_690 : memref<1x64x128xf32, #tpu.memory_space<vmem>> -> memref<64x128xf32, #tpu.memory_space<vmem>>
    %dma_wait3A_692 = arith.constant 0 : i32
    %dma_wait3A_693 = tpu.memref_slice %arg6[%dma_wait3A_685, %dma_wait3A_686, %dma_wait3A_692] : memref<8x2x64xi32, #tpu.memory_space<vmem>> -> memref<1x1x64xi32, #tpu.memory_space<vmem>>
    %dma_wait3A_694 = tpu.memref_squeeze %dma_wait3A_693 : memref<1x1x64xi32, #tpu.memory_space<vmem>> -> memref<64xi32, #tpu.memory_space<vmem>>
    %dma_wait3A_695 = arith.constant 0 : i32
    %dma_wait3A_696 = arith.constant 0 : i32
    %dma_wait3A_697 = tpu.memref_slice %arg2[%dma_wait3A_695, %dma_wait3A_696] : memref<10000x128xf32, #tpu.memory_space<hbm>> -> memref<10000x128xf32, #tpu.memory_space<hbm>>
    tpu.wait_indirect_dma semaphore(%arg20 : memref<!tpu.dma_semaphore, #tpu.memory_space<semaphore_mem>>) src(%dma_wait3A_697 : memref<10000x128xf32, #tpu.memory_space<hbm>>) dst(%dma_wait3A_691 : memref<64x128xf32, #tpu.memory_space<vmem>>)
    %dma_start3A_698 = arith.constant 3 : i32
    %dma_start3A_699 = arith.constant 7 : i32
    %dma_start3A_700 = arith.constant 1 : i32
    %dma_start3A_701 = arith.constant 0 : i32
    %dma_start3A_702 = arith.constant 0 : i32
    %dma_start3A_703 = tpu.memref_slice %arg7[%dma_start3A_698, %dma_start3A_701, %dma_start3A_702] : memref<4x64x128xf32, #tpu.memory_space<vmem>> -> memref<1x64x128xf32, #tpu.memory_space<vmem>>
    %dma_start3A_704 = tpu.memref_squeeze %dma_start3A_703 : memref<1x64x128xf32, #tpu.memory_space<vmem>> -> memref<64x128xf32, #tpu.memory_space<vmem>>
    %dma_start3A_705 = arith.constant 0 : i32
    %dma_start3A_706 = tpu.memref_slice %arg6[%dma_start3A_699, %dma_start3A_700, %dma_start3A_705] : memref<8x2x64xi32, #tpu.memory_space<vmem>> -> memref<1x1x64xi32, #tpu.memory_space<vmem>>
    %dma_start3A_707 = tpu.memref_squeeze %dma_start3A_706 : memref<1x1x64xi32, #tpu.memory_space<vmem>> -> memref<64xi32, #tpu.memory_space<vmem>>
    %dma_start3A_708 = arith.constant 0 : i32
    %dma_start3A_709 = arith.constant 0 : i32
    %dma_start3A_710 = tpu.memref_slice %arg8[%dma_start3A_708, %dma_start3A_709] : memref<10112x128xf32, #tpu.memory_space<vmem_shared>> -> memref<10112x128xf32, #tpu.memory_space<vmem_shared>>
    tpu.enqueue_indirect_dma source(%dma_start3A_704 : memref<64x128xf32, #tpu.memory_space<vmem>>) target(%dma_start3A_710 : memref<10112x128xf32, #tpu.memory_space<vmem_shared>>) offsets(%dma_start3A_707 : memref<64xi32, #tpu.memory_space<vmem>>) semaphore(%arg24 : memref<!tpu.dma_semaphore, #tpu.memory_space<semaphore_mem>>) {add = true}
    %dma_wait3A_711 = arith.constant 0 : i32
    %dma_wait3A_712 = arith.constant 4 : i32
    %dma_wait3A_713 = arith.constant 1 : i32
    %dma_wait3A_714 = arith.constant 0 : i32
    %dma_wait3A_715 = arith.constant 0 : i32
    %dma_wait3A_716 = tpu.memref_slice %arg7[%dma_wait3A_711, %dma_wait3A_714, %dma_wait3A_715] : memref<4x64x128xf32, #tpu.memory_space<vmem>> -> memref<1x64x128xf32, #tpu.memory_space<vmem>>
    %dma_wait3A_717 = tpu.memref_squeeze %dma_wait3A_716 : memref<1x64x128xf32, #tpu.memory_space<vmem>> -> memref<64x128xf32, #tpu.memory_space<vmem>>
    %dma_wait3A_718 = arith.constant 0 : i32
    %dma_wait3A_719 = tpu.memref_slice %arg6[%dma_wait3A_712, %dma_wait3A_713, %dma_wait3A_718] : memref<8x2x64xi32, #tpu.memory_space<vmem>> -> memref<1x1x64xi32, #tpu.memory_space<vmem>>
    %dma_wait3A_720 = tpu.memref_squeeze %dma_wait3A_719 : memref<1x1x64xi32, #tpu.memory_space<vmem>> -> memref<64xi32, #tpu.memory_space<vmem>>
    %dma_wait3A_721 = arith.constant 0 : i32
    %dma_wait3A_722 = arith.constant 0 : i32
    %dma_wait3A_723 = tpu.memref_slice %arg8[%dma_wait3A_721, %dma_wait3A_722] : memref<10112x128xf32, #tpu.memory_space<vmem_shared>> -> memref<10112x128xf32, #tpu.memory_space<vmem_shared>>
    tpu.wait_indirect_dma semaphore(%arg21 : memref<!tpu.dma_semaphore, #tpu.memory_space<semaphore_mem>>) src(%dma_wait3A_717 : memref<64x128xf32, #tpu.memory_space<vmem>>) dst(%dma_wait3A_723 : memref<10112x128xf32, #tpu.memory_space<vmem_shared>>)
    %dma_wait3A_724 = arith.constant 1 : i32
    %dma_wait3A_725 = arith.constant 5 : i32
    %dma_wait3A_726 = arith.constant 1 : i32
    %dma_wait3A_727 = arith.constant 0 : i32
    %dma_wait3A_728 = arith.constant 0 : i32
    %dma_wait3A_729 = tpu.memref_slice %arg7[%dma_wait3A_724, %dma_wait3A_727, %dma_wait3A_728] : memref<4x64x128xf32, #tpu.memory_space<vmem>> -> memref<1x64x128xf32, #tpu.memory_space<vmem>>
    %dma_wait3A_730 = tpu.memref_squeeze %dma_wait3A_729 : memref<1x64x128xf32, #tpu.memory_space<vmem>> -> memref<64x128xf32, #tpu.memory_space<vmem>>
    %dma_wait3A_731 = arith.constant 0 : i32
    %dma_wait3A_732 = tpu.memref_slice %arg6[%dma_wait3A_725, %dma_wait3A_726, %dma_wait3A_731] : memref<8x2x64xi32, #tpu.memory_space<vmem>> -> memref<1x1x64xi32, #tpu.memory_space<vmem>>
    %dma_wait3A_733 = tpu.memref_squeeze %dma_wait3A_732 : memref<1x1x64xi32, #tpu.memory_space<vmem>> -> memref<64xi32, #tpu.memory_space<vmem>>
    %dma_wait3A_734 = arith.constant 0 : i32
    %dma_wait3A_735 = arith.constant 0 : i32
    %dma_wait3A_736 = tpu.memref_slice %arg8[%dma_wait3A_734, %dma_wait3A_735] : memref<10112x128xf32, #tpu.memory_space<vmem_shared>> -> memref<10112x128xf32, #tpu.memory_space<vmem_shared>>
    tpu.wait_indirect_dma semaphore(%arg22 : memref<!tpu.dma_semaphore, #tpu.memory_space<semaphore_mem>>) src(%dma_wait3A_730 : memref<64x128xf32, #tpu.memory_space<vmem>>) dst(%dma_wait3A_736 : memref<10112x128xf32, #tpu.memory_space<vmem_shared>>)
    %dma_wait3A_737 = arith.constant 2 : i32
    %dma_wait3A_738 = arith.constant 6 : i32
    %dma_wait3A_739 = arith.constant 1 : i32
    %dma_wait3A_740 = arith.constant 0 : i32
    %dma_wait3A_741 = arith.constant 0 : i32
    %dma_wait3A_742 = tpu.memref_slice %arg7[%dma_wait3A_737, %dma_wait3A_740, %dma_wait3A_741] : memref<4x64x128xf32, #tpu.memory_space<vmem>> -> memref<1x64x128xf32, #tpu.memory_space<vmem>>
    %dma_wait3A_743 = tpu.memref_squeeze %dma_wait3A_742 : memref<1x64x128xf32, #tpu.memory_space<vmem>> -> memref<64x128xf32, #tpu.memory_space<vmem>>
    %dma_wait3A_744 = arith.constant 0 : i32
    %dma_wait3A_745 = tpu.memref_slice %arg6[%dma_wait3A_738, %dma_wait3A_739, %dma_wait3A_744] : memref<8x2x64xi32, #tpu.memory_space<vmem>> -> memref<1x1x64xi32, #tpu.memory_space<vmem>>
    %dma_wait3A_746 = tpu.memref_squeeze %dma_wait3A_745 : memref<1x1x64xi32, #tpu.memory_space<vmem>> -> memref<64xi32, #tpu.memory_space<vmem>>
    %dma_wait3A_747 = arith.constant 0 : i32
    %dma_wait3A_748 = arith.constant 0 : i32
    %dma_wait3A_749 = tpu.memref_slice %arg8[%dma_wait3A_747, %dma_wait3A_748] : memref<10112x128xf32, #tpu.memory_space<vmem_shared>> -> memref<10112x128xf32, #tpu.memory_space<vmem_shared>>
    tpu.wait_indirect_dma semaphore(%arg23 : memref<!tpu.dma_semaphore, #tpu.memory_space<semaphore_mem>>) src(%dma_wait3A_743 : memref<64x128xf32, #tpu.memory_space<vmem>>) dst(%dma_wait3A_749 : memref<10112x128xf32, #tpu.memory_space<vmem_shared>>)
    %dma_wait3A_750 = arith.constant 3 : i32
    %dma_wait3A_751 = arith.constant 7 : i32
    %dma_wait3A_752 = arith.constant 1 : i32
    %dma_wait3A_753 = arith.constant 0 : i32
    %dma_wait3A_754 = arith.constant 0 : i32
    %dma_wait3A_755 = tpu.memref_slice %arg7[%dma_wait3A_750, %dma_wait3A_753, %dma_wait3A_754] : memref<4x64x128xf32, #tpu.memory_space<vmem>> -> memref<1x64x128xf32, #tpu.memory_space<vmem>>
    %dma_wait3A_756 = tpu.memref_squeeze %dma_wait3A_755 : memref<1x64x128xf32, #tpu.memory_space<vmem>> -> memref<64x128xf32, #tpu.memory_space<vmem>>
    %dma_wait3A_757 = arith.constant 0 : i32
    %dma_wait3A_758 = tpu.memref_slice %arg6[%dma_wait3A_751, %dma_wait3A_752, %dma_wait3A_757] : memref<8x2x64xi32, #tpu.memory_space<vmem>> -> memref<1x1x64xi32, #tpu.memory_space<vmem>>
    %dma_wait3A_759 = tpu.memref_squeeze %dma_wait3A_758 : memref<1x1x64xi32, #tpu.memory_space<vmem>> -> memref<64xi32, #tpu.memory_space<vmem>>
    %dma_wait3A_760 = arith.constant 0 : i32
    %dma_wait3A_761 = arith.constant 0 : i32
    %dma_wait3A_762 = tpu.memref_slice %arg8[%dma_wait3A_760, %dma_wait3A_761] : memref<10112x128xf32, #tpu.memory_space<vmem_shared>> -> memref<10112x128xf32, #tpu.memory_space<vmem_shared>>
    tpu.wait_indirect_dma semaphore(%arg24 : memref<!tpu.dma_semaphore, #tpu.memory_space<semaphore_mem>>) src(%dma_wait3A_756 : memref<64x128xf32, #tpu.memory_space<vmem>>) dst(%dma_wait3A_762 : memref<10112x128xf32, #tpu.memory_space<vmem_shared>>)
    %dma_wait3A_763 = arith.constant 0 : i32
    %dma_wait3A_764 = arith.constant 0 : i32
    %dma_wait3A_765 = arith.constant 0 : i32
    %dma_wait3A_766 = arith.constant 0 : i32
    %dma_wait3A_767 = tpu.memref_slice %arg6[%dma_wait3A_764, %dma_wait3A_765, %dma_wait3A_766] : memref<8x2x64xi32, #tpu.memory_space<vmem>> -> memref<1x2x64xi32, #tpu.memory_space<vmem>>
    %dma_wait3A_768 = tpu.memref_squeeze %dma_wait3A_767 : memref<1x2x64xi32, #tpu.memory_space<vmem>> -> memref<2x64xi32, #tpu.memory_space<vmem>>
    %dma_wait3A_769 = arith.constant 0 : i32
    %dma_wait3A_770 = arith.constant 0 : i32
    %dma_wait3A_771 = tpu.memref_slice %arg3[%add3A, %dma_wait3A_763, %dma_wait3A_769, %dma_wait3A_770] : memref<32x168x2x64xi32, #tpu.memory_space<hbm>> -> memref<1x1x2x64xi32, #tpu.memory_space<hbm>>
    %dma_wait3A_772 = tpu.memref_squeeze %dma_wait3A_771 : memref<1x1x2x64xi32, #tpu.memory_space<hbm>> -> memref<2x64xi32, #tpu.memory_space<hbm>>
    %dma_wait3A_773 = arith.constant 0 : i32
    %dma_wait3A_774 = arith.constant 0 : i32
    %dma_wait3A_775 = tpu.memref_slice %arg6[%dma_wait3A_764, %dma_wait3A_773, %dma_wait3A_774] : memref<8x2x64xi32, #tpu.memory_space<vmem>> -> memref<1x2x64xi32, #tpu.memory_space<vmem>>
    %dma_wait3A_776 = tpu.memref_squeeze %dma_wait3A_775 : memref<1x2x64xi32, #tpu.memory_space<vmem>> -> memref<2x64xi32, #tpu.memory_space<vmem>>
    %dma_wait3A_777 = arith.constant 0 : i32
    %dma_wait3A_778 = arith.constant 0 : i32
    %dma_wait3A_779 = tpu.memref_slice %arg3[%add3A, %dma_wait3A_763, %dma_wait3A_777, %dma_wait3A_778] : memref<32x168x2x64xi32, #tpu.memory_space<hbm>> -> memref<1x1x2x64xi32, #tpu.memory_space<hbm>>
    %dma_wait3A_780 = tpu.memref_squeeze %dma_wait3A_779 : memref<1x1x2x64xi32, #tpu.memory_space<hbm>> -> memref<2x64xi32, #tpu.memory_space<hbm>>
    tpu.wait_dma2 semaphore(%arg9 : memref<!tpu.dma_semaphore, #tpu.memory_space<semaphore_mem>>) src(%dma_wait3A_780 : memref<2x64xi32, #tpu.memory_space<hbm>>) dst(%dma_wait3A_776 : memref<2x64xi32, #tpu.memory_space<vmem>>)
    %dma_wait3A_781 = arith.constant 0 : i32
    %dma_wait3A_782 = arith.constant 1 : i32
    %dma_wait3A_783 = arith.constant 0 : i32
    %dma_wait3A_784 = arith.constant 0 : i32
    %dma_wait3A_785 = tpu.memref_slice %arg6[%dma_wait3A_782, %dma_wait3A_783, %dma_wait3A_784] : memref<8x2x64xi32, #tpu.memory_space<vmem>> -> memref<1x2x64xi32, #tpu.memory_space<vmem>>
    %dma_wait3A_786 = tpu.memref_squeeze %dma_wait3A_785 : memref<1x2x64xi32, #tpu.memory_space<vmem>> -> memref<2x64xi32, #tpu.memory_space<vmem>>
    %dma_wait3A_787 = arith.constant 0 : i32
    %dma_wait3A_788 = arith.constant 0 : i32
    %dma_wait3A_789 = tpu.memref_slice %arg3[%add3A, %dma_wait3A_781, %dma_wait3A_787, %dma_wait3A_788] : memref<32x168x2x64xi32, #tpu.memory_space<hbm>> -> memref<1x1x2x64xi32, #tpu.memory_space<hbm>>
    %dma_wait3A_790 = tpu.memref_squeeze %dma_wait3A_789 : memref<1x1x2x64xi32, #tpu.memory_space<hbm>> -> memref<2x64xi32, #tpu.memory_space<hbm>>
    %dma_wait3A_791 = arith.constant 0 : i32
    %dma_wait3A_792 = arith.constant 0 : i32
    %dma_wait3A_793 = tpu.memref_slice %arg6[%dma_wait3A_782, %dma_wait3A_791, %dma_wait3A_792] : memref<8x2x64xi32, #tpu.memory_space<vmem>> -> memref<1x2x64xi32, #tpu.memory_space<vmem>>
    %dma_wait3A_794 = tpu.memref_squeeze %dma_wait3A_793 : memref<1x2x64xi32, #tpu.memory_space<vmem>> -> memref<2x64xi32, #tpu.memory_space<vmem>>
    %dma_wait3A_795 = arith.constant 0 : i32
    %dma_wait3A_796 = arith.constant 0 : i32
    %dma_wait3A_797 = tpu.memref_slice %arg3[%add3A, %dma_wait3A_781, %dma_wait3A_795, %dma_wait3A_796] : memref<32x168x2x64xi32, #tpu.memory_space<hbm>> -> memref<1x1x2x64xi32, #tpu.memory_space<hbm>>
    %dma_wait3A_798 = tpu.memref_squeeze %dma_wait3A_797 : memref<1x1x2x64xi32, #tpu.memory_space<hbm>> -> memref<2x64xi32, #tpu.memory_space<hbm>>
    tpu.wait_dma2 semaphore(%arg10 : memref<!tpu.dma_semaphore, #tpu.memory_space<semaphore_mem>>) src(%dma_wait3A_798 : memref<2x64xi32, #tpu.memory_space<hbm>>) dst(%dma_wait3A_794 : memref<2x64xi32, #tpu.memory_space<vmem>>)
    %dma_wait3A_799 = arith.constant 0 : i32
    %dma_wait3A_800 = arith.constant 2 : i32
    %dma_wait3A_801 = arith.constant 0 : i32
    %dma_wait3A_802 = arith.constant 0 : i32
    %dma_wait3A_803 = tpu.memref_slice %arg6[%dma_wait3A_800, %dma_wait3A_801, %dma_wait3A_802] : memref<8x2x64xi32, #tpu.memory_space<vmem>> -> memref<1x2x64xi32, #tpu.memory_space<vmem>>
    %dma_wait3A_804 = tpu.memref_squeeze %dma_wait3A_803 : memref<1x2x64xi32, #tpu.memory_space<vmem>> -> memref<2x64xi32, #tpu.memory_space<vmem>>
    %dma_wait3A_805 = arith.constant 0 : i32
    %dma_wait3A_806 = arith.constant 0 : i32
    %dma_wait3A_807 = tpu.memref_slice %arg3[%add3A, %dma_wait3A_799, %dma_wait3A_805, %dma_wait3A_806] : memref<32x168x2x64xi32, #tpu.memory_space<hbm>> -> memref<1x1x2x64xi32, #tpu.memory_space<hbm>>
    %dma_wait3A_808 = tpu.memref_squeeze %dma_wait3A_807 : memref<1x1x2x64xi32, #tpu.memory_space<hbm>> -> memref<2x64xi32, #tpu.memory_space<hbm>>
    %dma_wait3A_809 = arith.constant 0 : i32
    %dma_wait3A_810 = arith.constant 0 : i32
    %dma_wait3A_811 = tpu.memref_slice %arg6[%dma_wait3A_800, %dma_wait3A_809, %dma_wait3A_810] : memref<8x2x64xi32, #tpu.memory_space<vmem>> -> memref<1x2x64xi32, #tpu.memory_space<vmem>>
    %dma_wait3A_812 = tpu.memref_squeeze %dma_wait3A_811 : memref<1x2x64xi32, #tpu.memory_space<vmem>> -> memref<2x64xi32, #tpu.memory_space<vmem>>
    %dma_wait3A_813 = arith.constant 0 : i32
    %dma_wait3A_814 = arith.constant 0 : i32
    %dma_wait3A_815 = tpu.memref_slice %arg3[%add3A, %dma_wait3A_799, %dma_wait3A_813, %dma_wait3A_814] : memref<32x168x2x64xi32, #tpu.memory_space<hbm>> -> memref<1x1x2x64xi32, #tpu.memory_space<hbm>>
    %dma_wait3A_816 = tpu.memref_squeeze %dma_wait3A_815 : memref<1x1x2x64xi32, #tpu.memory_space<hbm>> -> memref<2x64xi32, #tpu.memory_space<hbm>>
    tpu.wait_dma2 semaphore(%arg11 : memref<!tpu.dma_semaphore, #tpu.memory_space<semaphore_mem>>) src(%dma_wait3A_816 : memref<2x64xi32, #tpu.memory_space<hbm>>) dst(%dma_wait3A_812 : memref<2x64xi32, #tpu.memory_space<vmem>>)
    %barrier3A_817 = arith.constant 0 : index
    tpu.barrier barrier_id(%barrier3A_817)
    "tpu.region"() ({
      %run_scoped3A = tpu.sem_alloc : memref<!tpu.dma_semaphore, #tpu.memory_space<semaphore_mem>>
      %dma_start3A_818 = arith.constant 0 : i32
      %dma_start3A_819 = tpu.memref_slice %arg5[%arg0, %mul3A_2, %dma_start3A_818] : memref<2x10112x128xf32, #tpu.memory_space<hbm>> -> memref<1x632x128xf32, #tpu.memory_space<hbm>>
      %dma_start3A_820 = tpu.memref_squeeze %dma_start3A_819 : memref<1x632x128xf32, #tpu.memory_space<hbm>> -> memref<632x128xf32, #tpu.memory_space<hbm>>
      %dma_start3A_821 = arith.constant 0 : i32
      %dma_start3A_822 = tpu.memref_slice %arg8[%mul3A_2, %dma_start3A_821] : memref<10112x128xf32, #tpu.memory_space<vmem_shared>> -> memref<632x128xf32, #tpu.memory_space<vmem_shared>>
      tpu.enqueue_dma source(%dma_start3A_822 : memref<632x128xf32, #tpu.memory_space<vmem_shared>>) target(%dma_start3A_820 : memref<632x128xf32, #tpu.memory_space<hbm>>) target_semaphore(%run_scoped3A : memref<!tpu.dma_semaphore, #tpu.memory_space<semaphore_mem>>)
      %dma_wait3A_823 = arith.constant 0 : i32
      %dma_wait3A_824 = tpu.memref_slice %arg5[%arg0, %mul3A_2, %dma_wait3A_823] : memref<2x10112x128xf32, #tpu.memory_space<hbm>> -> memref<1x632x128xf32, #tpu.memory_space<hbm>>
      %dma_wait3A_825 = tpu.memref_squeeze %dma_wait3A_824 : memref<1x632x128xf32, #tpu.memory_space<hbm>> -> memref<632x128xf32, #tpu.memory_space<hbm>>
      %dma_wait3A_826 = arith.constant 0 : i32
      %dma_wait3A_827 = tpu.memref_slice %arg8[%mul3A_2, %dma_wait3A_826] : memref<10112x128xf32, #tpu.memory_space<vmem_shared>> -> memref<632x128xf32, #tpu.memory_space<vmem_shared>>
      tpu.wait_dma2 semaphore(%run_scoped3A : memref<!tpu.dma_semaphore, #tpu.memory_space<semaphore_mem>>) src(%dma_wait3A_827 : memref<632x128xf32, #tpu.memory_space<vmem_shared>>) dst(%dma_wait3A_825 : memref<632x128xf32, #tpu.memory_space<hbm>>)
      tpu.yield
    }) : () -> ()
    return
  }
}

module attributes {stable_mosaic.version = 14 : i64} {
  func.func @body(%arg0: memref<32x10000xf32, #tpu.memory_space<vmem>>, %arg1: memref<10000x1xf32, #tpu.memory_space<vmem>>) attributes {dimension_semantics = [], scalar_prefetch = 0 : i64, scratch_operands = 0 : i64, tpu.core_type = #tpu.core_type<tc>} {
    %get3A = arith.constant 0 : index
    %get3A_0 = arith.constant 0 : index
    %get3A_1 = vector.load %arg0[%get3A, %get3A_0] : memref<32x10000xf32, #tpu.memory_space<vmem>>, vector<32x10000xf32>
    %reduce_sum3A = arith.constant dense<0.000000e+00> : vector<10000xf32>
    %reduce_sum3A_2 = vector.multi_reduction <add>, %get3A_1, %reduce_sum3A [0] : vector<32x10000xf32> to vector<10000xf32>
    %max3A = arith.constant 1.000000e+00 : f32
    %max3A_3 = vector.broadcast %max3A : f32 to vector<10000xf32>
    %max3A_4 = arith.maximumf %reduce_sum3A_2, %max3A_3 : vector<10000xf32>
    %div3A = arith.constant 1.000000e+00 : f32
    %div3A_5 = vector.broadcast %div3A : f32 to vector<10000xf32>
    %div3A_6 = arith.divf %div3A_5, %max3A_4 : vector<10000xf32>
    %broadcast_in_dim3A = vector.shape_cast %div3A_6 : vector<10000xf32> to vector<10000x1xf32>
    %swap3A = arith.constant 0 : index
    %swap3A_7 = arith.constant 0 : index
    %swap3A_8 = vector.load %arg1[%swap3A, %swap3A_7] : memref<10000x1xf32, #tpu.memory_space<vmem>>, vector<10000x1xf32>
    tpu.vector_store %arg1[%swap3A, %swap3A_7], %broadcast_in_dim3A {strides = array<i32>} : memref<10000x1xf32, #tpu.memory_space<vmem>>, vector<10000x1xf32>,
    return
  }
}

module attributes {stable_mosaic.version = 14 : i64} {
  func.func @body(%arg0: i32, %arg1: memref<2x2000x128xf32, #tpu.memory_space<vmem>>, %arg2: memref<2000x1xf32, #tpu.memory_space<vmem>>, %arg3: memref<2000x128xf32, #tpu.memory_space<vmem>>, %arg4: memref<128x128xf32, #tpu.memory_space<vmem>>, %arg5: memref<128xf32, #tpu.memory_space<vmem>>, %arg6: memref<128x128xf32, #tpu.memory_space<vmem>>, %arg7: memref<2000x128xf32, #tpu.memory_space<vmem>>) attributes {dimension_semantics = [#tpu.dimension_semantics<arbitrary>], iteration_bounds = array<i64: 5>, scalar_prefetch = 0 : i64, scratch_operands = 0 : i64, tpu.core_type = #tpu.core_type<tc>, window_params = [{transform_indices = @transform_0, window_bounds = array<i64: 2, 2000, 128>}, {transform_indices = @transform_1, window_bounds = array<i64: 2000, 1>}, {transform_indices = @transform_2, window_bounds = array<i64: 2000, 128>}, {pipeline_mode = #tpu.pipeline_mode<synchronous>, transform_indices = @transform_3, window_bounds = array<i64: 128, 128>}, {pipeline_mode = #tpu.pipeline_mode<synchronous>, transform_indices = @transform_4, window_bounds = array<i64: 128>}, {pipeline_mode = #tpu.pipeline_mode<synchronous>, transform_indices = @transform_5, window_bounds = array<i64: 128, 128>}, {transform_indices = @transform_6, window_bounds = array<i64: 2000, 128>}]} {
    %get3A = arith.constant 0 : index
    %get3A_0 = arith.constant 0 : index
    %get3A_1 = arith.constant 0 : index
    %get3A_2 = vector.load %arg1[%get3A, %get3A_0, %get3A_1] : memref<2x2000x128xf32, #tpu.memory_space<vmem>>, vector<1x2000x128xf32>
    %get3A_3 = vector.shape_cast %get3A_2 : vector<1x2000x128xf32> to vector<2000x128xf32>
    %get3A_4 = arith.constant 1 : index
    %get3A_5 = arith.constant 0 : index
    %get3A_6 = arith.constant 0 : index
    %get3A_7 = vector.load %arg1[%get3A_4, %get3A_5, %get3A_6] : memref<2x2000x128xf32, #tpu.memory_space<vmem>>, vector<1x2000x128xf32>
    %get3A_8 = vector.shape_cast %get3A_7 : vector<1x2000x128xf32> to vector<2000x128xf32>
    %add3A = arith.addf %get3A_3, %get3A_8 : vector<2000x128xf32>
    %get3A_9 = arith.constant 0 : index
    %get3A_10 = arith.constant 0 : index
    %get3A_11 = vector.load %arg2[%get3A_9, %get3A_10] : memref<2000x1xf32, #tpu.memory_space<vmem>>, vector<2000x1xf32>
    %mul3A = vector.broadcast %get3A_11 : vector<2000x1xf32> to vector<2000x128xf32>
    %mul3A_12 = arith.mulf %add3A, %mul3A : vector<2000x128xf32>
    %get3A_13 = arith.constant 0 : index
    %get3A_14 = arith.constant 0 : index
    %get3A_15 = vector.load %arg4[%get3A_13, %get3A_14] : memref<128x128xf32, #tpu.memory_space<vmem>>, vector<128x128xf32>
    %dot_general3A = arith.constant dense<0.000000e+00> : vector<2000x128xf32>
    %dot_general3A_16 = tpu.matmul %mul3A_12, %get3A_15, %dot_general3A {dimension_numbers = #tpu.dot_dimension_numbers<[1], [1], [0], [0], [0, 0, 1, 0], [], []>, transpose_lhs_hint = false} : vector<2000x128xf32>, vector<128x128xf32>, vector<2000x128xf32> -> vector<2000x128xf32>
    %get3A_17 = arith.constant 0 : index
    %get3A_18 = vector.load %arg5[%get3A_17] : memref<128xf32, #tpu.memory_space<vmem>>, vector<128xf32>
    %broadcast_in_dim3A = vector.shape_cast %get3A_18 : vector<128xf32> to vector<1x128xf32>
    %add3A_19 = vector.broadcast %broadcast_in_dim3A : vector<1x128xf32> to vector<2000x128xf32>
    %add3A_20 = arith.addf %dot_general3A_16, %add3A_19 : vector<2000x128xf32>
    %get3A_21 = arith.constant 0 : index
    %get3A_22 = arith.constant 0 : index
    %get3A_23 = vector.load %arg3[%get3A_21, %get3A_22] : memref<2000x128xf32, #tpu.memory_space<vmem>>, vector<2000x128xf32>
    %get3A_24 = arith.constant 0 : index
    %get3A_25 = arith.constant 0 : index
    %get3A_26 = vector.load %arg6[%get3A_24, %get3A_25] : memref<128x128xf32, #tpu.memory_space<vmem>>, vector<128x128xf32>
    %dot_general3A_27 = arith.constant dense<0.000000e+00> : vector<2000x128xf32>
    %dot_general3A_28 = tpu.matmul %get3A_23, %get3A_26, %dot_general3A_27 {dimension_numbers = #tpu.dot_dimension_numbers<[1], [1], [0], [0], [0, 0, 1, 0], [], []>, transpose_lhs_hint = false} : vector<2000x128xf32>, vector<128x128xf32>, vector<2000x128xf32> -> vector<2000x128xf32>
    %add3A_29 = arith.addf %add3A_20, %dot_general3A_28 : vector<2000x128xf32>
    %max3A = arith.constant 0.000000e+00 : f32
    %max3A_30 = vector.broadcast %max3A : f32 to vector<2000x128xf32>
    %max3A_31 = arith.maximumf %add3A_29, %max3A_30 : vector<2000x128xf32>
    %swap3A = arith.constant 0 : index
    %swap3A_32 = arith.constant 0 : index
    %swap3A_33 = vector.load %arg7[%swap3A, %swap3A_32] : memref<2000x128xf32, #tpu.memory_space<vmem>>, vector<2000x128xf32>
    tpu.vector_store %arg7[%swap3A, %swap3A_32], %max3A_31 {strides = array<i32>} : memref<2000x128xf32, #tpu.memory_space<vmem>>, vector<2000x128xf32>,
    return
  }
  func.func @transform_0(%arg0: i32) -> (i32, i32, i32) {
    %c0_i32 = arith.constant 0 : i32
    %c0_i32_0 = arith.constant 0 : i32
    %c0_i32_1 = arith.constant 0 : i32
    return %c0_i32, %arg0, %c0_i32_0 : i32, i32, i32
  }
  func.func @transform_1(%arg0: i32) -> (i32, i32) {
    %c0_i32 = arith.constant 0 : i32
    %c0_i32_0 = arith.constant 0 : i32
    return %arg0, %c0_i32 : i32, i32
  }
  func.func @transform_2(%arg0: i32) -> (i32, i32) {
    %c0_i32 = arith.constant 0 : i32
    %c0_i32_0 = arith.constant 0 : i32
    return %arg0, %c0_i32 : i32, i32
  }
  func.func @transform_3(%arg0: i32) -> (i32, i32) {
    %c0_i32 = arith.constant 0 : i32
    %c0_i32_0 = arith.constant 0 : i32
    %c0_i32_1 = arith.constant 0 : i32
    return %c0_i32, %c0_i32_0 : i32, i32
  }
  func.func @transform_4(%arg0: i32) -> i32 {
    %c0_i32 = arith.constant 0 : i32
    %c0_i32_0 = arith.constant 0 : i32
    return %c0_i32 : i32
  }
  func.func @transform_5(%arg0: i32) -> (i32, i32) {
    %c0_i32 = arith.constant 0 : i32
    %c0_i32_0 = arith.constant 0 : i32
    %c0_i32_1 = arith.constant 0 : i32
    return %c0_i32, %c0_i32_0 : i32, i32
  }
  func.func @transform_6(%arg0: i32) -> (i32, i32) {
    %c0_i32 = arith.constant 0 : i32
    %c0_i32_0 = arith.constant 0 : i32
    return %arg0, %c0_i32 : i32, i32
  }
}

module attributes {stable_mosaic.version = 14 : i64} {
  func.func @body(%arg0: i32, %arg1: memref<2x2000x128xf32, #tpu.memory_space<vmem>>, %arg2: memref<2000x1xf32, #tpu.memory_space<vmem>>, %arg3: memref<2000x128xf32, #tpu.memory_space<vmem>>, %arg4: memref<128x128xf32, #tpu.memory_space<vmem>>, %arg5: memref<128xf32, #tpu.memory_space<vmem>>, %arg6: memref<128x128xf32, #tpu.memory_space<vmem>>, %arg7: memref<2000x128xf32, #tpu.memory_space<vmem>>) attributes {dimension_semantics = [#tpu.dimension_semantics<arbitrary>], iteration_bounds = array<i64: 5>, scalar_prefetch = 0 : i64, scratch_operands = 0 : i64, tpu.core_type = #tpu.core_type<tc>, window_params = [{transform_indices = @transform_0, window_bounds = array<i64: 2, 2000, 128>}, {transform_indices = @transform_1, window_bounds = array<i64: 2000, 1>}, {transform_indices = @transform_2, window_bounds = array<i64: 2000, 128>}, {pipeline_mode = #tpu.pipeline_mode<synchronous>, transform_indices = @transform_3, window_bounds = array<i64: 128, 128>}, {pipeline_mode = #tpu.pipeline_mode<synchronous>, transform_indices = @transform_4, window_bounds = array<i64: 128>}, {pipeline_mode = #tpu.pipeline_mode<synchronous>, transform_indices = @transform_5, window_bounds = array<i64: 128, 128>}, {transform_indices = @transform_6, window_bounds = array<i64: 2000, 128>}]} {
    %get3A = arith.constant 0 : index
    %get3A_0 = arith.constant 0 : index
    %get3A_1 = arith.constant 0 : index
    %get3A_2 = vector.load %arg1[%get3A, %get3A_0, %get3A_1] : memref<2x2000x128xf32, #tpu.memory_space<vmem>>, vector<1x2000x128xf32>
    %get3A_3 = vector.shape_cast %get3A_2 : vector<1x2000x128xf32> to vector<2000x128xf32>
    %get3A_4 = arith.constant 1 : index
    %get3A_5 = arith.constant 0 : index
    %get3A_6 = arith.constant 0 : index
    %get3A_7 = vector.load %arg1[%get3A_4, %get3A_5, %get3A_6] : memref<2x2000x128xf32, #tpu.memory_space<vmem>>, vector<1x2000x128xf32>
    %get3A_8 = vector.shape_cast %get3A_7 : vector<1x2000x128xf32> to vector<2000x128xf32>
    %add3A = arith.addf %get3A_3, %get3A_8 : vector<2000x128xf32>
    %get3A_9 = arith.constant 0 : index
    %get3A_10 = arith.constant 0 : index
    %get3A_11 = vector.load %arg2[%get3A_9, %get3A_10] : memref<2000x1xf32, #tpu.memory_space<vmem>>, vector<2000x1xf32>
    %mul3A = vector.broadcast %get3A_11 : vector<2000x1xf32> to vector<2000x128xf32>
    %mul3A_12 = arith.mulf %add3A, %mul3A : vector<2000x128xf32>
    %get3A_13 = arith.constant 0 : index
    %get3A_14 = arith.constant 0 : index
    %get3A_15 = vector.load %arg4[%get3A_13, %get3A_14] : memref<128x128xf32, #tpu.memory_space<vmem>>, vector<128x128xf32>
    %dot_general3A = arith.constant dense<0.000000e+00> : vector<2000x128xf32>
    %dot_general3A_16 = tpu.matmul %mul3A_12, %get3A_15, %dot_general3A {dimension_numbers = #tpu.dot_dimension_numbers<[1], [1], [0], [0], [0, 0, 1, 0], [], []>, transpose_lhs_hint = false} : vector<2000x128xf32>, vector<128x128xf32>, vector<2000x128xf32> -> vector<2000x128xf32>
    %get3A_17 = arith.constant 0 : index
    %get3A_18 = vector.load %arg5[%get3A_17] : memref<128xf32, #tpu.memory_space<vmem>>, vector<128xf32>
    %broadcast_in_dim3A = vector.shape_cast %get3A_18 : vector<128xf32> to vector<1x128xf32>
    %add3A_19 = vector.broadcast %broadcast_in_dim3A : vector<1x128xf32> to vector<2000x128xf32>
    %add3A_20 = arith.addf %dot_general3A_16, %add3A_19 : vector<2000x128xf32>
    %get3A_21 = arith.constant 0 : index
    %get3A_22 = arith.constant 0 : index
    %get3A_23 = vector.load %arg3[%get3A_21, %get3A_22] : memref<2000x128xf32, #tpu.memory_space<vmem>>, vector<2000x128xf32>
    %get3A_24 = arith.constant 0 : index
    %get3A_25 = arith.constant 0 : index
    %get3A_26 = vector.load %arg6[%get3A_24, %get3A_25] : memref<128x128xf32, #tpu.memory_space<vmem>>, vector<128x128xf32>
    %dot_general3A_27 = arith.constant dense<0.000000e+00> : vector<2000x128xf32>
    %dot_general3A_28 = tpu.matmul %get3A_23, %get3A_26, %dot_general3A_27 {dimension_numbers = #tpu.dot_dimension_numbers<[1], [1], [0], [0], [0, 0, 1, 0], [], []>, transpose_lhs_hint = false} : vector<2000x128xf32>, vector<128x128xf32>, vector<2000x128xf32> -> vector<2000x128xf32>
    %add3A_29 = arith.addf %add3A_20, %dot_general3A_28 : vector<2000x128xf32>
    %max3A = arith.constant 0.000000e+00 : f32
    %max3A_30 = vector.broadcast %max3A : f32 to vector<2000x128xf32>
    %max3A_31 = arith.maximumf %add3A_29, %max3A_30 : vector<2000x128xf32>
    %swap3A = arith.constant 0 : index
    %swap3A_32 = arith.constant 0 : index
    %swap3A_33 = vector.load %arg7[%swap3A, %swap3A_32] : memref<2000x128xf32, #tpu.memory_space<vmem>>, vector<2000x128xf32>
    tpu.vector_store %arg7[%swap3A, %swap3A_32], %max3A_31 {strides = array<i32>} : memref<2000x128xf32, #tpu.memory_space<vmem>>, vector<2000x128xf32>,
    return
  }
  func.func @transform_0(%arg0: i32) -> (i32, i32, i32) {
    %c0_i32 = arith.constant 0 : i32
    %c0_i32_0 = arith.constant 0 : i32
    %c0_i32_1 = arith.constant 0 : i32
    return %c0_i32, %arg0, %c0_i32_0 : i32, i32, i32
  }
  func.func @transform_1(%arg0: i32) -> (i32, i32) {
    %c0_i32 = arith.constant 0 : i32
    %c0_i32_0 = arith.constant 0 : i32
    return %arg0, %c0_i32 : i32, i32
  }
  func.func @transform_2(%arg0: i32) -> (i32, i32) {
    %c0_i32 = arith.constant 0 : i32
    %c0_i32_0 = arith.constant 0 : i32
    return %arg0, %c0_i32 : i32, i32
  }
  func.func @transform_3(%arg0: i32) -> (i32, i32) {
    %c0_i32 = arith.constant 0 : i32
    %c0_i32_0 = arith.constant 0 : i32
    %c0_i32_1 = arith.constant 0 : i32
    return %c0_i32, %c0_i32_0 : i32, i32
  }
  func.func @transform_4(%arg0: i32) -> i32 {
    %c0_i32 = arith.constant 0 : i32
    %c0_i32_0 = arith.constant 0 : i32
    return %c0_i32 : i32
  }
  func.func @transform_5(%arg0: i32) -> (i32, i32) {
    %c0_i32 = arith.constant 0 : i32
    %c0_i32_0 = arith.constant 0 : i32
    %c0_i32_1 = arith.constant 0 : i32
    return %c0_i32, %c0_i32_0 : i32, i32
  }
  func.func @transform_6(%arg0: i32) -> (i32, i32) {
    %c0_i32 = arith.constant 0 : i32
    %c0_i32_0 = arith.constant 0 : i32
    return %arg0, %c0_i32 : i32, i32
  }
}

</mosaic_0001>

<sc_bundles>
// kernel: kernel.11.cloned.1.call-start
scs
__scs_entry_jumppad:
0x0: {  	(pc) =	sbr.rel $0x88, $3  }
0x1: {  	(tag) =	ssettag $0x0;
	lr =	simm.s32 $0x1  }
0x2: {  	[smem:$0x3F99] =	sst lr;
	_ =	strace $0xD0000000  }
0x3: {  	_ = 	snop  }
0x4: {  	_ = 	snop  }
0x5: {  	_ = 	snop  }
0x6: {  	_ = 	snop  }
0x7: {  	_ = 	snop  }
__scs_overlays_trampoline_lowered:
0x8: {  	[smem:$0x3FA8] =	sst s0  }
0x9: {  	[smem:$0x3FA9] =	sst s1  }
0xa: {  	[smem:$0x3FAA] =	sst s2  }
0xb: {  	[smem:$0x3FAB] =	sst s3  }
0xc: {  	[smem:$0x3FAC] =	sst s4  }
0xd: {  	[smem:$0x3FAD] =	sst s5  }
0xe: {  	[smem:$0x3FAE] =	sst s6  }
0xf: {  	[smem:$0x3FAF] =	sst s7  }
0x10: {  	[smem:$0x3FB0] =	sst s8  }
0x11: {  	[smem:$0x3FB1] =	sst s9;
	s0 =	simm.s32 @!p0 $0x0  }
0x12: {  	s1 =	sld [smem:$0x3F97];
	s0 =	simm.s32 @p0 $0x1  }
0x13: {  	[smem:$0x3FB2] =	sst s0;
	s0 =	simm.s32 @!p1 $0x0  }
0x14: {  	s2 =	sld [smem:$0x3F96];
	s0 =	simm.s32 @p1 $0x1  }
0x15: {  	[smem:$0x3FB3] =	sst s0;
	s0 =	simm.s32 @!p2 $0x0  }
0x16: {  	s3 =	sld [smem:$0x3FDB];
	s0 =	simm.s32 @p2 $0x1  }
0x17: {  	s4 =	simm.s32 $0x1BF5;
	[smem:$0x3FB5] =	sst s0  }
0x18: {  	s0 =	sld [smem:$0x3F98];
	_ =	swait.ge [sflag:s4], $0x0  }
0x19: {  	s7 =	sld [smem:$0x3F99]  }
0x1a: {  	s8 =	sadd.s32 $0xFFFFE003, lr  }
0x1b: {  	s9 =	sadd.s32 $0xFFFFFEF7, lr;
	s5 =	simm.s32 $0xFFFFFFFF;
	p2 =	slt.u32 s8, $0xFFFFF086  }
0x1c: {  	p1 =	slt.u32 s9, $0xF7A;
	s5 =	simm.s32 @!p2 $0x0  }
0x1d: {  	s5 =	simm.s32 @p1 $0x1;
	p0 =	seq.s32 s7, s2  }
0x1e: {  	s7 =	smul.u32 @!p0 $0xF7A, s2;
	p2 =	seq.s32 @!p0 s5, $0x0  }
0x1f: {  	s9 =	smul.u32 $0xF7A, s1;
	s8 =	simm.s32 @!p0 $0x1BF5;
	p2 =	por !p2, p0  }
0x20: {  	[sflag:s8] =	ssyncset.s32 @!p0 $0xFFFFF086;
	s6 =	sadd.s32 @!p0 s3, s7;
	s7 =	simm.s32 @!p0 $0x108  }
0x21: {  	s3 =	sadd.s32 s3, s9;
	s6 =	sadd.s32 @!p0 $0x88, s6;
	s7 =	simm.s32 @p2 $0x1082  }
0x22: {  	[simem:s7], [sflag:s8] =	dma.local @!p0 [hbm:s6], $0xF7A  }
0x23: {  	s9 =	sor.u32 $0xD0000000, s2;
	s6 =	simm.s32 $0x108;
	_ =	swait.ge @!p0 [sflag:s8], $0x0  }
0x24: {  	s3 =	sadd.s32 $0x88, s3;
	s6 =	simm.s32 @!p1 $0x1082;
	[sflag:s4] =	ssyncset.s32 $0xFFFFF086  }
0x25: {  	[simem:s6], [sflag:s4] =	dma.local [hbm:s3], $0xF7A  }
0x26: {  	[smem:$0x3F99] =	sst s1;
	(tag) =	ssettag s2;
	_ =	strace s9  }
0x27: {  	s1 =	sld [smem:$0x3FA9]  }
0x28: {  	s2 =	sld [smem:$0x3FAA]  }
0x29: {  	s4 =	sld [smem:$0x3FAC]  }
0x2a: {  	p0 =	seq.s32 s5, $0x0;
	s5 =	sld [smem:$0x3FAD]  }
0x2b: {  	s6 =	sld [smem:$0x3FAE]  }
0x2c: {  	s7 =	sld [smem:$0x3FAF]  }
0x2d: {  	s3 =	simm.s32 $0x108;
	s8 =	sld [smem:$0x3FB0]  }
0x2e: {  	s3 =	simm.s32 @!p0 $0x1082;
	s9 =	sld [smem:$0x3FB1]  }
0x2f: {  	lr =	sadd.s32 s0, s3;
	s0 =	sld [smem:$0x3FA8]  }
0x30: {  	s3 =	sld [smem:$0x3FAB]  }
0x31: {  	[smem:$0x3FB4] =	sst s10  }
0x32: {  	s10 =	sld [smem:$0x3FB2];
	_ =	sdelay $0x3  }
0x33: {  	p0 =	seq.s32 s10, $0x1;
	s10 =	sld [smem:$0x3FB4];
	_ =	sdelay $0x3  }
0x34: {  	[smem:$0x3FB4] =	sst s10  }
0x35: {  	s10 =	sld [smem:$0x3FB3];
	_ =	sdelay $0x3  }
0x36: {  	p1 =	seq.s32 s10, $0x1;
	s10 =	sld [smem:$0x3FB4];
	_ =	sdelay $0x3  }
0x37: {  	[smem:$0x3FB4] =	sst s10  }
0x38: {  	s10 =	sld [smem:$0x3FB5]  }
0x39: {  	_ = 	snop;
	(pc) =	sbr.ind lr, $3  }
0x3a: {  	_ = 	snop  }
0x3b: {  	_ = 	snop  }
0x3c: {  	p2 =	seq.s32 s10, $0x1;
	s10 =	sld [smem:$0x3FB4]  }
0x3d: {  	_ =	shalt  }
0x3e: {  	_ =	shalt  }
0x3f: {  	_ =	shalt  }
0x40: {  	_ =	shalt  }
0x41: {  	_ =	shalt  }
0x42: {  	_ =	shalt  }
0x43: {  	_ =	shalt  }
0x44: {  	_ =	shalt  }
0x45: {  	_ =	shalt  }
0x46: {  	_ =	shalt  }
0x47: {  	_ =	shalt  }
0x48: {  	_ =	shalt  }
0x49: {  	_ =	shalt  }
0x4a: {  	_ =	shalt  }
0x4b: {  	_ =	shalt  }
0x4c: {  	_ =	shalt  }
0x4d: {  	_ =	shalt  }
0x4e: {  	_ =	shalt  }
0x4f: {  	_ =	shalt  }
0x50: {  	_ =	shalt  }
0x51: {  	_ =	shalt  }
0x52: {  	_ =	shalt  }
0x53: {  	_ =	shalt  }
0x54: {  	_ =	shalt  }
0x55: {  	_ =	shalt  }
0x56: {  	_ =	shalt  }
0x57: {  	_ =	shalt  }
0x58: {  	_ =	shalt  }
0x59: {  	_ =	shalt  }
0x5a: {  	_ =	shalt  }
0x5b: {  	_ =	shalt  }
0x5c: {  	_ =	shalt  }
0x5d: {  	_ =	shalt  }
0x5e: {  	_ =	shalt  }
0x5f: {  	_ =	shalt  }
0x60: {  	_ =	shalt  }
0x61: {  	_ =	shalt  }
0x62: {  	_ =	shalt  }
0x63: {  	_ =	shalt  }
0x64: {  	_ =	shalt  }
0x65: {  	_ =	shalt  }
0x66: {  	_ =	shalt  }
0x67: {  	_ =	shalt  }
0x68: {  	_ =	shalt  }
0x69: {  	_ =	shalt  }
0x6a: {  	_ =	shalt  }
0x6b: {  	_ =	shalt  }
0x6c: {  	_ =	shalt  }
0x6d: {  	_ =	shalt  }
0x6e: {  	_ =	shalt  }
0x6f: {  	_ =	shalt  }
0x70: {  	_ =	shalt  }
0x71: {  	_ =	shalt  }
0x72: {  	_ =	shalt  }
0x73: {  	_ =	shalt  }
0x74: {  	_ =	shalt  }
0x75: {  	_ =	shalt  }
0x76: {  	_ =	shalt  }
0x77: {  	_ =	shalt  }
0x78: {  	_ =	shalt  }
0x79: {  	_ =	shalt  }
0x7a: {  	_ =	shalt  }
0x7b: {  	_ =	shalt  }
0x7c: {  	_ =	shalt  }
0x7d: {  	_ =	shalt  }
0x7e: {  	_ =	shalt  }
0x7f: {  	_ =	shalt  }
0x80: {  	_ =	shalt  }
0x81: {  	_ =	shalt  }
0x82: {  	_ =	shalt  }
0x83: {  	_ =	shalt  }
0x84: {  	_ =	shalt  }
0x85: {  	_ =	shalt  }
0x86: {  	_ =	shalt  }
0x87: {  	_ =	shalt  }
.Lfunc_end0:
.L_simem_size_0:
called_computation.1_lowered:
.L_overlay_start_0:
0x88: {  	s2 =	sld [smem:$0x3FD9]  }
0x89: {  	s3 =	sld [smem:$0x3FFE];
	_ =	sdelay $0x1  }
0x8a: {  	s1 =	srdreg.scid  }
0x8b: {  	s0 =	sand.u32 $0x1, s1  }
0x8c: {  	s17 =	sshll.u32 s0, $0xA;
	s2 =	sadd.s32 s3, s2  }
0x8d: {  	s2 =	sadd.s32 s2, s17  }
0x8e: {  	[smem:$0x3FC0] =	sst s2  }
0x8f: {  	_ = 	snop  }
0x90: {  	s18 =	sld [smem:$0x3FC9];
	(tm) =	ssettm $0x1  }
0x91: {  	s19 =	sld [smem:$0x3FFB];
	_ =	sdelay $0x3  }
0x92: {  	_ =	strace s19  }
0x93: {  	s2 =	sld [smem:$0x3FFC];
	_ =	sdelay $0x3  }
0x94: {  	_ =	strace s2  }
0x95: {  	s2 =	sld [smem:$0x3FFD];
	_ =	sdelay $0x3  }
0x96: {  	_ =	strace s2  }
0x97: {  	_ =	strace $0x8FFFFFFF  }
0x98: {  	s20 =	sld [smem:$0x3FDB];
	_ =	sdelay $0x1  }
0x99: {  	s4 =	simm.s32 $_scs_section_size  }
0x9a: {  	s5 =	simm.s32 $_size__tile_overlayer_lowered;
	s6 =	simm.s32 $_tile_overlayer_lowered  }
0x9b: {  	s7 =	simm.s32 $0x1BFF;
	s21 =	sshll.u32 s6, $0x1;
	s4 =	sadd.s32 s4, s20  }
0x9c: {  	s22 =	simm.s32 $0x0;
	s5 =	sshll.u32 s5, $0x1;
	s6 =	sadd.s32 s21, s4  }
0x9d: {  	[timem:s22], [sflag:s7] =	dma.local [hbm:s6], s5  }
0x9e: {  	_ =	swait.ge [sflag:s7], s5  }
0x9f: {  	s5 =	ssub.s32 $0x0, s5;
	[sflag:s7] =	ssyncset.done $0x0  }
0xa0: {  	[sflag:s7] =	ssyncadd.s32 s5;
	_ =	sdelay $0x1  }
0xa1: {  	s23 =	simm.s32 $0x1B8B  }
0xa2: {  	_ =	swait.ge [sflag:s23], $0x1  }
0xa3: {  	[sflag:s23] =	ssyncset.done $0x0  }
0xa4: {  	[sflag:s23] =	ssyncadd.s32 $0xFFFFFFFF  }
0xa5: {  	s5 =	sld [smem:$0x0]  }
0xa6: {  	s6 =	sand.u32 $0xFFFFFFFE, s1  }
0xa7: {  	p0 =	sne.s32 s1, s6  }
0xa8: {  	s6 =	sshll.u32 @p0 s6, $0xE  }
0xa9: {  	s6 =	sadd.s32 @p0 $0x11B8D, s6;
	s7 =	sshll.u32 @p0 s5, $0x11  }
0xaa: {  	s6 =	sor.u32 @p0 s7, s6  }
0xab: {  	[sflag:s6] =	ssyncadd.remote.s32 @p0 $0x1;
	_ =	sdelay $0x1  }
0xac: {  	s6 =	simm.s32 @p0 $0x1B8D  }
0xad: {  	_ =	swait.eq @p0 [sflag:s6], $0x1  }
0xae: {  	[sflag:s6] =	ssyncadd.s32 @p0 $0xFFFFFFFF  }
0xaf: {  	s7 =	sshll.u32 @!p0 s1, $0xE  }
0xb0: {  	s7 =	sor.u32 @!p0 $0x4000, s7;
	s6 =	simm.s32 @!p0 $0x1B8D  }
0xb1: {  	s5 =	sshll.u32 @!p0 s5, $0x11;
	s7 =	sadd.s32 @!p0 $0x11B8D, s7;
	_ =	swait.eq @!p0 [sflag:s6], $0x1  }
0xb2: {  	s5 =	sor.u32 @!p0 s5, s7;
	[sflag:s6] =	ssyncadd.s32 @!p0 $0xFFFFFFFF  }
0xb3: {  	s25 =	simm.s32 $0x1B8E;
	s24 =	sld [smem:$0x3FFE];
	[sflag:s5] =	ssyncadd.remote.s32 @!p0 $0x1  }
0xb4: {  	s26 =	simm.s32 $execute0_lowered;
	[smem:$0x3FD2] =	sst s25  }
0xb5: {  	s6 =	sshll.u32 s26, $0x1;
	_ =	strace $0x80000049;
	[dreg:$0x1] =	wrdreg $0xFFFFFFFF  }
0xb6: {  	s28 =	simm.s32 $_size_execute0_lowered;
	s4 =	sadd.s32 s4, s6;
	[dreg:$0x0] =	wrdreg $0x0  }
0xb7: {  	s6 =	sshll.u32 s28, $0x1;
	[dreg:$0x2] =	wrdreg s4  }
0xb8: {  	[dreg:$0x3] =	wrdreg s6  }
0xb9: {  	[dreg:$0x4] =	wrdreg $0xC0  }
0xba: {  	_ =	task [dreg:s22], $0x5FFFF  }
0xbb: {  	[dreg:$0x1] =	wrdreg $0xFFFFFFFF  }
0xbc: {  	[dreg:$0x0] =	wrdreg $0x60  }
0xbd: {  	[dreg:$0x2] =	wrdreg s18  }
0xbe: {  	[dreg:$0x3] =	wrdreg s24  }
0xbf: {  	[dreg:$0x4] =	wrdreg $0x88000  }
0xc0: {  	[dreg:$0x5] =	wrdreg $0xA  }
0xc1: {  	_ =	task.clear_ibuf [dreg:s22], $0x6FFFF;
	_ =	strace $0x90000049  }
0xc2: {  	s29 =	simm.s32 $0xA;
	_ =	strace $0x8000004B  }
0xc3: {  	_ =	swait.ge [sflag:s29], $0x1  }
0xc4: {  	[sflag:s29] =	ssyncadd.s32 $0xFFFFFFFF  }
0xc5: {  	_ =	strace $0x9000004B  }
0xc6: {  	_ =	sfence  }
0xc7: {  	s30 =	sld [smem:$0x0];
	_ =	sdelay $0x2  }
0xc8: {  	s31 =	sshll.u32 s1, $0xD;
	s1 =	sshrl.u32 s1, $0x2  }
0xc9: {  	s4 =	sand.u32 $0x4000, s31;
	s1 =	sadd.s32 s1, s30  }
0xca: {  	s0 =	sor.u32 s4, s0;
	s1 =	sshll.u32 s1, $0x11  }
0xcb: {  	s0 =	sor.u32 s1, s0  }
0xcc: {  	s0 =	sadd.s32 $0x8F2B, s0  }
0xcd: {  	[sflag:s0] =	ssyncadd.remote.s32 $0x1  }
0xce: {  	_ =	sfence.sel $0xFFFF  }
0xcf: {  	[dreg:$0x0] =	wrdreg $0xFFFFFFFF;
	(pc) =	sbr.abs _section_cstart, $3  }
0xd0: {  	[dreg:$0x1] =	wrdreg $0xFFFFFFFF  }
0xd1: {  	_ =	task.clear_ibuf [dreg:s22], $0x2FFFF;
	_ =	strace $0x9FFFFFFF  }
0xd2: {  	(tm) =	ssettm $0x7FFFFFFF  }
0xd3: {  	_ =	shalt  }
tec
execute0_lowered:
.L_overlay_start_1:
0x0: {  	(tag) =	ssettag $0x1  }
0x1: {  	s1 =	rddreg [dreg:$0x0]  }
0x2: {  	s3 =	rddreg [dreg:$0x1]  }
0x3: {  	s2 =	rddreg [dreg:$0x2];
	s11 =	stileid.u32  }
0x4: {  	s0 =	srdreg.scid;
	s7 =	smul.u32 $0x13C00, s11  }
0x5: {  	s4 =	simm.s32 $0x0;
	s5 =	sand.u32 $0x1, s0;
	s9 =	smul.u32 $0x4F000, s11  }
0x6: {  	[smem:$0x7FF] =	sst s4;
	s0 =	sadd.s32 $0xBE00, s3;
	s22 =	smul.u32 $0xA800, s11  }
0x7: {  	s8 =	sadd.s32 $0x35E00, s3;
	s19 =	sshll.u32 s11, $0x6;
	s6 =	smul.u32 $0x13C000, s5  }
0x8: {  	_ =	strace $0x8000004A;
	[dreg:$0xc] =	wrdreg s8;
	s16 =	sshll.u32 s5, $0x4  }
0x9: {  	s17 =	ssub.s32 $0x2, s5;
	s23 =	sor.u32 $0x1C11, s19;
	s5 =	smul.u32 $0xA8000, s5  }
0xa: {  	s10 =	sshrl.u32 s17, $0x1;
	s18 =	sshrl.u32 s9, $0x2;
	[dreg:$0xe] =	wrdreg s23  }
0xb: {  	s6 =	sadd.s32 s7, s6;
	s7 =	sor.u32 s11, s16;
	s8 =	sadd.s32 s18, s2  }
0xc: {  	s5 =	sadd.s32 s22, s5;
	s6 =	sshrl.u32 s6, $0x3;
	s7 =	smul.u32 $0xA800, s7  }
0xd: {  	[dreg:$0xd] =	wrdreg s8;
	s13 =	sadd.s32 $0x1100, s5;
	s3 =	sadd.s32 s6, s3  }
0xe: {  	s6 =	ssub.s32 s17, s10;
	s15 =	sshrl.u32 s13, $0x3;
	s3 =	sadd.s32 $0x38600, s3  }
0xf: {  	s17 =	sadd.s32 $0x1000, s5;
	s16 =	sadd.s32 s15, s0;
	[dreg:$0x1a] =	wrdreg s3  }
0x10: {  	s7 =	sshrl.u32 s7, $0x3;
	s6 =	smax.u32 s6, $0x1;
	[dreg:$0x5] =	wrdreg s16  }
0x11: {  	s18 =	sshrl.u32 s17, $0x3;
	s20 =	sadd.s32 s0, s7;
	[dreg:$0x1b] =	wrdreg s6  }
0x12: {  	s3 =	sadd.s32 s18, s0;
	[dreg:$0xf] =	wrdreg s20  }
0x13: {  	s28 =	simm.s32 $0x800;
	s7 =	sadd.s32 $0x20, s20;
	[dreg:$0x6] =	wrdreg s3  }
0x14: {  	s31 =	simm.s32 $0x2800;
	s21 =	sadd.s32 $0x40, s20;
	[dreg:$0x10] =	wrdreg s7  }
0x15: {  	s9 =	simm.s32 $0xF;
	s24 =	sadd.s32 $0x60, s20;
	[dreg:$0x11] =	wrdreg s21  }
0x16: {  	s12 =	sadd.s32 $0x1200, s5;
	s25 =	sadd.s32 $0x80, s20;
	[dreg:$0x12] =	wrdreg s24  }
0x17: {  	s19 =	sadd.s32 $0xF00, s5;
	s26 =	sadd.s32 $0xA0, s20;
	[dreg:$0x13] =	wrdreg s25  }
0x18: {  	s13 =	simm.s32 $0xA;
	s29 =	sadd.s32 $0xC0, s20;
	[dreg:$0x14] =	wrdreg s26  }
0x19: {  	s15 =	simm.s32 $0xD;
	s30 =	sadd.s32 $0xE0, s20;
	[dreg:$0x15] =	wrdreg s29  }
0x1a: {  	s17 =	simm.s32 $0x5;
	s10 =	sadd.s32 $0x100, s20;
	[dreg:$0x16] =	wrdreg s30  }
0x1b: {  	s6 =	simm.s32 $0x9;
	s11 =	sadd.s32 $0x120, s20;
	[dreg:$0x17] =	wrdreg s10  }
0x1c: {  	s18 =	simm.s32 $0xB;
	s8 =	sadd.s32 $0x140, s20;
	[dreg:$0x18] =	wrdreg s11  }
0x1d: {  	s20 =	sadd.s32 $0xE00, s5;
	[dreg:$0x19] =	wrdreg s8;
	s7 =	sshrl.u32 s12, $0x3  }
0x1e: {  	s22 =	sshrl.u32 s20, $0x3;
	s25 =	sadd.s32 $0xD00, s5;
	s29 =	sadd.s32 $0xC00, s5  }
0x1f: {  	s5 =	sadd.s32 $0xB00, s5;
	s11 =	simm.s32 $0x4;
	s12 =	simm.s32 $0x6800  }
0x20: {  	s20 =	simm.s32 $0xE;
	s8 =	simm.s32 $0x6;
	s14 =	sadd.s32 s7, s0  }
0x21: {  	s7 =	sshrl.u32 s19, $0x3;
	s24 =	sadd.s32 s22, s0;
	s26 =	sshrl.u32 s25, $0x3  }
0x22: {  	s5 =	sshrl.u32 s5, $0x3;
	s19 =	simm.s32 $0x8;
	[dreg:$0x4] =	wrdreg s14  }
0x23: {  	s21 =	sadd.s32 s7, s0;
	[dreg:$0x8] =	wrdreg s24;
	s3 =	sadd.s32 s26, s0  }
0x24: {  	s7 =	sshrl.u32 s29, $0x3;
	s24 =	simm.s32 $0x11;
	[dreg:$0x7] =	wrdreg s21  }
0x25: {  	s26 =	simm.s32 $0x40;
	s14 =	simm.s32 $0x7;
	[dreg:$0x9] =	wrdreg s3  }
0x26: {  	s30 =	sadd.s32 s7, s0;
	s0 =	sadd.s32 s5, s0;
	s3 =	simm.s32 $0x3  }
0x27: {  	s5 =	simm.s32 $0x4800;
	s7 =	simm.s32 $0xC;
	[dreg:$0xa] =	wrdreg s30  }
0x28: {  	s21 =	simm.s32 $0x10;
	[dreg:$0xb] =	wrdreg s0;
	s0 =	simm.s32 $0x0  }
.LBB2_1:
0x29: {  	[dreg:$0x1c] =	wrdreg s0  }
0x2a: {  	s22 =	rddreg [dreg:$0xd]  }
0x2b: {  	s16 =	rddreg [dreg:$0xc];
	s10 =	sshrl.u32 s22, $0x3  }
0x2c: {  	[dreg:$0x1d] =	wrdreg s10  }
0x2d: {  	[spmem:s10], [sflag:s23] =	dma.local [hbm:s16], $0x2780  }
0x2e: {  	_ =	swait.ge [sflag:s24], $0x2780  }
0x2f: {  	[sflag:s24] =	ssyncset.done $0x0  }
0x30: {  	[sflag:s24] =	ssyncadd.s32 $0xFFFFD880  }
0x31: {  	[bflag:$0x0] =	sbarrier.arrive $0xFFFF  }
0x32: {  	s24 =	rddreg [dreg:$0xf]  }
0x33: {  	[tilespmem:s4], [sflag:$0x1] =	stream.linear.gather [hbm4b:s24+s4], $0x100, $0x38;
	[tilespmem:$0x1C400] =	vst v63  }
0x34: {  	s23 =	simm.s32 $0x100;
	s25 =	rddreg [dreg:$0x10]  }
0x35: {  	[tilespmem:s23], [sflag:$0x2] =	stream.linear.gather [hbm4b:s25+s4], $0x100, $0x38;
	[tilespmem:$0x1C400] =	vst v63  }
0x36: {  	s30 =	simm.s32 $0x200;
	s29 =	rddreg [dreg:$0x11]  }
0x37: {  	[tilespmem:s30], [sflag:$0x3] =	stream.linear.gather [hbm4b:s29+s4], $0x100, $0x38;
	[tilespmem:$0x1C400] =	vst v63  }
0x38: {  	s0 =	rddreg [dreg:$0x12];
	s24 =	simm.s32 $0x300;
	s25 =	simm.s32 $0x1  }
0x39: {  	[tilespmem:s24], [sflag:$0x4] =	stream.linear.gather [hbm4b:s0+s4], $0x100, $0x38;
	[tilespmem:$0x1C400] =	vst v63  }
0x3a: {  	_ =	swait.ge [sflag:s25], $0x100  }
0x3b: {  	[sflag:s25] =	ssyncset.done $0x0  }
0x3c: {  	[sflag:s25] =	ssyncadd.s32 $0xFFFFFF00  }
0x3d: {  	[tilespmem:s28], [sflag:$0x9] =	stream.indirect.gather [hbm4b:s1+s26], $0x80, s4, s26, $0xb8;
	[tilespmem:$0x1C400] =	vst v63  }
0x3e: {  	s30 =	simm.s32 $0x2;
	s0 =	simm.s32 $0x400;
	s16 =	rddreg [dreg:$0x13]  }
0x3f: {  	[tilespmem:s0], [sflag:$0x5] =	stream.linear.gather [hbm4b:s16+s4], $0x100, $0x38;
	[tilespmem:$0x1C400] =	vst v63  }
0x40: {  	_ =	swait.ge [sflag:s30], $0x100  }
0x41: {  	[sflag:s30] =	ssyncset.done $0x0  }
0x42: {  	[sflag:s30] =	ssyncadd.s32 $0xFFFFFF00  }
0x43: {  	[tilespmem:s31], [sflag:$0xA] =	stream.indirect.gather [hbm4b:s1+s26], $0x80, s23, s26, $0xb8;
	[tilespmem:$0x1C400] =	vst v63  }
0x44: {  	s16 =	simm.s32 $0x500;
	s29 =	rddreg [dreg:$0x14]  }
0x45: {  	[tilespmem:s16], [sflag:$0x6] =	stream.linear.gather [hbm4b:s29+s4], $0x100, $0x38;
	[tilespmem:$0x1C400] =	vst v63  }
0x46: {  	_ =	swait.ge [sflag:s3], $0x100  }
0x47: {  	[sflag:s3] =	ssyncset.done $0x0  }
0x48: {  	s10 =	simm.s32 $0x200;
	[sflag:s3] =	ssyncadd.s32 $0xFFFFFF00  }
0x49: {  	[tilespmem:s5], [sflag:$0xB] =	stream.indirect.gather [hbm4b:s1+s26], $0x80, s10, s26, $0xb8;
	[tilespmem:$0x1C400] =	vst v63  }
0x4a: {  	_ =	swait.ge [sflag:s6], $0x2000  }
0x4b: {  	[sflag:s6] =	ssyncset.done $0x0  }
0x4c: {  	s29 =	simm.s32 $0x80;
	[sflag:s6] =	ssyncadd.s32 $0xFFFFE000  }
0x4d: {  	[spmem:s2] =	stream.indirect.scatter.add.f32 [tilespmem:s28], [sflag:$0xD], $0x80, s29, s26, $0xb8;
	[tilespmem:$0x1C400] =	vst v63  }
0x4e: {  	s10 =	rddreg [dreg:$0x15];
	s29 =	simm.s32 $0x600  }
0x4f: {  	[tilespmem:s29], [sflag:$0x7] =	stream.linear.gather [hbm4b:s10+s4], $0x100, $0x38;
	[tilespmem:$0x1C400] =	vst v63  }
0x50: {  	_ =	swait.ge [sflag:s11], $0x100  }
0x51: {  	[sflag:s11] =	ssyncset.done $0x0  }
0x52: {  	[sflag:s11] =	ssyncadd.s32 $0xFFFFFF00  }
0x53: {  	[tilespmem:s12], [sflag:$0xC] =	stream.indirect.gather [hbm4b:s1+s26], $0x80, s24, s26, $0xb8;
	[tilespmem:$0x1C400] =	vst v63  }
0x54: {  	_ =	swait.ge [sflag:s13], $0x2000  }
0x55: {  	[sflag:s13] =	ssyncset.done $0x0  }
0x56: {  	s29 =	simm.s32 $0x180;
	[sflag:s13] =	ssyncadd.s32 $0xFFFFE000  }
0x57: {  	[spmem:s2] =	stream.indirect.scatter.add.f32 [tilespmem:s31], [sflag:$0xE], $0x80, s29, s26, $0xb8;
	[tilespmem:$0x1C400] =	vst v63  }
0x58: {  	_ =	swait.ge [sflag:s15], $0x2000  }
0x59: {  	[sflag:s15] =	ssyncset.done $0x0  }
0x5a: {  	s29 =	simm.s32 $0x700;
	s22 =	rddreg [dreg:$0x16];
	[sflag:s15] =	ssyncadd.s32 $0xFFFFE000  }
0x5b: {  	[tilespmem:s29], [sflag:$0x8] =	stream.linear.gather [hbm4b:s22+s4], $0x100, $0x38;
	[tilespmem:$0x1C400] =	vst v63  }
0x5c: {  	_ =	swait.ge [sflag:s17], $0x100  }
0x5d: {  	[sflag:s17] =	ssyncset.done $0x0  }
0x5e: {  	[sflag:s17] =	ssyncadd.s32 $0xFFFFFF00  }
0x5f: {  	[tilespmem:s28], [sflag:$0x9] =	stream.indirect.gather [hbm4b:s1+s26], $0x80, s0, s26, $0xb8;
	[tilespmem:$0x1C400] =	vst v63  }
0x60: {  	_ =	swait.ge [sflag:s18], $0x2000  }
0x61: {  	[sflag:s18] =	ssyncset.done $0x0  }
0x62: {  	s22 =	simm.s32 $0x280;
	[sflag:s18] =	ssyncadd.s32 $0xFFFFE000  }
0x63: {  	[spmem:s2] =	stream.indirect.scatter.add.f32 [tilespmem:s5], [sflag:$0xF], $0x80, s22, s26, $0xb8;
	[tilespmem:$0x1C400] =	vst v63  }
0x64: {  	_ =	swait.ge [sflag:s20], $0x2000  }
0x65: {  	[sflag:s20] =	ssyncset.done $0x0  }
0x66: {  	s22 =	rddreg [dreg:$0x17];
	[sflag:s20] =	ssyncadd.s32 $0xFFFFE000  }
0x67: {  	[tilespmem:s4], [sflag:$0x1] =	stream.linear.gather [hbm4b:s22+s4], $0x100, $0x38;
	[tilespmem:$0x1C400] =	vst v63  }
0x68: {  	_ =	swait.ge [sflag:s8], $0x100  }
0x69: {  	[sflag:s8] =	ssyncset.done $0x0  }
0x6a: {  	[sflag:s8] =	ssyncadd.s32 $0xFFFFFF00  }
0x6b: {  	[tilespmem:s31], [sflag:$0xA] =	stream.indirect.gather [hbm4b:s1+s26], $0x80, s16, s26, $0xb8;
	[tilespmem:$0x1C400] =	vst v63  }
0x6c: {  	_ =	swait.ge [sflag:s7], $0x2000  }
0x6d: {  	[sflag:s7] =	ssyncset.done $0x0  }
0x6e: {  	s22 =	simm.s32 $0x380;
	[sflag:s7] =	ssyncadd.s32 $0xFFFFE000  }
0x6f: {  	[spmem:s2] =	stream.indirect.scatter.add.f32 [tilespmem:s12], [sflag:$0x10], $0x80, s22, s26, $0xb8;
	[tilespmem:$0x1C400] =	vst v63  }
0x70: {  	_ =	swait.ge [sflag:s9], $0x2000  }
0x71: {  	[sflag:s9] =	ssyncset.done $0x0  }
0x72: {  	s22 =	rddreg [dreg:$0x18];
	[sflag:s9] =	ssyncadd.s32 $0xFFFFE000  }
0x73: {  	[tilespmem:s23], [sflag:$0x2] =	stream.linear.gather [hbm4b:s22+s4], $0x100, $0x38;
	[tilespmem:$0x1C400] =	vst v63  }
0x74: {  	_ =	swait.ge [sflag:s14], $0x100  }
0x75: {  	[sflag:s14] =	ssyncset.done $0x0  }
0x76: {  	s10 =	simm.s32 $0x600;
	[sflag:s14] =	ssyncadd.s32 $0xFFFFFF00  }
0x77: {  	[tilespmem:s5], [sflag:$0xB] =	stream.indirect.gather [hbm4b:s1+s26], $0x80, s10, s26, $0xb8;
	[tilespmem:$0x1C400] =	vst v63  }
0x78: {  	_ =	swait.ge [sflag:s6], $0x2000  }
0x79: {  	[sflag:s6] =	ssyncset.done $0x0  }
0x7a: {  	s22 =	simm.s32 $0x480;
	[sflag:s6] =	ssyncadd.s32 $0xFFFFE000  }
0x7b: {  	[spmem:s2] =	stream.indirect.scatter.add.f32 [tilespmem:s28], [sflag:$0xD], $0x80, s22, s26, $0xb8;
	[tilespmem:$0x1C400] =	vst v63  }
0x7c: {  	_ =	swait.ge [sflag:s21], $0x2000  }
0x7d: {  	[sflag:s21] =	ssyncset.done $0x0  }
0x7e: {  	s10 =	simm.s32 $0x200;
	s22 =	rddreg [dreg:$0x19];
	[sflag:s21] =	ssyncadd.s32 $0xFFFFE000  }
0x7f: {  	[tilespmem:s10], [sflag:$0x3] =	stream.linear.gather [hbm4b:s22+s4], $0x100, $0x38;
	[tilespmem:$0x1C400] =	vst v63  }
0x80: {  	_ =	swait.ge [sflag:s19], $0x100  }
0x81: {  	[sflag:s19] =	ssyncset.done $0x0  }
0x82: {  	s29 =	simm.s32 $0x700;
	[sflag:s19] =	ssyncadd.s32 $0xFFFFFF00  }
0x83: {  	[tilespmem:s12], [sflag:$0xC] =	stream.indirect.gather [hbm4b:s1+s26], $0x80, s29, s26, $0xb8;
	[tilespmem:$0x1C400] =	vst v63  }
0x84: {  	_ =	swait.ge [sflag:s13], $0x2000  }
0x85: {  	[sflag:s13] =	ssyncset.done $0x0  }
0x86: {  	s22 =	simm.s32 $0x580;
	[sflag:s13] =	ssyncadd.s32 $0xFFFFE000  }
0x87: {  	[spmem:s2] =	stream.indirect.scatter.add.f32 [tilespmem:s31], [sflag:$0xE], $0x80, s22, s26, $0xb8;
	[tilespmem:$0x1C400] =	vst v63  }
0x88: {  	_ =	swait.ge [sflag:s15], $0x2000  }
0x89: {  	s22 =	rddreg [dreg:$0xb];
	[sflag:s15] =	ssyncset.done $0x0  }
0x8a: {  	[sflag:s15] =	ssyncadd.s32 $0xFFFFE000;
	s22 =	sadd.s32 $0x0, s22  }
0x8b: {  	[tilespmem:s24], [sflag:$0x4] =	stream.linear.gather [hbm4b:s22+s4], $0x100, $0x38;
	[tilespmem:$0x1C400] =	vst v63  }
0x8c: {  	_ =	swait.ge [sflag:s25], $0x100  }
0x8d: {  	[sflag:s25] =	ssyncset.done $0x0  }
0x8e: {  	[sflag:s25] =	ssyncadd.s32 $0xFFFFFF00  }
0x8f: {  	[tilespmem:s28], [sflag:$0x9] =	stream.indirect.gather [hbm4b:s1+s26], $0x80, s4, s26, $0xb8;
	[tilespmem:$0x1C400] =	vst v63  }
0x90: {  	_ =	swait.ge [sflag:s18], $0x2000  }
0x91: {  	[sflag:s18] =	ssyncset.done $0x0  }
0x92: {  	s25 =	simm.s32 $0x680;
	[sflag:s18] =	ssyncadd.s32 $0xFFFFE000  }
0x93: {  	[spmem:s2] =	stream.indirect.scatter.add.f32 [tilespmem:s5], [sflag:$0xF], $0x80, s25, s26, $0xb8;
	[tilespmem:$0x1C400] =	vst v63  }
0x94: {  	_ =	swait.ge [sflag:s20], $0x2000  }
0x95: {  	s25 =	rddreg [dreg:$0xa];
	[sflag:s20] =	ssyncset.done $0x0  }
0x96: {  	[sflag:s20] =	ssyncadd.s32 $0xFFFFE000;
	s22 =	sadd.s32 $0x0, s25  }
0x97: {  	[tilespmem:s0], [sflag:$0x5] =	stream.linear.gather [hbm4b:s22+s4], $0x100, $0x38;
	[tilespmem:$0x1C400] =	vst v63  }
0x98: {  	_ =	swait.ge [sflag:s30], $0x100  }
0x99: {  	[sflag:s30] =	ssyncset.done $0x0  }
0x9a: {  	[sflag:s30] =	ssyncadd.s32 $0xFFFFFF00  }
0x9b: {  	[tilespmem:s31], [sflag:$0xA] =	stream.indirect.gather [hbm4b:s1+s26], $0x80, s23, s26, $0xb8;
	[tilespmem:$0x1C400] =	vst v63  }
0x9c: {  	_ =	swait.ge [sflag:s7], $0x2000  }
0x9d: {  	[sflag:s7] =	ssyncset.done $0x0  }
0x9e: {  	s30 =	simm.s32 $0x780;
	[sflag:s7] =	ssyncadd.s32 $0xFFFFE000  }
0x9f: {  	[spmem:s2] =	stream.indirect.scatter.add.f32 [tilespmem:s12], [sflag:$0x10], $0x80, s30, s26, $0xb8;
	[tilespmem:$0x1C400] =	vst v63  }
0xa0: {  	_ =	swait.ge [sflag:s9], $0x2000  }
0xa1: {  	s25 =	rddreg [dreg:$0x9];
	[sflag:s9] =	ssyncset.done $0x0  }
0xa2: {  	[sflag:s9] =	ssyncadd.s32 $0xFFFFE000;
	s22 =	sadd.s32 $0x0, s25  }
0xa3: {  	[tilespmem:s16], [sflag:$0x6] =	stream.linear.gather [hbm4b:s22+s4], $0x100, $0x38;
	[tilespmem:$0x1C400] =	vst v63  }
0xa4: {  	_ =	swait.ge [sflag:s3], $0x100  }
0xa5: {  	[sflag:s3] =	ssyncset.done $0x0  }
0xa6: {  	[sflag:s3] =	ssyncadd.s32 $0xFFFFFF00  }
0xa7: {  	[tilespmem:s5], [sflag:$0xB] =	stream.indirect.gather [hbm4b:s1+s26], $0x80, s10, s26, $0xb8;
	[tilespmem:$0x1C400] =	vst v63  }
0xa8: {  	_ =	swait.ge [sflag:s6], $0x2000  }
0xa9: {  	[sflag:s6] =	ssyncset.done $0x0  }
0xaa: {  	s30 =	simm.s32 $0x80;
	[sflag:s6] =	ssyncadd.s32 $0xFFFFE000  }
0xab: {  	[spmem:s2] =	stream.indirect.scatter.add.f32 [tilespmem:s28], [sflag:$0xD], $0x80, s30, s26, $0xb8;
	[tilespmem:$0x1C400] =	vst v63  }
0xac: {  	_ =	swait.ge [sflag:s21], $0x2000  }
0xad: {  	s10 =	rddreg [dreg:$0x8];
	[sflag:s21] =	ssyncset.done $0x0  }
0xae: {  	[sflag:s21] =	ssyncadd.s32 $0xFFFFE000;
	s22 =	sadd.s32 $0x0, s10;
	s10 =	simm.s32 $0x600  }
0xaf: {  	[tilespmem:s10], [sflag:$0x7] =	stream.linear.gather [hbm4b:s22+s4], $0x100, $0x38;
	[tilespmem:$0x1C400] =	vst v63  }
0xb0: {  	_ =	swait.ge [sflag:s11], $0x100  }
0xb1: {  	[sflag:s11] =	ssyncset.done $0x0  }
0xb2: {  	[sflag:s11] =	ssyncadd.s32 $0xFFFFFF00  }
0xb3: {  	[tilespmem:s12], [sflag:$0xC] =	stream.indirect.gather [hbm4b:s1+s26], $0x80, s24, s26, $0xb8;
	[tilespmem:$0x1C400] =	vst v63  }
0xb4: {  	_ =	swait.ge [sflag:s13], $0x2000  }
0xb5: {  	[sflag:s13] =	ssyncset.done $0x0  }
0xb6: {  	s24 =	simm.s32 $0x180;
	[sflag:s13] =	ssyncadd.s32 $0xFFFFE000  }
0xb7: {  	[spmem:s2] =	stream.indirect.scatter.add.f32 [tilespmem:s31], [sflag:$0xE], $0x80, s24, s26, $0xb8;
	[tilespmem:$0x1C400] =	vst v63  }
0xb8: {  	_ =	swait.ge [sflag:s15], $0x2000  }
0xb9: {  	s30 =	rddreg [dreg:$0x7];
	[sflag:s15] =	ssyncset.done $0x0  }
0xba: {  	[sflag:s15] =	ssyncadd.s32 $0xFFFFE000;
	s22 =	sadd.s32 $0x0, s30  }
0xbb: {  	[tilespmem:s29], [sflag:$0x8] =	stream.linear.gather [hbm4b:s22+s4], $0x100, $0x38;
	[tilespmem:$0x1C400] =	vst v63  }
0xbc: {  	_ =	swait.ge [sflag:s17], $0x100  }
0xbd: {  	[sflag:s17] =	ssyncset.done $0x0  }
0xbe: {  	[sflag:s17] =	ssyncadd.s32 $0xFFFFFF00  }
0xbf: {  	[tilespmem:s28], [sflag:$0x9] =	stream.indirect.gather [hbm4b:s1+s26], $0x80, s0, s26, $0xb8;
	[tilespmem:$0x1C400] =	vst v63  }
0xc0: {  	_ =	swait.ge [sflag:s18], $0x2000  }
0xc1: {  	[sflag:s18] =	ssyncset.done $0x0  }
0xc2: {  	s22 =	simm.s32 $0x280;
	[sflag:s18] =	ssyncadd.s32 $0xFFFFE000  }
0xc3: {  	[spmem:s2] =	stream.indirect.scatter.add.f32 [tilespmem:s5], [sflag:$0xF], $0x80, s22, s26, $0xb8;
	[tilespmem:$0x1C400] =	vst v63  }
0xc4: {  	_ =	swait.ge [sflag:s20], $0x2000  }
0xc5: {  	s24 =	rddreg [dreg:$0x6];
	[sflag:s20] =	ssyncset.done $0x0  }
0xc6: {  	[sflag:s20] =	ssyncadd.s32 $0xFFFFE000;
	s22 =	sadd.s32 $0x0, s24  }
0xc7: {  	[tilespmem:s4], [sflag:$0x1] =	stream.linear.gather [hbm4b:s22+s4], $0x100, $0x38;
	[tilespmem:$0x1C400] =	vst v63  }
0xc8: {  	_ =	swait.ge [sflag:s8], $0x100  }
0xc9: {  	[sflag:s8] =	ssyncset.done $0x0  }
0xca: {  	[sflag:s8] =	ssyncadd.s32 $0xFFFFFF00  }
0xcb: {  	[tilespmem:s31], [sflag:$0xA] =	stream.indirect.gather [hbm4b:s1+s26], $0x80, s16, s26, $0xb8;
	[tilespmem:$0x1C400] =	vst v63  }
0xcc: {  	_ =	swait.ge [sflag:s7], $0x2000  }
0xcd: {  	[sflag:s7] =	ssyncset.done $0x0  }
0xce: {  	s30 =	simm.s32 $0x380;
	[sflag:s7] =	ssyncadd.s32 $0xFFFFE000  }
0xcf: {  	[spmem:s2] =	stream.indirect.scatter.add.f32 [tilespmem:s12], [sflag:$0x10], $0x80, s30, s26, $0xb8;
	[tilespmem:$0x1C400] =	vst v63  }
0xd0: {  	_ =	swait.ge [sflag:s9], $0x2000  }
0xd1: {  	s16 =	rddreg [dreg:$0x5];
	[sflag:s9] =	ssyncset.done $0x0  }
0xd2: {  	[sflag:s9] =	ssyncadd.s32 $0xFFFFE000;
	s22 =	sadd.s32 $0x0, s16  }
0xd3: {  	[tilespmem:s23], [sflag:$0x2] =	stream.linear.gather [hbm4b:s22+s4], $0x100, $0x38;
	[tilespmem:$0x1C400] =	vst v63  }
0xd4: {  	_ =	swait.ge [sflag:s14], $0x100  }
0xd5: {  	[sflag:s14] =	ssyncset.done $0x0  }
0xd6: {  	[sflag:s14] =	ssyncadd.s32 $0xFFFFFF00  }
0xd7: {  	[tilespmem:s5], [sflag:$0xB] =	stream.indirect.gather [hbm4b:s1+s26], $0x80, s10, s26, $0xb8;
	[tilespmem:$0x1C400] =	vst v63  }
0xd8: {  	_ =	swait.ge [sflag:s6], $0x2000  }
0xd9: {  	[sflag:s6] =	ssyncset.done $0x0  }
0xda: {  	s24 =	simm.s32 $0x480;
	[sflag:s6] =	ssyncadd.s32 $0xFFFFE000  }
0xdb: {  	[spmem:s2] =	stream.indirect.scatter.add.f32 [tilespmem:s28], [sflag:$0xD], $0x80, s24, s26, $0xb8;
	[tilespmem:$0x1C400] =	vst v63  }
0xdc: {  	_ =	swait.ge [sflag:s21], $0x2000  }
0xdd: {  	s30 =	rddreg [dreg:$0x4];
	[sflag:s21] =	ssyncset.done $0x0  }
0xde: {  	s25 =	simm.s32 $0x200;
	[sflag:s21] =	ssyncadd.s32 $0xFFFFE000;
	s22 =	sadd.s32 $0x0, s30  }
0xdf: {  	[tilespmem:s25], [sflag:$0x3] =	stream.linear.gather [hbm4b:s22+s4], $0x100, $0x38;
	[tilespmem:$0x1C400] =	vst v63  }
0xe0: {  	_ =	swait.ge [sflag:s19], $0x100  }
0xe1: {  	[sflag:s19] =	ssyncset.done $0x0  }
0xe2: {  	[sflag:s19] =	ssyncadd.s32 $0xFFFFFF00  }
0xe3: {  	[tilespmem:s12], [sflag:$0xC] =	stream.indirect.gather [hbm4b:s1+s26], $0x80, s29, s26, $0xb8;
	[tilespmem:$0x1C400] =	vst v63  }
0xe4: {  	_ =	swait.ge [sflag:s13], $0x2000  }
0xe5: {  	[sflag:s13] =	ssyncset.done $0x0  }
0xe6: {  	s22 =	simm.s32 $0x100;
	[sflag:s13] =	ssyncadd.s32 $0xFFFFE000  }
.LBB2_2:
0xe7: {  	s23 =	simm.s32 $0x580  }
0xe8: {  	[spmem:s2] =	stream.indirect.scatter.add.f32 [tilespmem:s31], [sflag:$0xE], $0x80, s23, s26, $0xb8;
	[tilespmem:$0x1C400] =	vst v63  }
0xe9: {  	s0 =	simm.s32 $0x300;
	_ =	swait.ge [sflag:s15], $0x2000  }
0xea: {  	s23 =	smov.u32 s22;
	s24 =	rddreg [dreg:$0xb];
	[sflag:s15] =	ssyncset.done $0x0  }
0xeb: {  	s10 =	simm.s32 $0x1;
	[sflag:s15] =	ssyncadd.s32 $0xFFFFE000;
	s24 =	sadd.s32 s23, s24  }
0xec: {  	[tilespmem:s0], [sflag:$0x4] =	stream.linear.gather [hbm4b:s24+s4], $0x100, $0x38;
	[tilespmem:$0x1C400] =	vst v63  }
0xed: {  	_ =	swait.ge [sflag:s10], $0x100  }
0xee: {  	[sflag:s10] =	ssyncset.done $0x0  }
0xef: {  	[sflag:s10] =	ssyncadd.s32 $0xFFFFFF00  }
0xf0: {  	[tilespmem:s28], [sflag:$0x9] =	stream.indirect.gather [hbm4b:s1+s26], $0x80, s4, s26, $0xb8;
	[tilespmem:$0x1C400] =	vst v63  }
0xf1: {  	_ =	swait.ge [sflag:s18], $0x2000  }
0xf2: {  	[sflag:s18] =	ssyncset.done $0x0  }
0xf3: {  	s10 =	simm.s32 $0x680;
	[sflag:s18] =	ssyncadd.s32 $0xFFFFE000  }
0xf4: {  	[spmem:s2] =	stream.indirect.scatter.add.f32 [tilespmem:s5], [sflag:$0xF], $0x80, s10, s26, $0xb8;
	[tilespmem:$0x1C400] =	vst v63  }
0xf5: {  	_ =	swait.ge [sflag:s20], $0x2000  }
0xf6: {  	s10 =	simm.s32 $0x400;
	s16 =	rddreg [dreg:$0xa];
	[sflag:s20] =	ssyncset.done $0x0  }
0xf7: {  	[sflag:s20] =	ssyncadd.s32 $0xFFFFE000;
	s24 =	sadd.s32 s23, s16;
	s16 =	simm.s32 $0x2  }
0xf8: {  	[tilespmem:s10], [sflag:$0x5] =	stream.linear.gather [hbm4b:s24+s4], $0x100, $0x38;
	[tilespmem:$0x1C400] =	vst v63  }
0xf9: {  	_ =	swait.ge [sflag:s16], $0x100  }
0xfa: {  	[sflag:s16] =	ssyncset.done $0x0  }
0xfb: {  	[sflag:s16] =	ssyncadd.s32 $0xFFFFFF00;
	s16 =	simm.s32 $0x100  }
0xfc: {  	[tilespmem:s31], [sflag:$0xA] =	stream.indirect.gather [hbm4b:s1+s26], $0x80, s16, s26, $0xb8;
	[tilespmem:$0x1C400] =	vst v63  }
0xfd: {  	_ =	swait.ge [sflag:s7], $0x2000  }
0xfe: {  	[sflag:s7] =	ssyncset.done $0x0  }
0xff: {  	s25 =	simm.s32 $0x780;
	[sflag:s7] =	ssyncadd.s32 $0xFFFFE000  }
0x100: {  	[spmem:s2] =	stream.indirect.scatter.add.f32 [tilespmem:s12], [sflag:$0x10], $0x80, s25, s26, $0xb8;
	[tilespmem:$0x1C400] =	vst v63  }
0x101: {  	_ =	swait.ge [sflag:s9], $0x2000  }
0x102: {  	s29 =	rddreg [dreg:$0x9];
	[sflag:s9] =	ssyncset.done $0x0  }
0x103: {  	s25 =	simm.s32 $0x500;
	[sflag:s9] =	ssyncadd.s32 $0xFFFFE000;
	s24 =	sadd.s32 s23, s29  }
0x104: {  	[tilespmem:s25], [sflag:$0x6] =	stream.linear.gather [hbm4b:s24+s4], $0x100, $0x38;
	[tilespmem:$0x1C400] =	vst v63  }
0x105: {  	_ =	swait.ge [sflag:s3], $0x100  }
0x106: {  	[sflag:s3] =	ssyncset.done $0x0  }
0x107: {  	s29 =	simm.s32 $0x200;
	[sflag:s3] =	ssyncadd.s32 $0xFFFFFF00  }
0x108: {  	[tilespmem:s5], [sflag:$0xB] =	stream.indirect.gather [hbm4b:s1+s26], $0x80, s29, s26, $0xb8;
	[tilespmem:$0x1C400] =	vst v63  }
0x109: {  	_ =	swait.ge [sflag:s6], $0x2000  }
0x10a: {  	[sflag:s6] =	ssyncset.done $0x0  }
0x10b: {  	s30 =	simm.s32 $0x80;
	[sflag:s6] =	ssyncadd.s32 $0xFFFFE000  }
0x10c: {  	[spmem:s2] =	stream.indirect.scatter.add.f32 [tilespmem:s28], [sflag:$0xD], $0x80, s30, s26, $0xb8;
	[tilespmem:$0x1C400] =	vst v63  }
0x10d: {  	_ =	swait.ge [sflag:s21], $0x2000  }
0x10e: {  	s30 =	rddreg [dreg:$0x8];
	[sflag:s21] =	ssyncset.done $0x0  }
0x10f: {  	[sflag:s21] =	ssyncadd.s32 $0xFFFFE000;
	s24 =	sadd.s32 s23, s30;
	s30 =	simm.s32 $0x600  }
0x110: {  	[tilespmem:s30], [sflag:$0x7] =	stream.linear.gather [hbm4b:s24+s4], $0x100, $0x38;
	[tilespmem:$0x1C400] =	vst v63  }
0x111: {  	_ =	swait.ge [sflag:s11], $0x100  }
0x112: {  	[sflag:s11] =	ssyncset.done $0x0  }
0x113: {  	[sflag:s11] =	ssyncadd.s32 $0xFFFFFF00  }
0x114: {  	[tilespmem:s12], [sflag:$0xC] =	stream.indirect.gather [hbm4b:s1+s26], $0x80, s0, s26, $0xb8;
	[tilespmem:$0x1C400] =	vst v63  }
0x115: {  	_ =	swait.ge [sflag:s13], $0x2000  }
0x116: {  	[sflag:s13] =	ssyncset.done $0x0  }
0x117: {  	s24 =	simm.s32 $0x180;
	[sflag:s13] =	ssyncadd.s32 $0xFFFFE000  }
0x118: {  	[spmem:s2] =	stream.indirect.scatter.add.f32 [tilespmem:s31], [sflag:$0xE], $0x80, s24, s26, $0xb8;
	[tilespmem:$0x1C400] =	vst v63  }
0x119: {  	_ =	swait.ge [sflag:s15], $0x2000  }
0x11a: {  	s0 =	rddreg [dreg:$0x7];
	[sflag:s15] =	ssyncset.done $0x0  }
0x11b: {  	[sflag:s15] =	ssyncadd.s32 $0xFFFFE000;
	s24 =	sadd.s32 s23, s0;
	s0 =	simm.s32 $0x700  }
0x11c: {  	[tilespmem:s0], [sflag:$0x8] =	stream.linear.gather [hbm4b:s24+s4], $0x100, $0x38;
	[tilespmem:$0x1C400] =	vst v63  }
0x11d: {  	_ =	swait.ge [sflag:s17], $0x100  }
0x11e: {  	[sflag:s17] =	ssyncset.done $0x0  }
0x11f: {  	[sflag:s17] =	ssyncadd.s32 $0xFFFFFF00  }
0x120: {  	[tilespmem:s28], [sflag:$0x9] =	stream.indirect.gather [hbm4b:s1+s26], $0x80, s10, s26, $0xb8;
	[tilespmem:$0x1C400] =	vst v63  }
0x121: {  	_ =	swait.ge [sflag:s18], $0x2000  }
0x122: {  	[sflag:s18] =	ssyncset.done $0x0  }
0x123: {  	s24 =	simm.s32 $0x280;
	[sflag:s18] =	ssyncadd.s32 $0xFFFFE000  }
0x124: {  	[spmem:s2] =	stream.indirect.scatter.add.f32 [tilespmem:s5], [sflag:$0xF], $0x80, s24, s26, $0xb8;
	[tilespmem:$0x1C400] =	vst v63  }
0x125: {  	_ =	swait.ge [sflag:s20], $0x2000  }
0x126: {  	s10 =	rddreg [dreg:$0x6];
	[sflag:s20] =	ssyncset.done $0x0  }
0x127: {  	[sflag:s20] =	ssyncadd.s32 $0xFFFFE000;
	s24 =	sadd.s32 s23, s10  }
0x128: {  	[tilespmem:s4], [sflag:$0x1] =	stream.linear.gather [hbm4b:s24+s4], $0x100, $0x38;
	[tilespmem:$0x1C400] =	vst v63  }
0x129: {  	_ =	swait.ge [sflag:s8], $0x100  }
0x12a: {  	[sflag:s8] =	ssyncset.done $0x0  }
0x12b: {  	[sflag:s8] =	ssyncadd.s32 $0xFFFFFF00  }
0x12c: {  	[tilespmem:s31], [sflag:$0xA] =	stream.indirect.gather [hbm4b:s1+s26], $0x80, s25, s26, $0xb8;
	[tilespmem:$0x1C400] =	vst v63  }
0x12d: {  	_ =	swait.ge [sflag:s7], $0x2000  }
0x12e: {  	[sflag:s7] =	ssyncset.done $0x0  }
0x12f: {  	s25 =	simm.s32 $0x380;
	[sflag:s7] =	ssyncadd.s32 $0xFFFFE000  }
0x130: {  	[spmem:s2] =	stream.indirect.scatter.add.f32 [tilespmem:s12], [sflag:$0x10], $0x80, s25, s26, $0xb8;
	[tilespmem:$0x1C400] =	vst v63  }
0x131: {  	_ =	swait.ge [sflag:s9], $0x2000  }
0x132: {  	s10 =	rddreg [dreg:$0x5];
	[sflag:s9] =	ssyncset.done $0x0  }
0x133: {  	[sflag:s9] =	ssyncadd.s32 $0xFFFFE000;
	s24 =	sadd.s32 s23, s10  }
0x134: {  	[tilespmem:s16], [sflag:$0x2] =	stream.linear.gather [hbm4b:s24+s4], $0x100, $0x38;
	[tilespmem:$0x1C400] =	vst v63  }
0x135: {  	_ =	swait.ge [sflag:s14], $0x100  }
0x136: {  	[sflag:s14] =	ssyncset.done $0x0  }
0x137: {  	[sflag:s14] =	ssyncadd.s32 $0xFFFFFF00  }
0x138: {  	[tilespmem:s5], [sflag:$0xB] =	stream.indirect.gather [hbm4b:s1+s26], $0x80, s30, s26, $0xb8;
	[tilespmem:$0x1C400] =	vst v63  }
0x139: {  	_ =	swait.ge [sflag:s6], $0x2000  }
0x13a: {  	[sflag:s6] =	ssyncset.done $0x0  }
0x13b: {  	s25 =	simm.s32 $0x480;
	[sflag:s6] =	ssyncadd.s32 $0xFFFFE000  }
0x13c: {  	[spmem:s2] =	stream.indirect.scatter.add.f32 [tilespmem:s28], [sflag:$0xD], $0x80, s25, s26, $0xb8;
	[tilespmem:$0x1C400] =	vst v63  }
0x13d: {  	_ =	swait.ge [sflag:s21], $0x2000  }
0x13e: {  	s30 =	rddreg [dreg:$0x4];
	[sflag:s21] =	ssyncset.done $0x0  }
0x13f: {  	[sflag:s21] =	ssyncadd.s32 $0xFFFFE000;
	s23 =	sadd.s32 s23, s30  }
0x140: {  	[tilespmem:s29], [sflag:$0x3] =	stream.linear.gather [hbm4b:s23+s4], $0x100, $0x38;
	[tilespmem:$0x1C400] =	vst v63  }
0x141: {  	_ =	swait.ge [sflag:s19], $0x100  }
0x142: {  	p0 =	sne.s32 s22, $0x1200;
	[sflag:s19] =	ssyncset.done $0x0  }
.Ltmp0:
0x143: {  	[sflag:s19] =	ssyncadd.s32 $0xFFFFFF00;
	(pc) =	sbr.rel @p0 .LBB2_2-.Ltmp0, $4  }
0x144: {  	[tilespmem:s12], [sflag:$0xC] =	stream.indirect.gather [hbm4b:s1+s26], $0x80, s0, s26, $0xb8;
	[tilespmem:$0x1C400] =	vst v63  }
0x145: {  	_ =	swait.ge [sflag:s13], $0x2000  }
0x146: {  	[sflag:s13] =	ssyncset.done $0x0  }
0x147: {  	s22 =	sadd.s32 $0x100, s22;
	[sflag:s13] =	ssyncadd.s32 $0xFFFFE000  }
0x148: {  	s0 =	simm.s32 $0x580  }
0x149: {  	[spmem:s2] =	stream.indirect.scatter.add.f32 [tilespmem:s31], [sflag:$0xE], $0x80, s0, s26, $0xb8;
	[tilespmem:$0x1C400] =	vst v63  }
0x14a: {  	_ =	swait.ge [sflag:s18], $0x2000  }
0x14b: {  	[sflag:s18] =	ssyncset.done $0x0  }
0x14c: {  	s16 =	simm.s32 $0x680;
	[sflag:s18] =	ssyncadd.s32 $0xFFFFE000  }
0x14d: {  	[spmem:s2] =	stream.indirect.scatter.add.f32 [tilespmem:s5], [sflag:$0xF], $0x80, s16, s26, $0xb8;
	[tilespmem:$0x1C400] =	vst v63  }
0x14e: {  	_ =	swait.ge [sflag:s7], $0x2000  }
0x14f: {  	[sflag:s7] =	ssyncset.done $0x0  }
0x150: {  	s22 =	simm.s32 $0x780;
	[sflag:s7] =	ssyncadd.s32 $0xFFFFE000  }
0x151: {  	[spmem:s2] =	stream.indirect.scatter.add.f32 [tilespmem:s12], [sflag:$0x10], $0x80, s22, s26, $0xb8;
	[tilespmem:$0x1C400] =	vst v63  }
0x152: {  	_ =	swait.ge [sflag:s15], $0x2000  }
0x153: {  	[sflag:s15] =	ssyncset.done $0x0  }
0x154: {  	[sflag:s15] =	ssyncadd.s32 $0xFFFFE000  }
0x155: {  	_ =	swait.ge [sflag:s20], $0x2000  }
0x156: {  	[sflag:s20] =	ssyncset.done $0x0  }
0x157: {  	[sflag:s20] =	ssyncadd.s32 $0xFFFFE000  }
0x158: {  	_ =	swait.ge [sflag:s9], $0x2000  }
0x159: {  	[sflag:s9] =	ssyncset.done $0x0  }
0x15a: {  	[sflag:s9] =	ssyncadd.s32 $0xFFFFE000  }
0x15b: {  	_ =	swait.ge [sflag:s21], $0x2000  }
0x15c: {  	[sflag:s21] =	ssyncset.done $0x0  }
0x15d: {  	s23 =	simm.s32 $0x1;
	[sflag:s21] =	ssyncadd.s32 $0xFFFFE000  }
0x15e: {  	_ =	swait.ge [sflag:s23], $0x100  }
0x15f: {  	[sflag:s23] =	ssyncset.done $0x0  }
0x160: {  	s24 =	simm.s32 $0x2;
	[sflag:s23] =	ssyncadd.s32 $0xFFFFFF00  }
0x161: {  	_ =	swait.ge [sflag:s24], $0x100  }
0x162: {  	[sflag:s24] =	ssyncset.done $0x0  }
0x163: {  	[sflag:s24] =	ssyncadd.s32 $0xFFFFFF00  }
0x164: {  	_ =	swait.ge [sflag:s3], $0x100  }
0x165: {  	[sflag:s3] =	ssyncset.done $0x0  }
0x166: {  	[sflag:s3] =	ssyncadd.s32 $0xFFFFFF00  }
0x167: {  	[bflag:$0x0] =	sbarrier.arrive $0xFFFF  }
0x168: {  	s23 =	rddreg [dreg:$0xe]  }
0x169: {  	s22 =	rddreg [dreg:$0x1a]  }
0x16a: {  	s24 =	simm.s32 $0x11;
	s25 =	rddreg [dreg:$0x1d]  }
0x16b: {  	[hbm:s22], [sflag:s23] =	dma.local [spmem:s25], $0x2780  }
0x16c: {  	_ =	swait.ge [sflag:s24], $0x2780  }
0x16d: {  	s29 =	rddreg [dreg:$0x1c]  }
0x16e: {  	s30 =	rddreg [dreg:$0x1b];
	s0 =	sadd.s32 $0x1, s29  }
0x16f: {  	p0 =	sne.s32 s0, s30  }
.Ltmp1:
0x170: {  	_ = 	snop;
	(pc) =	sbr.rel @p0 .LBB2_1-.Ltmp1, $3  }
0x171: {  	_ =	sdelay $0x1  }
0x172: {  	[sflag:s24] =	ssyncset.done $0x0  }
0x173: {  	[sflag:s24] =	ssyncadd.s32 $0xFFFFD880  }
0x174: {  	_ =	sfence.sel $0x180000  }
0x175: {  	[bflag:$0x0] =	sbarrier.arrive $0xFFFF  }
0x176: {  	_ =	strace $0x9000004A  }
0x177: {  	s0 =	stileid.u32;
	[bflag:$0x2] =	sbarrier.arrive $0xFFFF  }
0x178: {  	p0 =	sne.s32 s0, $0x0;
	s0 =	rddreg [dreg:$0x3]  }
0x179: {  	s0 =	sadd.s32 @!p0 $0x100000, s0  }
0x17a: {  	[sflag:s0] =	ssyncadd.tile.s32 @!p0 $0x1;
	_ =	shalt  }
.Lfunc_end2:
_tile_overlayer_lowered:
.L_overlay_start_2:
0x17b: {  	(tag) =	ssettag $0x2  }
0x17c: {  	s0 =	rddreg [dreg:$0x0];
	s2 =	stileid.u32  }
0x17d: {  	s1 =	rddreg [dreg:$0x1];
	p0 =	sne.s32 s2, $0x0  }
0x17e: {  	s3 =	rddreg [dreg:$0x2];
	[bflag:$0x3] =	sbarrier.arrive $0xFFFF;
	s2 =	simm.s32 @!p0 $0x1C11  }
0x17f: {  	[timem:s3], [sflag:s2] =	dma.local @!p0 [hbm:s0], s1  }
0x180: {  	s0 =	simm.s32 @!p0 $0x11  }
0x181: {  	_ =	swait.ge @!p0 [sflag:s0], s1  }
0x182: {  	s1 =	ssub.s32 @!p0 $0x0, s1;
	[sflag:s0] =	ssyncset.done @!p0 $0x0  }
0x183: {  	[sflag:s0] =	ssyncadd.s32 @!p0 s1  }
0x184: {  	[bflag:$0x3] =	sbarrier.arrive $0xFFFF  }
0x185: {  	_ =	shalt  }

// kernel: kernel.14.cloned.1.call-start
scs
__scs_entry_jumppad:
0x0: {  	(pc) =	sbr.rel $0x88, $3  }
0x1: {  	(tag) =	ssettag $0x0;
	lr =	simm.s32 $0x1  }
0x2: {  	[smem:$0x3F99] =	sst lr;
	_ =	strace $0xD0000000  }
0x3: {  	_ = 	snop  }
0x4: {  	_ = 	snop  }
0x5: {  	_ = 	snop  }
0x6: {  	_ = 	snop  }
0x7: {  	_ = 	snop  }
__scs_overlays_trampoline_lowered:
0x8: {  	[smem:$0x3FA8] =	sst s0  }
0x9: {  	[smem:$0x3FA9] =	sst s1  }
0xa: {  	[smem:$0x3FAA] =	sst s2  }
0xb: {  	[smem:$0x3FAB] =	sst s3  }
0xc: {  	[smem:$0x3FAC] =	sst s4  }
0xd: {  	[smem:$0x3FAD] =	sst s5  }
0xe: {  	[smem:$0x3FAE] =	sst s6  }
0xf: {  	[smem:$0x3FAF] =	sst s7  }
0x10: {  	[smem:$0x3FB0] =	sst s8  }
0x11: {  	[smem:$0x3FB1] =	sst s9;
	s0 =	simm.s32 @!p0 $0x0  }
0x12: {  	s1 =	sld [smem:$0x3F97];
	s0 =	simm.s32 @p0 $0x1  }
0x13: {  	[smem:$0x3FB2] =	sst s0;
	s0 =	simm.s32 @!p1 $0x0  }
0x14: {  	s2 =	sld [smem:$0x3F96];
	s0 =	simm.s32 @p1 $0x1  }
0x15: {  	[smem:$0x3FB3] =	sst s0;
	s0 =	simm.s32 @!p2 $0x0  }
0x16: {  	s3 =	sld [smem:$0x3FDB];
	s0 =	simm.s32 @p2 $0x1  }
0x17: {  	s4 =	simm.s32 $0x1BF5;
	[smem:$0x3FB5] =	sst s0  }
0x18: {  	s0 =	sld [smem:$0x3F98];
	_ =	swait.ge [sflag:s4], $0x0  }
0x19: {  	s7 =	sld [smem:$0x3F99]  }
0x1a: {  	s8 =	sadd.s32 $0xFFFFE003, lr  }
0x1b: {  	s9 =	sadd.s32 $0xFFFFFEF7, lr;
	s5 =	simm.s32 $0xFFFFFFFF;
	p2 =	slt.u32 s8, $0xFFFFF086  }
0x1c: {  	p1 =	slt.u32 s9, $0xF7A;
	s5 =	simm.s32 @!p2 $0x0  }
0x1d: {  	s5 =	simm.s32 @p1 $0x1;
	p0 =	seq.s32 s7, s2  }
0x1e: {  	s7 =	smul.u32 @!p0 $0xF7A, s2;
	p2 =	seq.s32 @!p0 s5, $0x0  }
0x1f: {  	s9 =	smul.u32 $0xF7A, s1;
	s8 =	simm.s32 @!p0 $0x1BF5;
	p2 =	por !p2, p0  }
0x20: {  	[sflag:s8] =	ssyncset.s32 @!p0 $0xFFFFF086;
	s6 =	sadd.s32 @!p0 s3, s7;
	s7 =	simm.s32 @!p0 $0x108  }
0x21: {  	s3 =	sadd.s32 s3, s9;
	s6 =	sadd.s32 @!p0 $0x88, s6;
	s7 =	simm.s32 @p2 $0x1082  }
0x22: {  	[simem:s7], [sflag:s8] =	dma.local @!p0 [hbm:s6], $0xF7A  }
0x23: {  	s9 =	sor.u32 $0xD0000000, s2;
	s6 =	simm.s32 $0x108;
	_ =	swait.ge @!p0 [sflag:s8], $0x0  }
0x24: {  	s3 =	sadd.s32 $0x88, s3;
	s6 =	simm.s32 @!p1 $0x1082;
	[sflag:s4] =	ssyncset.s32 $0xFFFFF086  }
0x25: {  	[simem:s6], [sflag:s4] =	dma.local [hbm:s3], $0xF7A  }
0x26: {  	[smem:$0x3F99] =	sst s1;
	(tag) =	ssettag s2;
	_ =	strace s9  }
0x27: {  	s1 =	sld [smem:$0x3FA9]  }
0x28: {  	s2 =	sld [smem:$0x3FAA]  }
0x29: {  	s4 =	sld [smem:$0x3FAC]  }
0x2a: {  	p0 =	seq.s32 s5, $0x0;
	s5 =	sld [smem:$0x3FAD]  }
0x2b: {  	s6 =	sld [smem:$0x3FAE]  }
0x2c: {  	s7 =	sld [smem:$0x3FAF]  }
0x2d: {  	s3 =	simm.s32 $0x108;
	s8 =	sld [smem:$0x3FB0]  }
0x2e: {  	s3 =	simm.s32 @!p0 $0x1082;
	s9 =	sld [smem:$0x3FB1]  }
0x2f: {  	lr =	sadd.s32 s0, s3;
	s0 =	sld [smem:$0x3FA8]  }
0x30: {  	s3 =	sld [smem:$0x3FAB]  }
0x31: {  	[smem:$0x3FB4] =	sst s10  }
0x32: {  	s10 =	sld [smem:$0x3FB2];
	_ =	sdelay $0x3  }
0x33: {  	p0 =	seq.s32 s10, $0x1;
	s10 =	sld [smem:$0x3FB4];
	_ =	sdelay $0x3  }
0x34: {  	[smem:$0x3FB4] =	sst s10  }
0x35: {  	s10 =	sld [smem:$0x3FB3];
	_ =	sdelay $0x3  }
0x36: {  	p1 =	seq.s32 s10, $0x1;
	s10 =	sld [smem:$0x3FB4];
	_ =	sdelay $0x3  }
0x37: {  	[smem:$0x3FB4] =	sst s10  }
0x38: {  	s10 =	sld [smem:$0x3FB5]  }
0x39: {  	_ = 	snop;
	(pc) =	sbr.ind lr, $3  }
0x3a: {  	_ = 	snop  }
0x3b: {  	_ = 	snop  }
0x3c: {  	p2 =	seq.s32 s10, $0x1;
	s10 =	sld [smem:$0x3FB4]  }
0x3d: {  	_ =	shalt  }
0x3e: {  	_ =	shalt  }
0x3f: {  	_ =	shalt  }
0x40: {  	_ =	shalt  }
0x41: {  	_ =	shalt  }
0x42: {  	_ =	shalt  }
0x43: {  	_ =	shalt  }
0x44: {  	_ =	shalt  }
0x45: {  	_ =	shalt  }
0x46: {  	_ =	shalt  }
0x47: {  	_ =	shalt  }
0x48: {  	_ =	shalt  }
0x49: {  	_ =	shalt  }
0x4a: {  	_ =	shalt  }
0x4b: {  	_ =	shalt  }
0x4c: {  	_ =	shalt  }
0x4d: {  	_ =	shalt  }
0x4e: {  	_ =	shalt  }
0x4f: {  	_ =	shalt  }
0x50: {  	_ =	shalt  }
0x51: {  	_ =	shalt  }
0x52: {  	_ =	shalt  }
0x53: {  	_ =	shalt  }
0x54: {  	_ =	shalt  }
0x55: {  	_ =	shalt  }
0x56: {  	_ =	shalt  }
0x57: {  	_ =	shalt  }
0x58: {  	_ =	shalt  }
0x59: {  	_ =	shalt  }
0x5a: {  	_ =	shalt  }
0x5b: {  	_ =	shalt  }
0x5c: {  	_ =	shalt  }
0x5d: {  	_ =	shalt  }
0x5e: {  	_ =	shalt  }
0x5f: {  	_ =	shalt  }
0x60: {  	_ =	shalt  }
0x61: {  	_ =	shalt  }
0x62: {  	_ =	shalt  }
0x63: {  	_ =	shalt  }
0x64: {  	_ =	shalt  }
0x65: {  	_ =	shalt  }
0x66: {  	_ =	shalt  }
0x67: {  	_ =	shalt  }
0x68: {  	_ =	shalt  }
0x69: {  	_ =	shalt  }
0x6a: {  	_ =	shalt  }
0x6b: {  	_ =	shalt  }
0x6c: {  	_ =	shalt  }
0x6d: {  	_ =	shalt  }
0x6e: {  	_ =	shalt  }
0x6f: {  	_ =	shalt  }
0x70: {  	_ =	shalt  }
0x71: {  	_ =	shalt  }
0x72: {  	_ =	shalt  }
0x73: {  	_ =	shalt  }
0x74: {  	_ =	shalt  }
0x75: {  	_ =	shalt  }
0x76: {  	_ =	shalt  }
0x77: {  	_ =	shalt  }
0x78: {  	_ =	shalt  }
0x79: {  	_ =	shalt  }
0x7a: {  	_ =	shalt  }
0x7b: {  	_ =	shalt  }
0x7c: {  	_ =	shalt  }
0x7d: {  	_ =	shalt  }
0x7e: {  	_ =	shalt  }
0x7f: {  	_ =	shalt  }
0x80: {  	_ =	shalt  }
0x81: {  	_ =	shalt  }
0x82: {  	_ =	shalt  }
0x83: {  	_ =	shalt  }
0x84: {  	_ =	shalt  }
0x85: {  	_ =	shalt  }
0x86: {  	_ =	shalt  }
0x87: {  	_ =	shalt  }
.Lfunc_end0:
.L_simem_size_0:
called_computation.2_lowered:
.L_overlay_start_0:
0x88: {  	s2 =	sld [smem:$0x3FD9]  }
0x89: {  	s3 =	sld [smem:$0x3FFE];
	_ =	sdelay $0x1  }
0x8a: {  	s1 =	srdreg.scid  }
0x8b: {  	s0 =	sand.u32 $0x1, s1  }
0x8c: {  	s17 =	sshll.u32 s0, $0xA;
	s2 =	sadd.s32 s3, s2  }
0x8d: {  	s2 =	sadd.s32 s2, s17  }
0x8e: {  	[smem:$0x3FC0] =	sst s2  }
0x8f: {  	_ = 	snop  }
0x90: {  	s2 =	sld [smem:$0x3FD0];
	(tm) =	ssettm $0x1  }
0x91: {  	s18 =	sld [smem:$0x3FFB];
	_ =	sdelay $0x3  }
0x92: {  	_ =	strace s18  }
0x93: {  	s3 =	sld [smem:$0x3FFC];
	_ =	sdelay $0x3  }
0x94: {  	_ =	strace s3  }
0x95: {  	s3 =	sld [smem:$0x3FFD];
	_ =	sdelay $0x3  }
0x96: {  	_ =	strace s3  }
0x97: {  	_ =	strace $0x8FFFFFFF  }
0x98: {  	s19 =	sld [smem:$0x3FDB];
	_ =	sdelay $0x1  }
0x99: {  	s4 =	simm.s32 $_scs_section_size  }
0x9a: {  	s5 =	simm.s32 $_size__tile_overlayer_lowered;
	s6 =	simm.s32 $_tile_overlayer_lowered  }
0x9b: {  	s22 =	simm.s32 $0x1BFF;
	s21 =	sshll.u32 s6, $0x1;
	s3 =	sadd.s32 s4, s19  }
0x9c: {  	s7 =	simm.s32 $0x0;
	s20 =	sshll.u32 s5, $0x1;
	s5 =	sadd.s32 s21, s3  }
0x9d: {  	[timem:s7], [sflag:s22] =	dma.local [hbm:s5], s20  }
0x9e: {  	_ =	swait.ge [sflag:s22], s20  }
0x9f: {  	s4 =	ssub.s32 $0x0, s20;
	[sflag:s22] =	ssyncset.done $0x0  }
0xa0: {  	[sflag:s22] =	ssyncadd.s32 s4;
	_ =	sdelay $0x1  }
0xa1: {  	s23 =	simm.s32 $0x1B8B  }
0xa2: {  	_ =	swait.ge [sflag:s23], $0x1  }
0xa3: {  	[sflag:s23] =	ssyncset.done $0x0  }
0xa4: {  	s25 =	simm.s32 $0x1B8E;
	s24 =	sld [smem:$0x3FFE];
	[sflag:s23] =	ssyncadd.s32 $0xFFFFFFFF  }
0xa5: {  	s26 =	simm.s32 $execute0_lowered;
	[smem:$0x3FD2] =	sst s25  }
0xa6: {  	s5 =	sshll.u32 s26, $0x1;
	_ =	strace $0x8000004C;
	[dreg:$0x1] =	wrdreg $0xFFFFFFFF  }
0xa7: {  	s28 =	simm.s32 $_size_execute0_lowered;
	s3 =	sadd.s32 s3, s5;
	[dreg:$0x0] =	wrdreg $0x0  }
0xa8: {  	s5 =	sshll.u32 s28, $0x1;
	[dreg:$0x2] =	wrdreg s3  }
0xa9: {  	[dreg:$0x3] =	wrdreg s5  }
0xaa: {  	[dreg:$0x4] =	wrdreg $0xC0  }
0xab: {  	_ =	task [dreg:s7], $0x5FFFF  }
0xac: {  	[dreg:$0x1] =	wrdreg $0xFFFFFFFF  }
0xad: {  	[dreg:$0x0] =	wrdreg $0x60  }
0xae: {  	[dreg:$0x2] =	wrdreg s2  }
0xaf: {  	[dreg:$0x3] =	wrdreg s24  }
0xb0: {  	[dreg:$0x4] =	wrdreg $0x88000  }
0xb1: {  	[dreg:$0x5] =	wrdreg $0x9  }
0xb2: {  	_ =	task.clear_ibuf [dreg:s7], $0x6FFFF;
	_ =	strace $0x9000004C  }
0xb3: {  	s29 =	simm.s32 $0x9;
	_ =	strace $0x8000004E  }
0xb4: {  	_ =	swait.ge [sflag:s29], $0x1  }
0xb5: {  	[sflag:s29] =	ssyncadd.s32 $0xFFFFFFFF  }
0xb6: {  	_ =	strace $0x9000004E  }
0xb7: {  	_ =	sfence  }
0xb8: {  	s30 =	sld [smem:$0x0];
	_ =	sdelay $0x2  }
0xb9: {  	s31 =	sshll.u32 s1, $0xD;
	s1 =	sshrl.u32 s1, $0x2  }
0xba: {  	s3 =	sand.u32 $0x4000, s31;
	s1 =	sadd.s32 s1, s30  }
0xbb: {  	s0 =	sor.u32 s3, s0;
	s1 =	sshll.u32 s1, $0x11  }
0xbc: {  	s0 =	sor.u32 s1, s0  }
0xbd: {  	s0 =	sadd.s32 $0x8F2B, s0  }
0xbe: {  	[sflag:s0] =	ssyncadd.remote.s32 $0x1  }
0xbf: {  	_ =	sfence.sel $0xFFFF  }
0xc0: {  	[dreg:$0x0] =	wrdreg $0xFFFFFFFF;
	(pc) =	sbr.abs _section_cstart, $3  }
0xc1: {  	[dreg:$0x1] =	wrdreg $0xFFFFFFFF  }
0xc2: {  	_ =	task.clear_ibuf [dreg:s7], $0x2FFFF;
	_ =	strace $0x9FFFFFFF  }
0xc3: {  	(tm) =	ssettm $0x7FFFFFFF  }
tec
execute0_lowered:
.L_overlay_start_1:
0x0: {  	(tag) =	ssettag $0x1  }
0x1: {  	s1 =	rddreg [dreg:$0x0]  }
0x2: {  	s3 =	rddreg [dreg:$0x1]  }
0x3: {  	s2 =	rddreg [dreg:$0x2];
	s11 =	stileid.u32  }
0x4: {  	s0 =	srdreg.scid;
	s7 =	smul.u32 $0x13C00, s11  }
0x5: {  	s4 =	simm.s32 $0x0;
	s5 =	sand.u32 $0x1, s0;
	s9 =	smul.u32 $0x4F000, s11  }
0x6: {  	[smem:$0x7FF] =	sst s4;
	s0 =	sadd.s32 $0xBE00, s3;
	s22 =	smul.u32 $0xA800, s11  }
0x7: {  	s8 =	sadd.s32 $0x35E00, s3;
	s19 =	sshll.u32 s11, $0x6;
	s6 =	smul.u32 $0x13C000, s5  }
0x8: {  	_ =	strace $0x8000004D;
	[dreg:$0xc] =	wrdreg s8;
	s16 =	sshll.u32 s5, $0x4  }
0x9: {  	s17 =	ssub.s32 $0x2, s5;
	s23 =	sor.u32 $0x1C11, s19;
	s5 =	smul.u32 $0xA8000, s5  }
0xa: {  	s10 =	sshrl.u32 s17, $0x1;
	s18 =	sshrl.u32 s9, $0x2;
	[dreg:$0xe] =	wrdreg s23  }
0xb: {  	s6 =	sadd.s32 s7, s6;
	s7 =	sor.u32 s11, s16;
	s8 =	sadd.s32 s18, s2  }
0xc: {  	s5 =	sadd.s32 s22, s5;
	s6 =	sshrl.u32 s6, $0x3;
	s7 =	smul.u32 $0xA800, s7  }
0xd: {  	[dreg:$0xd] =	wrdreg s8;
	s13 =	sadd.s32 $0x1100, s5;
	s3 =	sadd.s32 s6, s3  }
0xe: {  	s6 =	ssub.s32 s17, s10;
	s15 =	sshrl.u32 s13, $0x3;
	s3 =	sadd.s32 $0x38600, s3  }
0xf: {  	s17 =	sadd.s32 $0x1000, s5;
	s16 =	sadd.s32 s15, s0;
	[dreg:$0x1a] =	wrdreg s3  }
0x10: {  	s7 =	sshrl.u32 s7, $0x3;
	s6 =	smax.u32 s6, $0x1;
	[dreg:$0x5] =	wrdreg s16  }
0x11: {  	s18 =	sshrl.u32 s17, $0x3;
	s20 =	sadd.s32 s0, s7;
	[dreg:$0x1b] =	wrdreg s6  }
0x12: {  	s3 =	sadd.s32 s18, s0;
	[dreg:$0xf] =	wrdreg s20  }
0x13: {  	s28 =	simm.s32 $0x800;
	s7 =	sadd.s32 $0x20, s20;
	[dreg:$0x6] =	wrdreg s3  }
0x14: {  	s31 =	simm.s32 $0x2800;
	s21 =	sadd.s32 $0x40, s20;
	[dreg:$0x10] =	wrdreg s7  }
0x15: {  	s9 =	simm.s32 $0xF;
	s24 =	sadd.s32 $0x60, s20;
	[dreg:$0x11] =	wrdreg s21  }
0x16: {  	s12 =	sadd.s32 $0x1200, s5;
	s25 =	sadd.s32 $0x80, s20;
	[dreg:$0x12] =	wrdreg s24  }
0x17: {  	s19 =	sadd.s32 $0xF00, s5;
	s26 =	sadd.s32 $0xA0, s20;
	[dreg:$0x13] =	wrdreg s25  }
0x18: {  	s13 =	simm.s32 $0xA;
	s29 =	sadd.s32 $0xC0, s20;
	[dreg:$0x14] =	wrdreg s26  }
0x19: {  	s15 =	simm.s32 $0xD;
	s30 =	sadd.s32 $0xE0, s20;
	[dreg:$0x15] =	wrdreg s29  }
0x1a: {  	s17 =	simm.s32 $0x5;
	s10 =	sadd.s32 $0x100, s20;
	[dreg:$0x16] =	wrdreg s30  }
0x1b: {  	s6 =	simm.s32 $0x9;
	s11 =	sadd.s32 $0x120, s20;
	[dreg:$0x17] =	wrdreg s10  }
0x1c: {  	s18 =	simm.s32 $0xB;
	s8 =	sadd.s32 $0x140, s20;
	[dreg:$0x18] =	wrdreg s11  }
0x1d: {  	s20 =	sadd.s32 $0xE00, s5;
	[dreg:$0x19] =	wrdreg s8;
	s7 =	sshrl.u32 s12, $0x3  }
0x1e: {  	s22 =	sshrl.u32 s20, $0x3;
	s25 =	sadd.s32 $0xD00, s5;
	s29 =	sadd.s32 $0xC00, s5  }
0x1f: {  	s5 =	sadd.s32 $0xB00, s5;
	s11 =	simm.s32 $0x4;
	s12 =	simm.s32 $0x6800  }
0x20: {  	s20 =	simm.s32 $0xE;
	s8 =	simm.s32 $0x6;
	s14 =	sadd.s32 s7, s0  }
0x21: {  	s7 =	sshrl.u32 s19, $0x3;
	s24 =	sadd.s32 s22, s0;
	s26 =	sshrl.u32 s25, $0x3  }
0x22: {  	s5 =	sshrl.u32 s5, $0x3;
	s19 =	simm.s32 $0x8;
	[dreg:$0x4] =	wrdreg s14  }
0x23: {  	s21 =	sadd.s32 s7, s0;
	[dreg:$0x8] =	wrdreg s24;
	s3 =	sadd.s32 s26, s0  }
0x24: {  	s7 =	sshrl.u32 s29, $0x3;
	s24 =	simm.s32 $0x11;
	[dreg:$0x7] =	wrdreg s21  }
0x25: {  	s26 =	simm.s32 $0x40;
	s14 =	simm.s32 $0x7;
	[dreg:$0x9] =	wrdreg s3  }
0x26: {  	s30 =	sadd.s32 s7, s0;
	s0 =	sadd.s32 s5, s0;
	s3 =	simm.s32 $0x3  }
0x27: {  	s5 =	simm.s32 $0x4800;
	s7 =	simm.s32 $0xC;
	[dreg:$0xa] =	wrdreg s30  }
0x28: {  	s21 =	simm.s32 $0x10;
	[dreg:$0xb] =	wrdreg s0;
	s0 =	simm.s32 $0x0  }
.LBB2_1:
0x29: {  	[dreg:$0x1c] =	wrdreg s0  }
0x2a: {  	s22 =	rddreg [dreg:$0xd]  }
0x2b: {  	s16 =	rddreg [dreg:$0xc];
	s10 =	sshrl.u32 s22, $0x3  }
0x2c: {  	[dreg:$0x1d] =	wrdreg s10  }
0x2d: {  	[spmem:s10], [sflag:s23] =	dma.local [hbm:s16], $0x2780  }
0x2e: {  	_ =	swait.ge [sflag:s24], $0x2780  }
0x2f: {  	[sflag:s24] =	ssyncset.done $0x0  }
0x30: {  	[sflag:s24] =	ssyncadd.s32 $0xFFFFD880  }
0x31: {  	[bflag:$0x0] =	sbarrier.arrive $0xFFFF  }
0x32: {  	s24 =	rddreg [dreg:$0xf]  }
0x33: {  	[tilespmem:s4], [sflag:$0x1] =	stream.linear.gather [hbm4b:s24+s4], $0x100, $0x38;
	[tilespmem:$0x1C400] =	vst v63  }
0x34: {  	s23 =	simm.s32 $0x100;
	s25 =	rddreg [dreg:$0x10]  }
0x35: {  	[tilespmem:s23], [sflag:$0x2] =	stream.linear.gather [hbm4b:s25+s4], $0x100, $0x38;
	[tilespmem:$0x1C400] =	vst v63  }
0x36: {  	s30 =	simm.s32 $0x200;
	s29 =	rddreg [dreg:$0x11]  }
0x37: {  	[tilespmem:s30], [sflag:$0x3] =	stream.linear.gather [hbm4b:s29+s4], $0x100, $0x38;
	[tilespmem:$0x1C400] =	vst v63  }
0x38: {  	s0 =	rddreg [dreg:$0x12];
	s24 =	simm.s32 $0x300;
	s25 =	simm.s32 $0x1  }
0x39: {  	[tilespmem:s24], [sflag:$0x4] =	stream.linear.gather [hbm4b:s0+s4], $0x100, $0x38;
	[tilespmem:$0x1C400] =	vst v63  }
0x3a: {  	_ =	swait.ge [sflag:s25], $0x100  }
0x3b: {  	[sflag:s25] =	ssyncset.done $0x0  }
0x3c: {  	[sflag:s25] =	ssyncadd.s32 $0xFFFFFF00  }
0x3d: {  	[tilespmem:s28], [sflag:$0x9] =	stream.indirect.gather [hbm4b:s1+s26], $0x80, s4, s26, $0xb8;
	[tilespmem:$0x1C400] =	vst v63  }
0x3e: {  	s30 =	simm.s32 $0x2;
	s0 =	simm.s32 $0x400;
	s16 =	rddreg [dreg:$0x13]  }
0x3f: {  	[tilespmem:s0], [sflag:$0x5] =	stream.linear.gather [hbm4b:s16+s4], $0x100, $0x38;
	[tilespmem:$0x1C400] =	vst v63  }
0x40: {  	_ =	swait.ge [sflag:s30], $0x100  }
0x41: {  	[sflag:s30] =	ssyncset.done $0x0  }
0x42: {  	[sflag:s30] =	ssyncadd.s32 $0xFFFFFF00  }
0x43: {  	[tilespmem:s31], [sflag:$0xA] =	stream.indirect.gather [hbm4b:s1+s26], $0x80, s23, s26, $0xb8;
	[tilespmem:$0x1C400] =	vst v63  }
0x44: {  	s16 =	simm.s32 $0x500;
	s29 =	rddreg [dreg:$0x14]  }
0x45: {  	[tilespmem:s16], [sflag:$0x6] =	stream.linear.gather [hbm4b:s29+s4], $0x100, $0x38;
	[tilespmem:$0x1C400] =	vst v63  }
0x46: {  	_ =	swait.ge [sflag:s3], $0x100  }
0x47: {  	[sflag:s3] =	ssyncset.done $0x0  }
0x48: {  	s10 =	simm.s32 $0x200;
	[sflag:s3] =	ssyncadd.s32 $0xFFFFFF00  }
0x49: {  	[tilespmem:s5], [sflag:$0xB] =	stream.indirect.gather [hbm4b:s1+s26], $0x80, s10, s26, $0xb8;
	[tilespmem:$0x1C400] =	vst v63  }
0x4a: {  	_ =	swait.ge [sflag:s6], $0x2000  }
0x4b: {  	[sflag:s6] =	ssyncset.done $0x0  }
0x4c: {  	s29 =	simm.s32 $0x80;
	[sflag:s6] =	ssyncadd.s32 $0xFFFFE000  }
0x4d: {  	[spmem:s2] =	stream.indirect.scatter.add.f32 [tilespmem:s28], [sflag:$0xD], $0x80, s29, s26, $0xb8;
	[tilespmem:$0x1C400] =	vst v63  }
0x4e: {  	s10 =	rddreg [dreg:$0x15];
	s29 =	simm.s32 $0x600  }
0x4f: {  	[tilespmem:s29], [sflag:$0x7] =	stream.linear.gather [hbm4b:s10+s4], $0x100, $0x38;
	[tilespmem:$0x1C400] =	vst v63  }
0x50: {  	_ =	swait.ge [sflag:s11], $0x100  }
0x51: {  	[sflag:s11] =	ssyncset.done $0x0  }
0x52: {  	[sflag:s11] =	ssyncadd.s32 $0xFFFFFF00  }
0x53: {  	[tilespmem:s12], [sflag:$0xC] =	stream.indirect.gather [hbm4b:s1+s26], $0x80, s24, s26, $0xb8;
	[tilespmem:$0x1C400] =	vst v63  }
0x54: {  	_ =	swait.ge [sflag:s13], $0x2000  }
0x55: {  	[sflag:s13] =	ssyncset.done $0x0  }
0x56: {  	s29 =	simm.s32 $0x180;
	[sflag:s13] =	ssyncadd.s32 $0xFFFFE000  }
0x57: {  	[spmem:s2] =	stream.indirect.scatter.add.f32 [tilespmem:s31], [sflag:$0xE], $0x80, s29, s26, $0xb8;
	[tilespmem:$0x1C400] =	vst v63  }
0x58: {  	_ =	swait.ge [sflag:s15], $0x2000  }
0x59: {  	[sflag:s15] =	ssyncset.done $0x0  }
0x5a: {  	s29 =	simm.s32 $0x700;
	s22 =	rddreg [dreg:$0x16];
	[sflag:s15] =	ssyncadd.s32 $0xFFFFE000  }
0x5b: {  	[tilespmem:s29], [sflag:$0x8] =	stream.linear.gather [hbm4b:s22+s4], $0x100, $0x38;
	[tilespmem:$0x1C400] =	vst v63  }
0x5c: {  	_ =	swait.ge [sflag:s17], $0x100  }
0x5d: {  	[sflag:s17] =	ssyncset.done $0x0  }
0x5e: {  	[sflag:s17] =	ssyncadd.s32 $0xFFFFFF00  }
0x5f: {  	[tilespmem:s28], [sflag:$0x9] =	stream.indirect.gather [hbm4b:s1+s26], $0x80, s0, s26, $0xb8;
	[tilespmem:$0x1C400] =	vst v63  }
0x60: {  	_ =	swait.ge [sflag:s18], $0x2000  }
0x61: {  	[sflag:s18] =	ssyncset.done $0x0  }
0x62: {  	s22 =	simm.s32 $0x280;
	[sflag:s18] =	ssyncadd.s32 $0xFFFFE000  }
0x63: {  	[spmem:s2] =	stream.indirect.scatter.add.f32 [tilespmem:s5], [sflag:$0xF], $0x80, s22, s26, $0xb8;
	[tilespmem:$0x1C400] =	vst v63  }
0x64: {  	_ =	swait.ge [sflag:s20], $0x2000  }
0x65: {  	[sflag:s20] =	ssyncset.done $0x0  }
0x66: {  	s22 =	rddreg [dreg:$0x17];
	[sflag:s20] =	ssyncadd.s32 $0xFFFFE000  }
0x67: {  	[tilespmem:s4], [sflag:$0x1] =	stream.linear.gather [hbm4b:s22+s4], $0x100, $0x38;
	[tilespmem:$0x1C400] =	vst v63  }
0x68: {  	_ =	swait.ge [sflag:s8], $0x100  }
0x69: {  	[sflag:s8] =	ssyncset.done $0x0  }
0x6a: {  	[sflag:s8] =	ssyncadd.s32 $0xFFFFFF00  }
0x6b: {  	[tilespmem:s31], [sflag:$0xA] =	stream.indirect.gather [hbm4b:s1+s26], $0x80, s16, s26, $0xb8;
	[tilespmem:$0x1C400] =	vst v63  }
0x6c: {  	_ =	swait.ge [sflag:s7], $0x2000  }
0x6d: {  	[sflag:s7] =	ssyncset.done $0x0  }
0x6e: {  	s22 =	simm.s32 $0x380;
	[sflag:s7] =	ssyncadd.s32 $0xFFFFE000  }
0x6f: {  	[spmem:s2] =	stream.indirect.scatter.add.f32 [tilespmem:s12], [sflag:$0x10], $0x80, s22, s26, $0xb8;
	[tilespmem:$0x1C400] =	vst v63  }
0x70: {  	_ =	swait.ge [sflag:s9], $0x2000  }
0x71: {  	[sflag:s9] =	ssyncset.done $0x0  }
0x72: {  	s22 =	rddreg [dreg:$0x18];
	[sflag:s9] =	ssyncadd.s32 $0xFFFFE000  }
0x73: {  	[tilespmem:s23], [sflag:$0x2] =	stream.linear.gather [hbm4b:s22+s4], $0x100, $0x38;
	[tilespmem:$0x1C400] =	vst v63  }
0x74: {  	_ =	swait.ge [sflag:s14], $0x100  }
0x75: {  	[sflag:s14] =	ssyncset.done $0x0  }
0x76: {  	s10 =	simm.s32 $0x600;
	[sflag:s14] =	ssyncadd.s32 $0xFFFFFF00  }
0x77: {  	[tilespmem:s5], [sflag:$0xB] =	stream.indirect.gather [hbm4b:s1+s26], $0x80, s10, s26, $0xb8;
	[tilespmem:$0x1C400] =	vst v63  }
0x78: {  	_ =	swait.ge [sflag:s6], $0x2000  }
0x79: {  	[sflag:s6] =	ssyncset.done $0x0  }
0x7a: {  	s22 =	simm.s32 $0x480;
	[sflag:s6] =	ssyncadd.s32 $0xFFFFE000  }
0x7b: {  	[spmem:s2] =	stream.indirect.scatter.add.f32 [tilespmem:s28], [sflag:$0xD], $0x80, s22, s26, $0xb8;
	[tilespmem:$0x1C400] =	vst v63  }
0x7c: {  	_ =	swait.ge [sflag:s21], $0x2000  }
0x7d: {  	[sflag:s21] =	ssyncset.done $0x0  }
0x7e: {  	s10 =	simm.s32 $0x200;
	s22 =	rddreg [dreg:$0x19];
	[sflag:s21] =	ssyncadd.s32 $0xFFFFE000  }
0x7f: {  	[tilespmem:s10], [sflag:$0x3] =	stream.linear.gather [hbm4b:s22+s4], $0x100, $0x38;
	[tilespmem:$0x1C400] =	vst v63  }
0x80: {  	_ =	swait.ge [sflag:s19], $0x100  }
0x81: {  	[sflag:s19] =	ssyncset.done $0x0  }
0x82: {  	s29 =	simm.s32 $0x700;
	[sflag:s19] =	ssyncadd.s32 $0xFFFFFF00  }
0x83: {  	[tilespmem:s12], [sflag:$0xC] =	stream.indirect.gather [hbm4b:s1+s26], $0x80, s29, s26, $0xb8;
	[tilespmem:$0x1C400] =	vst v63  }
0x84: {  	_ =	swait.ge [sflag:s13], $0x2000  }
0x85: {  	[sflag:s13] =	ssyncset.done $0x0  }
0x86: {  	s22 =	simm.s32 $0x580;
	[sflag:s13] =	ssyncadd.s32 $0xFFFFE000  }
0x87: {  	[spmem:s2] =	stream.indirect.scatter.add.f32 [tilespmem:s31], [sflag:$0xE], $0x80, s22, s26, $0xb8;
	[tilespmem:$0x1C400] =	vst v63  }
0x88: {  	_ =	swait.ge [sflag:s15], $0x2000  }
0x89: {  	s22 =	rddreg [dreg:$0xb];
	[sflag:s15] =	ssyncset.done $0x0  }
0x8a: {  	[sflag:s15] =	ssyncadd.s32 $0xFFFFE000;
	s22 =	sadd.s32 $0x0, s22  }
0x8b: {  	[tilespmem:s24], [sflag:$0x4] =	stream.linear.gather [hbm4b:s22+s4], $0x100, $0x38;
	[tilespmem:$0x1C400] =	vst v63  }
0x8c: {  	_ =	swait.ge [sflag:s25], $0x100  }
0x8d: {  	[sflag:s25] =	ssyncset.done $0x0  }
0x8e: {  	[sflag:s25] =	ssyncadd.s32 $0xFFFFFF00  }
0x8f: {  	[tilespmem:s28], [sflag:$0x9] =	stream.indirect.gather [hbm4b:s1+s26], $0x80, s4, s26, $0xb8;
	[tilespmem:$0x1C400] =	vst v63  }
0x90: {  	_ =	swait.ge [sflag:s18], $0x2000  }
0x91: {  	[sflag:s18] =	ssyncset.done $0x0  }
0x92: {  	s25 =	simm.s32 $0x680;
	[sflag:s18] =	ssyncadd.s32 $0xFFFFE000  }
0x93: {  	[spmem:s2] =	stream.indirect.scatter.add.f32 [tilespmem:s5], [sflag:$0xF], $0x80, s25, s26, $0xb8;
	[tilespmem:$0x1C400] =	vst v63  }
0x94: {  	_ =	swait.ge [sflag:s20], $0x2000  }
0x95: {  	s25 =	rddreg [dreg:$0xa];
	[sflag:s20] =	ssyncset.done $0x0  }
0x96: {  	[sflag:s20] =	ssyncadd.s32 $0xFFFFE000;
	s22 =	sadd.s32 $0x0, s25  }
0x97: {  	[tilespmem:s0], [sflag:$0x5] =	stream.linear.gather [hbm4b:s22+s4], $0x100, $0x38;
	[tilespmem:$0x1C400] =	vst v63  }
0x98: {  	_ =	swait.ge [sflag:s30], $0x100  }
0x99: {  	[sflag:s30] =	ssyncset.done $0x0  }
0x9a: {  	[sflag:s30] =	ssyncadd.s32 $0xFFFFFF00  }
0x9b: {  	[tilespmem:s31], [sflag:$0xA] =	stream.indirect.gather [hbm4b:s1+s26], $0x80, s23, s26, $0xb8;
	[tilespmem:$0x1C400] =	vst v63  }
0x9c: {  	_ =	swait.ge [sflag:s7], $0x2000  }
0x9d: {  	[sflag:s7] =	ssyncset.done $0x0  }
0x9e: {  	s30 =	simm.s32 $0x780;
	[sflag:s7] =	ssyncadd.s32 $0xFFFFE000  }
0x9f: {  	[spmem:s2] =	stream.indirect.scatter.add.f32 [tilespmem:s12], [sflag:$0x10], $0x80, s30, s26, $0xb8;
	[tilespmem:$0x1C400] =	vst v63  }
0xa0: {  	_ =	swait.ge [sflag:s9], $0x2000  }
0xa1: {  	s25 =	rddreg [dreg:$0x9];
	[sflag:s9] =	ssyncset.done $0x0  }
0xa2: {  	[sflag:s9] =	ssyncadd.s32 $0xFFFFE000;
	s22 =	sadd.s32 $0x0, s25  }
0xa3: {  	[tilespmem:s16], [sflag:$0x6] =	stream.linear.gather [hbm4b:s22+s4], $0x100, $0x38;
	[tilespmem:$0x1C400] =	vst v63  }
0xa4: {  	_ =	swait.ge [sflag:s3], $0x100  }
0xa5: {  	[sflag:s3] =	ssyncset.done $0x0  }
0xa6: {  	[sflag:s3] =	ssyncadd.s32 $0xFFFFFF00  }
0xa7: {  	[tilespmem:s5], [sflag:$0xB] =	stream.indirect.gather [hbm4b:s1+s26], $0x80, s10, s26, $0xb8;
	[tilespmem:$0x1C400] =	vst v63  }
0xa8: {  	_ =	swait.ge [sflag:s6], $0x2000  }
0xa9: {  	[sflag:s6] =	ssyncset.done $0x0  }
0xaa: {  	s30 =	simm.s32 $0x80;
	[sflag:s6] =	ssyncadd.s32 $0xFFFFE000  }
0xab: {  	[spmem:s2] =	stream.indirect.scatter.add.f32 [tilespmem:s28], [sflag:$0xD], $0x80, s30, s26, $0xb8;
	[tilespmem:$0x1C400] =	vst v63  }
0xac: {  	_ =	swait.ge [sflag:s21], $0x2000  }
0xad: {  	s10 =	rddreg [dreg:$0x8];
	[sflag:s21] =	ssyncset.done $0x0  }
0xae: {  	[sflag:s21] =	ssyncadd.s32 $0xFFFFE000;
	s22 =	sadd.s32 $0x0, s10;
	s10 =	simm.s32 $0x600  }
0xaf: {  	[tilespmem:s10], [sflag:$0x7] =	stream.linear.gather [hbm4b:s22+s4], $0x100, $0x38;
	[tilespmem:$0x1C400] =	vst v63  }
0xb0: {  	_ =	swait.ge [sflag:s11], $0x100  }
0xb1: {  	[sflag:s11] =	ssyncset.done $0x0  }
0xb2: {  	[sflag:s11] =	ssyncadd.s32 $0xFFFFFF00  }
0xb3: {  	[tilespmem:s12], [sflag:$0xC] =	stream.indirect.gather [hbm4b:s1+s26], $0x80, s24, s26, $0xb8;
	[tilespmem:$0x1C400] =	vst v63  }
0xb4: {  	_ =	swait.ge [sflag:s13], $0x2000  }
0xb5: {  	[sflag:s13] =	ssyncset.done $0x0  }
0xb6: {  	s24 =	simm.s32 $0x180;
	[sflag:s13] =	ssyncadd.s32 $0xFFFFE000  }
0xb7: {  	[spmem:s2] =	stream.indirect.scatter.add.f32 [tilespmem:s31], [sflag:$0xE], $0x80, s24, s26, $0xb8;
	[tilespmem:$0x1C400] =	vst v63  }
0xb8: {  	_ =	swait.ge [sflag:s15], $0x2000  }
0xb9: {  	s30 =	rddreg [dreg:$0x7];
	[sflag:s15] =	ssyncset.done $0x0  }
0xba: {  	[sflag:s15] =	ssyncadd.s32 $0xFFFFE000;
	s22 =	sadd.s32 $0x0, s30  }
0xbb: {  	[tilespmem:s29], [sflag:$0x8] =	stream.linear.gather [hbm4b:s22+s4], $0x100, $0x38;
	[tilespmem:$0x1C400] =	vst v63  }
0xbc: {  	_ =	swait.ge [sflag:s17], $0x100  }
0xbd: {  	[sflag:s17] =	ssyncset.done $0x0  }
0xbe: {  	[sflag:s17] =	ssyncadd.s32 $0xFFFFFF00  }
0xbf: {  	[tilespmem:s28], [sflag:$0x9] =	stream.indirect.gather [hbm4b:s1+s26], $0x80, s0, s26, $0xb8;
	[tilespmem:$0x1C400] =	vst v63  }
0xc0: {  	_ =	swait.ge [sflag:s18], $0x2000  }
0xc1: {  	[sflag:s18] =	ssyncset.done $0x0  }
0xc2: {  	s22 =	simm.s32 $0x280;
	[sflag:s18] =	ssyncadd.s32 $0xFFFFE000  }
0xc3: {  	[spmem:s2] =	stream.indirect.scatter.add.f32 [tilespmem:s5], [sflag:$0xF], $0x80, s22, s26, $0xb8;
	[tilespmem:$0x1C400] =	vst v63  }
0xc4: {  	_ =	swait.ge [sflag:s20], $0x2000  }
0xc5: {  	s24 =	rddreg [dreg:$0x6];
	[sflag:s20] =	ssyncset.done $0x0  }
0xc6: {  	[sflag:s20] =	ssyncadd.s32 $0xFFFFE000;
	s22 =	sadd.s32 $0x0, s24  }
0xc7: {  	[tilespmem:s4], [sflag:$0x1] =	stream.linear.gather [hbm4b:s22+s4], $0x100, $0x38;
	[tilespmem:$0x1C400] =	vst v63  }
0xc8: {  	_ =	swait.ge [sflag:s8], $0x100  }
0xc9: {  	[sflag:s8] =	ssyncset.done $0x0  }
0xca: {  	[sflag:s8] =	ssyncadd.s32 $0xFFFFFF00  }
0xcb: {  	[tilespmem:s31], [sflag:$0xA] =	stream.indirect.gather [hbm4b:s1+s26], $0x80, s16, s26, $0xb8;
	[tilespmem:$0x1C400] =	vst v63  }
0xcc: {  	_ =	swait.ge [sflag:s7], $0x2000  }
0xcd: {  	[sflag:s7] =	ssyncset.done $0x0  }
0xce: {  	s30 =	simm.s32 $0x380;
	[sflag:s7] =	ssyncadd.s32 $0xFFFFE000  }
0xcf: {  	[spmem:s2] =	stream.indirect.scatter.add.f32 [tilespmem:s12], [sflag:$0x10], $0x80, s30, s26, $0xb8;
	[tilespmem:$0x1C400] =	vst v63  }
0xd0: {  	_ =	swait.ge [sflag:s9], $0x2000  }
0xd1: {  	s16 =	rddreg [dreg:$0x5];
	[sflag:s9] =	ssyncset.done $0x0  }
0xd2: {  	[sflag:s9] =	ssyncadd.s32 $0xFFFFE000;
	s22 =	sadd.s32 $0x0, s16  }
0xd3: {  	[tilespmem:s23], [sflag:$0x2] =	stream.linear.gather [hbm4b:s22+s4], $0x100, $0x38;
	[tilespmem:$0x1C400] =	vst v63  }
0xd4: {  	_ =	swait.ge [sflag:s14], $0x100  }
0xd5: {  	[sflag:s14] =	ssyncset.done $0x0  }
0xd6: {  	[sflag:s14] =	ssyncadd.s32 $0xFFFFFF00  }
0xd7: {  	[tilespmem:s5], [sflag:$0xB] =	stream.indirect.gather [hbm4b:s1+s26], $0x80, s10, s26, $0xb8;
	[tilespmem:$0x1C400] =	vst v63  }
0xd8: {  	_ =	swait.ge [sflag:s6], $0x2000  }
0xd9: {  	[sflag:s6] =	ssyncset.done $0x0  }
0xda: {  	s24 =	simm.s32 $0x480;
	[sflag:s6] =	ssyncadd.s32 $0xFFFFE000  }
0xdb: {  	[spmem:s2] =	stream.indirect.scatter.add.f32 [tilespmem:s28], [sflag:$0xD], $0x80, s24, s26, $0xb8;
	[tilespmem:$0x1C400] =	vst v63  }
0xdc: {  	_ =	swait.ge [sflag:s21], $0x2000  }
0xdd: {  	s30 =	rddreg [dreg:$0x4];
	[sflag:s21] =	ssyncset.done $0x0  }
0xde: {  	s25 =	simm.s32 $0x200;
	[sflag:s21] =	ssyncadd.s32 $0xFFFFE000;
	s22 =	sadd.s32 $0x0, s30  }
0xdf: {  	[tilespmem:s25], [sflag:$0x3] =	stream.linear.gather [hbm4b:s22+s4], $0x100, $0x38;
	[tilespmem:$0x1C400] =	vst v63  }
0xe0: {  	_ =	swait.ge [sflag:s19], $0x100  }
0xe1: {  	[sflag:s19] =	ssyncset.done $0x0  }
0xe2: {  	[sflag:s19] =	ssyncadd.s32 $0xFFFFFF00  }
0xe3: {  	[tilespmem:s12], [sflag:$0xC] =	stream.indirect.gather [hbm4b:s1+s26], $0x80, s29, s26, $0xb8;
	[tilespmem:$0x1C400] =	vst v63  }
0xe4: {  	_ =	swait.ge [sflag:s13], $0x2000  }
0xe5: {  	[sflag:s13] =	ssyncset.done $0x0  }
0xe6: {  	s22 =	simm.s32 $0x100;
	[sflag:s13] =	ssyncadd.s32 $0xFFFFE000  }
.LBB2_2:
0xe7: {  	s23 =	simm.s32 $0x580  }
0xe8: {  	[spmem:s2] =	stream.indirect.scatter.add.f32 [tilespmem:s31], [sflag:$0xE], $0x80, s23, s26, $0xb8;
	[tilespmem:$0x1C400] =	vst v63  }
0xe9: {  	s0 =	simm.s32 $0x300;
	_ =	swait.ge [sflag:s15], $0x2000  }
0xea: {  	s23 =	smov.u32 s22;
	s24 =	rddreg [dreg:$0xb];
	[sflag:s15] =	ssyncset.done $0x0  }
0xeb: {  	s10 =	simm.s32 $0x1;
	[sflag:s15] =	ssyncadd.s32 $0xFFFFE000;
	s24 =	sadd.s32 s23, s24  }
0xec: {  	[tilespmem:s0], [sflag:$0x4] =	stream.linear.gather [hbm4b:s24+s4], $0x100, $0x38;
	[tilespmem:$0x1C400] =	vst v63  }
0xed: {  	_ =	swait.ge [sflag:s10], $0x100  }
0xee: {  	[sflag:s10] =	ssyncset.done $0x0  }
0xef: {  	[sflag:s10] =	ssyncadd.s32 $0xFFFFFF00  }
0xf0: {  	[tilespmem:s28], [sflag:$0x9] =	stream.indirect.gather [hbm4b:s1+s26], $0x80, s4, s26, $0xb8;
	[tilespmem:$0x1C400] =	vst v63  }
0xf1: {  	_ =	swait.ge [sflag:s18], $0x2000  }
0xf2: {  	[sflag:s18] =	ssyncset.done $0x0  }
0xf3: {  	s10 =	simm.s32 $0x680;
	[sflag:s18] =	ssyncadd.s32 $0xFFFFE000  }
0xf4: {  	[spmem:s2] =	stream.indirect.scatter.add.f32 [tilespmem:s5], [sflag:$0xF], $0x80, s10, s26, $0xb8;
	[tilespmem:$0x1C400] =	vst v63  }
0xf5: {  	_ =	swait.ge [sflag:s20], $0x2000  }
0xf6: {  	s10 =	simm.s32 $0x400;
	s16 =	rddreg [dreg:$0xa];
	[sflag:s20] =	ssyncset.done $0x0  }
0xf7: {  	[sflag:s20] =	ssyncadd.s32 $0xFFFFE000;
	s24 =	sadd.s32 s23, s16;
	s16 =	simm.s32 $0x2  }
0xf8: {  	[tilespmem:s10], [sflag:$0x5] =	stream.linear.gather [hbm4b:s24+s4], $0x100, $0x38;
	[tilespmem:$0x1C400] =	vst v63  }
0xf9: {  	_ =	swait.ge [sflag:s16], $0x100  }
0xfa: {  	[sflag:s16] =	ssyncset.done $0x0  }
0xfb: {  	[sflag:s16] =	ssyncadd.s32 $0xFFFFFF00;
	s16 =	simm.s32 $0x100  }
0xfc: {  	[tilespmem:s31], [sflag:$0xA] =	stream.indirect.gather [hbm4b:s1+s26], $0x80, s16, s26, $0xb8;
	[tilespmem:$0x1C400] =	vst v63  }
0xfd: {  	_ =	swait.ge [sflag:s7], $0x2000  }
0xfe: {  	[sflag:s7] =	ssyncset.done $0x0  }
0xff: {  	s25 =	simm.s32 $0x780;
	[sflag:s7] =	ssyncadd.s32 $0xFFFFE000  }
0x100: {  	[spmem:s2] =	stream.indirect.scatter.add.f32 [tilespmem:s12], [sflag:$0x10], $0x80, s25, s26, $0xb8;
	[tilespmem:$0x1C400] =	vst v63  }
0x101: {  	_ =	swait.ge [sflag:s9], $0x2000  }
0x102: {  	s29 =	rddreg [dreg:$0x9];
	[sflag:s9] =	ssyncset.done $0x0  }
0x103: {  	s25 =	simm.s32 $0x500;
	[sflag:s9] =	ssyncadd.s32 $0xFFFFE000;
	s24 =	sadd.s32 s23, s29  }
0x104: {  	[tilespmem:s25], [sflag:$0x6] =	stream.linear.gather [hbm4b:s24+s4], $0x100, $0x38;
	[tilespmem:$0x1C400] =	vst v63  }
0x105: {  	_ =	swait.ge [sflag:s3], $0x100  }
0x106: {  	[sflag:s3] =	ssyncset.done $0x0  }
0x107: {  	s29 =	simm.s32 $0x200;
	[sflag:s3] =	ssyncadd.s32 $0xFFFFFF00  }
0x108: {  	[tilespmem:s5], [sflag:$0xB] =	stream.indirect.gather [hbm4b:s1+s26], $0x80, s29, s26, $0xb8;
	[tilespmem:$0x1C400] =	vst v63  }
0x109: {  	_ =	swait.ge [sflag:s6], $0x2000  }
0x10a: {  	[sflag:s6] =	ssyncset.done $0x0  }
0x10b: {  	s30 =	simm.s32 $0x80;
	[sflag:s6] =	ssyncadd.s32 $0xFFFFE000  }
0x10c: {  	[spmem:s2] =	stream.indirect.scatter.add.f32 [tilespmem:s28], [sflag:$0xD], $0x80, s30, s26, $0xb8;
	[tilespmem:$0x1C400] =	vst v63  }
0x10d: {  	_ =	swait.ge [sflag:s21], $0x2000  }
0x10e: {  	s30 =	rddreg [dreg:$0x8];
	[sflag:s21] =	ssyncset.done $0x0  }
0x10f: {  	[sflag:s21] =	ssyncadd.s32 $0xFFFFE000;
	s24 =	sadd.s32 s23, s30;
	s30 =	simm.s32 $0x600  }
0x110: {  	[tilespmem:s30], [sflag:$0x7] =	stream.linear.gather [hbm4b:s24+s4], $0x100, $0x38;
	[tilespmem:$0x1C400] =	vst v63  }
0x111: {  	_ =	swait.ge [sflag:s11], $0x100  }
0x112: {  	[sflag:s11] =	ssyncset.done $0x0  }
0x113: {  	[sflag:s11] =	ssyncadd.s32 $0xFFFFFF00  }
0x114: {  	[tilespmem:s12], [sflag:$0xC] =	stream.indirect.gather [hbm4b:s1+s26], $0x80, s0, s26, $0xb8;
	[tilespmem:$0x1C400] =	vst v63  }
0x115: {  	_ =	swait.ge [sflag:s13], $0x2000  }
0x116: {  	[sflag:s13] =	ssyncset.done $0x0  }
0x117: {  	s24 =	simm.s32 $0x180;
	[sflag:s13] =	ssyncadd.s32 $0xFFFFE000  }
0x118: {  	[spmem:s2] =	stream.indirect.scatter.add.f32 [tilespmem:s31], [sflag:$0xE], $0x80, s24, s26, $0xb8;
	[tilespmem:$0x1C400] =	vst v63  }
0x119: {  	_ =	swait.ge [sflag:s15], $0x2000  }
0x11a: {  	s0 =	rddreg [dreg:$0x7];
	[sflag:s15] =	ssyncset.done $0x0  }
0x11b: {  	[sflag:s15] =	ssyncadd.s32 $0xFFFFE000;
	s24 =	sadd.s32 s23, s0;
	s0 =	simm.s32 $0x700  }
0x11c: {  	[tilespmem:s0], [sflag:$0x8] =	stream.linear.gather [hbm4b:s24+s4], $0x100, $0x38;
	[tilespmem:$0x1C400] =	vst v63  }
0x11d: {  	_ =	swait.ge [sflag:s17], $0x100  }
0x11e: {  	[sflag:s17] =	ssyncset.done $0x0  }
0x11f: {  	[sflag:s17] =	ssyncadd.s32 $0xFFFFFF00  }
0x120: {  	[tilespmem:s28], [sflag:$0x9] =	stream.indirect.gather [hbm4b:s1+s26], $0x80, s10, s26, $0xb8;
	[tilespmem:$0x1C400] =	vst v63  }
0x121: {  	_ =	swait.ge [sflag:s18], $0x2000  }
0x122: {  	[sflag:s18] =	ssyncset.done $0x0  }
0x123: {  	s24 =	simm.s32 $0x280;
	[sflag:s18] =	ssyncadd.s32 $0xFFFFE000  }
0x124: {  	[spmem:s2] =	stream.indirect.scatter.add.f32 [tilespmem:s5], [sflag:$0xF], $0x80, s24, s26, $0xb8;
	[tilespmem:$0x1C400] =	vst v63  }
0x125: {  	_ =	swait.ge [sflag:s20], $0x2000  }
0x126: {  	s10 =	rddreg [dreg:$0x6];
	[sflag:s20] =	ssyncset.done $0x0  }
0x127: {  	[sflag:s20] =	ssyncadd.s32 $0xFFFFE000;
	s24 =	sadd.s32 s23, s10  }
0x128: {  	[tilespmem:s4], [sflag:$0x1] =	stream.linear.gather [hbm4b:s24+s4], $0x100, $0x38;
	[tilespmem:$0x1C400] =	vst v63  }
0x129: {  	_ =	swait.ge [sflag:s8], $0x100  }
0x12a: {  	[sflag:s8] =	ssyncset.done $0x0  }
0x12b: {  	[sflag:s8] =	ssyncadd.s32 $0xFFFFFF00  }
0x12c: {  	[tilespmem:s31], [sflag:$0xA] =	stream.indirect.gather [hbm4b:s1+s26], $0x80, s25, s26, $0xb8;
	[tilespmem:$0x1C400] =	vst v63  }
0x12d: {  	_ =	swait.ge [sflag:s7], $0x2000  }
0x12e: {  	[sflag:s7] =	ssyncset.done $0x0  }
0x12f: {  	s25 =	simm.s32 $0x380;
	[sflag:s7] =	ssyncadd.s32 $0xFFFFE000  }
0x130: {  	[spmem:s2] =	stream.indirect.scatter.add.f32 [tilespmem:s12], [sflag:$0x10], $0x80, s25, s26, $0xb8;
	[tilespmem:$0x1C400] =	vst v63  }
0x131: {  	_ =	swait.ge [sflag:s9], $0x2000  }
0x132: {  	s10 =	rddreg [dreg:$0x5];
	[sflag:s9] =	ssyncset.done $0x0  }
0x133: {  	[sflag:s9] =	ssyncadd.s32 $0xFFFFE000;
	s24 =	sadd.s32 s23, s10  }
0x134: {  	[tilespmem:s16], [sflag:$0x2] =	stream.linear.gather [hbm4b:s24+s4], $0x100, $0x38;
	[tilespmem:$0x1C400] =	vst v63  }
0x135: {  	_ =	swait.ge [sflag:s14], $0x100  }
0x136: {  	[sflag:s14] =	ssyncset.done $0x0  }
0x137: {  	[sflag:s14] =	ssyncadd.s32 $0xFFFFFF00  }
0x138: {  	[tilespmem:s5], [sflag:$0xB] =	stream.indirect.gather [hbm4b:s1+s26], $0x80, s30, s26, $0xb8;
	[tilespmem:$0x1C400] =	vst v63  }
0x139: {  	_ =	swait.ge [sflag:s6], $0x2000  }
0x13a: {  	[sflag:s6] =	ssyncset.done $0x0  }
0x13b: {  	s25 =	simm.s32 $0x480;
	[sflag:s6] =	ssyncadd.s32 $0xFFFFE000  }
0x13c: {  	[spmem:s2] =	stream.indirect.scatter.add.f32 [tilespmem:s28], [sflag:$0xD], $0x80, s25, s26, $0xb8;
	[tilespmem:$0x1C400] =	vst v63  }
0x13d: {  	_ =	swait.ge [sflag:s21], $0x2000  }
0x13e: {  	s30 =	rddreg [dreg:$0x4];
	[sflag:s21] =	ssyncset.done $0x0  }
0x13f: {  	[sflag:s21] =	ssyncadd.s32 $0xFFFFE000;
	s23 =	sadd.s32 s23, s30  }
0x140: {  	[tilespmem:s29], [sflag:$0x3] =	stream.linear.gather [hbm4b:s23+s4], $0x100, $0x38;
	[tilespmem:$0x1C400] =	vst v63  }
0x141: {  	_ =	swait.ge [sflag:s19], $0x100  }
0x142: {  	p0 =	sne.s32 s22, $0x1200;
	[sflag:s19] =	ssyncset.done $0x0  }
.Ltmp0:
0x143: {  	[sflag:s19] =	ssyncadd.s32 $0xFFFFFF00;
	(pc) =	sbr.rel @p0 .LBB2_2-.Ltmp0, $4  }
0x144: {  	[tilespmem:s12], [sflag:$0xC] =	stream.indirect.gather [hbm4b:s1+s26], $0x80, s0, s26, $0xb8;
	[tilespmem:$0x1C400] =	vst v63  }
0x145: {  	_ =	swait.ge [sflag:s13], $0x2000  }
0x146: {  	[sflag:s13] =	ssyncset.done $0x0  }
0x147: {  	s22 =	sadd.s32 $0x100, s22;
	[sflag:s13] =	ssyncadd.s32 $0xFFFFE000  }
0x148: {  	s0 =	simm.s32 $0x580  }
0x149: {  	[spmem:s2] =	stream.indirect.scatter.add.f32 [tilespmem:s31], [sflag:$0xE], $0x80, s0, s26, $0xb8;
	[tilespmem:$0x1C400] =	vst v63  }
0x14a: {  	_ =	swait.ge [sflag:s18], $0x2000  }
0x14b: {  	[sflag:s18] =	ssyncset.done $0x0  }
0x14c: {  	s16 =	simm.s32 $0x680;
	[sflag:s18] =	ssyncadd.s32 $0xFFFFE000  }
0x14d: {  	[spmem:s2] =	stream.indirect.scatter.add.f32 [tilespmem:s5], [sflag:$0xF], $0x80, s16, s26, $0xb8;
	[tilespmem:$0x1C400] =	vst v63  }
0x14e: {  	_ =	swait.ge [sflag:s7], $0x2000  }
0x14f: {  	[sflag:s7] =	ssyncset.done $0x0  }
0x150: {  	s22 =	simm.s32 $0x780;
	[sflag:s7] =	ssyncadd.s32 $0xFFFFE000  }
0x151: {  	[spmem:s2] =	stream.indirect.scatter.add.f32 [tilespmem:s12], [sflag:$0x10], $0x80, s22, s26, $0xb8;
	[tilespmem:$0x1C400] =	vst v63  }
0x152: {  	_ =	swait.ge [sflag:s15], $0x2000  }
0x153: {  	[sflag:s15] =	ssyncset.done $0x0  }
0x154: {  	[sflag:s15] =	ssyncadd.s32 $0xFFFFE000  }
0x155: {  	_ =	swait.ge [sflag:s20], $0x2000  }
0x156: {  	[sflag:s20] =	ssyncset.done $0x0  }
0x157: {  	[sflag:s20] =	ssyncadd.s32 $0xFFFFE000  }
0x158: {  	_ =	swait.ge [sflag:s9], $0x2000  }
0x159: {  	[sflag:s9] =	ssyncset.done $0x0  }
0x15a: {  	[sflag:s9] =	ssyncadd.s32 $0xFFFFE000  }
0x15b: {  	_ =	swait.ge [sflag:s21], $0x2000  }
0x15c: {  	[sflag:s21] =	ssyncset.done $0x0  }
0x15d: {  	s23 =	simm.s32 $0x1;
	[sflag:s21] =	ssyncadd.s32 $0xFFFFE000  }
0x15e: {  	_ =	swait.ge [sflag:s23], $0x100  }
0x15f: {  	[sflag:s23] =	ssyncset.done $0x0  }
0x160: {  	s24 =	simm.s32 $0x2;
	[sflag:s23] =	ssyncadd.s32 $0xFFFFFF00  }
0x161: {  	_ =	swait.ge [sflag:s24], $0x100  }
0x162: {  	[sflag:s24] =	ssyncset.done $0x0  }
0x163: {  	[sflag:s24] =	ssyncadd.s32 $0xFFFFFF00  }
0x164: {  	_ =	swait.ge [sflag:s3], $0x100  }
0x165: {  	[sflag:s3] =	ssyncset.done $0x0  }
0x166: {  	[sflag:s3] =	ssyncadd.s32 $0xFFFFFF00  }
0x167: {  	[bflag:$0x0] =	sbarrier.arrive $0xFFFF  }
0x168: {  	s23 =	rddreg [dreg:$0xe]  }
0x169: {  	s22 =	rddreg [dreg:$0x1a]  }
0x16a: {  	s24 =	simm.s32 $0x11;
	s25 =	rddreg [dreg:$0x1d]  }
0x16b: {  	[hbm:s22], [sflag:s23] =	dma.local [spmem:s25], $0x2780  }
0x16c: {  	_ =	swait.ge [sflag:s24], $0x2780  }
0x16d: {  	s29 =	rddreg [dreg:$0x1c]  }
0x16e: {  	s30 =	rddreg [dreg:$0x1b];
	s0 =	sadd.s32 $0x1, s29  }
0x16f: {  	p0 =	sne.s32 s0, s30  }
.Ltmp1:
0x170: {  	_ = 	snop;
	(pc) =	sbr.rel @p0 .LBB2_1-.Ltmp1, $3  }
0x171: {  	_ =	sdelay $0x1  }
0x172: {  	[sflag:s24] =	ssyncset.done $0x0  }
0x173: {  	[sflag:s24] =	ssyncadd.s32 $0xFFFFD880  }
0x174: {  	_ =	sfence.sel $0x180000  }
0x175: {  	[bflag:$0x0] =	sbarrier.arrive $0xFFFF  }
0x176: {  	_ =	strace $0x9000004D  }
0x177: {  	s0 =	stileid.u32;
	[bflag:$0x2] =	sbarrier.arrive $0xFFFF  }
0x178: {  	p0 =	sne.s32 s0, $0x0;
	s0 =	rddreg [dreg:$0x3]  }
0x179: {  	s0 =	sadd.s32 @!p0 $0x100000, s0  }
0x17a: {  	[sflag:s0] =	ssyncadd.tile.s32 @!p0 $0x1;
	_ =	shalt  }
.Lfunc_end2:
_tile_overlayer_lowered:
.L_overlay_start_2:
0x17b: {  	(tag) =	ssettag $0x2  }
0x17c: {  	s0 =	rddreg [dreg:$0x0];
	s2 =	stileid.u32  }
0x17d: {  	s1 =	rddreg [dreg:$0x1];
	p0 =	sne.s32 s2, $0x0  }
0x17e: {  	s3 =	rddreg [dreg:$0x2];
	[bflag:$0x3] =	sbarrier.arrive $0xFFFF;
	s2 =	simm.s32 @!p0 $0x1C11  }
0x17f: {  	[timem:s3], [sflag:s2] =	dma.local @!p0 [hbm:s0], s1  }
0x180: {  	s0 =	simm.s32 @!p0 $0x11  }
0x181: {  	_ =	swait.ge @!p0 [sflag:s0], s1  }
0x182: {  	s1 =	ssub.s32 @!p0 $0x0, s1;
	[sflag:s0] =	ssyncset.done @!p0 $0x0  }
0x183: {  	[sflag:s0] =	ssyncadd.s32 @!p0 s1  }
0x184: {  	[bflag:$0x3] =	sbarrier.arrive $0xFFFF  }
0x185: {  	_ =	shalt  }

// kernel: kernel.8.cloned.1.call-start
scs
__scs_entry_jumppad:
0x0: {  	(pc) =	sbr.rel $0x88, $3  }
0x1: {  	(tag) =	ssettag $0x0;
	lr =	simm.s32 $0x1  }
0x2: {  	[smem:$0x3F99] =	sst lr;
	_ =	strace $0xD0000000  }
0x3: {  	_ = 	snop  }
0x4: {  	_ = 	snop  }
0x5: {  	_ = 	snop  }
0x6: {  	_ = 	snop  }
0x7: {  	_ = 	snop  }
__scs_overlays_trampoline_lowered:
0x8: {  	[smem:$0x3FA8] =	sst s0  }
0x9: {  	[smem:$0x3FA9] =	sst s1  }
0xa: {  	[smem:$0x3FAA] =	sst s2  }
0xb: {  	[smem:$0x3FAB] =	sst s3  }
0xc: {  	[smem:$0x3FAC] =	sst s4  }
0xd: {  	[smem:$0x3FAD] =	sst s5  }
0xe: {  	[smem:$0x3FAE] =	sst s6  }
0xf: {  	[smem:$0x3FAF] =	sst s7  }
0x10: {  	[smem:$0x3FB0] =	sst s8  }
0x11: {  	[smem:$0x3FB1] =	sst s9;
	s0 =	simm.s32 @!p0 $0x0  }
0x12: {  	s1 =	sld [smem:$0x3F97];
	s0 =	simm.s32 @p0 $0x1  }
0x13: {  	[smem:$0x3FB2] =	sst s0;
	s0 =	simm.s32 @!p1 $0x0  }
0x14: {  	s2 =	sld [smem:$0x3F96];
	s0 =	simm.s32 @p1 $0x1  }
0x15: {  	[smem:$0x3FB3] =	sst s0;
	s0 =	simm.s32 @!p2 $0x0  }
0x16: {  	s3 =	sld [smem:$0x3FDB];
	s0 =	simm.s32 @p2 $0x1  }
0x17: {  	s4 =	simm.s32 $0x1BF5;
	[smem:$0x3FB5] =	sst s0  }
0x18: {  	s0 =	sld [smem:$0x3F98];
	_ =	swait.ge [sflag:s4], $0x0  }
0x19: {  	s7 =	sld [smem:$0x3F99]  }
0x1a: {  	s8 =	sadd.s32 $0xFFFFE003, lr  }
0x1b: {  	s9 =	sadd.s32 $0xFFFFFEF7, lr;
	s5 =	simm.s32 $0xFFFFFFFF;
	p2 =	slt.u32 s8, $0xFFFFF086  }
0x1c: {  	p1 =	slt.u32 s9, $0xF7A;
	s5 =	simm.s32 @!p2 $0x0  }
0x1d: {  	s5 =	simm.s32 @p1 $0x1;
	p0 =	seq.s32 s7, s2  }
0x1e: {  	s7 =	smul.u32 @!p0 $0xF7A, s2;
	p2 =	seq.s32 @!p0 s5, $0x0  }
0x1f: {  	s9 =	smul.u32 $0xF7A, s1;
	s8 =	simm.s32 @!p0 $0x1BF5;
	p2 =	por !p2, p0  }
0x20: {  	[sflag:s8] =	ssyncset.s32 @!p0 $0xFFFFF086;
	s6 =	sadd.s32 @!p0 s3, s7;
	s7 =	simm.s32 @!p0 $0x108  }
0x21: {  	s3 =	sadd.s32 s3, s9;
	s6 =	sadd.s32 @!p0 $0x88, s6;
	s7 =	simm.s32 @p2 $0x1082  }
0x22: {  	[simem:s7], [sflag:s8] =	dma.local @!p0 [hbm:s6], $0xF7A  }
0x23: {  	s9 =	sor.u32 $0xD0000000, s2;
	s6 =	simm.s32 $0x108;
	_ =	swait.ge @!p0 [sflag:s8], $0x0  }
0x24: {  	s3 =	sadd.s32 $0x88, s3;
	s6 =	simm.s32 @!p1 $0x1082;
	[sflag:s4] =	ssyncset.s32 $0xFFFFF086  }
0x25: {  	[simem:s6], [sflag:s4] =	dma.local [hbm:s3], $0xF7A  }
0x26: {  	[smem:$0x3F99] =	sst s1;
	(tag) =	ssettag s2;
	_ =	strace s9  }
0x27: {  	s1 =	sld [smem:$0x3FA9]  }
0x28: {  	s2 =	sld [smem:$0x3FAA]  }
0x29: {  	s4 =	sld [smem:$0x3FAC]  }
0x2a: {  	p0 =	seq.s32 s5, $0x0;
	s5 =	sld [smem:$0x3FAD]  }
0x2b: {  	s6 =	sld [smem:$0x3FAE]  }
0x2c: {  	s7 =	sld [smem:$0x3FAF]  }
0x2d: {  	s3 =	simm.s32 $0x108;
	s8 =	sld [smem:$0x3FB0]  }
0x2e: {  	s3 =	simm.s32 @!p0 $0x1082;
	s9 =	sld [smem:$0x3FB1]  }
0x2f: {  	lr =	sadd.s32 s0, s3;
	s0 =	sld [smem:$0x3FA8]  }
0x30: {  	s3 =	sld [smem:$0x3FAB]  }
0x31: {  	[smem:$0x3FB4] =	sst s10  }
0x32: {  	s10 =	sld [smem:$0x3FB2];
	_ =	sdelay $0x3  }
0x33: {  	p0 =	seq.s32 s10, $0x1;
	s10 =	sld [smem:$0x3FB4];
	_ =	sdelay $0x3  }
0x34: {  	[smem:$0x3FB4] =	sst s10  }
0x35: {  	s10 =	sld [smem:$0x3FB3];
	_ =	sdelay $0x3  }
0x36: {  	p1 =	seq.s32 s10, $0x1;
	s10 =	sld [smem:$0x3FB4];
	_ =	sdelay $0x3  }
0x37: {  	[smem:$0x3FB4] =	sst s10  }
0x38: {  	s10 =	sld [smem:$0x3FB5]  }
0x39: {  	_ = 	snop;
	(pc) =	sbr.ind lr, $3  }
0x3a: {  	_ = 	snop  }
0x3b: {  	_ = 	snop  }
0x3c: {  	p2 =	seq.s32 s10, $0x1;
	s10 =	sld [smem:$0x3FB4]  }
0x3d: {  	_ =	shalt  }
0x3e: {  	_ =	shalt  }
0x3f: {  	_ =	shalt  }
0x40: {  	_ =	shalt  }
0x41: {  	_ =	shalt  }
0x42: {  	_ =	shalt  }
0x43: {  	_ =	shalt  }
0x44: {  	_ =	shalt  }
0x45: {  	_ =	shalt  }
0x46: {  	_ =	shalt  }
0x47: {  	_ =	shalt  }
0x48: {  	_ =	shalt  }
0x49: {  	_ =	shalt  }
0x4a: {  	_ =	shalt  }
0x4b: {  	_ =	shalt  }
0x4c: {  	_ =	shalt  }
0x4d: {  	_ =	shalt  }
0x4e: {  	_ =	shalt  }
0x4f: {  	_ =	shalt  }
0x50: {  	_ =	shalt  }
0x51: {  	_ =	shalt  }
0x52: {  	_ =	shalt  }
0x53: {  	_ =	shalt  }
0x54: {  	_ =	shalt  }
0x55: {  	_ =	shalt  }
0x56: {  	_ =	shalt  }
0x57: {  	_ =	shalt  }
0x58: {  	_ =	shalt  }
0x59: {  	_ =	shalt  }
0x5a: {  	_ =	shalt  }
0x5b: {  	_ =	shalt  }
0x5c: {  	_ =	shalt  }
0x5d: {  	_ =	shalt  }
0x5e: {  	_ =	shalt  }
0x5f: {  	_ =	shalt  }
0x60: {  	_ =	shalt  }
0x61: {  	_ =	shalt  }
0x62: {  	_ =	shalt  }
0x63: {  	_ =	shalt  }
0x64: {  	_ =	shalt  }
0x65: {  	_ =	shalt  }
0x66: {  	_ =	shalt  }
0x67: {  	_ =	shalt  }
0x68: {  	_ =	shalt  }
0x69: {  	_ =	shalt  }
0x6a: {  	_ =	shalt  }
0x6b: {  	_ =	shalt  }
0x6c: {  	_ =	shalt  }
0x6d: {  	_ =	shalt  }
0x6e: {  	_ =	shalt  }
0x6f: {  	_ =	shalt  }
0x70: {  	_ =	shalt  }
0x71: {  	_ =	shalt  }
0x72: {  	_ =	shalt  }
0x73: {  	_ =	shalt  }
0x74: {  	_ =	shalt  }
0x75: {  	_ =	shalt  }
0x76: {  	_ =	shalt  }
0x77: {  	_ =	shalt  }
0x78: {  	_ =	shalt  }
0x79: {  	_ =	shalt  }
0x7a: {  	_ =	shalt  }
0x7b: {  	_ =	shalt  }
0x7c: {  	_ =	shalt  }
0x7d: {  	_ =	shalt  }
0x7e: {  	_ =	shalt  }
0x7f: {  	_ =	shalt  }
0x80: {  	_ =	shalt  }
0x81: {  	_ =	shalt  }
0x82: {  	_ =	shalt  }
0x83: {  	_ =	shalt  }
0x84: {  	_ =	shalt  }
0x85: {  	_ =	shalt  }
0x86: {  	_ =	shalt  }
0x87: {  	_ =	shalt  }
.Lfunc_end0:
.L_simem_size_0:
called_computation_lowered:
.L_overlay_start_0:
0x88: {  	s2 =	sld [smem:$0x3FD9]  }
0x89: {  	s3 =	sld [smem:$0x3FFE];
	_ =	sdelay $0x1  }
0x8a: {  	s1 =	srdreg.scid  }
0x8b: {  	s0 =	sand.u32 $0x1, s1  }
0x8c: {  	s17 =	sshll.u32 s0, $0xA;
	s2 =	sadd.s32 s3, s2  }
0x8d: {  	s2 =	sadd.s32 s2, s17  }
0x8e: {  	[smem:$0x3FC0] =	sst s2  }
0x8f: {  	_ = 	snop  }
0x90: {  	s2 =	sld [smem:$0x3FD0];
	(tm) =	ssettm $0x1  }
0x91: {  	s18 =	sld [smem:$0x3FFB];
	_ =	sdelay $0x3  }
0x92: {  	_ =	strace s18  }
0x93: {  	s3 =	sld [smem:$0x3FFC];
	_ =	sdelay $0x3  }
0x94: {  	_ =	strace s3  }
0x95: {  	s3 =	sld [smem:$0x3FFD];
	_ =	sdelay $0x3  }
0x96: {  	_ =	strace s3  }
0x97: {  	_ =	strace $0x8FFFFFFF  }
0x98: {  	s19 =	sld [smem:$0x3FDB];
	_ =	sdelay $0x1  }
0x99: {  	s4 =	simm.s32 $_scs_section_size  }
0x9a: {  	s5 =	simm.s32 $_size__tile_overlayer_lowered;
	s6 =	simm.s32 $_tile_overlayer_lowered  }
0x9b: {  	s22 =	simm.s32 $0x1BFF;
	s21 =	sshll.u32 s6, $0x1;
	s3 =	sadd.s32 s4, s19  }
0x9c: {  	s7 =	simm.s32 $0x0;
	s20 =	sshll.u32 s5, $0x1;
	s5 =	sadd.s32 s21, s3  }
0x9d: {  	[timem:s7], [sflag:s22] =	dma.local [hbm:s5], s20  }
0x9e: {  	_ =	swait.ge [sflag:s22], s20  }
0x9f: {  	s4 =	ssub.s32 $0x0, s20;
	[sflag:s22] =	ssyncset.done $0x0  }
0xa0: {  	[sflag:s22] =	ssyncadd.s32 s4;
	_ =	sdelay $0x1  }
0xa1: {  	s23 =	simm.s32 $0x1B8B  }
0xa2: {  	_ =	swait.ge [sflag:s23], $0x1  }
0xa3: {  	[sflag:s23] =	ssyncset.done $0x0  }
0xa4: {  	s25 =	simm.s32 $0x1B8E;
	s24 =	sld [smem:$0x3FFE];
	[sflag:s23] =	ssyncadd.s32 $0xFFFFFFFF  }
0xa5: {  	s26 =	simm.s32 $execute0_lowered;
	[smem:$0x3FD2] =	sst s25  }
0xa6: {  	s5 =	sshll.u32 s26, $0x1;
	_ =	strace $0x80000046;
	[dreg:$0x1] =	wrdreg $0xFFFFFFFF  }
0xa7: {  	s28 =	simm.s32 $_size_execute0_lowered;
	s3 =	sadd.s32 s3, s5;
	[dreg:$0x0] =	wrdreg $0x0  }
0xa8: {  	s5 =	sshll.u32 s28, $0x1;
	[dreg:$0x2] =	wrdreg s3  }
0xa9: {  	[dreg:$0x3] =	wrdreg s5  }
0xaa: {  	[dreg:$0x4] =	wrdreg $0xC0  }
0xab: {  	_ =	task [dreg:s7], $0x5FFFF  }
0xac: {  	[dreg:$0x1] =	wrdreg $0xFFFFFFFF  }
0xad: {  	[dreg:$0x0] =	wrdreg $0x60  }
0xae: {  	[dreg:$0x2] =	wrdreg s2  }
0xaf: {  	[dreg:$0x3] =	wrdreg s24  }
0xb0: {  	[dreg:$0x4] =	wrdreg $0x9  }
0xb1: {  	_ =	task.clear_ibuf [dreg:s7], $0x5FFFF;
	_ =	strace $0x90000046  }
0xb2: {  	s29 =	simm.s32 $0x9;
	_ =	strace $0x80000048  }
0xb3: {  	_ =	swait.ge [sflag:s29], $0x1  }
0xb4: {  	[sflag:s29] =	ssyncadd.s32 $0xFFFFFFFF  }
0xb5: {  	_ =	strace $0x90000048  }
0xb6: {  	_ =	sfence  }
0xb7: {  	s30 =	sld [smem:$0x0];
	_ =	sdelay $0x2  }
0xb8: {  	s31 =	sshll.u32 s1, $0xD;
	s1 =	sshrl.u32 s1, $0x2  }
0xb9: {  	s3 =	sand.u32 $0x4000, s31;
	s1 =	sadd.s32 s1, s30  }
0xba: {  	s0 =	sor.u32 s3, s0;
	s1 =	sshll.u32 s1, $0x11  }
0xbb: {  	s0 =	sor.u32 s1, s0  }
0xbc: {  	s0 =	sadd.s32 $0x8F2B, s0  }
0xbd: {  	[sflag:s0] =	ssyncadd.remote.s32 $0x1  }
0xbe: {  	_ =	sfence.sel $0xFFFF  }
0xbf: {  	[dreg:$0x0] =	wrdreg $0xFFFFFFFF;
	(pc) =	sbr.abs _section_cstart, $3  }
0xc0: {  	[dreg:$0x1] =	wrdreg $0xFFFFFFFF  }
0xc1: {  	_ =	task.clear_ibuf [dreg:s7], $0x2FFFF;
	_ =	strace $0x9FFFFFFF  }
0xc2: {  	(tm) =	ssettm $0x7FFFFFFF  }
0xc3: {  	_ =	shalt  }
tec
execute0_lowered:
.L_overlay_start_1:
0x0: {  	(tag) =	ssettag $0x1  }
0x1: {  	s0 =	srdreg.scid;
	s3 =	rddreg [dreg:$0x0]  }
0x2: {  	s5 =	rddreg [dreg:$0x1];
	s4 =	sand.u32 $0x1, s0  }
0x3: {  	s1 =	stileid.u32;
	s8 =	simm.s32 $0x0;
	s2 =	sshll.u32 s4, $0x4  }
0x4: {  	s4 =	ssub.s32 $0x2, s4;
	s6 =	sor.u32 s1, s2;
	s2 =	simm.s32 $0x0  }
0x5: {  	s7 =	sshrl.u32 s4, $0x1;
	s6 =	smul.u32 $0x4E2, s6;
	[smem:$0x7FF] =	sst s2  }
0x6: {  	s0 =	rddreg [dreg:$0x2];
	s7 =	ssub.s32 s4, s7;
	_ =	strace $0x80000047  }
0x7: {  	s5 =	sadd.s32 s6, s5;
	s3 =	sadd.s32 s3, s6;
	s6 =	simm.s32 $0x1  }
0x8: {  	v0 =	vimm.f32 $0.0e+00;
	v1 =	vimm.f32 $1.000000000e+00;
	s4 =	sadd.s32 $0x2000, s5;
	s5 =	smax.u32 s7, $0x1;
	s7 =	simm.s32 $0x2780  }
.LBB2_1:
0x9: {  	[tilespmem:s2], [sflag:$0x1] =	stream.linear.gather [hbm4b:s3+s2], $0x2710, $0x38;
	[tilespmem:$0x4F00] =	vst v63  }
0xa: {  	_ =	swait.ge [sflag:s6], $0x2710  }
0xb: {  	[sflag:s6] =	ssyncset.done $0x0  }
0xc: {  	s9 =	simm.s32 $0x0;
	[sflag:s6] =	ssyncadd.s32 $0xFFFFD8F0  }
.LBB2_2:
0xd: {  	p0 =	sne.s32 s9, $0x9C00  }
.Ltmp0:
0xe: {  	_ = 	snop;
	(pc) =	sbr.rel @p0 .LBB2_2-.Ltmp0, $3  }
0xf: {  	_ =	sdelay $0x1  }
0x10: {  	s10 =	sshra.s32 s9, $0x2  }
0x11: {  	s9 =	sadd.s32 $0x40, s9;
	[tilespmem:s10+$0x2780] =	vst v0  }
0x12: {  	s10 =	simm.s32 $0x0;
	s9 =	simm.s32 $0x40  }
.LBB2_4:
0x13: {  	p0 =	sne.s32 s9, $0x9C00;
	v2 =	vld [tilespmem:s10+$0x0];
	_ =	sdelay $0x3  }
.Ltmp1:
0x14: {  	(pc) =	sbr.rel @p0 .LBB2_4-.Ltmp1, $2  }
0x15: {  	_ =	sdelay $0x2  }
0x16: {  	s10 =	sshra.s32 s9, $0x2;
	s9 =	sadd.s32 $0x40, s9;
	[tilespmem:v2+s7+$0x0] =	vst.idx.add.f32.msk $0xffff, v1  }
0x17: {  	v2 =	vld [tilespmem:s10+$0x0];
	_ =	sdelay $0x5  }
0x18: {  	s8 =	sadd.s32 $0x1, s8  }
0x19: {  	p0 =	sne.s32 s8, s5  }
.Ltmp2:
0x1a: {  	[tilespmem:v2+s7+$0x0] =	vst.idx.add.f32.msk $0xffff, v1;
	(pc) =	sbr.rel @p0 .LBB2_1-.Ltmp2, $4  }
0x1b: {  	[hbm4b:s4+s2] =	stream.linear.scatter [tilespmem:s7], [sflag:$0x1], $0x2710, $0x38;
	[tilespmem:$0x4F00] =	vst v63  }
0x1c: {  	_ =	swait.ge [sflag:s6], $0x2710  }
0x1d: {  	[sflag:s6] =	ssyncset.done $0x0  }
0x1e: {  	[sflag:s6] =	ssyncadd.s32 $0xFFFFD8F0  }
0x1f: {  	_ =	sfence.sel $0x180000  }
0x20: {  	[bflag:$0x0] =	sbarrier.arrive $0xFFFF  }
0x21: {  	p0 =	sne.s32 s1, $0x0;
	_ =	strace $0x90000047  }
0x22: {  	s0 =	sadd.s32 @!p0 $0x100000, s0;
	[bflag:$0x2] =	sbarrier.arrive $0xFFFF  }
0x23: {  	[sflag:s0] =	ssyncadd.tile.s32 @!p0 $0x1;
	_ =	shalt  }
.Lfunc_end2:
_tile_overlayer_lowered:
.L_overlay_start_2:
0x24: {  	(tag) =	ssettag $0x2  }
0x25: {  	s0 =	rddreg [dreg:$0x0];
	s2 =	stileid.u32  }
0x26: {  	s1 =	rddreg [dreg:$0x1];
	p0 =	sne.s32 s2, $0x0  }
0x27: {  	s3 =	rddreg [dreg:$0x2];
	[bflag:$0x3] =	sbarrier.arrive $0xFFFF;
	s2 =	simm.s32 @!p0 $0x1C01  }
0x28: {  	[timem:s3], [sflag:s2] =	dma.local @!p0 [hbm:s0], s1  }
0x29: {  	s0 =	simm.s32 @!p0 $0x1  }
0x2a: {  	_ =	swait.ge @!p0 [sflag:s0], s1  }
0x2b: {  	s1 =	ssub.s32 @!p0 $0x0, s1;
	[sflag:s0] =	ssyncset.done @!p0 $0x0  }
0x2c: {  	[sflag:s0] =	ssyncadd.s32 @!p0 s1  }
0x2d: {  	[bflag:$0x3] =	sbarrier.arrive $0xFFFF  }
0x2e: {  	_ =	shalt  }

</sc_bundles>
